<compile_context>
chip_gen: v7x
topology: tpu7x:2x2x1
jax: 0.10.2.dev20260603
libtpu: 0.0.44.dev20260713+nightly
codegen_flags: <defaults>
</compile_context>

<pallas_src>
import functools

import jax
import jax.numpy as jnp
import numpy as np
from jax import lax
from jax.experimental import pallas as pl
from jax.experimental.pallas import tpu as pltpu
from jax.experimental.pallas import tpu_sc as plsc

_S = 500
_FB = 512
_ROWS = 32
_COLS = 128
_CHUNK = 512
_NV = 20000
_NPAD = 57344
_NW = 32
_NCH = 7
_FCH = 256


def _sc_face_params(xi, yi, vrx, vry, vrz, f0, f1, f2):
    mesh = plsc.VectorSubcoreMesh(core_axis_name="c", subcore_axis_name="s",
                                  num_cores=2)

    @functools.partial(
        pl.kernel, mesh=mesh,
        compiler_params=pltpu.CompilerParams(needs_layout_passes=False),
        out_type=[
            jax.ShapeDtypeStruct((16, _NPAD), jnp.int32),
            jax.ShapeDtypeStruct((2, _NPAD), jnp.float32),
        ],
        scratch_types=[
            pltpu.VMEM((_NV,), jnp.int32),
            pltpu.VMEM((_NV,), jnp.int32),
            pltpu.VMEM((_NV,), jnp.float32),
            pltpu.VMEM((_NV,), jnp.float32),
            pltpu.VMEM((_NV,), jnp.float32),
            pltpu.VMEM((_FCH,), jnp.int32),
            pltpu.VMEM((_FCH,), jnp.int32),
            pltpu.VMEM((_FCH,), jnp.int32),
            pltpu.VMEM((16, _FCH), jnp.int32),
            pltpu.VMEM((2, _FCH), jnp.float32),
        ],
    )
    def k(xi_h, yi_h, vrx_h, vry_h, vrz_h, f0_h, f1_h, f2_h, pi_h, pf_h,
          xi_v, yi_v, vrx_v, vry_v, vrz_v, i0_v, i1_v, i2_v, oi_v, of_v):
        wid = lax.axis_index("s") * 2 + lax.axis_index("c")
        pltpu.sync_copy(xi_h, xi_v)
        pltpu.sync_copy(yi_h, yi_v)
        pltpu.sync_copy(vrx_h, vrx_v)
        pltpu.sync_copy(vry_h, vry_v)
        pltpu.sync_copy(vrz_h, vrz_v)
        for ch in range(_NCH):
            base = wid * (_NCH * _FCH) + ch * _FCH
            pltpu.sync_copy(f0_h.at[pl.ds(base, _FCH)], i0_v)
            pltpu.sync_copy(f1_h.at[pl.ds(base, _FCH)], i1_v)
            pltpu.sync_copy(f2_h.at[pl.ds(base, _FCH)], i2_v)

            def body(t, carry):
                sl = pl.ds(t * 16, 16)
                i0 = i0_v[sl]
                i1 = i1_v[sl]
                i2 = i2_v[sl]
                x0 = plsc.load_gather(xi_v, [i0])
                y0 = plsc.load_gather(yi_v, [i0])
                x1 = plsc.load_gather(xi_v, [i1])
                y1 = plsc.load_gather(yi_v, [i1])
                x2 = plsc.load_gather(xi_v, [i2])
                y2 = plsc.load_gather(yi_v, [i2])
                ax = plsc.load_gather(vrx_v, [i0])
                ay = plsc.load_gather(vry_v, [i0])
                az = plsc.load_gather(vrz_v, [i0])
                bx = plsc.load_gather(vrx_v, [i1])
                by = plsc.load_gather(vry_v, [i1])
                bz = plsc.load_gather(vrz_v, [i1])
                cx = plsc.load_gather(vrx_v, [i2])
                cy = plsc.load_gather(vry_v, [i2])
                cz = plsc.load_gather(vrz_v, [i2])
                c = (x1 - x0) * (y2 - y0) - (x2 - x0) * (y1 - y0)
                minx = jnp.maximum(0, jnp.minimum(jnp.minimum(x0, x1), x2))
                maxx = jnp.minimum(
                    _S - 1, jnp.maximum(jnp.maximum(x0, x1), x2) + 1)
                miny = jnp.maximum(0, jnp.minimum(jnp.minimum(y0, y1), y2))
                maxy = jnp.minimum(
                    _S - 1, jnp.maximum(jnp.maximum(y0, y1), y2) + 1)
                ok = (c != 0) & (maxx > minx) & (maxy > miny)
                rt0 = lax.shift_right_arithmetic(miny, 5)
                r_lo = lax.shift_left(rt0, 5)
                n_rt = lax.shift_right_arithmetic(maxy - 1, 5) - rt0 + 1
                ct0 = lax.shift_right_arithmetic(minx, 7)
                c_lo = lax.shift_left(ct0, 7)
                n_ct = lax.shift_right_arithmetic(maxx - 1, 7) - ct0 + 1
                c_hi = c_lo + lax.shift_left(n_ct, 7)
                total = jnp.where(ok, n_rt * n_ct, 0)
                z = ((az + bz) + cz) / 3.0
                ux, uy, uz = bx - ax, by - ay, bz - az
                wx, wy, wz = cx - ax, cy - ay, cz - az
                nx = uy * wz - uz * wy
                ny = uz * wx - ux * wz
                nz = ux * wy - uy * wx
                s = nx * nx + ny * ny + nz * nz
                h = jnp.float32(0.5) * s
                yv = plsc.bitcast(
                    jnp.int32(0x5F3759DF)
                    - lax.shift_right_arithmetic(plsc.bitcast(s, jnp.int32), 1),
                    jnp.float32)
                for _ in range(3):
                    yv = yv * (jnp.float32(1.5) - h * yv * yv)
                norm = jnp.where(s > 0, s * yv, jnp.float32(0.0))
                d = jnp.clip(nz / (norm + jnp.float32(1e-8)), 0.0, 1.0)
                col = d * jnp.float32(180.0) + jnp.float32(75.0)
                oi_v[0, sl] = x0
                oi_v[1, sl] = y0
                oi_v[2, sl] = x1
                oi_v[3, sl] = y1
                oi_v[4, sl] = x2
                oi_v[5, sl] = y2
                oi_v[6, sl] = jnp.abs(c)
                oi_v[7, sl] = minx
                oi_v[8, sl] = maxx
                oi_v[9, sl] = miny
                oi_v[10, sl] = maxy
                oi_v[11, sl] = r_lo
                oi_v[12, sl] = c_lo
                oi_v[13, sl] = c_hi
                oi_v[14, sl] = total
                oi_v[15, sl] = jnp.zeros((16,), jnp.int32)
                of_v[0, sl] = z
                of_v[1, sl] = col
                return carry

            lax.fori_loop(0, _FCH // 16, body, 0)
            pltpu.sync_copy(oi_v, pi_h.at[:, pl.ds(base, _FCH)])
            pltpu.sync_copy(of_v, pf_h.at[:, pl.ds(base, _FCH)])

    return k(xi, yi, vrx, vry, vrz, f0, f1, f2)


def _raster_body(tri_ref, fpar_ref, out_ref, zbuf):
    g = pl.program_id(0)

    @pl.when(g == 0)
    def _init():
        zbuf[...] = jnp.full((_FB, _FB), jnp.inf, jnp.float32)
        out_ref[...] = jnp.full((_FB, _FB), 255.0, jnp.float32)

    def face_body(i, carry):
        x0 = tri_ref[0, 0, 0, i]
        y0 = tri_ref[1, 0, 0, i]
        x1 = tri_ref[2, 0, 0, i]
        y1 = tri_ref[3, 0, 0, i]
        x2 = tri_ref[4, 0, 0, i]
        y2 = tri_ref[5, 0, 0, i]
        abs_c = tri_ref[6, 0, 0, i]
        minx = tri_ref[7, 0, 0, i]
        maxx = tri_ref[8, 0, 0, i]
        miny = tri_ref[9, 0, 0, i]
        maxy = tri_ref[10, 0, 0, i]
        r_lo = tri_ref[11, 0, 0, i]
        c_lo = tri_ref[12, 0, 0, i]
        c_hi = tri_ref[13, 0, 0, i]
        total = tri_ref[14, 0, 0, i]
        z = fpar_ref[0, 0, 0, i]
        col = fpar_ref[1, 0, 0, i]

        def win_body(st, rc):
            rr, cc = rc
            xs = cc + lax.broadcasted_iota(jnp.int32, (_ROWS, _COLS), 1)
            ys = rr + lax.broadcasted_iota(jnp.int32, (_ROWS, _COLS), 0)
            a0 = jnp.abs((x1 - xs) * (y2 - ys) - (x2 - xs) * (y1 - ys))
            a1 = jnp.abs((x2 - xs) * (y0 - ys) - (x0 - xs) * (y2 - ys))
            inside = (a0 + a1) <= abs_c
            inb = ((xs >= minx) & (xs < maxx)
                   & (ys >= miny) & (ys < maxy))
            rows = pl.ds(pl.multiple_of(rr, _ROWS), _ROWS)
            cols = pl.ds(pl.multiple_of(cc, _COLS), _COLS)
            zb = zbuf[rows, cols]
            win = inb & inside & (z <= zb)
            zbuf[rows, cols] = jnp.where(win, z, zb)
            cb = out_ref[rows, cols]
            out_ref[rows, cols] = jnp.where(win, col, cb)
            cc2 = cc + _COLS
            wrap = cc2 >= c_hi
            return (jnp.where(wrap, rr + _ROWS, rr),
                    jnp.where(wrap, c_lo, cc2))

        lax.fori_loop(0, total, win_body, (r_lo, c_lo))
        return carry

    lax.fori_loop(0, _CHUNK, face_body, 0)


@jax.jit
def kernel(vertices, faces):
    n_faces = faces.shape[0]
    elev = 30.0 * np.pi / 180.0
    azim = 0.0
    rot_y = jnp.array([[np.cos(azim), 0.0, np.sin(azim)],
                       [0.0, 1.0, 0.0],
                       [-np.sin(azim), 0.0, np.cos(azim)]], dtype=jnp.float32)
    rot_x = jnp.array([[1.0, 0.0, 0.0],
                       [0.0, np.cos(elev), -np.sin(elev)],
                       [0.0, np.sin(elev), np.cos(elev)]], dtype=jnp.float32)
    vr = vertices @ (rot_y @ rot_x)
    vr = vr.at[:, 2].add(2.0)
    v2d = vr[:, :2] / vr[:, 2:3]
    v2d = (v2d + 1.0) * _S / 2.0
    xi = v2d[:, 0].astype(jnp.int32)
    yi = v2d[:, 1].astype(jnp.int32)
    vrx, vry, vrz = vr[:, 0], vr[:, 1], vr[:, 2]

    f_pad = jnp.zeros((_NPAD, 3), jnp.int32)
    f_pad = f_pad.at[:n_faces].set(faces.astype(jnp.int32))
    f0, f1, f2 = f_pad[:, 0], f_pad[:, 1], f_pad[:, 2]

    pi, pf = _sc_face_params(xi, yi, vrx, vry, vrz, f0, f1, f2)

    n_grid = _NPAD // _CHUNK
    tri_blocks = pi.reshape(16, n_grid, 1, _CHUNK)
    fpar_blocks = pf.reshape(2, n_grid, 1, _CHUNK)

    color = pl.pallas_call(
        _raster_body,
        grid=(n_grid,),
        in_specs=[
            pl.BlockSpec((16, 1, 1, _CHUNK), lambda g: (0, g, 0, 0),
                         memory_space=pltpu.SMEM),
            pl.BlockSpec((2, 1, 1, _CHUNK), lambda g: (0, g, 0, 0),
                         memory_space=pltpu.SMEM),
        ],
        out_specs=pl.BlockSpec((_FB, _FB), lambda g: (0, 0)),
        out_shape=jax.ShapeDtypeStruct((_FB, _FB), jnp.float32),
        scratch_shapes=[
            pltpu.VMEM((_FB, _FB), jnp.float32),
        ],
    )(tri_blocks, fpar_blocks)

    return jnp.broadcast_to(color[:_S, :_S, None], (_S, _S, 3))

# --- scband reference (transcript-rebuilt; emitter-appended) ---
"""Pipeline reference for scband-gpu-mesh-rasterizer-1692217115427 (READ-ONLY COPY).

The authoritative reference and input builder live on the scoring server;
editing this copy changes nothing except your own understanding.
"""

import jax, jax.numpy as jnp
import numpy as np

IMAGE_SIZE = 500
N_VERTICES = 20000
N_FACES = 50000


def setup_inputs(seed: int = 0) -> dict:
    key = jax.random.key(seed)
    k1, k2 = jax.random.split(key)
    vertices = jax.random.normal(k1, (N_VERTICES, 3), dtype=jnp.float32) * 0.1
    faces = jax.random.randint(k2, (N_FACES, 3), 0, N_VERTICES)
    return {"vertices": vertices, "faces": faces}


def _rotations(elevation=30.0, azimuth=0.0):
    elev = elevation * np.pi / 180.0
    azim = azimuth * np.pi / 180.0
    rot_y = jnp.array([[np.cos(azim), 0.0, np.sin(azim)],
                       [0.0, 1.0, 0.0],
                       [-np.sin(azim), 0.0, np.cos(azim)]], dtype=jnp.float32)
    rot_x = jnp.array([[1.0, 0.0, 0.0],
                       [0.0, np.cos(elev), -np.sin(elev)],
                       [0.0, np.sin(elev), np.cos(elev)]], dtype=jnp.float32)
    return rot_y, rot_x


def _geometry(vertices, faces):
    rot_y, rot_x = _rotations()
    vr = vertices @ (rot_y @ rot_x)
    vr = vr.at[:, 2].add(2.0)
    v2d = vr[:, :2] / vr[:, 2:3]
    v2d = (v2d + 1.0) * IMAGE_SIZE / 2.0
    tris = v2d[faces]
    v0 = vr[faces[:, 0]]
    v1 = vr[faces[:, 1]]
    v2 = vr[faces[:, 2]]
    n = jnp.cross(v1 - v0, v2 - v0)
    n = n / (jnp.linalg.norm(n, axis=1, keepdims=True) + 1e-08)
    light = jnp.array([0.0, 0.0, 1.0], dtype=jnp.float32)
    diffuse = jnp.clip(n @ light, 0.0, 1.0) * 180.0 + 75.0
    face_colors = jnp.ones((faces.shape[0], 3), dtype=jnp.float32) * diffuse[:, None]
    z_depths = vr[faces, 2].mean(axis=1)
    return tris, face_colors, z_depths


def _rasterize(tri, order):
    # painter's algorithm: draw faces back-to-front, last write wins.
    # pix_face[y, x] = index of the face that owns the pixel (-1 = background)
    S = IMAGE_SIZE
    ys, xs = jnp.meshgrid(jnp.arange(S), jnp.arange(S), indexing='ij')

    def body(i, pix_face):
        idx = order[i]
        t = tri[idx]
        min_x = jnp.maximum(0, t[:, 0].min())
        max_x = jnp.minimum(S - 1, t[:, 0].max() + 1)
        min_y = jnp.maximum(0, t[:, 1].min())
        max_y = jnp.minimum(S - 1, t[:, 1].max() + 1)
        v0, v1, v2 = t[0], t[1], t[2]
        C = (v1[0] - v0[0]) * (v2[1] - v0[1]) - (v2[0] - v0[0]) * (v1[1] - v0[1])
        A0 = jnp.abs((v1[0] - xs) * (v2[1] - ys) - (v2[0] - xs) * (v1[1] - ys))
        A1 = jnp.abs((v2[0] - xs) * (v0[1] - ys) - (v0[0] - xs) * (v2[1] - ys))
        inside = (A0 + A1) <= jnp.abs(C)
        in_box = (xs >= min_x) & (xs < max_x) & (ys >= min_y) & (ys < max_y)
        mask = in_box & inside & (C != 0)
        return jnp.where(mask, idx.astype(pix_face.dtype), pix_face)

    pix_face = jnp.full((S, S), -1, dtype=jnp.int32)
    return jax.lax.fori_loop(0, order.shape[0], body, pix_face)


def reference(vertices, faces):
    tris, face_colors, z_depths = _geometry(vertices, faces)
    tri = tris.astype(jnp.int32)
    order = jnp.argsort(-z_depths, stable=True)  # descending z (back-to-front)
    pix_face = _rasterize(tri, order)
    pf = pix_face
    valid = pf >= 0
    safe = jnp.clip(pf, 0, face_colors.shape[0] - 1)
    image = jnp.where(valid[..., None], face_colors[safe], jnp.float32(255.0))
    return image

if __name__ == "__main__":
    import jax
    _d = setup_inputs()
    print(jax.jit(kernel)(*tuple(_d.values())))

</pallas_src>

<mosaic_0001>
#map = affine_map<(d0, d1) -> (0)>
#map1 = affine_map<(d0, d1) -> (0, 0)>
module attributes {stable_mosaic.version = 14 : i64} {
  func.func @k(%arg0: i32, %arg1: i32, %arg2: memref<20000xi32, #tpu.memory_space<hbm>>, %arg3: memref<20000xi32, #tpu.memory_space<hbm>>, %arg4: memref<20000xf32, #tpu.memory_space<hbm>>, %arg5: memref<20000xf32, #tpu.memory_space<hbm>>, %arg6: memref<20000xf32, #tpu.memory_space<hbm>>, %arg7: memref<57344xi32, #tpu.memory_space<hbm>>, %arg8: memref<57344xi32, #tpu.memory_space<hbm>>, %arg9: memref<57344xi32, #tpu.memory_space<hbm>>, %arg10: memref<16x57344xi32, #tpu.memory_space<hbm>>, %arg11: memref<2x57344xf32, #tpu.memory_space<hbm>>, %arg12: memref<20000xi32, #tpu.memory_space<vmem>>, %arg13: memref<20000xi32, #tpu.memory_space<vmem>>, %arg14: memref<20000xf32, #tpu.memory_space<vmem>>, %arg15: memref<20000xf32, #tpu.memory_space<vmem>>, %arg16: memref<20000xf32, #tpu.memory_space<vmem>>, %arg17: memref<256xi32, #tpu.memory_space<vmem>>, %arg18: memref<256xi32, #tpu.memory_space<vmem>>, %arg19: memref<256xi32, #tpu.memory_space<vmem>>, %arg20: memref<16x256xi32, #tpu.memory_space<vmem>>, %arg21: memref<2x256xf32, #tpu.memory_space<vmem>>) attributes {dimension_semantics = [#tpu.dimension_semantics<core_parallel>, #tpu.dimension_semantics<subcore_parallel>], iteration_bounds = array<i64: 2, 16>, scalar_prefetch = 0 : i64, scratch_operands = 10 : i64, tpu.core_type = #tpu.core_type<sc_vector_subcore>, window_params = [{transform_indices = #map}, {transform_indices = #map}, {transform_indices = #map}, {transform_indices = #map}, {transform_indices = #map}, {transform_indices = #map}, {transform_indices = #map}, {transform_indices = #map}, {transform_indices = #map1}, {transform_indices = #map1}]} {
    %mul3A = arith.constant 2 : i32
    %mul3A_0 = arith.muli %arg1, %mul3A : i32
    %add3A = arith.addi %mul3A_0, %arg0 : i32
    "tpu.region"() ({
      %run_scoped3A = tpu.sem_alloc : memref<!tpu.dma_semaphore, #tpu.memory_space<semaphore_mem>>
      tpu.enqueue_dma source(%arg2 : memref<20000xi32, #tpu.memory_space<hbm>>) target(%arg12 : memref<20000xi32, #tpu.memory_space<vmem>>) target_semaphore(%run_scoped3A : memref<!tpu.dma_semaphore, #tpu.memory_space<semaphore_mem>>)
      tpu.wait_dma2 semaphore(%run_scoped3A : memref<!tpu.dma_semaphore, #tpu.memory_space<semaphore_mem>>) src(%arg2 : memref<20000xi32, #tpu.memory_space<hbm>>) dst(%arg12 : memref<20000xi32, #tpu.memory_space<vmem>>)
      tpu.yield
    }) : () -> ()
    "tpu.region"() ({
      %run_scoped3A = tpu.sem_alloc : memref<!tpu.dma_semaphore, #tpu.memory_space<semaphore_mem>>
      tpu.enqueue_dma source(%arg3 : memref<20000xi32, #tpu.memory_space<hbm>>) target(%arg13 : memref<20000xi32, #tpu.memory_space<vmem>>) target_semaphore(%run_scoped3A : memref<!tpu.dma_semaphore, #tpu.memory_space<semaphore_mem>>)
      tpu.wait_dma2 semaphore(%run_scoped3A : memref<!tpu.dma_semaphore, #tpu.memory_space<semaphore_mem>>) src(%arg3 : memref<20000xi32, #tpu.memory_space<hbm>>) dst(%arg13 : memref<20000xi32, #tpu.memory_space<vmem>>)
      tpu.yield
    }) : () -> ()
    "tpu.region"() ({
      %run_scoped3A = tpu.sem_alloc : memref<!tpu.dma_semaphore, #tpu.memory_space<semaphore_mem>>
      tpu.enqueue_dma source(%arg4 : memref<20000xf32, #tpu.memory_space<hbm>>) target(%arg14 : memref<20000xf32, #tpu.memory_space<vmem>>) target_semaphore(%run_scoped3A : memref<!tpu.dma_semaphore, #tpu.memory_space<semaphore_mem>>)
      tpu.wait_dma2 semaphore(%run_scoped3A : memref<!tpu.dma_semaphore, #tpu.memory_space<semaphore_mem>>) src(%arg4 : memref<20000xf32, #tpu.memory_space<hbm>>) dst(%arg14 : memref<20000xf32, #tpu.memory_space<vmem>>)
      tpu.yield
    }) : () -> ()
    "tpu.region"() ({
      %run_scoped3A = tpu.sem_alloc : memref<!tpu.dma_semaphore, #tpu.memory_space<semaphore_mem>>
      tpu.enqueue_dma source(%arg5 : memref<20000xf32, #tpu.memory_space<hbm>>) target(%arg15 : memref<20000xf32, #tpu.memory_space<vmem>>) target_semaphore(%run_scoped3A : memref<!tpu.dma_semaphore, #tpu.memory_space<semaphore_mem>>)
      tpu.wait_dma2 semaphore(%run_scoped3A : memref<!tpu.dma_semaphore, #tpu.memory_space<semaphore_mem>>) src(%arg5 : memref<20000xf32, #tpu.memory_space<hbm>>) dst(%arg15 : memref<20000xf32, #tpu.memory_space<vmem>>)
      tpu.yield
    }) : () -> ()
    "tpu.region"() ({
      %run_scoped3A = tpu.sem_alloc : memref<!tpu.dma_semaphore, #tpu.memory_space<semaphore_mem>>
      tpu.enqueue_dma source(%arg6 : memref<20000xf32, #tpu.memory_space<hbm>>) target(%arg16 : memref<20000xf32, #tpu.memory_space<vmem>>) target_semaphore(%run_scoped3A : memref<!tpu.dma_semaphore, #tpu.memory_space<semaphore_mem>>)
      tpu.wait_dma2 semaphore(%run_scoped3A : memref<!tpu.dma_semaphore, #tpu.memory_space<semaphore_mem>>) src(%arg6 : memref<20000xf32, #tpu.memory_space<hbm>>) dst(%arg16 : memref<20000xf32, #tpu.memory_space<vmem>>)
      tpu.yield
    }) : () -> ()
    %mul3A_1 = arith.constant 1792 : i32
    %mul3A_2 = arith.muli %add3A, %mul3A_1 : i32
    %add3A_3 = arith.constant 0 : i32
    %add3A_4 = arith.addi %mul3A_2, %add3A_3 : i32
    "tpu.region"() ({
      %run_scoped3A = tpu.sem_alloc : memref<!tpu.dma_semaphore, #tpu.memory_space<semaphore_mem>>
      %dma_start3A = tpu.memref_slice %arg7[%add3A_4] : memref<57344xi32, #tpu.memory_space<hbm>> -> memref<256xi32, #tpu.memory_space<hbm>>
      %dma_start3A_70 = tpu.memref_slice %arg7[%add3A_4] : memref<57344xi32, #tpu.memory_space<hbm>> -> memref<256xi32, #tpu.memory_space<hbm>>
      tpu.enqueue_dma source(%dma_start3A_70 : memref<256xi32, #tpu.memory_space<hbm>>) target(%arg17 : memref<256xi32, #tpu.memory_space<vmem>>) target_semaphore(%run_scoped3A : memref<!tpu.dma_semaphore, #tpu.memory_space<semaphore_mem>>)
      %dma_wait3A = tpu.memref_slice %arg7[%add3A_4] : memref<57344xi32, #tpu.memory_space<hbm>> -> memref<256xi32, #tpu.memory_space<hbm>>
      %dma_wait3A_71 = tpu.memref_slice %arg7[%add3A_4] : memref<57344xi32, #tpu.memory_space<hbm>> -> memref<256xi32, #tpu.memory_space<hbm>>
      tpu.wait_dma2 semaphore(%run_scoped3A : memref<!tpu.dma_semaphore, #tpu.memory_space<semaphore_mem>>) src(%dma_wait3A_71 : memref<256xi32, #tpu.memory_space<hbm>>) dst(%arg17 : memref<256xi32, #tpu.memory_space<vmem>>)
      tpu.yield
    }) : () -> ()
    "tpu.region"() ({
      %run_scoped3A = tpu.sem_alloc : memref<!tpu.dma_semaphore, #tpu.memory_space<semaphore_mem>>
      %dma_start3A = tpu.memref_slice %arg8[%add3A_4] : memref<57344xi32, #tpu.memory_space<hbm>> -> memref<256xi32, #tpu.memory_space<hbm>>
      %dma_start3A_70 = tpu.memref_slice %arg8[%add3A_4] : memref<57344xi32, #tpu.memory_space<hbm>> -> memref<256xi32, #tpu.memory_space<hbm>>
      tpu.enqueue_dma source(%dma_start3A_70 : memref<256xi32, #tpu.memory_space<hbm>>) target(%arg18 : memref<256xi32, #tpu.memory_space<vmem>>) target_semaphore(%run_scoped3A : memref<!tpu.dma_semaphore, #tpu.memory_space<semaphore_mem>>)
      %dma_wait3A = tpu.memref_slice %arg8[%add3A_4] : memref<57344xi32, #tpu.memory_space<hbm>> -> memref<256xi32, #tpu.memory_space<hbm>>
      %dma_wait3A_71 = tpu.memref_slice %arg8[%add3A_4] : memref<57344xi32, #tpu.memory_space<hbm>> -> memref<256xi32, #tpu.memory_space<hbm>>
      tpu.wait_dma2 semaphore(%run_scoped3A : memref<!tpu.dma_semaphore, #tpu.memory_space<semaphore_mem>>) src(%dma_wait3A_71 : memref<256xi32, #tpu.memory_space<hbm>>) dst(%arg18 : memref<256xi32, #tpu.memory_space<vmem>>)
      tpu.yield
    }) : () -> ()
    "tpu.region"() ({
      %run_scoped3A = tpu.sem_alloc : memref<!tpu.dma_semaphore, #tpu.memory_space<semaphore_mem>>
      %dma_start3A = tpu.memref_slice %arg9[%add3A_4] : memref<57344xi32, #tpu.memory_space<hbm>> -> memref<256xi32, #tpu.memory_space<hbm>>
      %dma_start3A_70 = tpu.memref_slice %arg9[%add3A_4] : memref<57344xi32, #tpu.memory_space<hbm>> -> memref<256xi32, #tpu.memory_space<hbm>>
      tpu.enqueue_dma source(%dma_start3A_70 : memref<256xi32, #tpu.memory_space<hbm>>) target(%arg19 : memref<256xi32, #tpu.memory_space<vmem>>) target_semaphore(%run_scoped3A : memref<!tpu.dma_semaphore, #tpu.memory_space<semaphore_mem>>)
      %dma_wait3A = tpu.memref_slice %arg9[%add3A_4] : memref<57344xi32, #tpu.memory_space<hbm>> -> memref<256xi32, #tpu.memory_space<hbm>>
      %dma_wait3A_71 = tpu.memref_slice %arg9[%add3A_4] : memref<57344xi32, #tpu.memory_space<hbm>> -> memref<256xi32, #tpu.memory_space<hbm>>
      tpu.wait_dma2 semaphore(%run_scoped3A : memref<!tpu.dma_semaphore, #tpu.memory_space<semaphore_mem>>) src(%dma_wait3A_71 : memref<256xi32, #tpu.memory_space<hbm>>) dst(%arg19 : memref<256xi32, #tpu.memory_space<vmem>>)
      tpu.yield
    }) : () -> ()
    %scan3A = arith.constant 0 : i32
    %scan3A_5 = arith.constant 0 : i32
    %scan3A_6 = arith.constant 16 : i32
    %scan3A_7 = arith.addi %scan3A_5, %scan3A_6 : i32
    %scan3A_8 = arith.constant 1 : i32
    scf.for %scan3A_70 = %scan3A_5 to %scan3A_7 step %scan3A_8  : i32 {
      %mul3A_71 = arith.constant 16 : i32
      %mul3A_72 = arith.muli %scan3A_70, %mul3A_71 : i32
      %get3A = arith.index_cast %mul3A_72 : i32 to index
      %get3A_73 = tpu.vector_load %arg17[%get3A] {strides = array<i32>} : memref<256xi32, #tpu.memory_space<vmem>>, vector<16xi32>,
      %get3A_74 = arith.index_cast %mul3A_72 : i32 to index
      %get3A_75 = tpu.vector_load %arg18[%get3A_74] {strides = array<i32>} : memref<256xi32, #tpu.memory_space<vmem>>, vector<16xi32>,
      %get3A_76 = arith.index_cast %mul3A_72 : i32 to index
      %get3A_77 = tpu.vector_load %arg19[%get3A_76] {strides = array<i32>} : memref<256xi32, #tpu.memory_space<vmem>>, vector<16xi32>,
      %gather3A = tpu.vector_load_idx %arg12[%get3A_73] : memref<20000xi32, #tpu.memory_space<vmem>>[vector<16xi32>], vector<16xi32>,
      %gather3A_78 = tpu.vector_load_idx %arg13[%get3A_73] : memref<20000xi32, #tpu.memory_space<vmem>>[vector<16xi32>], vector<16xi32>,
      %gather3A_79 = tpu.vector_load_idx %arg12[%get3A_75] : memref<20000xi32, #tpu.memory_space<vmem>>[vector<16xi32>], vector<16xi32>,
      %gather3A_80 = tpu.vector_load_idx %arg13[%get3A_75] : memref<20000xi32, #tpu.memory_space<vmem>>[vector<16xi32>], vector<16xi32>,
      %gather3A_81 = tpu.vector_load_idx %arg12[%get3A_77] : memref<20000xi32, #tpu.memory_space<vmem>>[vector<16xi32>], vector<16xi32>,
      %gather3A_82 = tpu.vector_load_idx %arg13[%get3A_77] : memref<20000xi32, #tpu.memory_space<vmem>>[vector<16xi32>], vector<16xi32>,
      %gather3A_83 = tpu.vector_load_idx %arg14[%get3A_73] : memref<20000xf32, #tpu.memory_space<vmem>>[vector<16xi32>], vector<16xf32>,
      %gather3A_84 = tpu.vector_load_idx %arg15[%get3A_73] : memref<20000xf32, #tpu.memory_space<vmem>>[vector<16xi32>], vector<16xf32>,
      %gather3A_85 = tpu.vector_load_idx %arg16[%get3A_73] : memref<20000xf32, #tpu.memory_space<vmem>>[vector<16xi32>], vector<16xf32>,
      %gather3A_86 = tpu.vector_load_idx %arg14[%get3A_75] : memref<20000xf32, #tpu.memory_space<vmem>>[vector<16xi32>], vector<16xf32>,
      %gather3A_87 = tpu.vector_load_idx %arg15[%get3A_75] : memref<20000xf32, #tpu.memory_space<vmem>>[vector<16xi32>], vector<16xf32>,
      %gather3A_88 = tpu.vector_load_idx %arg16[%get3A_75] : memref<20000xf32, #tpu.memory_space<vmem>>[vector<16xi32>], vector<16xf32>,
      %gather3A_89 = tpu.vector_load_idx %arg14[%get3A_77] : memref<20000xf32, #tpu.memory_space<vmem>>[vector<16xi32>], vector<16xf32>,
      %gather3A_90 = tpu.vector_load_idx %arg15[%get3A_77] : memref<20000xf32, #tpu.memory_space<vmem>>[vector<16xi32>], vector<16xf32>,
      %gather3A_91 = tpu.vector_load_idx %arg16[%get3A_77] : memref<20000xf32, #tpu.memory_space<vmem>>[vector<16xi32>], vector<16xf32>,
      %sub3A = arith.subi %gather3A_79, %gather3A : vector<16xi32>
      %sub3A_92 = arith.subi %gather3A_82, %gather3A_78 : vector<16xi32>
      %mul3A_93 = arith.muli %sub3A, %sub3A_92 : vector<16xi32>
      %sub3A_94 = arith.subi %gather3A_81, %gather3A : vector<16xi32>
      %sub3A_95 = arith.subi %gather3A_80, %gather3A_78 : vector<16xi32>
      %mul3A_96 = arith.muli %sub3A_94, %sub3A_95 : vector<16xi32>
      %sub3A_97 = arith.subi %mul3A_93, %mul3A_96 : vector<16xi32>
      %min3A = arith.minsi %gather3A, %gather3A_79 : vector<16xi32>
      %min3A_98 = arith.minsi %min3A, %gather3A_81 : vector<16xi32>
      %max3A = arith.constant 0 : i32
      %max3A_99 = vector.broadcast %max3A : i32 to vector<16xi32>
      %max3A_100 = arith.maxsi %max3A_99, %min3A_98 : vector<16xi32>
      %max3A_101 = arith.maxsi %gather3A, %gather3A_79 : vector<16xi32>
      %max3A_102 = arith.maxsi %max3A_101, %gather3A_81 : vector<16xi32>
      %add3A_103 = arith.constant 1 : i32
      %add3A_104 = vector.broadcast %add3A_103 : i32 to vector<16xi32>
      %add3A_105 = arith.addi %max3A_102, %add3A_104 : vector<16xi32>
      %min3A_106 = arith.constant 499 : i32
      %min3A_107 = vector.broadcast %min3A_106 : i32 to vector<16xi32>
      %min3A_108 = arith.minsi %min3A_107, %add3A_105 : vector<16xi32>
      %min3A_109 = arith.minsi %gather3A_78, %gather3A_80 : vector<16xi32>
      %min3A_110 = arith.minsi %min3A_109, %gather3A_82 : vector<16xi32>
      %max3A_111 = arith.constant 0 : i32
      %max3A_112 = vector.broadcast %max3A_111 : i32 to vector<16xi32>
      %max3A_113 = arith.maxsi %max3A_112, %min3A_110 : vector<16xi32>
      %max3A_114 = arith.maxsi %gather3A_78, %gather3A_80 : vector<16xi32>
      %max3A_115 = arith.maxsi %max3A_114, %gather3A_82 : vector<16xi32>
      %add3A_116 = arith.constant 1 : i32
      %add3A_117 = vector.broadcast %add3A_116 : i32 to vector<16xi32>
      %add3A_118 = arith.addi %max3A_115, %add3A_117 : vector<16xi32>
      %min3A_119 = arith.constant 499 : i32
      %min3A_120 = vector.broadcast %min3A_119 : i32 to vector<16xi32>
      %min3A_121 = arith.minsi %min3A_120, %add3A_118 : vector<16xi32>
      %ne3A = arith.constant 0 : i32
      %ne3A_122 = vector.broadcast %ne3A : i32 to vector<16xi32>
      %ne3A_123 = arith.cmpi ne, %sub3A_97, %ne3A_122 : vector<16xi32>
      %gt3A = arith.cmpi sgt, %min3A_108, %max3A_100 : vector<16xi32>
      %and3A = arith.andi %ne3A_123, %gt3A : vector<16xi1>
      %gt3A_124 = arith.cmpi sgt, %min3A_121, %max3A_113 : vector<16xi32>
      %and3A_125 = arith.andi %and3A, %gt3A_124 : vector<16xi1>
      %shift_right_arithmetic3A = arith.constant 5 : i32
      %shift_right_arithmetic3A_126 = vector.broadcast %shift_right_arithmetic3A : i32 to vector<16xi32>
      %shift_right_arithmetic3A_127 = arith.shrsi %max3A_113, %shift_right_arithmetic3A_126 : vector<16xi32>
      %shift_left3A = arith.constant 5 : i32
      %shift_left3A_128 = vector.broadcast %shift_left3A : i32 to vector<16xi32>
      %shift_left3A_129 = arith.shli %shift_right_arithmetic3A_127, %shift_left3A_128 : vector<16xi32>
      %sub3A_130 = arith.constant 1 : i32
      %sub3A_131 = vector.broadcast %sub3A_130 : i32 to vector<16xi32>
      %sub3A_132 = arith.subi %min3A_121, %sub3A_131 : vector<16xi32>
      %shift_right_arithmetic3A_133 = arith.constant 5 : i32
      %shift_right_arithmetic3A_134 = vector.broadcast %shift_right_arithmetic3A_133 : i32 to vector<16xi32>
      %shift_right_arithmetic3A_135 = arith.shrsi %sub3A_132, %shift_right_arithmetic3A_134 : vector<16xi32>
      %sub3A_136 = arith.subi %shift_right_arithmetic3A_135, %shift_right_arithmetic3A_127 : vector<16xi32>
      %add3A_137 = arith.constant 1 : i32
      %add3A_138 = vector.broadcast %add3A_137 : i32 to vector<16xi32>
      %add3A_139 = arith.addi %sub3A_136, %add3A_138 : vector<16xi32>
      %shift_right_arithmetic3A_140 = arith.constant 7 : i32
      %shift_right_arithmetic3A_141 = vector.broadcast %shift_right_arithmetic3A_140 : i32 to vector<16xi32>
      %shift_right_arithmetic3A_142 = arith.shrsi %max3A_100, %shift_right_arithmetic3A_141 : vector<16xi32>
      %shift_left3A_143 = arith.constant 7 : i32
      %shift_left3A_144 = vector.broadcast %shift_left3A_143 : i32 to vector<16xi32>
      %shift_left3A_145 = arith.shli %shift_right_arithmetic3A_142, %shift_left3A_144 : vector<16xi32>
      %sub3A_146 = arith.constant 1 : i32
      %sub3A_147 = vector.broadcast %sub3A_146 : i32 to vector<16xi32>
      %sub3A_148 = arith.subi %min3A_108, %sub3A_147 : vector<16xi32>
      %shift_right_arithmetic3A_149 = arith.constant 7 : i32
      %shift_right_arithmetic3A_150 = vector.broadcast %shift_right_arithmetic3A_149 : i32 to vector<16xi32>
      %shift_right_arithmetic3A_151 = arith.shrsi %sub3A_148, %shift_right_arithmetic3A_150 : vector<16xi32>
      %sub3A_152 = arith.subi %shift_right_arithmetic3A_151, %shift_right_arithmetic3A_142 : vector<16xi32>
      %add3A_153 = arith.constant 1 : i32
      %add3A_154 = vector.broadcast %add3A_153 : i32 to vector<16xi32>
      %add3A_155 = arith.addi %sub3A_152, %add3A_154 : vector<16xi32>
      %shift_left3A_156 = arith.constant 7 : i32
      %shift_left3A_157 = vector.broadcast %shift_left3A_156 : i32 to vector<16xi32>
      %shift_left3A_158 = arith.shli %add3A_155, %shift_left3A_157 : vector<16xi32>
      %add3A_159 = arith.addi %shift_left3A_145, %shift_left3A_158 : vector<16xi32>
      %mul3A_160 = arith.muli %add3A_139, %add3A_155 : vector<16xi32>
      %jit3A = arith.constant 0 : i32
      %broadcast_in_dim3A = vector.broadcast %jit3A : i32 to vector<16xi32>
      %select_n3A = arith.select %and3A_125, %mul3A_160, %broadcast_in_dim3A : vector<16xi1>, vector<16xi32>
      %add3A_161 = arith.addf %gather3A_85, %gather3A_88 : vector<16xf32>
      %add3A_162 = arith.addf %add3A_161, %gather3A_91 : vector<16xf32>
      %div3A = arith.constant 3.000000e+00 : f32
      %div3A_163 = vector.broadcast %div3A : f32 to vector<16xf32>
      %div3A_164 = arith.divf %add3A_162, %div3A_163 : vector<16xf32>
      %sub3A_165 = arith.subf %gather3A_86, %gather3A_83 : vector<16xf32>
      %sub3A_166 = arith.subf %gather3A_87, %gather3A_84 : vector<16xf32>
      %sub3A_167 = arith.subf %gather3A_88, %gather3A_85 : vector<16xf32>
      %sub3A_168 = arith.subf %gather3A_89, %gather3A_83 : vector<16xf32>
      %sub3A_169 = arith.subf %gather3A_90, %gather3A_84 : vector<16xf32>
      %sub3A_170 = arith.subf %gather3A_91, %gather3A_85 : vector<16xf32>
      %mul3A_171 = arith.mulf %sub3A_166, %sub3A_170 : vector<16xf32>
      %mul3A_172 = arith.mulf %sub3A_167, %sub3A_169 : vector<16xf32>
      %sub3A_173 = arith.subf %mul3A_171, %mul3A_172 : vector<16xf32>
      %mul3A_174 = arith.mulf %sub3A_167, %sub3A_168 : vector<16xf32>
      %mul3A_175 = arith.mulf %sub3A_165, %sub3A_170 : vector<16xf32>
      %sub3A_176 = arith.subf %mul3A_174, %mul3A_175 : vector<16xf32>
      %mul3A_177 = arith.mulf %sub3A_165, %sub3A_169 : vector<16xf32>
      %mul3A_178 = arith.mulf %sub3A_166, %sub3A_168 : vector<16xf32>
      %sub3A_179 = arith.subf %mul3A_177, %mul3A_178 : vector<16xf32>
      %mul3A_180 = arith.mulf %sub3A_173, %sub3A_173 : vector<16xf32>
      %mul3A_181 = arith.mulf %sub3A_176, %sub3A_176 : vector<16xf32>
      %add3A_182 = arith.addf %mul3A_180, %mul3A_181 : vector<16xf32>
      %mul3A_183 = arith.mulf %sub3A_179, %sub3A_179 : vector<16xf32>
      %add3A_184 = arith.addf %add3A_182, %mul3A_183 : vector<16xf32>
      %mul3A_185 = arith.constant 5.000000e-01 : f32
      %mul3A_186 = vector.broadcast %mul3A_185 : f32 to vector<16xf32>
      %mul3A_187 = arith.mulf %mul3A_186, %add3A_184 : vector<16xf32>
      %bitcast3A = vector.bitcast %add3A_184 : vector<16xf32> to vector<16xi32>
      %shift_right_arithmetic3A_188 = arith.constant 1 : i32
      %shift_right_arithmetic3A_189 = vector.broadcast %shift_right_arithmetic3A_188 : i32 to vector<16xi32>
      %shift_right_arithmetic3A_190 = arith.shrsi %bitcast3A, %shift_right_arithmetic3A_189 : vector<16xi32>
      %sub3A_191 = arith.constant 1597463007 : i32
      %sub3A_192 = vector.broadcast %sub3A_191 : i32 to vector<16xi32>
      %sub3A_193 = arith.subi %sub3A_192, %shift_right_arithmetic3A_190 : vector<16xi32>
      %bitcast3A_194 = vector.bitcast %sub3A_193 : vector<16xi32> to vector<16xf32>
      %mul3A_195 = arith.mulf %mul3A_187, %bitcast3A_194 : vector<16xf32>
      %mul3A_196 = arith.mulf %mul3A_195, %bitcast3A_194 : vector<16xf32>
      %sub3A_197 = arith.constant 1.500000e+00 : f32
      %sub3A_198 = vector.broadcast %sub3A_197 : f32 to vector<16xf32>
      %sub3A_199 = arith.subf %sub3A_198, %mul3A_196 : vector<16xf32>
      %mul3A_200 = arith.mulf %bitcast3A_194, %sub3A_199 : vector<16xf32>
      %mul3A_201 = arith.mulf %mul3A_187, %mul3A_200 : vector<16xf32>
      %mul3A_202 = arith.mulf %mul3A_201, %mul3A_200 : vector<16xf32>
      %sub3A_203 = arith.constant 1.500000e+00 : f32
      %sub3A_204 = vector.broadcast %sub3A_203 : f32 to vector<16xf32>
      %sub3A_205 = arith.subf %sub3A_204, %mul3A_202 : vector<16xf32>
      %mul3A_206 = arith.mulf %mul3A_200, %sub3A_205 : vector<16xf32>
      %mul3A_207 = arith.mulf %mul3A_187, %mul3A_206 : vector<16xf32>
      %mul3A_208 = arith.mulf %mul3A_207, %mul3A_206 : vector<16xf32>
      %sub3A_209 = arith.constant 1.500000e+00 : f32
      %sub3A_210 = vector.broadcast %sub3A_209 : f32 to vector<16xf32>
      %sub3A_211 = arith.subf %sub3A_210, %mul3A_208 : vector<16xf32>
      %mul3A_212 = arith.mulf %mul3A_206, %sub3A_211 : vector<16xf32>
      %gt3A_213 = arith.constant 0.000000e+00 : f32
      %gt3A_214 = vector.broadcast %gt3A_213 : f32 to vector<16xf32>
      %gt3A_215 = arith.cmpf ogt, %add3A_184, %gt3A_214 : vector<16xf32>
      %mul3A_216 = arith.mulf %add3A_184, %mul3A_212 : vector<16xf32>
      %jit3A_217 = arith.constant 0.000000e+00 : f32
      %broadcast_in_dim3A_218 = vector.broadcast %jit3A_217 : f32 to vector<16xf32>
      %select_n3A_219 = arith.select %gt3A_215, %mul3A_216, %broadcast_in_dim3A_218 : vector<16xi1>, vector<16xf32>
      %add3A_220 = arith.constant 9.99999993E-9 : f32
      %add3A_221 = vector.broadcast %add3A_220 : f32 to vector<16xf32>
      %add3A_222 = arith.addf %select_n3A_219, %add3A_221 : vector<16xf32>
      %div3A_223 = arith.divf %sub3A_179, %add3A_222 : vector<16xf32>
      %jit3A_224 = arith.constant 0.000000e+00 : f32
      %jit3A_225 = arith.constant 1.000000e+00 : f32
      %max3A_226 = vector.broadcast %jit3A_224 : f32 to vector<16xf32>
      %max3A_227 = arith.maximumf %max3A_226, %div3A_223 : vector<16xf32>
      %min3A_228 = vector.broadcast %jit3A_225 : f32 to vector<16xf32>
      %min3A_229 = arith.minimumf %min3A_228, %max3A_227 : vector<16xf32>
      %mul3A_230 = arith.constant 1.800000e+02 : f32
      %mul3A_231 = vector.broadcast %mul3A_230 : f32 to vector<16xf32>
      %mul3A_232 = arith.mulf %min3A_229, %mul3A_231 : vector<16xf32>
      %add3A_233 = arith.constant 7.500000e+01 : f32
      %add3A_234 = vector.broadcast %add3A_233 : f32 to vector<16xf32>
      %add3A_235 = arith.addf %mul3A_232, %add3A_234 : vector<16xf32>
      %swap3A = arith.constant 0 : i32
      %swap3A_236 = arith.index_cast %swap3A : i32 to index
      %swap3A_237 = arith.index_cast %mul3A_72 : i32 to index
      %swap3A_238 = tpu.vector_load %arg20[%swap3A_236, %swap3A_237] {strides = array<i32>} : memref<16x256xi32, #tpu.memory_space<vmem>>, vector<16xi32>,
      tpu.vector_store %arg20[%swap3A_236, %swap3A_237], %gather3A {strides = array<i32>} : memref<16x256xi32, #tpu.memory_space<vmem>>, vector<16xi32>,
      %swap3A_239 = arith.constant 1 : i32
      %swap3A_240 = arith.index_cast %swap3A_239 : i32 to index
      %swap3A_241 = arith.index_cast %mul3A_72 : i32 to index
      %swap3A_242 = tpu.vector_load %arg20[%swap3A_240, %swap3A_241] {strides = array<i32>} : memref<16x256xi32, #tpu.memory_space<vmem>>, vector<16xi32>,
      tpu.vector_store %arg20[%swap3A_240, %swap3A_241], %gather3A_78 {strides = array<i32>} : memref<16x256xi32, #tpu.memory_space<vmem>>, vector<16xi32>,
      %swap3A_243 = arith.constant 2 : i32
      %swap3A_244 = arith.index_cast %swap3A_243 : i32 to index
      %swap3A_245 = arith.index_cast %mul3A_72 : i32 to index
      %swap3A_246 = tpu.vector_load %arg20[%swap3A_244, %swap3A_245] {strides = array<i32>} : memref<16x256xi32, #tpu.memory_space<vmem>>, vector<16xi32>,
      tpu.vector_store %arg20[%swap3A_244, %swap3A_245], %gather3A_79 {strides = array<i32>} : memref<16x256xi32, #tpu.memory_space<vmem>>, vector<16xi32>,
      %swap3A_247 = arith.constant 3 : i32
      %swap3A_248 = arith.index_cast %swap3A_247 : i32 to index
      %swap3A_249 = arith.index_cast %mul3A_72 : i32 to index
      %swap3A_250 = tpu.vector_load %arg20[%swap3A_248, %swap3A_249] {strides = array<i32>} : memref<16x256xi32, #tpu.memory_space<vmem>>, vector<16xi32>,
      tpu.vector_store %arg20[%swap3A_248, %swap3A_249], %gather3A_80 {strides = array<i32>} : memref<16x256xi32, #tpu.memory_space<vmem>>, vector<16xi32>,
      %swap3A_251 = arith.constant 4 : i32
      %swap3A_252 = arith.index_cast %swap3A_251 : i32 to index
      %swap3A_253 = arith.index_cast %mul3A_72 : i32 to index
      %swap3A_254 = tpu.vector_load %arg20[%swap3A_252, %swap3A_253] {strides = array<i32>} : memref<16x256xi32, #tpu.memory_space<vmem>>, vector<16xi32>,
      tpu.vector_store %arg20[%swap3A_252, %swap3A_253], %gather3A_81 {strides = array<i32>} : memref<16x256xi32, #tpu.memory_space<vmem>>, vector<16xi32>,
      %swap3A_255 = arith.constant 5 : i32
      %swap3A_256 = arith.index_cast %swap3A_255 : i32 to index
      %swap3A_257 = arith.index_cast %mul3A_72 : i32 to index
      %swap3A_258 = tpu.vector_load %arg20[%swap3A_256, %swap3A_257] {strides = array<i32>} : memref<16x256xi32, #tpu.memory_space<vmem>>, vector<16xi32>,
      tpu.vector_store %arg20[%swap3A_256, %swap3A_257], %gather3A_82 {strides = array<i32>} : memref<16x256xi32, #tpu.memory_space<vmem>>, vector<16xi32>,
      %abs3A = math.absi %sub3A_97 : vector<16xi32>
      %swap3A_259 = arith.constant 6 : i32
      %swap3A_260 = arith.index_cast %swap3A_259 : i32 to index
      %swap3A_261 = arith.index_cast %mul3A_72 : i32 to index
      %swap3A_262 = tpu.vector_load %arg20[%swap3A_260, %swap3A_261] {strides = array<i32>} : memref<16x256xi32, #tpu.memory_space<vmem>>, vector<16xi32>,
      tpu.vector_store %arg20[%swap3A_260, %swap3A_261], %abs3A {strides = array<i32>} : memref<16x256xi32, #tpu.memory_space<vmem>>, vector<16xi32>,
      %swap3A_263 = arith.constant 7 : i32
      %swap3A_264 = arith.index_cast %swap3A_263 : i32 to index
      %swap3A_265 = arith.index_cast %mul3A_72 : i32 to index
      %swap3A_266 = tpu.vector_load %arg20[%swap3A_264, %swap3A_265] {strides = array<i32>} : memref<16x256xi32, #tpu.memory_space<vmem>>, vector<16xi32>,
      tpu.vector_store %arg20[%swap3A_264, %swap3A_265], %max3A_100 {strides = array<i32>} : memref<16x256xi32, #tpu.memory_space<vmem>>, vector<16xi32>,
      %swap3A_267 = arith.constant 8 : i32
      %swap3A_268 = arith.index_cast %swap3A_267 : i32 to index
      %swap3A_269 = arith.index_cast %mul3A_72 : i32 to index
      %swap3A_270 = tpu.vector_load %arg20[%swap3A_268, %swap3A_269] {strides = array<i32>} : memref<16x256xi32, #tpu.memory_space<vmem>>, vector<16xi32>,
      tpu.vector_store %arg20[%swap3A_268, %swap3A_269], %min3A_108 {strides = array<i32>} : memref<16x256xi32, #tpu.memory_space<vmem>>, vector<16xi32>,
      %swap3A_271 = arith.constant 9 : i32
      %swap3A_272 = arith.index_cast %swap3A_271 : i32 to index
      %swap3A_273 = arith.index_cast %mul3A_72 : i32 to index
      %swap3A_274 = tpu.vector_load %arg20[%swap3A_272, %swap3A_273] {strides = array<i32>} : memref<16x256xi32, #tpu.memory_space<vmem>>, vector<16xi32>,
      tpu.vector_store %arg20[%swap3A_272, %swap3A_273], %max3A_113 {strides = array<i32>} : memref<16x256xi32, #tpu.memory_space<vmem>>, vector<16xi32>,
      %swap3A_275 = arith.constant 10 : i32
      %swap3A_276 = arith.index_cast %swap3A_275 : i32 to index
      %swap3A_277 = arith.index_cast %mul3A_72 : i32 to index
      %swap3A_278 = tpu.vector_load %arg20[%swap3A_276, %swap3A_277] {strides = array<i32>} : memref<16x256xi32, #tpu.memory_space<vmem>>, vector<16xi32>,
      tpu.vector_store %arg20[%swap3A_276, %swap3A_277], %min3A_121 {strides = array<i32>} : memref<16x256xi32, #tpu.memory_space<vmem>>, vector<16xi32>,
      %swap3A_279 = arith.constant 11 : i32
      %swap3A_280 = arith.index_cast %swap3A_279 : i32 to index
      %swap3A_281 = arith.index_cast %mul3A_72 : i32 to index
      %swap3A_282 = tpu.vector_load %arg20[%swap3A_280, %swap3A_281] {strides = array<i32>} : memref<16x256xi32, #tpu.memory_space<vmem>>, vector<16xi32>,
      tpu.vector_store %arg20[%swap3A_280, %swap3A_281], %shift_left3A_129 {strides = array<i32>} : memref<16x256xi32, #tpu.memory_space<vmem>>, vector<16xi32>,
      %swap3A_283 = arith.constant 12 : i32
      %swap3A_284 = arith.index_cast %swap3A_283 : i32 to index
      %swap3A_285 = arith.index_cast %mul3A_72 : i32 to index
      %swap3A_286 = tpu.vector_load %arg20[%swap3A_284, %swap3A_285] {strides = array<i32>} : memref<16x256xi32, #tpu.memory_space<vmem>>, vector<16xi32>,
      tpu.vector_store %arg20[%swap3A_284, %swap3A_285], %shift_left3A_145 {strides = array<i32>} : memref<16x256xi32, #tpu.memory_space<vmem>>, vector<16xi32>,
      %swap3A_287 = arith.constant 13 : i32
      %swap3A_288 = arith.index_cast %swap3A_287 : i32 to index
      %swap3A_289 = arith.index_cast %mul3A_72 : i32 to index
      %swap3A_290 = tpu.vector_load %arg20[%swap3A_288, %swap3A_289] {strides = array<i32>} : memref<16x256xi32, #tpu.memory_space<vmem>>, vector<16xi32>,
      tpu.vector_store %arg20[%swap3A_288, %swap3A_289], %add3A_159 {strides = array<i32>} : memref<16x256xi32, #tpu.memory_space<vmem>>, vector<16xi32>,
      %swap3A_291 = arith.constant 14 : i32
      %swap3A_292 = arith.index_cast %swap3A_291 : i32 to index
      %swap3A_293 = arith.index_cast %mul3A_72 : i32 to index
      %swap3A_294 = tpu.vector_load %arg20[%swap3A_292, %swap3A_293] {strides = array<i32>} : memref<16x256xi32, #tpu.memory_space<vmem>>, vector<16xi32>,
      tpu.vector_store %arg20[%swap3A_292, %swap3A_293], %select_n3A {strides = array<i32>} : memref<16x256xi32, #tpu.memory_space<vmem>>, vector<16xi32>,
      %broadcast_in_dim3A_295 = arith.constant 0 : i32
      %broadcast_in_dim3A_296 = vector.broadcast %broadcast_in_dim3A_295 : i32 to vector<16xi32>
      %swap3A_297 = arith.constant 15 : i32
      %swap3A_298 = arith.index_cast %swap3A_297 : i32 to index
      %swap3A_299 = arith.index_cast %mul3A_72 : i32 to index
      %swap3A_300 = tpu.vector_load %arg20[%swap3A_298, %swap3A_299] {strides = array<i32>} : memref<16x256xi32, #tpu.memory_space<vmem>>, vector<16xi32>,
      tpu.vector_store %arg20[%swap3A_298, %swap3A_299], %broadcast_in_dim3A_296 {strides = array<i32>} : memref<16x256xi32, #tpu.memory_space<vmem>>, vector<16xi32>,
      %swap3A_301 = arith.constant 0 : i32
      %swap3A_302 = arith.index_cast %swap3A_301 : i32 to index
      %swap3A_303 = arith.index_cast %mul3A_72 : i32 to index
      %swap3A_304 = tpu.vector_load %arg21[%swap3A_302, %swap3A_303] {strides = array<i32>} : memref<2x256xf32, #tpu.memory_space<vmem>>, vector<16xf32>,
      tpu.vector_store %arg21[%swap3A_302, %swap3A_303], %div3A_164 {strides = array<i32>} : memref<2x256xf32, #tpu.memory_space<vmem>>, vector<16xf32>,
      %swap3A_305 = arith.constant 1 : i32
      %swap3A_306 = arith.index_cast %swap3A_305 : i32 to index
      %swap3A_307 = arith.index_cast %mul3A_72 : i32 to index
      %swap3A_308 = tpu.vector_load %arg21[%swap3A_306, %swap3A_307] {strides = array<i32>} : memref<2x256xf32, #tpu.memory_space<vmem>>, vector<16xf32>,
      tpu.vector_store %arg21[%swap3A_306, %swap3A_307], %add3A_235 {strides = array<i32>} : memref<2x256xf32, #tpu.memory_space<vmem>>, vector<16xf32>,
    }
    %scan3A_9 = arith.constant 16 : i32
    "tpu.region"() ({
      %run_scoped3A = tpu.sem_alloc : memref<!tpu.dma_semaphore, #tpu.memory_space<semaphore_mem>>
      %dma_start3A = arith.constant 0 : i32
      %dma_start3A_70 = tpu.memref_slice %arg10[%dma_start3A, %add3A_4] : memref<16x57344xi32, #tpu.memory_space<hbm>> -> memref<16x256xi32, #tpu.memory_space<hbm>>
      %dma_start3A_71 = arith.constant 0 : i32
      %dma_start3A_72 = tpu.memref_slice %arg10[%dma_start3A_71, %add3A_4] : memref<16x57344xi32, #tpu.memory_space<hbm>> -> memref<16x256xi32, #tpu.memory_space<hbm>>
      tpu.enqueue_dma source(%arg20 : memref<16x256xi32, #tpu.memory_space<vmem>>) target(%dma_start3A_72 : memref<16x256xi32, #tpu.memory_space<hbm>>) target_semaphore(%run_scoped3A : memref<!tpu.dma_semaphore, #tpu.memory_space<semaphore_mem>>)
      %dma_wait3A = arith.constant 0 : i32
      %dma_wait3A_73 = tpu.memref_slice %arg10[%dma_wait3A, %add3A_4] : memref<16x57344xi32, #tpu.memory_space<hbm>> -> memref<16x256xi32, #tpu.memory_space<hbm>>
      %dma_wait3A_74 = arith.constant 0 : i32
      %dma_wait3A_75 = tpu.memref_slice %arg10[%dma_wait3A_74, %add3A_4] : memref<16x57344xi32, #tpu.memory_space<hbm>> -> memref<16x256xi32, #tpu.memory_space<hbm>>
      tpu.wait_dma2 semaphore(%run_scoped3A : memref<!tpu.dma_semaphore, #tpu.memory_space<semaphore_mem>>) src(%arg20 : memref<16x256xi32, #tpu.memory_space<vmem>>) dst(%dma_wait3A_75 : memref<16x256xi32, #tpu.memory_space<hbm>>)
      tpu.yield
    }) : () -> ()
    "tpu.region"() ({
      %run_scoped3A = tpu.sem_alloc : memref<!tpu.dma_semaphore, #tpu.memory_space<semaphore_mem>>
      %dma_start3A = arith.constant 0 : i32
      %dma_start3A_70 = tpu.memref_slice %arg11[%dma_start3A, %add3A_4] : memref<2x57344xf32, #tpu.memory_space<hbm>> -> memref<2x256xf32, #tpu.memory_space<hbm>>
      %dma_start3A_71 = arith.constant 0 : i32
      %dma_start3A_72 = tpu.memref_slice %arg11[%dma_start3A_71, %add3A_4] : memref<2x57344xf32, #tpu.memory_space<hbm>> -> memref<2x256xf32, #tpu.memory_space<hbm>>
      tpu.enqueue_dma source(%arg21 : memref<2x256xf32, #tpu.memory_space<vmem>>) target(%dma_start3A_72 : memref<2x256xf32, #tpu.memory_space<hbm>>) target_semaphore(%run_scoped3A : memref<!tpu.dma_semaphore, #tpu.memory_space<semaphore_mem>>)
      %dma_wait3A = arith.constant 0 : i32
      %dma_wait3A_73 = tpu.memref_slice %arg11[%dma_wait3A, %add3A_4] : memref<2x57344xf32, #tpu.memory_space<hbm>> -> memref<2x256xf32, #tpu.memory_space<hbm>>
      %dma_wait3A_74 = arith.constant 0 : i32
      %dma_wait3A_75 = tpu.memref_slice %arg11[%dma_wait3A_74, %add3A_4] : memref<2x57344xf32, #tpu.memory_space<hbm>> -> memref<2x256xf32, #tpu.memory_space<hbm>>
      tpu.wait_dma2 semaphore(%run_scoped3A : memref<!tpu.dma_semaphore, #tpu.memory_space<semaphore_mem>>) src(%arg21 : memref<2x256xf32, #tpu.memory_space<vmem>>) dst(%dma_wait3A_75 : memref<2x256xf32, #tpu.memory_space<hbm>>)
      tpu.yield
    }) : () -> ()
    %mul3A_10 = arith.constant 1792 : i32
    %mul3A_11 = arith.muli %add3A, %mul3A_10 : i32
    %add3A_12 = arith.constant 256 : i32
    %add3A_13 = arith.addi %mul3A_11, %add3A_12 : i32
    "tpu.region"() ({
      %run_scoped3A = tpu.sem_alloc : memref<!tpu.dma_semaphore, #tpu.memory_space<semaphore_mem>>
      %dma_start3A = tpu.memref_slice %arg7[%add3A_13] : memref<57344xi32, #tpu.memory_space<hbm>> -> memref<256xi32, #tpu.memory_space<hbm>>
      %dma_start3A_70 = tpu.memref_slice %arg7[%add3A_13] : memref<57344xi32, #tpu.memory_space<hbm>> -> memref<256xi32, #tpu.memory_space<hbm>>
      tpu.enqueue_dma source(%dma_start3A_70 : memref<256xi32, #tpu.memory_space<hbm>>) target(%arg17 : memref<256xi32, #tpu.memory_space<vmem>>) target_semaphore(%run_scoped3A : memref<!tpu.dma_semaphore, #tpu.memory_space<semaphore_mem>>)
      %dma_wait3A = tpu.memref_slice %arg7[%add3A_13] : memref<57344xi32, #tpu.memory_space<hbm>> -> memref<256xi32, #tpu.memory_space<hbm>>
      %dma_wait3A_71 = tpu.memref_slice %arg7[%add3A_13] : memref<57344xi32, #tpu.memory_space<hbm>> -> memref<256xi32, #tpu.memory_space<hbm>>
      tpu.wait_dma2 semaphore(%run_scoped3A : memref<!tpu.dma_semaphore, #tpu.memory_space<semaphore_mem>>) src(%dma_wait3A_71 : memref<256xi32, #tpu.memory_space<hbm>>) dst(%arg17 : memref<256xi32, #tpu.memory_space<vmem>>)
      tpu.yield
    }) : () -> ()
    "tpu.region"() ({
      %run_scoped3A = tpu.sem_alloc : memref<!tpu.dma_semaphore, #tpu.memory_space<semaphore_mem>>
      %dma_start3A = tpu.memref_slice %arg8[%add3A_13] : memref<57344xi32, #tpu.memory_space<hbm>> -> memref<256xi32, #tpu.memory_space<hbm>>
      %dma_start3A_70 = tpu.memref_slice %arg8[%add3A_13] : memref<57344xi32, #tpu.memory_space<hbm>> -> memref<256xi32, #tpu.memory_space<hbm>>
      tpu.enqueue_dma source(%dma_start3A_70 : memref<256xi32, #tpu.memory_space<hbm>>) target(%arg18 : memref<256xi32, #tpu.memory_space<vmem>>) target_semaphore(%run_scoped3A : memref<!tpu.dma_semaphore, #tpu.memory_space<semaphore_mem>>)
      %dma_wait3A = tpu.memref_slice %arg8[%add3A_13] : memref<57344xi32, #tpu.memory_space<hbm>> -> memref<256xi32, #tpu.memory_space<hbm>>
      %dma_wait3A_71 = tpu.memref_slice %arg8[%add3A_13] : memref<57344xi32, #tpu.memory_space<hbm>> -> memref<256xi32, #tpu.memory_space<hbm>>
      tpu.wait_dma2 semaphore(%run_scoped3A : memref<!tpu.dma_semaphore, #tpu.memory_space<semaphore_mem>>) src(%dma_wait3A_71 : memref<256xi32, #tpu.memory_space<hbm>>) dst(%arg18 : memref<256xi32, #tpu.memory_space<vmem>>)
      tpu.yield
    }) : () -> ()
    "tpu.region"() ({
      %run_scoped3A = tpu.sem_alloc : memref<!tpu.dma_semaphore, #tpu.memory_space<semaphore_mem>>
      %dma_start3A = tpu.memref_slice %arg9[%add3A_13] : memref<57344xi32, #tpu.memory_space<hbm>> -> memref<256xi32, #tpu.memory_space<hbm>>
      %dma_start3A_70 = tpu.memref_slice %arg9[%add3A_13] : memref<57344xi32, #tpu.memory_space<hbm>> -> memref<256xi32, #tpu.memory_space<hbm>>
      tpu.enqueue_dma source(%dma_start3A_70 : memref<256xi32, #tpu.memory_space<hbm>>) target(%arg19 : memref<256xi32, #tpu.memory_space<vmem>>) target_semaphore(%run_scoped3A : memref<!tpu.dma_semaphore, #tpu.memory_space<semaphore_mem>>)
      %dma_wait3A = tpu.memref_slice %arg9[%add3A_13] : memref<57344xi32, #tpu.memory_space<hbm>> -> memref<256xi32, #tpu.memory_space<hbm>>
      %dma_wait3A_71 = tpu.memref_slice %arg9[%add3A_13] : memref<57344xi32, #tpu.memory_space<hbm>> -> memref<256xi32, #tpu.memory_space<hbm>>
      tpu.wait_dma2 semaphore(%run_scoped3A : memref<!tpu.dma_semaphore, #tpu.memory_space<semaphore_mem>>) src(%dma_wait3A_71 : memref<256xi32, #tpu.memory_space<hbm>>) dst(%arg19 : memref<256xi32, #tpu.memory_space<vmem>>)
      tpu.yield
    }) : () -> ()
    %scan3A_14 = arith.constant 0 : i32
    %scan3A_15 = arith.constant 0 : i32
    %scan3A_16 = arith.constant 16 : i32
    %scan3A_17 = arith.addi %scan3A_15, %scan3A_16 : i32
    %scan3A_18 = arith.constant 1 : i32
    scf.for %scan3A_70 = %scan3A_15 to %scan3A_17 step %scan3A_18  : i32 {
      %mul3A_71 = arith.constant 16 : i32
      %mul3A_72 = arith.muli %scan3A_70, %mul3A_71 : i32
      %get3A = arith.index_cast %mul3A_72 : i32 to index
      %get3A_73 = tpu.vector_load %arg17[%get3A] {strides = array<i32>} : memref<256xi32, #tpu.memory_space<vmem>>, vector<16xi32>,
      %get3A_74 = arith.index_cast %mul3A_72 : i32 to index
      %get3A_75 = tpu.vector_load %arg18[%get3A_74] {strides = array<i32>} : memref<256xi32, #tpu.memory_space<vmem>>, vector<16xi32>,
      %get3A_76 = arith.index_cast %mul3A_72 : i32 to index
      %get3A_77 = tpu.vector_load %arg19[%get3A_76] {strides = array<i32>} : memref<256xi32, #tpu.memory_space<vmem>>, vector<16xi32>,
      %gather3A = tpu.vector_load_idx %arg12[%get3A_73] : memref<20000xi32, #tpu.memory_space<vmem>>[vector<16xi32>], vector<16xi32>,
      %gather3A_78 = tpu.vector_load_idx %arg13[%get3A_73] : memref<20000xi32, #tpu.memory_space<vmem>>[vector<16xi32>], vector<16xi32>,
      %gather3A_79 = tpu.vector_load_idx %arg12[%get3A_75] : memref<20000xi32, #tpu.memory_space<vmem>>[vector<16xi32>], vector<16xi32>,
      %gather3A_80 = tpu.vector_load_idx %arg13[%get3A_75] : memref<20000xi32, #tpu.memory_space<vmem>>[vector<16xi32>], vector<16xi32>,
      %gather3A_81 = tpu.vector_load_idx %arg12[%get3A_77] : memref<20000xi32, #tpu.memory_space<vmem>>[vector<16xi32>], vector<16xi32>,
      %gather3A_82 = tpu.vector_load_idx %arg13[%get3A_77] : memref<20000xi32, #tpu.memory_space<vmem>>[vector<16xi32>], vector<16xi32>,
      %gather3A_83 = tpu.vector_load_idx %arg14[%get3A_73] : memref<20000xf32, #tpu.memory_space<vmem>>[vector<16xi32>], vector<16xf32>,
      %gather3A_84 = tpu.vector_load_idx %arg15[%get3A_73] : memref<20000xf32, #tpu.memory_space<vmem>>[vector<16xi32>], vector<16xf32>,
      %gather3A_85 = tpu.vector_load_idx %arg16[%get3A_73] : memref<20000xf32, #tpu.memory_space<vmem>>[vector<16xi32>], vector<16xf32>,
      %gather3A_86 = tpu.vector_load_idx %arg14[%get3A_75] : memref<20000xf32, #tpu.memory_space<vmem>>[vector<16xi32>], vector<16xf32>,
      %gather3A_87 = tpu.vector_load_idx %arg15[%get3A_75] : memref<20000xf32, #tpu.memory_space<vmem>>[vector<16xi32>], vector<16xf32>,
      %gather3A_88 = tpu.vector_load_idx %arg16[%get3A_75] : memref<20000xf32, #tpu.memory_space<vmem>>[vector<16xi32>], vector<16xf32>,
      %gather3A_89 = tpu.vector_load_idx %arg14[%get3A_77] : memref<20000xf32, #tpu.memory_space<vmem>>[vector<16xi32>], vector<16xf32>,
      %gather3A_90 = tpu.vector_load_idx %arg15[%get3A_77] : memref<20000xf32, #tpu.memory_space<vmem>>[vector<16xi32>], vector<16xf32>,
      %gather3A_91 = tpu.vector_load_idx %arg16[%get3A_77] : memref<20000xf32, #tpu.memory_space<vmem>>[vector<16xi32>], vector<16xf32>,
      %sub3A = arith.subi %gather3A_79, %gather3A : vector<16xi32>
      %sub3A_92 = arith.subi %gather3A_82, %gather3A_78 : vector<16xi32>
      %mul3A_93 = arith.muli %sub3A, %sub3A_92 : vector<16xi32>
      %sub3A_94 = arith.subi %gather3A_81, %gather3A : vector<16xi32>
      %sub3A_95 = arith.subi %gather3A_80, %gather3A_78 : vector<16xi32>
      %mul3A_96 = arith.muli %sub3A_94, %sub3A_95 : vector<16xi32>
      %sub3A_97 = arith.subi %mul3A_93, %mul3A_96 : vector<16xi32>
      %min3A = arith.minsi %gather3A, %gather3A_79 : vector<16xi32>
      %min3A_98 = arith.minsi %min3A, %gather3A_81 : vector<16xi32>
      %max3A = arith.constant 0 : i32
      %max3A_99 = vector.broadcast %max3A : i32 to vector<16xi32>
      %max3A_100 = arith.maxsi %max3A_99, %min3A_98 : vector<16xi32>
      %max3A_101 = arith.maxsi %gather3A, %gather3A_79 : vector<16xi32>
      %max3A_102 = arith.maxsi %max3A_101, %gather3A_81 : vector<16xi32>
      %add3A_103 = arith.constant 1 : i32
      %add3A_104 = vector.broadcast %add3A_103 : i32 to vector<16xi32>
      %add3A_105 = arith.addi %max3A_102, %add3A_104 : vector<16xi32>
      %min3A_106 = arith.constant 499 : i32
      %min3A_107 = vector.broadcast %min3A_106 : i32 to vector<16xi32>
      %min3A_108 = arith.minsi %min3A_107, %add3A_105 : vector<16xi32>
      %min3A_109 = arith.minsi %gather3A_78, %gather3A_80 : vector<16xi32>
      %min3A_110 = arith.minsi %min3A_109, %gather3A_82 : vector<16xi32>
      %max3A_111 = arith.constant 0 : i32
      %max3A_112 = vector.broadcast %max3A_111 : i32 to vector<16xi32>
      %max3A_113 = arith.maxsi %max3A_112, %min3A_110 : vector<16xi32>
      %max3A_114 = arith.maxsi %gather3A_78, %gather3A_80 : vector<16xi32>
      %max3A_115 = arith.maxsi %max3A_114, %gather3A_82 : vector<16xi32>
      %add3A_116 = arith.constant 1 : i32
      %add3A_117 = vector.broadcast %add3A_116 : i32 to vector<16xi32>
      %add3A_118 = arith.addi %max3A_115, %add3A_117 : vector<16xi32>
      %min3A_119 = arith.constant 499 : i32
      %min3A_120 = vector.broadcast %min3A_119 : i32 to vector<16xi32>
      %min3A_121 = arith.minsi %min3A_120, %add3A_118 : vector<16xi32>
      %ne3A = arith.constant 0 : i32
      %ne3A_122 = vector.broadcast %ne3A : i32 to vector<16xi32>
      %ne3A_123 = arith.cmpi ne, %sub3A_97, %ne3A_122 : vector<16xi32>
      %gt3A = arith.cmpi sgt, %min3A_108, %max3A_100 : vector<16xi32>
      %and3A = arith.andi %ne3A_123, %gt3A : vector<16xi1>
      %gt3A_124 = arith.cmpi sgt, %min3A_121, %max3A_113 : vector<16xi32>
      %and3A_125 = arith.andi %and3A, %gt3A_124 : vector<16xi1>
      %shift_right_arithmetic3A = arith.constant 5 : i32
      %shift_right_arithmetic3A_126 = vector.broadcast %shift_right_arithmetic3A : i32 to vector<16xi32>
      %shift_right_arithmetic3A_127 = arith.shrsi %max3A_113, %shift_right_arithmetic3A_126 : vector<16xi32>
      %shift_left3A = arith.constant 5 : i32
      %shift_left3A_128 = vector.broadcast %shift_left3A : i32 to vector<16xi32>
      %shift_left3A_129 = arith.shli %shift_right_arithmetic3A_127, %shift_left3A_128 : vector<16xi32>
      %sub3A_130 = arith.constant 1 : i32
      %sub3A_131 = vector.broadcast %sub3A_130 : i32 to vector<16xi32>
      %sub3A_132 = arith.subi %min3A_121, %sub3A_131 : vector<16xi32>
      %shift_right_arithmetic3A_133 = arith.constant 5 : i32
      %shift_right_arithmetic3A_134 = vector.broadcast %shift_right_arithmetic3A_133 : i32 to vector<16xi32>
      %shift_right_arithmetic3A_135 = arith.shrsi %sub3A_132, %shift_right_arithmetic3A_134 : vector<16xi32>
      %sub3A_136 = arith.subi %shift_right_arithmetic3A_135, %shift_right_arithmetic3A_127 : vector<16xi32>
      %add3A_137 = arith.constant 1 : i32
      %add3A_138 = vector.broadcast %add3A_137 : i32 to vector<16xi32>
      %add3A_139 = arith.addi %sub3A_136, %add3A_138 : vector<16xi32>
      %shift_right_arithmetic3A_140 = arith.constant 7 : i32
      %shift_right_arithmetic3A_141 = vector.broadcast %shift_right_arithmetic3A_140 : i32 to vector<16xi32>
      %shift_right_arithmetic3A_142 = arith.shrsi %max3A_100, %shift_right_arithmetic3A_141 : vector<16xi32>
      %shift_left3A_143 = arith.constant 7 : i32
      %shift_left3A_144 = vector.broadcast %shift_left3A_143 : i32 to vector<16xi32>
      %shift_left3A_145 = arith.shli %shift_right_arithmetic3A_142, %shift_left3A_144 : vector<16xi32>
      %sub3A_146 = arith.constant 1 : i32
      %sub3A_147 = vector.broadcast %sub3A_146 : i32 to vector<16xi32>
      %sub3A_148 = arith.subi %min3A_108, %sub3A_147 : vector<16xi32>
      %shift_right_arithmetic3A_149 = arith.constant 7 : i32
      %shift_right_arithmetic3A_150 = vector.broadcast %shift_right_arithmetic3A_149 : i32 to vector<16xi32>
      %shift_right_arithmetic3A_151 = arith.shrsi %sub3A_148, %shift_right_arithmetic3A_150 : vector<16xi32>
      %sub3A_152 = arith.subi %shift_right_arithmetic3A_151, %shift_right_arithmetic3A_142 : vector<16xi32>
      %add3A_153 = arith.constant 1 : i32
      %add3A_154 = vector.broadcast %add3A_153 : i32 to vector<16xi32>
      %add3A_155 = arith.addi %sub3A_152, %add3A_154 : vector<16xi32>
      %shift_left3A_156 = arith.constant 7 : i32
      %shift_left3A_157 = vector.broadcast %shift_left3A_156 : i32 to vector<16xi32>
      %shift_left3A_158 = arith.shli %add3A_155, %shift_left3A_157 : vector<16xi32>
      %add3A_159 = arith.addi %shift_left3A_145, %shift_left3A_158 : vector<16xi32>
      %mul3A_160 = arith.muli %add3A_139, %add3A_155 : vector<16xi32>
      %jit3A = arith.constant 0 : i32
      %broadcast_in_dim3A = vector.broadcast %jit3A : i32 to vector<16xi32>
      %select_n3A = arith.select %and3A_125, %mul3A_160, %broadcast_in_dim3A : vector<16xi1>, vector<16xi32>
      %add3A_161 = arith.addf %gather3A_85, %gather3A_88 : vector<16xf32>
      %add3A_162 = arith.addf %add3A_161, %gather3A_91 : vector<16xf32>
      %div3A = arith.constant 3.000000e+00 : f32
      %div3A_163 = vector.broadcast %div3A : f32 to vector<16xf32>
      %div3A_164 = arith.divf %add3A_162, %div3A_163 : vector<16xf32>
      %sub3A_165 = arith.subf %gather3A_86, %gather3A_83 : vector<16xf32>
      %sub3A_166 = arith.subf %gather3A_87, %gather3A_84 : vector<16xf32>
      %sub3A_167 = arith.subf %gather3A_88, %gather3A_85 : vector<16xf32>
      %sub3A_168 = arith.subf %gather3A_89, %gather3A_83 : vector<16xf32>
      %sub3A_169 = arith.subf %gather3A_90, %gather3A_84 : vector<16xf32>
      %sub3A_170 = arith.subf %gather3A_91, %gather3A_85 : vector<16xf32>
      %mul3A_171 = arith.mulf %sub3A_166, %sub3A_170 : vector<16xf32>
      %mul3A_172 = arith.mulf %sub3A_167, %sub3A_169 : vector<16xf32>
      %sub3A_173 = arith.subf %mul3A_171, %mul3A_172 : vector<16xf32>
      %mul3A_174 = arith.mulf %sub3A_167, %sub3A_168 : vector<16xf32>
      %mul3A_175 = arith.mulf %sub3A_165, %sub3A_170 : vector<16xf32>
      %sub3A_176 = arith.subf %mul3A_174, %mul3A_175 : vector<16xf32>
      %mul3A_177 = arith.mulf %sub3A_165, %sub3A_169 : vector<16xf32>
      %mul3A_178 = arith.mulf %sub3A_166, %sub3A_168 : vector<16xf32>
      %sub3A_179 = arith.subf %mul3A_177, %mul3A_178 : vector<16xf32>
      %mul3A_180 = arith.mulf %sub3A_173, %sub3A_173 : vector<16xf32>
      %mul3A_181 = arith.mulf %sub3A_176, %sub3A_176 : vector<16xf32>
      %add3A_182 = arith.addf %mul3A_180, %mul3A_181 : vector<16xf32>
      %mul3A_183 = arith.mulf %sub3A_179, %sub3A_179 : vector<16xf32>
      %add3A_184 = arith.addf %add3A_182, %mul3A_183 : vector<16xf32>
      %mul3A_185 = arith.constant 5.000000e-01 : f32
      %mul3A_186 = vector.broadcast %mul3A_185 : f32 to vector<16xf32>
      %mul3A_187 = arith.mulf %mul3A_186, %add3A_184 : vector<16xf32>
      %bitcast3A = vector.bitcast %add3A_184 : vector<16xf32> to vector<16xi32>
      %shift_right_arithmetic3A_188 = arith.constant 1 : i32
      %shift_right_arithmetic3A_189 = vector.broadcast %shift_right_arithmetic3A_188 : i32 to vector<16xi32>
      %shift_right_arithmetic3A_190 = arith.shrsi %bitcast3A, %shift_right_arithmetic3A_189 : vector<16xi32>
      %sub3A_191 = arith.constant 1597463007 : i32
      %sub3A_192 = vector.broadcast %sub3A_191 : i32 to vector<16xi32>
      %sub3A_193 = arith.subi %sub3A_192, %shift_right_arithmetic3A_190 : vector<16xi32>
      %bitcast3A_194 = vector.bitcast %sub3A_193 : vector<16xi32> to vector<16xf32>
      %mul3A_195 = arith.mulf %mul3A_187, %bitcast3A_194 : vector<16xf32>
      %mul3A_196 = arith.mulf %mul3A_195, %bitcast3A_194 : vector<16xf32>
      %sub3A_197 = arith.constant 1.500000e+00 : f32
      %sub3A_198 = vector.broadcast %sub3A_197 : f32 to vector<16xf32>
      %sub3A_199 = arith.subf %sub3A_198, %mul3A_196 : vector<16xf32>
      %mul3A_200 = arith.mulf %bitcast3A_194, %sub3A_199 : vector<16xf32>
      %mul3A_201 = arith.mulf %mul3A_187, %mul3A_200 : vector<16xf32>
      %mul3A_202 = arith.mulf %mul3A_201, %mul3A_200 : vector<16xf32>
      %sub3A_203 = arith.constant 1.500000e+00 : f32
      %sub3A_204 = vector.broadcast %sub3A_203 : f32 to vector<16xf32>
      %sub3A_205 = arith.subf %sub3A_204, %mul3A_202 : vector<16xf32>
      %mul3A_206 = arith.mulf %mul3A_200, %sub3A_205 : vector<16xf32>
      %mul3A_207 = arith.mulf %mul3A_187, %mul3A_206 : vector<16xf32>
      %mul3A_208 = arith.mulf %mul3A_207, %mul3A_206 : vector<16xf32>
      %sub3A_209 = arith.constant 1.500000e+00 : f32
      %sub3A_210 = vector.broadcast %sub3A_209 : f32 to vector<16xf32>
      %sub3A_211 = arith.subf %sub3A_210, %mul3A_208 : vector<16xf32>
      %mul3A_212 = arith.mulf %mul3A_206, %sub3A_211 : vector<16xf32>
      %gt3A_213 = arith.constant 0.000000e+00 : f32
      %gt3A_214 = vector.broadcast %gt3A_213 : f32 to vector<16xf32>
      %gt3A_215 = arith.cmpf ogt, %add3A_184, %gt3A_214 : vector<16xf32>
      %mul3A_216 = arith.mulf %add3A_184, %mul3A_212 : vector<16xf32>
      %jit3A_217 = arith.constant 0.000000e+00 : f32
      %broadcast_in_dim3A_218 = vector.broadcast %jit3A_217 : f32 to vector<16xf32>
      %select_n3A_219 = arith.select %gt3A_215, %mul3A_216, %broadcast_in_dim3A_218 : vector<16xi1>, vector<16xf32>
      %add3A_220 = arith.constant 9.99999993E-9 : f32
      %add3A_221 = vector.broadcast %add3A_220 : f32 to vector<16xf32>
      %add3A_222 = arith.addf %select_n3A_219, %add3A_221 : vector<16xf32>
      %div3A_223 = arith.divf %sub3A_179, %add3A_222 : vector<16xf32>
      %jit3A_224 = arith.constant 0.000000e+00 : f32
      %jit3A_225 = arith.constant 1.000000e+00 : f32
      %max3A_226 = vector.broadcast %jit3A_224 : f32 to vector<16xf32>
      %max3A_227 = arith.maximumf %max3A_226, %div3A_223 : vector<16xf32>
      %min3A_228 = vector.broadcast %jit3A_225 : f32 to vector<16xf32>
      %min3A_229 = arith.minimumf %min3A_228, %max3A_227 : vector<16xf32>
      %mul3A_230 = arith.constant 1.800000e+02 : f32
      %mul3A_231 = vector.broadcast %mul3A_230 : f32 to vector<16xf32>
      %mul3A_232 = arith.mulf %min3A_229, %mul3A_231 : vector<16xf32>
      %add3A_233 = arith.constant 7.500000e+01 : f32
      %add3A_234 = vector.broadcast %add3A_233 : f32 to vector<16xf32>
      %add3A_235 = arith.addf %mul3A_232, %add3A_234 : vector<16xf32>
      %swap3A = arith.constant 0 : i32
      %swap3A_236 = arith.index_cast %swap3A : i32 to index
      %swap3A_237 = arith.index_cast %mul3A_72 : i32 to index
      %swap3A_238 = tpu.vector_load %arg20[%swap3A_236, %swap3A_237] {strides = array<i32>} : memref<16x256xi32, #tpu.memory_space<vmem>>, vector<16xi32>,
      tpu.vector_store %arg20[%swap3A_236, %swap3A_237], %gather3A {strides = array<i32>} : memref<16x256xi32, #tpu.memory_space<vmem>>, vector<16xi32>,
      %swap3A_239 = arith.constant 1 : i32
      %swap3A_240 = arith.index_cast %swap3A_239 : i32 to index
      %swap3A_241 = arith.index_cast %mul3A_72 : i32 to index
      %swap3A_242 = tpu.vector_load %arg20[%swap3A_240, %swap3A_241] {strides = array<i32>} : memref<16x256xi32, #tpu.memory_space<vmem>>, vector<16xi32>,
      tpu.vector_store %arg20[%swap3A_240, %swap3A_241], %gather3A_78 {strides = array<i32>} : memref<16x256xi32, #tpu.memory_space<vmem>>, vector<16xi32>,
      %swap3A_243 = arith.constant 2 : i32
      %swap3A_244 = arith.index_cast %swap3A_243 : i32 to index
      %swap3A_245 = arith.index_cast %mul3A_72 : i32 to index
      %swap3A_246 = tpu.vector_load %arg20[%swap3A_244, %swap3A_245] {strides = array<i32>} : memref<16x256xi32, #tpu.memory_space<vmem>>, vector<16xi32>,
      tpu.vector_store %arg20[%swap3A_244, %swap3A_245], %gather3A_79 {strides = array<i32>} : memref<16x256xi32, #tpu.memory_space<vmem>>, vector<16xi32>,
      %swap3A_247 = arith.constant 3 : i32
      %swap3A_248 = arith.index_cast %swap3A_247 : i32 to index
      %swap3A_249 = arith.index_cast %mul3A_72 : i32 to index
      %swap3A_250 = tpu.vector_load %arg20[%swap3A_248, %swap3A_249] {strides = array<i32>} : memref<16x256xi32, #tpu.memory_space<vmem>>, vector<16xi32>,
      tpu.vector_store %arg20[%swap3A_248, %swap3A_249], %gather3A_80 {strides = array<i32>} : memref<16x256xi32, #tpu.memory_space<vmem>>, vector<16xi32>,
      %swap3A_251 = arith.constant 4 : i32
      %swap3A_252 = arith.index_cast %swap3A_251 : i32 to index
      %swap3A_253 = arith.index_cast %mul3A_72 : i32 to index
      %swap3A_254 = tpu.vector_load %arg20[%swap3A_252, %swap3A_253] {strides = array<i32>} : memref<16x256xi32, #tpu.memory_space<vmem>>, vector<16xi32>,
      tpu.vector_store %arg20[%swap3A_252, %swap3A_253], %gather3A_81 {strides = array<i32>} : memref<16x256xi32, #tpu.memory_space<vmem>>, vector<16xi32>,
      %swap3A_255 = arith.constant 5 : i32
      %swap3A_256 = arith.index_cast %swap3A_255 : i32 to index
      %swap3A_257 = arith.index_cast %mul3A_72 : i32 to index
      %swap3A_258 = tpu.vector_load %arg20[%swap3A_256, %swap3A_257] {strides = array<i32>} : memref<16x256xi32, #tpu.memory_space<vmem>>, vector<16xi32>,
      tpu.vector_store %arg20[%swap3A_256, %swap3A_257], %gather3A_82 {strides = array<i32>} : memref<16x256xi32, #tpu.memory_space<vmem>>, vector<16xi32>,
      %abs3A = math.absi %sub3A_97 : vector<16xi32>
      %swap3A_259 = arith.constant 6 : i32
      %swap3A_260 = arith.index_cast %swap3A_259 : i32 to index
      %swap3A_261 = arith.index_cast %mul3A_72 : i32 to index
      %swap3A_262 = tpu.vector_load %arg20[%swap3A_260, %swap3A_261] {strides = array<i32>} : memref<16x256xi32, #tpu.memory_space<vmem>>, vector<16xi32>,
      tpu.vector_store %arg20[%swap3A_260, %swap3A_261], %abs3A {strides = array<i32>} : memref<16x256xi32, #tpu.memory_space<vmem>>, vector<16xi32>,
      %swap3A_263 = arith.constant 7 : i32
      %swap3A_264 = arith.index_cast %swap3A_263 : i32 to index
      %swap3A_265 = arith.index_cast %mul3A_72 : i32 to index
      %swap3A_266 = tpu.vector_load %arg20[%swap3A_264, %swap3A_265] {strides = array<i32>} : memref<16x256xi32, #tpu.memory_space<vmem>>, vector<16xi32>,
      tpu.vector_store %arg20[%swap3A_264, %swap3A_265], %max3A_100 {strides = array<i32>} : memref<16x256xi32, #tpu.memory_space<vmem>>, vector<16xi32>,
      %swap3A_267 = arith.constant 8 : i32
      %swap3A_268 = arith.index_cast %swap3A_267 : i32 to index
      %swap3A_269 = arith.index_cast %mul3A_72 : i32 to index
      %swap3A_270 = tpu.vector_load %arg20[%swap3A_268, %swap3A_269] {strides = array<i32>} : memref<16x256xi32, #tpu.memory_space<vmem>>, vector<16xi32>,
      tpu.vector_store %arg20[%swap3A_268, %swap3A_269], %min3A_108 {strides = array<i32>} : memref<16x256xi32, #tpu.memory_space<vmem>>, vector<16xi32>,
      %swap3A_271 = arith.constant 9 : i32
      %swap3A_272 = arith.index_cast %swap3A_271 : i32 to index
      %swap3A_273 = arith.index_cast %mul3A_72 : i32 to index
      %swap3A_274 = tpu.vector_load %arg20[%swap3A_272, %swap3A_273] {strides = array<i32>} : memref<16x256xi32, #tpu.memory_space<vmem>>, vector<16xi32>,
      tpu.vector_store %arg20[%swap3A_272, %swap3A_273], %max3A_113 {strides = array<i32>} : memref<16x256xi32, #tpu.memory_space<vmem>>, vector<16xi32>,
      %swap3A_275 = arith.constant 10 : i32
      %swap3A_276 = arith.index_cast %swap3A_275 : i32 to index
      %swap3A_277 = arith.index_cast %mul3A_72 : i32 to index
      %swap3A_278 = tpu.vector_load %arg20[%swap3A_276, %swap3A_277] {strides = array<i32>} : memref<16x256xi32, #tpu.memory_space<vmem>>, vector<16xi32>,
      tpu.vector_store %arg20[%swap3A_276, %swap3A_277], %min3A_121 {strides = array<i32>} : memref<16x256xi32, #tpu.memory_space<vmem>>, vector<16xi32>,
      %swap3A_279 = arith.constant 11 : i32
      %swap3A_280 = arith.index_cast %swap3A_279 : i32 to index
      %swap3A_281 = arith.index_cast %mul3A_72 : i32 to index
      %swap3A_282 = tpu.vector_load %arg20[%swap3A_280, %swap3A_281] {strides = array<i32>} : memref<16x256xi32, #tpu.memory_space<vmem>>, vector<16xi32>,
      tpu.vector_store %arg20[%swap3A_280, %swap3A_281], %shift_left3A_129 {strides = array<i32>} : memref<16x256xi32, #tpu.memory_space<vmem>>, vector<16xi32>,
      %swap3A_283 = arith.constant 12 : i32
      %swap3A_284 = arith.index_cast %swap3A_283 : i32 to index
      %swap3A_285 = arith.index_cast %mul3A_72 : i32 to index
      %swap3A_286 = tpu.vector_load %arg20[%swap3A_284, %swap3A_285] {strides = array<i32>} : memref<16x256xi32, #tpu.memory_space<vmem>>, vector<16xi32>,
      tpu.vector_store %arg20[%swap3A_284, %swap3A_285], %shift_left3A_145 {strides = array<i32>} : memref<16x256xi32, #tpu.memory_space<vmem>>, vector<16xi32>,
      %swap3A_287 = arith.constant 13 : i32
      %swap3A_288 = arith.index_cast %swap3A_287 : i32 to index
      %swap3A_289 = arith.index_cast %mul3A_72 : i32 to index
      %swap3A_290 = tpu.vector_load %arg20[%swap3A_288, %swap3A_289] {strides = array<i32>} : memref<16x256xi32, #tpu.memory_space<vmem>>, vector<16xi32>,
      tpu.vector_store %arg20[%swap3A_288, %swap3A_289], %add3A_159 {strides = array<i32>} : memref<16x256xi32, #tpu.memory_space<vmem>>, vector<16xi32>,
      %swap3A_291 = arith.constant 14 : i32
      %swap3A_292 = arith.index_cast %swap3A_291 : i32 to index
      %swap3A_293 = arith.index_cast %mul3A_72 : i32 to index
      %swap3A_294 = tpu.vector_load %arg20[%swap3A_292, %swap3A_293] {strides = array<i32>} : memref<16x256xi32, #tpu.memory_space<vmem>>, vector<16xi32>,
      tpu.vector_store %arg20[%swap3A_292, %swap3A_293], %select_n3A {strides = array<i32>} : memref<16x256xi32, #tpu.memory_space<vmem>>, vector<16xi32>,
      %broadcast_in_dim3A_295 = arith.constant 0 : i32
      %broadcast_in_dim3A_296 = vector.broadcast %broadcast_in_dim3A_295 : i32 to vector<16xi32>
      %swap3A_297 = arith.constant 15 : i32
      %swap3A_298 = arith.index_cast %swap3A_297 : i32 to index
      %swap3A_299 = arith.index_cast %mul3A_72 : i32 to index
      %swap3A_300 = tpu.vector_load %arg20[%swap3A_298, %swap3A_299] {strides = array<i32>} : memref<16x256xi32, #tpu.memory_space<vmem>>, vector<16xi32>,
      tpu.vector_store %arg20[%swap3A_298, %swap3A_299], %broadcast_in_dim3A_296 {strides = array<i32>} : memref<16x256xi32, #tpu.memory_space<vmem>>, vector<16xi32>,
      %swap3A_301 = arith.constant 0 : i32
      %swap3A_302 = arith.index_cast %swap3A_301 : i32 to index
      %swap3A_303 = arith.index_cast %mul3A_72 : i32 to index
      %swap3A_304 = tpu.vector_load %arg21[%swap3A_302, %swap3A_303] {strides = array<i32>} : memref<2x256xf32, #tpu.memory_space<vmem>>, vector<16xf32>,
      tpu.vector_store %arg21[%swap3A_302, %swap3A_303], %div3A_164 {strides = array<i32>} : memref<2x256xf32, #tpu.memory_space<vmem>>, vector<16xf32>,
      %swap3A_305 = arith.constant 1 : i32
      %swap3A_306 = arith.index_cast %swap3A_305 : i32 to index
      %swap3A_307 = arith.index_cast %mul3A_72 : i32 to index
      %swap3A_308 = tpu.vector_load %arg21[%swap3A_306, %swap3A_307] {strides = array<i32>} : memref<2x256xf32, #tpu.memory_space<vmem>>, vector<16xf32>,
      tpu.vector_store %arg21[%swap3A_306, %swap3A_307], %add3A_235 {strides = array<i32>} : memref<2x256xf32, #tpu.memory_space<vmem>>, vector<16xf32>,
    }
    %scan3A_19 = arith.constant 16 : i32
    "tpu.region"() ({
      %run_scoped3A = tpu.sem_alloc : memref<!tpu.dma_semaphore, #tpu.memory_space<semaphore_mem>>
      %dma_start3A = arith.constant 0 : i32
      %dma_start3A_70 = tpu.memref_slice %arg10[%dma_start3A, %add3A_13] : memref<16x57344xi32, #tpu.memory_space<hbm>> -> memref<16x256xi32, #tpu.memory_space<hbm>>
      %dma_start3A_71 = arith.constant 0 : i32
      %dma_start3A_72 = tpu.memref_slice %arg10[%dma_start3A_71, %add3A_13] : memref<16x57344xi32, #tpu.memory_space<hbm>> -> memref<16x256xi32, #tpu.memory_space<hbm>>
      tpu.enqueue_dma source(%arg20 : memref<16x256xi32, #tpu.memory_space<vmem>>) target(%dma_start3A_72 : memref<16x256xi32, #tpu.memory_space<hbm>>) target_semaphore(%run_scoped3A : memref<!tpu.dma_semaphore, #tpu.memory_space<semaphore_mem>>)
      %dma_wait3A = arith.constant 0 : i32
      %dma_wait3A_73 = tpu.memref_slice %arg10[%dma_wait3A, %add3A_13] : memref<16x57344xi32, #tpu.memory_space<hbm>> -> memref<16x256xi32, #tpu.memory_space<hbm>>
      %dma_wait3A_74 = arith.constant 0 : i32
      %dma_wait3A_75 = tpu.memref_slice %arg10[%dma_wait3A_74, %add3A_13] : memref<16x57344xi32, #tpu.memory_space<hbm>> -> memref<16x256xi32, #tpu.memory_space<hbm>>
      tpu.wait_dma2 semaphore(%run_scoped3A : memref<!tpu.dma_semaphore, #tpu.memory_space<semaphore_mem>>) src(%arg20 : memref<16x256xi32, #tpu.memory_space<vmem>>) dst(%dma_wait3A_75 : memref<16x256xi32, #tpu.memory_space<hbm>>)
      tpu.yield
    }) : () -> ()
    "tpu.region"() ({
      %run_scoped3A = tpu.sem_alloc : memref<!tpu.dma_semaphore, #tpu.memory_space<semaphore_mem>>
      %dma_start3A = arith.constant 0 : i32
      %dma_start3A_70 = tpu.memref_slice %arg11[%dma_start3A, %add3A_13] : memref<2x57344xf32, #tpu.memory_space<hbm>> -> memref<2x256xf32, #tpu.memory_space<hbm>>
      %dma_start3A_71 = arith.constant 0 : i32
      %dma_start3A_72 = tpu.memref_slice %arg11[%dma_start3A_71, %add3A_13] : memref<2x57344xf32, #tpu.memory_space<hbm>> -> memref<2x256xf32, #tpu.memory_space<hbm>>
      tpu.enqueue_dma source(%arg21 : memref<2x256xf32, #tpu.memory_space<vmem>>) target(%dma_start3A_72 : memref<2x256xf32, #tpu.memory_space<hbm>>) target_semaphore(%run_scoped3A : memref<!tpu.dma_semaphore, #tpu.memory_space<semaphore_mem>>)
      %dma_wait3A = arith.constant 0 : i32
      %dma_wait3A_73 = tpu.memref_slice %arg11[%dma_wait3A, %add3A_13] : memref<2x57344xf32, #tpu.memory_space<hbm>> -> memref<2x256xf32, #tpu.memory_space<hbm>>
      %dma_wait3A_74 = arith.constant 0 : i32
      %dma_wait3A_75 = tpu.memref_slice %arg11[%dma_wait3A_74, %add3A_13] : memref<2x57344xf32, #tpu.memory_space<hbm>> -> memref<2x256xf32, #tpu.memory_space<hbm>>
      tpu.wait_dma2 semaphore(%run_scoped3A : memref<!tpu.dma_semaphore, #tpu.memory_space<semaphore_mem>>) src(%arg21 : memref<2x256xf32, #tpu.memory_space<vmem>>) dst(%dma_wait3A_75 : memref<2x256xf32, #tpu.memory_space<hbm>>)
      tpu.yield
    }) : () -> ()
    %mul3A_20 = arith.constant 1792 : i32
    %mul3A_21 = arith.muli %add3A, %mul3A_20 : i32
    %add3A_22 = arith.constant 512 : i32
    %add3A_23 = arith.addi %mul3A_21, %add3A_22 : i32
    "tpu.region"() ({
      %run_scoped3A = tpu.sem_alloc : memref<!tpu.dma_semaphore, #tpu.memory_space<semaphore_mem>>
      %dma_start3A = tpu.memref_slice %arg7[%add3A_23] : memref<57344xi32, #tpu.memory_space<hbm>> -> memref<256xi32, #tpu.memory_space<hbm>>
      %dma_start3A_70 = tpu.memref_slice %arg7[%add3A_23] : memref<57344xi32, #tpu.memory_space<hbm>> -> memref<256xi32, #tpu.memory_space<hbm>>
      tpu.enqueue_dma source(%dma_start3A_70 : memref<256xi32, #tpu.memory_space<hbm>>) target(%arg17 : memref<256xi32, #tpu.memory_space<vmem>>) target_semaphore(%run_scoped3A : memref<!tpu.dma_semaphore, #tpu.memory_space<semaphore_mem>>)
      %dma_wait3A = tpu.memref_slice %arg7[%add3A_23] : memref<57344xi32, #tpu.memory_space<hbm>> -> memref<256xi32, #tpu.memory_space<hbm>>
      %dma_wait3A_71 = tpu.memref_slice %arg7[%add3A_23] : memref<57344xi32, #tpu.memory_space<hbm>> -> memref<256xi32, #tpu.memory_space<hbm>>
      tpu.wait_dma2 semaphore(%run_scoped3A : memref<!tpu.dma_semaphore, #tpu.memory_space<semaphore_mem>>) src(%dma_wait3A_71 : memref<256xi32, #tpu.memory_space<hbm>>) dst(%arg17 : memref<256xi32, #tpu.memory_space<vmem>>)
      tpu.yield
    }) : () -> ()
    "tpu.region"() ({
      %run_scoped3A = tpu.sem_alloc : memref<!tpu.dma_semaphore, #tpu.memory_space<semaphore_mem>>
      %dma_start3A = tpu.memref_slice %arg8[%add3A_23] : memref<57344xi32, #tpu.memory_space<hbm>> -> memref<256xi32, #tpu.memory_space<hbm>>
      %dma_start3A_70 = tpu.memref_slice %arg8[%add3A_23] : memref<57344xi32, #tpu.memory_space<hbm>> -> memref<256xi32, #tpu.memory_space<hbm>>
      tpu.enqueue_dma source(%dma_start3A_70 : memref<256xi32, #tpu.memory_space<hbm>>) target(%arg18 : memref<256xi32, #tpu.memory_space<vmem>>) target_semaphore(%run_scoped3A : memref<!tpu.dma_semaphore, #tpu.memory_space<semaphore_mem>>)
      %dma_wait3A = tpu.memref_slice %arg8[%add3A_23] : memref<57344xi32, #tpu.memory_space<hbm>> -> memref<256xi32, #tpu.memory_space<hbm>>
      %dma_wait3A_71 = tpu.memref_slice %arg8[%add3A_23] : memref<57344xi32, #tpu.memory_space<hbm>> -> memref<256xi32, #tpu.memory_space<hbm>>
      tpu.wait_dma2 semaphore(%run_scoped3A : memref<!tpu.dma_semaphore, #tpu.memory_space<semaphore_mem>>) src(%dma_wait3A_71 : memref<256xi32, #tpu.memory_space<hbm>>) dst(%arg18 : memref<256xi32, #tpu.memory_space<vmem>>)
      tpu.yield
    }) : () -> ()
    "tpu.region"() ({
      %run_scoped3A = tpu.sem_alloc : memref<!tpu.dma_semaphore, #tpu.memory_space<semaphore_mem>>
      %dma_start3A = tpu.memref_slice %arg9[%add3A_23] : memref<57344xi32, #tpu.memory_space<hbm>> -> memref<256xi32, #tpu.memory_space<hbm>>
      %dma_start3A_70 = tpu.memref_slice %arg9[%add3A_23] : memref<57344xi32, #tpu.memory_space<hbm>> -> memref<256xi32, #tpu.memory_space<hbm>>
      tpu.enqueue_dma source(%dma_start3A_70 : memref<256xi32, #tpu.memory_space<hbm>>) target(%arg19 : memref<256xi32, #tpu.memory_space<vmem>>) target_semaphore(%run_scoped3A : memref<!tpu.dma_semaphore, #tpu.memory_space<semaphore_mem>>)
      %dma_wait3A = tpu.memref_slice %arg9[%add3A_23] : memref<57344xi32, #tpu.memory_space<hbm>> -> memref<256xi32, #tpu.memory_space<hbm>>
      %dma_wait3A_71 = tpu.memref_slice %arg9[%add3A_23] : memref<57344xi32, #tpu.memory_space<hbm>> -> memref<256xi32, #tpu.memory_space<hbm>>
      tpu.wait_dma2 semaphore(%run_scoped3A : memref<!tpu.dma_semaphore, #tpu.memory_space<semaphore_mem>>) src(%dma_wait3A_71 : memref<256xi32, #tpu.memory_space<hbm>>) dst(%arg19 : memref<256xi32, #tpu.memory_space<vmem>>)
      tpu.yield
    }) : () -> ()
    %scan3A_24 = arith.constant 0 : i32
    %scan3A_25 = arith.constant 0 : i32
    %scan3A_26 = arith.constant 16 : i32
    %scan3A_27 = arith.addi %scan3A_25, %scan3A_26 : i32
    %scan3A_28 = arith.constant 1 : i32
    scf.for %scan3A_70 = %scan3A_25 to %scan3A_27 step %scan3A_28  : i32 {
      %mul3A_71 = arith.constant 16 : i32
      %mul3A_72 = arith.muli %scan3A_70, %mul3A_71 : i32
      %get3A = arith.index_cast %mul3A_72 : i32 to index
      %get3A_73 = tpu.vector_load %arg17[%get3A] {strides = array<i32>} : memref<256xi32, #tpu.memory_space<vmem>>, vector<16xi32>,
      %get3A_74 = arith.index_cast %mul3A_72 : i32 to index
      %get3A_75 = tpu.vector_load %arg18[%get3A_74] {strides = array<i32>} : memref<256xi32, #tpu.memory_space<vmem>>, vector<16xi32>,
      %get3A_76 = arith.index_cast %mul3A_72 : i32 to index
      %get3A_77 = tpu.vector_load %arg19[%get3A_76] {strides = array<i32>} : memref<256xi32, #tpu.memory_space<vmem>>, vector<16xi32>,
      %gather3A = tpu.vector_load_idx %arg12[%get3A_73] : memref<20000xi32, #tpu.memory_space<vmem>>[vector<16xi32>], vector<16xi32>,
      %gather3A_78 = tpu.vector_load_idx %arg13[%get3A_73] : memref<20000xi32, #tpu.memory_space<vmem>>[vector<16xi32>], vector<16xi32>,
      %gather3A_79 = tpu.vector_load_idx %arg12[%get3A_75] : memref<20000xi32, #tpu.memory_space<vmem>>[vector<16xi32>], vector<16xi32>,
      %gather3A_80 = tpu.vector_load_idx %arg13[%get3A_75] : memref<20000xi32, #tpu.memory_space<vmem>>[vector<16xi32>], vector<16xi32>,
      %gather3A_81 = tpu.vector_load_idx %arg12[%get3A_77] : memref<20000xi32, #tpu.memory_space<vmem>>[vector<16xi32>], vector<16xi32>,
      %gather3A_82 = tpu.vector_load_idx %arg13[%get3A_77] : memref<20000xi32, #tpu.memory_space<vmem>>[vector<16xi32>], vector<16xi32>,
      %gather3A_83 = tpu.vector_load_idx %arg14[%get3A_73] : memref<20000xf32, #tpu.memory_space<vmem>>[vector<16xi32>], vector<16xf32>,
      %gather3A_84 = tpu.vector_load_idx %arg15[%get3A_73] : memref<20000xf32, #tpu.memory_space<vmem>>[vector<16xi32>], vector<16xf32>,
      %gather3A_85 = tpu.vector_load_idx %arg16[%get3A_73] : memref<20000xf32, #tpu.memory_space<vmem>>[vector<16xi32>], vector<16xf32>,
      %gather3A_86 = tpu.vector_load_idx %arg14[%get3A_75] : memref<20000xf32, #tpu.memory_space<vmem>>[vector<16xi32>], vector<16xf32>,
      %gather3A_87 = tpu.vector_load_idx %arg15[%get3A_75] : memref<20000xf32, #tpu.memory_space<vmem>>[vector<16xi32>], vector<16xf32>,
      %gather3A_88 = tpu.vector_load_idx %arg16[%get3A_75] : memref<20000xf32, #tpu.memory_space<vmem>>[vector<16xi32>], vector<16xf32>,
      %gather3A_89 = tpu.vector_load_idx %arg14[%get3A_77] : memref<20000xf32, #tpu.memory_space<vmem>>[vector<16xi32>], vector<16xf32>,
      %gather3A_90 = tpu.vector_load_idx %arg15[%get3A_77] : memref<20000xf32, #tpu.memory_space<vmem>>[vector<16xi32>], vector<16xf32>,
      %gather3A_91 = tpu.vector_load_idx %arg16[%get3A_77] : memref<20000xf32, #tpu.memory_space<vmem>>[vector<16xi32>], vector<16xf32>,
      %sub3A = arith.subi %gather3A_79, %gather3A : vector<16xi32>
      %sub3A_92 = arith.subi %gather3A_82, %gather3A_78 : vector<16xi32>
      %mul3A_93 = arith.muli %sub3A, %sub3A_92 : vector<16xi32>
      %sub3A_94 = arith.subi %gather3A_81, %gather3A : vector<16xi32>
      %sub3A_95 = arith.subi %gather3A_80, %gather3A_78 : vector<16xi32>
      %mul3A_96 = arith.muli %sub3A_94, %sub3A_95 : vector<16xi32>
      %sub3A_97 = arith.subi %mul3A_93, %mul3A_96 : vector<16xi32>
      %min3A = arith.minsi %gather3A, %gather3A_79 : vector<16xi32>
      %min3A_98 = arith.minsi %min3A, %gather3A_81 : vector<16xi32>
      %max3A = arith.constant 0 : i32
      %max3A_99 = vector.broadcast %max3A : i32 to vector<16xi32>
      %max3A_100 = arith.maxsi %max3A_99, %min3A_98 : vector<16xi32>
      %max3A_101 = arith.maxsi %gather3A, %gather3A_79 : vector<16xi32>
      %max3A_102 = arith.maxsi %max3A_101, %gather3A_81 : vector<16xi32>
      %add3A_103 = arith.constant 1 : i32
      %add3A_104 = vector.broadcast %add3A_103 : i32 to vector<16xi32>
      %add3A_105 = arith.addi %max3A_102, %add3A_104 : vector<16xi32>
      %min3A_106 = arith.constant 499 : i32
      %min3A_107 = vector.broadcast %min3A_106 : i32 to vector<16xi32>
      %min3A_108 = arith.minsi %min3A_107, %add3A_105 : vector<16xi32>
      %min3A_109 = arith.minsi %gather3A_78, %gather3A_80 : vector<16xi32>
      %min3A_110 = arith.minsi %min3A_109, %gather3A_82 : vector<16xi32>
      %max3A_111 = arith.constant 0 : i32
      %max3A_112 = vector.broadcast %max3A_111 : i32 to vector<16xi32>
      %max3A_113 = arith.maxsi %max3A_112, %min3A_110 : vector<16xi32>
      %max3A_114 = arith.maxsi %gather3A_78, %gather3A_80 : vector<16xi32>
      %max3A_115 = arith.maxsi %max3A_114, %gather3A_82 : vector<16xi32>
      %add3A_116 = arith.constant 1 : i32
      %add3A_117 = vector.broadcast %add3A_116 : i32 to vector<16xi32>
      %add3A_118 = arith.addi %max3A_115, %add3A_117 : vector<16xi32>
      %min3A_119 = arith.constant 499 : i32
      %min3A_120 = vector.broadcast %min3A_119 : i32 to vector<16xi32>
      %min3A_121 = arith.minsi %min3A_120, %add3A_118 : vector<16xi32>
      %ne3A = arith.constant 0 : i32
      %ne3A_122 = vector.broadcast %ne3A : i32 to vector<16xi32>
      %ne3A_123 = arith.cmpi ne, %sub3A_97, %ne3A_122 : vector<16xi32>
      %gt3A = arith.cmpi sgt, %min3A_108, %max3A_100 : vector<16xi32>
      %and3A = arith.andi %ne3A_123, %gt3A : vector<16xi1>
      %gt3A_124 = arith.cmpi sgt, %min3A_121, %max3A_113 : vector<16xi32>
      %and3A_125 = arith.andi %and3A, %gt3A_124 : vector<16xi1>
      %shift_right_arithmetic3A = arith.constant 5 : i32
      %shift_right_arithmetic3A_126 = vector.broadcast %shift_right_arithmetic3A : i32 to vector<16xi32>
      %shift_right_arithmetic3A_127 = arith.shrsi %max3A_113, %shift_right_arithmetic3A_126 : vector<16xi32>
      %shift_left3A = arith.constant 5 : i32
      %shift_left3A_128 = vector.broadcast %shift_left3A : i32 to vector<16xi32>
      %shift_left3A_129 = arith.shli %shift_right_arithmetic3A_127, %shift_left3A_128 : vector<16xi32>
      %sub3A_130 = arith.constant 1 : i32
      %sub3A_131 = vector.broadcast %sub3A_130 : i32 to vector<16xi32>
      %sub3A_132 = arith.subi %min3A_121, %sub3A_131 : vector<16xi32>
      %shift_right_arithmetic3A_133 = arith.constant 5 : i32
      %shift_right_arithmetic3A_134 = vector.broadcast %shift_right_arithmetic3A_133 : i32 to vector<16xi32>
      %shift_right_arithmetic3A_135 = arith.shrsi %sub3A_132, %shift_right_arithmetic3A_134 : vector<16xi32>
      %sub3A_136 = arith.subi %shift_right_arithmetic3A_135, %shift_right_arithmetic3A_127 : vector<16xi32>
      %add3A_137 = arith.constant 1 : i32
      %add3A_138 = vector.broadcast %add3A_137 : i32 to vector<16xi32>
      %add3A_139 = arith.addi %sub3A_136, %add3A_138 : vector<16xi32>
      %shift_right_arithmetic3A_140 = arith.constant 7 : i32
      %shift_right_arithmetic3A_141 = vector.broadcast %shift_right_arithmetic3A_140 : i32 to vector<16xi32>
      %shift_right_arithmetic3A_142 = arith.shrsi %max3A_100, %shift_right_arithmetic3A_141 : vector<16xi32>
      %shift_left3A_143 = arith.constant 7 : i32
      %shift_left3A_144 = vector.broadcast %shift_left3A_143 : i32 to vector<16xi32>
      %shift_left3A_145 = arith.shli %shift_right_arithmetic3A_142, %shift_left3A_144 : vector<16xi32>
      %sub3A_146 = arith.constant 1 : i32
      %sub3A_147 = vector.broadcast %sub3A_146 : i32 to vector<16xi32>
      %sub3A_148 = arith.subi %min3A_108, %sub3A_147 : vector<16xi32>
      %shift_right_arithmetic3A_149 = arith.constant 7 : i32
      %shift_right_arithmetic3A_150 = vector.broadcast %shift_right_arithmetic3A_149 : i32 to vector<16xi32>
      %shift_right_arithmetic3A_151 = arith.shrsi %sub3A_148, %shift_right_arithmetic3A_150 : vector<16xi32>
      %sub3A_152 = arith.subi %shift_right_arithmetic3A_151, %shift_right_arithmetic3A_142 : vector<16xi32>
      %add3A_153 = arith.constant 1 : i32
      %add3A_154 = vector.broadcast %add3A_153 : i32 to vector<16xi32>
      %add3A_155 = arith.addi %sub3A_152, %add3A_154 : vector<16xi32>
      %shift_left3A_156 = arith.constant 7 : i32
      %shift_left3A_157 = vector.broadcast %shift_left3A_156 : i32 to vector<16xi32>
      %shift_left3A_158 = arith.shli %add3A_155, %shift_left3A_157 : vector<16xi32>
      %add3A_159 = arith.addi %shift_left3A_145, %shift_left3A_158 : vector<16xi32>
      %mul3A_160 = arith.muli %add3A_139, %add3A_155 : vector<16xi32>
      %jit3A = arith.constant 0 : i32
      %broadcast_in_dim3A = vector.broadcast %jit3A : i32 to vector<16xi32>
      %select_n3A = arith.select %and3A_125, %mul3A_160, %broadcast_in_dim3A : vector<16xi1>, vector<16xi32>
      %add3A_161 = arith.addf %gather3A_85, %gather3A_88 : vector<16xf32>
      %add3A_162 = arith.addf %add3A_161, %gather3A_91 : vector<16xf32>
      %div3A = arith.constant 3.000000e+00 : f32
      %div3A_163 = vector.broadcast %div3A : f32 to vector<16xf32>
      %div3A_164 = arith.divf %add3A_162, %div3A_163 : vector<16xf32>
      %sub3A_165 = arith.subf %gather3A_86, %gather3A_83 : vector<16xf32>
      %sub3A_166 = arith.subf %gather3A_87, %gather3A_84 : vector<16xf32>
      %sub3A_167 = arith.subf %gather3A_88, %gather3A_85 : vector<16xf32>
      %sub3A_168 = arith.subf %gather3A_89, %gather3A_83 : vector<16xf32>
      %sub3A_169 = arith.subf %gather3A_90, %gather3A_84 : vector<16xf32>
      %sub3A_170 = arith.subf %gather3A_91, %gather3A_85 : vector<16xf32>
      %mul3A_171 = arith.mulf %sub3A_166, %sub3A_170 : vector<16xf32>
      %mul3A_172 = arith.mulf %sub3A_167, %sub3A_169 : vector<16xf32>
      %sub3A_173 = arith.subf %mul3A_171, %mul3A_172 : vector<16xf32>
      %mul3A_174 = arith.mulf %sub3A_167, %sub3A_168 : vector<16xf32>
      %mul3A_175 = arith.mulf %sub3A_165, %sub3A_170 : vector<16xf32>
      %sub3A_176 = arith.subf %mul3A_174, %mul3A_175 : vector<16xf32>
      %mul3A_177 = arith.mulf %sub3A_165, %sub3A_169 : vector<16xf32>
      %mul3A_178 = arith.mulf %sub3A_166, %sub3A_168 : vector<16xf32>
      %sub3A_179 = arith.subf %mul3A_177, %mul3A_178 : vector<16xf32>
      %mul3A_180 = arith.mulf %sub3A_173, %sub3A_173 : vector<16xf32>
      %mul3A_181 = arith.mulf %sub3A_176, %sub3A_176 : vector<16xf32>
      %add3A_182 = arith.addf %mul3A_180, %mul3A_181 : vector<16xf32>
      %mul3A_183 = arith.mulf %sub3A_179, %sub3A_179 : vector<16xf32>
      %add3A_184 = arith.addf %add3A_182, %mul3A_183 : vector<16xf32>
      %mul3A_185 = arith.constant 5.000000e-01 : f32
      %mul3A_186 = vector.broadcast %mul3A_185 : f32 to vector<16xf32>
      %mul3A_187 = arith.mulf %mul3A_186, %add3A_184 : vector<16xf32>
      %bitcast3A = vector.bitcast %add3A_184 : vector<16xf32> to vector<16xi32>
      %shift_right_arithmetic3A_188 = arith.constant 1 : i32
      %shift_right_arithmetic3A_189 = vector.broadcast %shift_right_arithmetic3A_188 : i32 to vector<16xi32>
      %shift_right_arithmetic3A_190 = arith.shrsi %bitcast3A, %shift_right_arithmetic3A_189 : vector<16xi32>
      %sub3A_191 = arith.constant 1597463007 : i32
      %sub3A_192 = vector.broadcast %sub3A_191 : i32 to vector<16xi32>
      %sub3A_193 = arith.subi %sub3A_192, %shift_right_arithmetic3A_190 : vector<16xi32>
      %bitcast3A_194 = vector.bitcast %sub3A_193 : vector<16xi32> to vector<16xf32>
      %mul3A_195 = arith.mulf %mul3A_187, %bitcast3A_194 : vector<16xf32>
      %mul3A_196 = arith.mulf %mul3A_195, %bitcast3A_194 : vector<16xf32>
      %sub3A_197 = arith.constant 1.500000e+00 : f32
      %sub3A_198 = vector.broadcast %sub3A_197 : f32 to vector<16xf32>
      %sub3A_199 = arith.subf %sub3A_198, %mul3A_196 : vector<16xf32>
      %mul3A_200 = arith.mulf %bitcast3A_194, %sub3A_199 : vector<16xf32>
      %mul3A_201 = arith.mulf %mul3A_187, %mul3A_200 : vector<16xf32>
      %mul3A_202 = arith.mulf %mul3A_201, %mul3A_200 : vector<16xf32>
      %sub3A_203 = arith.constant 1.500000e+00 : f32
      %sub3A_204 = vector.broadcast %sub3A_203 : f32 to vector<16xf32>
      %sub3A_205 = arith.subf %sub3A_204, %mul3A_202 : vector<16xf32>
      %mul3A_206 = arith.mulf %mul3A_200, %sub3A_205 : vector<16xf32>
      %mul3A_207 = arith.mulf %mul3A_187, %mul3A_206 : vector<16xf32>
      %mul3A_208 = arith.mulf %mul3A_207, %mul3A_206 : vector<16xf32>
      %sub3A_209 = arith.constant 1.500000e+00 : f32
      %sub3A_210 = vector.broadcast %sub3A_209 : f32 to vector<16xf32>
      %sub3A_211 = arith.subf %sub3A_210, %mul3A_208 : vector<16xf32>
      %mul3A_212 = arith.mulf %mul3A_206, %sub3A_211 : vector<16xf32>
      %gt3A_213 = arith.constant 0.000000e+00 : f32
      %gt3A_214 = vector.broadcast %gt3A_213 : f32 to vector<16xf32>
      %gt3A_215 = arith.cmpf ogt, %add3A_184, %gt3A_214 : vector<16xf32>
      %mul3A_216 = arith.mulf %add3A_184, %mul3A_212 : vector<16xf32>
      %jit3A_217 = arith.constant 0.000000e+00 : f32
      %broadcast_in_dim3A_218 = vector.broadcast %jit3A_217 : f32 to vector<16xf32>
      %select_n3A_219 = arith.select %gt3A_215, %mul3A_216, %broadcast_in_dim3A_218 : vector<16xi1>, vector<16xf32>
      %add3A_220 = arith.constant 9.99999993E-9 : f32
      %add3A_221 = vector.broadcast %add3A_220 : f32 to vector<16xf32>
      %add3A_222 = arith.addf %select_n3A_219, %add3A_221 : vector<16xf32>
      %div3A_223 = arith.divf %sub3A_179, %add3A_222 : vector<16xf32>
      %jit3A_224 = arith.constant 0.000000e+00 : f32
      %jit3A_225 = arith.constant 1.000000e+00 : f32
      %max3A_226 = vector.broadcast %jit3A_224 : f32 to vector<16xf32>
      %max3A_227 = arith.maximumf %max3A_226, %div3A_223 : vector<16xf32>
      %min3A_228 = vector.broadcast %jit3A_225 : f32 to vector<16xf32>
      %min3A_229 = arith.minimumf %min3A_228, %max3A_227 : vector<16xf32>
      %mul3A_230 = arith.constant 1.800000e+02 : f32
      %mul3A_231 = vector.broadcast %mul3A_230 : f32 to vector<16xf32>
      %mul3A_232 = arith.mulf %min3A_229, %mul3A_231 : vector<16xf32>
      %add3A_233 = arith.constant 7.500000e+01 : f32
      %add3A_234 = vector.broadcast %add3A_233 : f32 to vector<16xf32>
      %add3A_235 = arith.addf %mul3A_232, %add3A_234 : vector<16xf32>
      %swap3A = arith.constant 0 : i32
      %swap3A_236 = arith.index_cast %swap3A : i32 to index
      %swap3A_237 = arith.index_cast %mul3A_72 : i32 to index
      %swap3A_238 = tpu.vector_load %arg20[%swap3A_236, %swap3A_237] {strides = array<i32>} : memref<16x256xi32, #tpu.memory_space<vmem>>, vector<16xi32>,
      tpu.vector_store %arg20[%swap3A_236, %swap3A_237], %gather3A {strides = array<i32>} : memref<16x256xi32, #tpu.memory_space<vmem>>, vector<16xi32>,
      %swap3A_239 = arith.constant 1 : i32
      %swap3A_240 = arith.index_cast %swap3A_239 : i32 to index
      %swap3A_241 = arith.index_cast %mul3A_72 : i32 to index
      %swap3A_242 = tpu.vector_load %arg20[%swap3A_240, %swap3A_241] {strides = array<i32>} : memref<16x256xi32, #tpu.memory_space<vmem>>, vector<16xi32>,
      tpu.vector_store %arg20[%swap3A_240, %swap3A_241], %gather3A_78 {strides = array<i32>} : memref<16x256xi32, #tpu.memory_space<vmem>>, vector<16xi32>,
      %swap3A_243 = arith.constant 2 : i32
      %swap3A_244 = arith.index_cast %swap3A_243 : i32 to index
      %swap3A_245 = arith.index_cast %mul3A_72 : i32 to index
      %swap3A_246 = tpu.vector_load %arg20[%swap3A_244, %swap3A_245] {strides = array<i32>} : memref<16x256xi32, #tpu.memory_space<vmem>>, vector<16xi32>,
      tpu.vector_store %arg20[%swap3A_244, %swap3A_245], %gather3A_79 {strides = array<i32>} : memref<16x256xi32, #tpu.memory_space<vmem>>, vector<16xi32>,
      %swap3A_247 = arith.constant 3 : i32
      %swap3A_248 = arith.index_cast %swap3A_247 : i32 to index
      %swap3A_249 = arith.index_cast %mul3A_72 : i32 to index
      %swap3A_250 = tpu.vector_load %arg20[%swap3A_248, %swap3A_249] {strides = array<i32>} : memref<16x256xi32, #tpu.memory_space<vmem>>, vector<16xi32>,
      tpu.vector_store %arg20[%swap3A_248, %swap3A_249], %gather3A_80 {strides = array<i32>} : memref<16x256xi32, #tpu.memory_space<vmem>>, vector<16xi32>,
      %swap3A_251 = arith.constant 4 : i32
      %swap3A_252 = arith.index_cast %swap3A_251 : i32 to index
      %swap3A_253 = arith.index_cast %mul3A_72 : i32 to index
      %swap3A_254 = tpu.vector_load %arg20[%swap3A_252, %swap3A_253] {strides = array<i32>} : memref<16x256xi32, #tpu.memory_space<vmem>>, vector<16xi32>,
      tpu.vector_store %arg20[%swap3A_252, %swap3A_253], %gather3A_81 {strides = array<i32>} : memref<16x256xi32, #tpu.memory_space<vmem>>, vector<16xi32>,
      %swap3A_255 = arith.constant 5 : i32
      %swap3A_256 = arith.index_cast %swap3A_255 : i32 to index
      %swap3A_257 = arith.index_cast %mul3A_72 : i32 to index
      %swap3A_258 = tpu.vector_load %arg20[%swap3A_256, %swap3A_257] {strides = array<i32>} : memref<16x256xi32, #tpu.memory_space<vmem>>, vector<16xi32>,
      tpu.vector_store %arg20[%swap3A_256, %swap3A_257], %gather3A_82 {strides = array<i32>} : memref<16x256xi32, #tpu.memory_space<vmem>>, vector<16xi32>,
      %abs3A = math.absi %sub3A_97 : vector<16xi32>
      %swap3A_259 = arith.constant 6 : i32
      %swap3A_260 = arith.index_cast %swap3A_259 : i32 to index
      %swap3A_261 = arith.index_cast %mul3A_72 : i32 to index
      %swap3A_262 = tpu.vector_load %arg20[%swap3A_260, %swap3A_261] {strides = array<i32>} : memref<16x256xi32, #tpu.memory_space<vmem>>, vector<16xi32>,
      tpu.vector_store %arg20[%swap3A_260, %swap3A_261], %abs3A {strides = array<i32>} : memref<16x256xi32, #tpu.memory_space<vmem>>, vector<16xi32>,
      %swap3A_263 = arith.constant 7 : i32
      %swap3A_264 = arith.index_cast %swap3A_263 : i32 to index
      %swap3A_265 = arith.index_cast %mul3A_72 : i32 to index
      %swap3A_266 = tpu.vector_load %arg20[%swap3A_264, %swap3A_265] {strides = array<i32>} : memref<16x256xi32, #tpu.memory_space<vmem>>, vector<16xi32>,
      tpu.vector_store %arg20[%swap3A_264, %swap3A_265], %max3A_100 {strides = array<i32>} : memref<16x256xi32, #tpu.memory_space<vmem>>, vector<16xi32>,
      %swap3A_267 = arith.constant 8 : i32
      %swap3A_268 = arith.index_cast %swap3A_267 : i32 to index
      %swap3A_269 = arith.index_cast %mul3A_72 : i32 to index
      %swap3A_270 = tpu.vector_load %arg20[%swap3A_268, %swap3A_269] {strides = array<i32>} : memref<16x256xi32, #tpu.memory_space<vmem>>, vector<16xi32>,
      tpu.vector_store %arg20[%swap3A_268, %swap3A_269], %min3A_108 {strides = array<i32>} : memref<16x256xi32, #tpu.memory_space<vmem>>, vector<16xi32>,
      %swap3A_271 = arith.constant 9 : i32
      %swap3A_272 = arith.index_cast %swap3A_271 : i32 to index
      %swap3A_273 = arith.index_cast %mul3A_72 : i32 to index
      %swap3A_274 = tpu.vector_load %arg20[%swap3A_272, %swap3A_273] {strides = array<i32>} : memref<16x256xi32, #tpu.memory_space<vmem>>, vector<16xi32>,
      tpu.vector_store %arg20[%swap3A_272, %swap3A_273], %max3A_113 {strides = array<i32>} : memref<16x256xi32, #tpu.memory_space<vmem>>, vector<16xi32>,
      %swap3A_275 = arith.constant 10 : i32
      %swap3A_276 = arith.index_cast %swap3A_275 : i32 to index
      %swap3A_277 = arith.index_cast %mul3A_72 : i32 to index
      %swap3A_278 = tpu.vector_load %arg20[%swap3A_276, %swap3A_277] {strides = array<i32>} : memref<16x256xi32, #tpu.memory_space<vmem>>, vector<16xi32>,
      tpu.vector_store %arg20[%swap3A_276, %swap3A_277], %min3A_121 {strides = array<i32>} : memref<16x256xi32, #tpu.memory_space<vmem>>, vector<16xi32>,
      %swap3A_279 = arith.constant 11 : i32
      %swap3A_280 = arith.index_cast %swap3A_279 : i32 to index
      %swap3A_281 = arith.index_cast %mul3A_72 : i32 to index
      %swap3A_282 = tpu.vector_load %arg20[%swap3A_280, %swap3A_281] {strides = array<i32>} : memref<16x256xi32, #tpu.memory_space<vmem>>, vector<16xi32>,
      tpu.vector_store %arg20[%swap3A_280, %swap3A_281], %shift_left3A_129 {strides = array<i32>} : memref<16x256xi32, #tpu.memory_space<vmem>>, vector<16xi32>,
      %swap3A_283 = arith.constant 12 : i32
      %swap3A_284 = arith.index_cast %swap3A_283 : i32 to index
      %swap3A_285 = arith.index_cast %mul3A_72 : i32 to index
      %swap3A_286 = tpu.vector_load %arg20[%swap3A_284, %swap3A_285] {strides = array<i32>} : memref<16x256xi32, #tpu.memory_space<vmem>>, vector<16xi32>,
      tpu.vector_store %arg20[%swap3A_284, %swap3A_285], %shift_left3A_145 {strides = array<i32>} : memref<16x256xi32, #tpu.memory_space<vmem>>, vector<16xi32>,
      %swap3A_287 = arith.constant 13 : i32
      %swap3A_288 = arith.index_cast %swap3A_287 : i32 to index
      %swap3A_289 = arith.index_cast %mul3A_72 : i32 to index
      %swap3A_290 = tpu.vector_load %arg20[%swap3A_288, %swap3A_289] {strides = array<i32>} : memref<16x256xi32, #tpu.memory_space<vmem>>, vector<16xi32>,
      tpu.vector_store %arg20[%swap3A_288, %swap3A_289], %add3A_159 {strides = array<i32>} : memref<16x256xi32, #tpu.memory_space<vmem>>, vector<16xi32>,
      %swap3A_291 = arith.constant 14 : i32
      %swap3A_292 = arith.index_cast %swap3A_291 : i32 to index
      %swap3A_293 = arith.index_cast %mul3A_72 : i32 to index
      %swap3A_294 = tpu.vector_load %arg20[%swap3A_292, %swap3A_293] {strides = array<i32>} : memref<16x256xi32, #tpu.memory_space<vmem>>, vector<16xi32>,
      tpu.vector_store %arg20[%swap3A_292, %swap3A_293], %select_n3A {strides = array<i32>} : memref<16x256xi32, #tpu.memory_space<vmem>>, vector<16xi32>,
      %broadcast_in_dim3A_295 = arith.constant 0 : i32
      %broadcast_in_dim3A_296 = vector.broadcast %broadcast_in_dim3A_295 : i32 to vector<16xi32>
      %swap3A_297 = arith.constant 15 : i32
      %swap3A_298 = arith.index_cast %swap3A_297 : i32 to index
      %swap3A_299 = arith.index_cast %mul3A_72 : i32 to index
      %swap3A_300 = tpu.vector_load %arg20[%swap3A_298, %swap3A_299] {strides = array<i32>} : memref<16x256xi32, #tpu.memory_space<vmem>>, vector<16xi32>,
      tpu.vector_store %arg20[%swap3A_298, %swap3A_299], %broadcast_in_dim3A_296 {strides = array<i32>} : memref<16x256xi32, #tpu.memory_space<vmem>>, vector<16xi32>,
      %swap3A_301 = arith.constant 0 : i32
      %swap3A_302 = arith.index_cast %swap3A_301 : i32 to index
      %swap3A_303 = arith.index_cast %mul3A_72 : i32 to index
      %swap3A_304 = tpu.vector_load %arg21[%swap3A_302, %swap3A_303] {strides = array<i32>} : memref<2x256xf32, #tpu.memory_space<vmem>>, vector<16xf32>,
      tpu.vector_store %arg21[%swap3A_302, %swap3A_303], %div3A_164 {strides = array<i32>} : memref<2x256xf32, #tpu.memory_space<vmem>>, vector<16xf32>,
      %swap3A_305 = arith.constant 1 : i32
      %swap3A_306 = arith.index_cast %swap3A_305 : i32 to index
      %swap3A_307 = arith.index_cast %mul3A_72 : i32 to index
      %swap3A_308 = tpu.vector_load %arg21[%swap3A_306, %swap3A_307] {strides = array<i32>} : memref<2x256xf32, #tpu.memory_space<vmem>>, vector<16xf32>,
      tpu.vector_store %arg21[%swap3A_306, %swap3A_307], %add3A_235 {strides = array<i32>} : memref<2x256xf32, #tpu.memory_space<vmem>>, vector<16xf32>,
    }
    %scan3A_29 = arith.constant 16 : i32
    "tpu.region"() ({
      %run_scoped3A = tpu.sem_alloc : memref<!tpu.dma_semaphore, #tpu.memory_space<semaphore_mem>>
      %dma_start3A = arith.constant 0 : i32
      %dma_start3A_70 = tpu.memref_slice %arg10[%dma_start3A, %add3A_23] : memref<16x57344xi32, #tpu.memory_space<hbm>> -> memref<16x256xi32, #tpu.memory_space<hbm>>
      %dma_start3A_71 = arith.constant 0 : i32
      %dma_start3A_72 = tpu.memref_slice %arg10[%dma_start3A_71, %add3A_23] : memref<16x57344xi32, #tpu.memory_space<hbm>> -> memref<16x256xi32, #tpu.memory_space<hbm>>
      tpu.enqueue_dma source(%arg20 : memref<16x256xi32, #tpu.memory_space<vmem>>) target(%dma_start3A_72 : memref<16x256xi32, #tpu.memory_space<hbm>>) target_semaphore(%run_scoped3A : memref<!tpu.dma_semaphore, #tpu.memory_space<semaphore_mem>>)
      %dma_wait3A = arith.constant 0 : i32
      %dma_wait3A_73 = tpu.memref_slice %arg10[%dma_wait3A, %add3A_23] : memref<16x57344xi32, #tpu.memory_space<hbm>> -> memref<16x256xi32, #tpu.memory_space<hbm>>
      %dma_wait3A_74 = arith.constant 0 : i32
      %dma_wait3A_75 = tpu.memref_slice %arg10[%dma_wait3A_74, %add3A_23] : memref<16x57344xi32, #tpu.memory_space<hbm>> -> memref<16x256xi32, #tpu.memory_space<hbm>>
      tpu.wait_dma2 semaphore(%run_scoped3A : memref<!tpu.dma_semaphore, #tpu.memory_space<semaphore_mem>>) src(%arg20 : memref<16x256xi32, #tpu.memory_space<vmem>>) dst(%dma_wait3A_75 : memref<16x256xi32, #tpu.memory_space<hbm>>)
      tpu.yield
    }) : () -> ()
    "tpu.region"() ({
      %run_scoped3A = tpu.sem_alloc : memref<!tpu.dma_semaphore, #tpu.memory_space<semaphore_mem>>
      %dma_start3A = arith.constant 0 : i32
      %dma_start3A_70 = tpu.memref_slice %arg11[%dma_start3A, %add3A_23] : memref<2x57344xf32, #tpu.memory_space<hbm>> -> memref<2x256xf32, #tpu.memory_space<hbm>>
      %dma_start3A_71 = arith.constant 0 : i32
      %dma_start3A_72 = tpu.memref_slice %arg11[%dma_start3A_71, %add3A_23] : memref<2x57344xf32, #tpu.memory_space<hbm>> -> memref<2x256xf32, #tpu.memory_space<hbm>>
      tpu.enqueue_dma source(%arg21 : memref<2x256xf32, #tpu.memory_space<vmem>>) target(%dma_start3A_72 : memref<2x256xf32, #tpu.memory_space<hbm>>) target_semaphore(%run_scoped3A : memref<!tpu.dma_semaphore, #tpu.memory_space<semaphore_mem>>)
      %dma_wait3A = arith.constant 0 : i32
      %dma_wait3A_73 = tpu.memref_slice %arg11[%dma_wait3A, %add3A_23] : memref<2x57344xf32, #tpu.memory_space<hbm>> -> memref<2x256xf32, #tpu.memory_space<hbm>>
      %dma_wait3A_74 = arith.constant 0 : i32
      %dma_wait3A_75 = tpu.memref_slice %arg11[%dma_wait3A_74, %add3A_23] : memref<2x57344xf32, #tpu.memory_space<hbm>> -> memref<2x256xf32, #tpu.memory_space<hbm>>
      tpu.wait_dma2 semaphore(%run_scoped3A : memref<!tpu.dma_semaphore, #tpu.memory_space<semaphore_mem>>) src(%arg21 : memref<2x256xf32, #tpu.memory_space<vmem>>) dst(%dma_wait3A_75 : memref<2x256xf32, #tpu.memory_space<hbm>>)
      tpu.yield
    }) : () -> ()
    %mul3A_30 = arith.constant 1792 : i32
    %mul3A_31 = arith.muli %add3A, %mul3A_30 : i32
    %add3A_32 = arith.constant 768 : i32
    %add3A_33 = arith.addi %mul3A_31, %add3A_32 : i32
    "tpu.region"() ({
      %run_scoped3A = tpu.sem_alloc : memref<!tpu.dma_semaphore, #tpu.memory_space<semaphore_mem>>
      %dma_start3A = tpu.memref_slice %arg7[%add3A_33] : memref<57344xi32, #tpu.memory_space<hbm>> -> memref<256xi32, #tpu.memory_space<hbm>>
      %dma_start3A_70 = tpu.memref_slice %arg7[%add3A_33] : memref<57344xi32, #tpu.memory_space<hbm>> -> memref<256xi32, #tpu.memory_space<hbm>>
      tpu.enqueue_dma source(%dma_start3A_70 : memref<256xi32, #tpu.memory_space<hbm>>) target(%arg17 : memref<256xi32, #tpu.memory_space<vmem>>) target_semaphore(%run_scoped3A : memref<!tpu.dma_semaphore, #tpu.memory_space<semaphore_mem>>)
      %dma_wait3A = tpu.memref_slice %arg7[%add3A_33] : memref<57344xi32, #tpu.memory_space<hbm>> -> memref<256xi32, #tpu.memory_space<hbm>>
      %dma_wait3A_71 = tpu.memref_slice %arg7[%add3A_33] : memref<57344xi32, #tpu.memory_space<hbm>> -> memref<256xi32, #tpu.memory_space<hbm>>
      tpu.wait_dma2 semaphore(%run_scoped3A : memref<!tpu.dma_semaphore, #tpu.memory_space<semaphore_mem>>) src(%dma_wait3A_71 : memref<256xi32, #tpu.memory_space<hbm>>) dst(%arg17 : memref<256xi32, #tpu.memory_space<vmem>>)
      tpu.yield
    }) : () -> ()
    "tpu.region"() ({
      %run_scoped3A = tpu.sem_alloc : memref<!tpu.dma_semaphore, #tpu.memory_space<semaphore_mem>>
      %dma_start3A = tpu.memref_slice %arg8[%add3A_33] : memref<57344xi32, #tpu.memory_space<hbm>> -> memref<256xi32, #tpu.memory_space<hbm>>
      %dma_start3A_70 = tpu.memref_slice %arg8[%add3A_33] : memref<57344xi32, #tpu.memory_space<hbm>> -> memref<256xi32, #tpu.memory_space<hbm>>
      tpu.enqueue_dma source(%dma_start3A_70 : memref<256xi32, #tpu.memory_space<hbm>>) target(%arg18 : memref<256xi32, #tpu.memory_space<vmem>>) target_semaphore(%run_scoped3A : memref<!tpu.dma_semaphore, #tpu.memory_space<semaphore_mem>>)
      %dma_wait3A = tpu.memref_slice %arg8[%add3A_33] : memref<57344xi32, #tpu.memory_space<hbm>> -> memref<256xi32, #tpu.memory_space<hbm>>
      %dma_wait3A_71 = tpu.memref_slice %arg8[%add3A_33] : memref<57344xi32, #tpu.memory_space<hbm>> -> memref<256xi32, #tpu.memory_space<hbm>>
      tpu.wait_dma2 semaphore(%run_scoped3A : memref<!tpu.dma_semaphore, #tpu.memory_space<semaphore_mem>>) src(%dma_wait3A_71 : memref<256xi32, #tpu.memory_space<hbm>>) dst(%arg18 : memref<256xi32, #tpu.memory_space<vmem>>)
      tpu.yield
    }) : () -> ()
    "tpu.region"() ({
      %run_scoped3A = tpu.sem_alloc : memref<!tpu.dma_semaphore, #tpu.memory_space<semaphore_mem>>
      %dma_start3A = tpu.memref_slice %arg9[%add3A_33] : memref<57344xi32, #tpu.memory_space<hbm>> -> memref<256xi32, #tpu.memory_space<hbm>>
      %dma_start3A_70 = tpu.memref_slice %arg9[%add3A_33] : memref<57344xi32, #tpu.memory_space<hbm>> -> memref<256xi32, #tpu.memory_space<hbm>>
      tpu.enqueue_dma source(%dma_start3A_70 : memref<256xi32, #tpu.memory_space<hbm>>) target(%arg19 : memref<256xi32, #tpu.memory_space<vmem>>) target_semaphore(%run_scoped3A : memref<!tpu.dma_semaphore, #tpu.memory_space<semaphore_mem>>)
      %dma_wait3A = tpu.memref_slice %arg9[%add3A_33] : memref<57344xi32, #tpu.memory_space<hbm>> -> memref<256xi32, #tpu.memory_space<hbm>>
      %dma_wait3A_71 = tpu.memref_slice %arg9[%add3A_33] : memref<57344xi32, #tpu.memory_space<hbm>> -> memref<256xi32, #tpu.memory_space<hbm>>
      tpu.wait_dma2 semaphore(%run_scoped3A : memref<!tpu.dma_semaphore, #tpu.memory_space<semaphore_mem>>) src(%dma_wait3A_71 : memref<256xi32, #tpu.memory_space<hbm>>) dst(%arg19 : memref<256xi32, #tpu.memory_space<vmem>>)
      tpu.yield
    }) : () -> ()
    %scan3A_34 = arith.constant 0 : i32
    %scan3A_35 = arith.constant 0 : i32
    %scan3A_36 = arith.constant 16 : i32
    %scan3A_37 = arith.addi %scan3A_35, %scan3A_36 : i32
    %scan3A_38 = arith.constant 1 : i32
    scf.for %scan3A_70 = %scan3A_35 to %scan3A_37 step %scan3A_38  : i32 {
      %mul3A_71 = arith.constant 16 : i32
      %mul3A_72 = arith.muli %scan3A_70, %mul3A_71 : i32
      %get3A = arith.index_cast %mul3A_72 : i32 to index
      %get3A_73 = tpu.vector_load %arg17[%get3A] {strides = array<i32>} : memref<256xi32, #tpu.memory_space<vmem>>, vector<16xi32>,
      %get3A_74 = arith.index_cast %mul3A_72 : i32 to index
      %get3A_75 = tpu.vector_load %arg18[%get3A_74] {strides = array<i32>} : memref<256xi32, #tpu.memory_space<vmem>>, vector<16xi32>,
      %get3A_76 = arith.index_cast %mul3A_72 : i32 to index
      %get3A_77 = tpu.vector_load %arg19[%get3A_76] {strides = array<i32>} : memref<256xi32, #tpu.memory_space<vmem>>, vector<16xi32>,
      %gather3A = tpu.vector_load_idx %arg12[%get3A_73] : memref<20000xi32, #tpu.memory_space<vmem>>[vector<16xi32>], vector<16xi32>,
      %gather3A_78 = tpu.vector_load_idx %arg13[%get3A_73] : memref<20000xi32, #tpu.memory_space<vmem>>[vector<16xi32>], vector<16xi32>,
      %gather3A_79 = tpu.vector_load_idx %arg12[%get3A_75] : memref<20000xi32, #tpu.memory_space<vmem>>[vector<16xi32>], vector<16xi32>,
      %gather3A_80 = tpu.vector_load_idx %arg13[%get3A_75] : memref<20000xi32, #tpu.memory_space<vmem>>[vector<16xi32>], vector<16xi32>,
      %gather3A_81 = tpu.vector_load_idx %arg12[%get3A_77] : memref<20000xi32, #tpu.memory_space<vmem>>[vector<16xi32>], vector<16xi32>,
      %gather3A_82 = tpu.vector_load_idx %arg13[%get3A_77] : memref<20000xi32, #tpu.memory_space<vmem>>[vector<16xi32>], vector<16xi32>,
      %gather3A_83 = tpu.vector_load_idx %arg14[%get3A_73] : memref<20000xf32, #tpu.memory_space<vmem>>[vector<16xi32>], vector<16xf32>,
      %gather3A_84 = tpu.vector_load_idx %arg15[%get3A_73] : memref<20000xf32, #tpu.memory_space<vmem>>[vector<16xi32>], vector<16xf32>,
      %gather3A_85 = tpu.vector_load_idx %arg16[%get3A_73] : memref<20000xf32, #tpu.memory_space<vmem>>[vector<16xi32>], vector<16xf32>,
      %gather3A_86 = tpu.vector_load_idx %arg14[%get3A_75] : memref<20000xf32, #tpu.memory_space<vmem>>[vector<16xi32>], vector<16xf32>,
      %gather3A_87 = tpu.vector_load_idx %arg15[%get3A_75] : memref<20000xf32, #tpu.memory_space<vmem>>[vector<16xi32>], vector<16xf32>,
      %gather3A_88 = tpu.vector_load_idx %arg16[%get3A_75] : memref<20000xf32, #tpu.memory_space<vmem>>[vector<16xi32>], vector<16xf32>,
      %gather3A_89 = tpu.vector_load_idx %arg14[%get3A_77] : memref<20000xf32, #tpu.memory_space<vmem>>[vector<16xi32>], vector<16xf32>,
      %gather3A_90 = tpu.vector_load_idx %arg15[%get3A_77] : memref<20000xf32, #tpu.memory_space<vmem>>[vector<16xi32>], vector<16xf32>,
      %gather3A_91 = tpu.vector_load_idx %arg16[%get3A_77] : memref<20000xf32, #tpu.memory_space<vmem>>[vector<16xi32>], vector<16xf32>,
      %sub3A = arith.subi %gather3A_79, %gather3A : vector<16xi32>
      %sub3A_92 = arith.subi %gather3A_82, %gather3A_78 : vector<16xi32>
      %mul3A_93 = arith.muli %sub3A, %sub3A_92 : vector<16xi32>
      %sub3A_94 = arith.subi %gather3A_81, %gather3A : vector<16xi32>
      %sub3A_95 = arith.subi %gather3A_80, %gather3A_78 : vector<16xi32>
      %mul3A_96 = arith.muli %sub3A_94, %sub3A_95 : vector<16xi32>
      %sub3A_97 = arith.subi %mul3A_93, %mul3A_96 : vector<16xi32>
      %min3A = arith.minsi %gather3A, %gather3A_79 : vector<16xi32>
      %min3A_98 = arith.minsi %min3A, %gather3A_81 : vector<16xi32>
      %max3A = arith.constant 0 : i32
      %max3A_99 = vector.broadcast %max3A : i32 to vector<16xi32>
      %max3A_100 = arith.maxsi %max3A_99, %min3A_98 : vector<16xi32>
      %max3A_101 = arith.maxsi %gather3A, %gather3A_79 : vector<16xi32>
      %max3A_102 = arith.maxsi %max3A_101, %gather3A_81 : vector<16xi32>
      %add3A_103 = arith.constant 1 : i32
      %add3A_104 = vector.broadcast %add3A_103 : i32 to vector<16xi32>
      %add3A_105 = arith.addi %max3A_102, %add3A_104 : vector<16xi32>
      %min3A_106 = arith.constant 499 : i32
      %min3A_107 = vector.broadcast %min3A_106 : i32 to vector<16xi32>
      %min3A_108 = arith.minsi %min3A_107, %add3A_105 : vector<16xi32>
      %min3A_109 = arith.minsi %gather3A_78, %gather3A_80 : vector<16xi32>
      %min3A_110 = arith.minsi %min3A_109, %gather3A_82 : vector<16xi32>
      %max3A_111 = arith.constant 0 : i32
      %max3A_112 = vector.broadcast %max3A_111 : i32 to vector<16xi32>
      %max3A_113 = arith.maxsi %max3A_112, %min3A_110 : vector<16xi32>
      %max3A_114 = arith.maxsi %gather3A_78, %gather3A_80 : vector<16xi32>
      %max3A_115 = arith.maxsi %max3A_114, %gather3A_82 : vector<16xi32>
      %add3A_116 = arith.constant 1 : i32
      %add3A_117 = vector.broadcast %add3A_116 : i32 to vector<16xi32>
      %add3A_118 = arith.addi %max3A_115, %add3A_117 : vector<16xi32>
      %min3A_119 = arith.constant 499 : i32
      %min3A_120 = vector.broadcast %min3A_119 : i32 to vector<16xi32>
      %min3A_121 = arith.minsi %min3A_120, %add3A_118 : vector<16xi32>
      %ne3A = arith.constant 0 : i32
      %ne3A_122 = vector.broadcast %ne3A : i32 to vector<16xi32>
      %ne3A_123 = arith.cmpi ne, %sub3A_97, %ne3A_122 : vector<16xi32>
      %gt3A = arith.cmpi sgt, %min3A_108, %max3A_100 : vector<16xi32>
      %and3A = arith.andi %ne3A_123, %gt3A : vector<16xi1>
      %gt3A_124 = arith.cmpi sgt, %min3A_121, %max3A_113 : vector<16xi32>
      %and3A_125 = arith.andi %and3A, %gt3A_124 : vector<16xi1>
      %shift_right_arithmetic3A = arith.constant 5 : i32
      %shift_right_arithmetic3A_126 = vector.broadcast %shift_right_arithmetic3A : i32 to vector<16xi32>
      %shift_right_arithmetic3A_127 = arith.shrsi %max3A_113, %shift_right_arithmetic3A_126 : vector<16xi32>
      %shift_left3A = arith.constant 5 : i32
      %shift_left3A_128 = vector.broadcast %shift_left3A : i32 to vector<16xi32>
      %shift_left3A_129 = arith.shli %shift_right_arithmetic3A_127, %shift_left3A_128 : vector<16xi32>
      %sub3A_130 = arith.constant 1 : i32
      %sub3A_131 = vector.broadcast %sub3A_130 : i32 to vector<16xi32>
      %sub3A_132 = arith.subi %min3A_121, %sub3A_131 : vector<16xi32>
      %shift_right_arithmetic3A_133 = arith.constant 5 : i32
      %shift_right_arithmetic3A_134 = vector.broadcast %shift_right_arithmetic3A_133 : i32 to vector<16xi32>
      %shift_right_arithmetic3A_135 = arith.shrsi %sub3A_132, %shift_right_arithmetic3A_134 : vector<16xi32>
      %sub3A_136 = arith.subi %shift_right_arithmetic3A_135, %shift_right_arithmetic3A_127 : vector<16xi32>
      %add3A_137 = arith.constant 1 : i32
      %add3A_138 = vector.broadcast %add3A_137 : i32 to vector<16xi32>
      %add3A_139 = arith.addi %sub3A_136, %add3A_138 : vector<16xi32>
      %shift_right_arithmetic3A_140 = arith.constant 7 : i32
      %shift_right_arithmetic3A_141 = vector.broadcast %shift_right_arithmetic3A_140 : i32 to vector<16xi32>
      %shift_right_arithmetic3A_142 = arith.shrsi %max3A_100, %shift_right_arithmetic3A_141 : vector<16xi32>
      %shift_left3A_143 = arith.constant 7 : i32
      %shift_left3A_144 = vector.broadcast %shift_left3A_143 : i32 to vector<16xi32>
      %shift_left3A_145 = arith.shli %shift_right_arithmetic3A_142, %shift_left3A_144 : vector<16xi32>
      %sub3A_146 = arith.constant 1 : i32
      %sub3A_147 = vector.broadcast %sub3A_146 : i32 to vector<16xi32>
      %sub3A_148 = arith.subi %min3A_108, %sub3A_147 : vector<16xi32>
      %shift_right_arithmetic3A_149 = arith.constant 7 : i32
      %shift_right_arithmetic3A_150 = vector.broadcast %shift_right_arithmetic3A_149 : i32 to vector<16xi32>
      %shift_right_arithmetic3A_151 = arith.shrsi %sub3A_148, %shift_right_arithmetic3A_150 : vector<16xi32>
      %sub3A_152 = arith.subi %shift_right_arithmetic3A_151, %shift_right_arithmetic3A_142 : vector<16xi32>
      %add3A_153 = arith.constant 1 : i32
      %add3A_154 = vector.broadcast %add3A_153 : i32 to vector<16xi32>
      %add3A_155 = arith.addi %sub3A_152, %add3A_154 : vector<16xi32>
      %shift_left3A_156 = arith.constant 7 : i32
      %shift_left3A_157 = vector.broadcast %shift_left3A_156 : i32 to vector<16xi32>
      %shift_left3A_158 = arith.shli %add3A_155, %shift_left3A_157 : vector<16xi32>
      %add3A_159 = arith.addi %shift_left3A_145, %shift_left3A_158 : vector<16xi32>
      %mul3A_160 = arith.muli %add3A_139, %add3A_155 : vector<16xi32>
      %jit3A = arith.constant 0 : i32
      %broadcast_in_dim3A = vector.broadcast %jit3A : i32 to vector<16xi32>
      %select_n3A = arith.select %and3A_125, %mul3A_160, %broadcast_in_dim3A : vector<16xi1>, vector<16xi32>
      %add3A_161 = arith.addf %gather3A_85, %gather3A_88 : vector<16xf32>
      %add3A_162 = arith.addf %add3A_161, %gather3A_91 : vector<16xf32>
      %div3A = arith.constant 3.000000e+00 : f32
      %div3A_163 = vector.broadcast %div3A : f32 to vector<16xf32>
      %div3A_164 = arith.divf %add3A_162, %div3A_163 : vector<16xf32>
      %sub3A_165 = arith.subf %gather3A_86, %gather3A_83 : vector<16xf32>
      %sub3A_166 = arith.subf %gather3A_87, %gather3A_84 : vector<16xf32>
      %sub3A_167 = arith.subf %gather3A_88, %gather3A_85 : vector<16xf32>
      %sub3A_168 = arith.subf %gather3A_89, %gather3A_83 : vector<16xf32>
      %sub3A_169 = arith.subf %gather3A_90, %gather3A_84 : vector<16xf32>
      %sub3A_170 = arith.subf %gather3A_91, %gather3A_85 : vector<16xf32>
      %mul3A_171 = arith.mulf %sub3A_166, %sub3A_170 : vector<16xf32>
      %mul3A_172 = arith.mulf %sub3A_167, %sub3A_169 : vector<16xf32>
      %sub3A_173 = arith.subf %mul3A_171, %mul3A_172 : vector<16xf32>
      %mul3A_174 = arith.mulf %sub3A_167, %sub3A_168 : vector<16xf32>
      %mul3A_175 = arith.mulf %sub3A_165, %sub3A_170 : vector<16xf32>
      %sub3A_176 = arith.subf %mul3A_174, %mul3A_175 : vector<16xf32>
      %mul3A_177 = arith.mulf %sub3A_165, %sub3A_169 : vector<16xf32>
      %mul3A_178 = arith.mulf %sub3A_166, %sub3A_168 : vector<16xf32>
      %sub3A_179 = arith.subf %mul3A_177, %mul3A_178 : vector<16xf32>
      %mul3A_180 = arith.mulf %sub3A_173, %sub3A_173 : vector<16xf32>
      %mul3A_181 = arith.mulf %sub3A_176, %sub3A_176 : vector<16xf32>
      %add3A_182 = arith.addf %mul3A_180, %mul3A_181 : vector<16xf32>
      %mul3A_183 = arith.mulf %sub3A_179, %sub3A_179 : vector<16xf32>
      %add3A_184 = arith.addf %add3A_182, %mul3A_183 : vector<16xf32>
      %mul3A_185 = arith.constant 5.000000e-01 : f32
      %mul3A_186 = vector.broadcast %mul3A_185 : f32 to vector<16xf32>
      %mul3A_187 = arith.mulf %mul3A_186, %add3A_184 : vector<16xf32>
      %bitcast3A = vector.bitcast %add3A_184 : vector<16xf32> to vector<16xi32>
      %shift_right_arithmetic3A_188 = arith.constant 1 : i32
      %shift_right_arithmetic3A_189 = vector.broadcast %shift_right_arithmetic3A_188 : i32 to vector<16xi32>
      %shift_right_arithmetic3A_190 = arith.shrsi %bitcast3A, %shift_right_arithmetic3A_189 : vector<16xi32>
      %sub3A_191 = arith.constant 1597463007 : i32
      %sub3A_192 = vector.broadcast %sub3A_191 : i32 to vector<16xi32>
      %sub3A_193 = arith.subi %sub3A_192, %shift_right_arithmetic3A_190 : vector<16xi32>
      %bitcast3A_194 = vector.bitcast %sub3A_193 : vector<16xi32> to vector<16xf32>
      %mul3A_195 = arith.mulf %mul3A_187, %bitcast3A_194 : vector<16xf32>
      %mul3A_196 = arith.mulf %mul3A_195, %bitcast3A_194 : vector<16xf32>
      %sub3A_197 = arith.constant 1.500000e+00 : f32
      %sub3A_198 = vector.broadcast %sub3A_197 : f32 to vector<16xf32>
      %sub3A_199 = arith.subf %sub3A_198, %mul3A_196 : vector<16xf32>
      %mul3A_200 = arith.mulf %bitcast3A_194, %sub3A_199 : vector<16xf32>
      %mul3A_201 = arith.mulf %mul3A_187, %mul3A_200 : vector<16xf32>
      %mul3A_202 = arith.mulf %mul3A_201, %mul3A_200 : vector<16xf32>
      %sub3A_203 = arith.constant 1.500000e+00 : f32
      %sub3A_204 = vector.broadcast %sub3A_203 : f32 to vector<16xf32>
      %sub3A_205 = arith.subf %sub3A_204, %mul3A_202 : vector<16xf32>
      %mul3A_206 = arith.mulf %mul3A_200, %sub3A_205 : vector<16xf32>
      %mul3A_207 = arith.mulf %mul3A_187, %mul3A_206 : vector<16xf32>
      %mul3A_208 = arith.mulf %mul3A_207, %mul3A_206 : vector<16xf32>
      %sub3A_209 = arith.constant 1.500000e+00 : f32
      %sub3A_210 = vector.broadcast %sub3A_209 : f32 to vector<16xf32>
      %sub3A_211 = arith.subf %sub3A_210, %mul3A_208 : vector<16xf32>
      %mul3A_212 = arith.mulf %mul3A_206, %sub3A_211 : vector<16xf32>
      %gt3A_213 = arith.constant 0.000000e+00 : f32
      %gt3A_214 = vector.broadcast %gt3A_213 : f32 to vector<16xf32>
      %gt3A_215 = arith.cmpf ogt, %add3A_184, %gt3A_214 : vector<16xf32>
      %mul3A_216 = arith.mulf %add3A_184, %mul3A_212 : vector<16xf32>
      %jit3A_217 = arith.constant 0.000000e+00 : f32
      %broadcast_in_dim3A_218 = vector.broadcast %jit3A_217 : f32 to vector<16xf32>
      %select_n3A_219 = arith.select %gt3A_215, %mul3A_216, %broadcast_in_dim3A_218 : vector<16xi1>, vector<16xf32>
      %add3A_220 = arith.constant 9.99999993E-9 : f32
      %add3A_221 = vector.broadcast %add3A_220 : f32 to vector<16xf32>
      %add3A_222 = arith.addf %select_n3A_219, %add3A_221 : vector<16xf32>
      %div3A_223 = arith.divf %sub3A_179, %add3A_222 : vector<16xf32>
      %jit3A_224 = arith.constant 0.000000e+00 : f32
      %jit3A_225 = arith.constant 1.000000e+00 : f32
      %max3A_226 = vector.broadcast %jit3A_224 : f32 to vector<16xf32>
      %max3A_227 = arith.maximumf %max3A_226, %div3A_223 : vector<16xf32>
      %min3A_228 = vector.broadcast %jit3A_225 : f32 to vector<16xf32>
      %min3A_229 = arith.minimumf %min3A_228, %max3A_227 : vector<16xf32>
      %mul3A_230 = arith.constant 1.800000e+02 : f32
      %mul3A_231 = vector.broadcast %mul3A_230 : f32 to vector<16xf32>
      %mul3A_232 = arith.mulf %min3A_229, %mul3A_231 : vector<16xf32>
      %add3A_233 = arith.constant 7.500000e+01 : f32
      %add3A_234 = vector.broadcast %add3A_233 : f32 to vector<16xf32>
      %add3A_235 = arith.addf %mul3A_232, %add3A_234 : vector<16xf32>
      %swap3A = arith.constant 0 : i32
      %swap3A_236 = arith.index_cast %swap3A : i32 to index
      %swap3A_237 = arith.index_cast %mul3A_72 : i32 to index
      %swap3A_238 = tpu.vector_load %arg20[%swap3A_236, %swap3A_237] {strides = array<i32>} : memref<16x256xi32, #tpu.memory_space<vmem>>, vector<16xi32>,
      tpu.vector_store %arg20[%swap3A_236, %swap3A_237], %gather3A {strides = array<i32>} : memref<16x256xi32, #tpu.memory_space<vmem>>, vector<16xi32>,
      %swap3A_239 = arith.constant 1 : i32
      %swap3A_240 = arith.index_cast %swap3A_239 : i32 to index
      %swap3A_241 = arith.index_cast %mul3A_72 : i32 to index
      %swap3A_242 = tpu.vector_load %arg20[%swap3A_240, %swap3A_241] {strides = array<i32>} : memref<16x256xi32, #tpu.memory_space<vmem>>, vector<16xi32>,
      tpu.vector_store %arg20[%swap3A_240, %swap3A_241], %gather3A_78 {strides = array<i32>} : memref<16x256xi32, #tpu.memory_space<vmem>>, vector<16xi32>,
      %swap3A_243 = arith.constant 2 : i32
      %swap3A_244 = arith.index_cast %swap3A_243 : i32 to index
      %swap3A_245 = arith.index_cast %mul3A_72 : i32 to index
      %swap3A_246 = tpu.vector_load %arg20[%swap3A_244, %swap3A_245] {strides = array<i32>} : memref<16x256xi32, #tpu.memory_space<vmem>>, vector<16xi32>,
      tpu.vector_store %arg20[%swap3A_244, %swap3A_245], %gather3A_79 {strides = array<i32>} : memref<16x256xi32, #tpu.memory_space<vmem>>, vector<16xi32>,
      %swap3A_247 = arith.constant 3 : i32
      %swap3A_248 = arith.index_cast %swap3A_247 : i32 to index
      %swap3A_249 = arith.index_cast %mul3A_72 : i32 to index
      %swap3A_250 = tpu.vector_load %arg20[%swap3A_248, %swap3A_249] {strides = array<i32>} : memref<16x256xi32, #tpu.memory_space<vmem>>, vector<16xi32>,
      tpu.vector_store %arg20[%swap3A_248, %swap3A_249], %gather3A_80 {strides = array<i32>} : memref<16x256xi32, #tpu.memory_space<vmem>>, vector<16xi32>,
      %swap3A_251 = arith.constant 4 : i32
      %swap3A_252 = arith.index_cast %swap3A_251 : i32 to index
      %swap3A_253 = arith.index_cast %mul3A_72 : i32 to index
      %swap3A_254 = tpu.vector_load %arg20[%swap3A_252, %swap3A_253] {strides = array<i32>} : memref<16x256xi32, #tpu.memory_space<vmem>>, vector<16xi32>,
      tpu.vector_store %arg20[%swap3A_252, %swap3A_253], %gather3A_81 {strides = array<i32>} : memref<16x256xi32, #tpu.memory_space<vmem>>, vector<16xi32>,
      %swap3A_255 = arith.constant 5 : i32
      %swap3A_256 = arith.index_cast %swap3A_255 : i32 to index
      %swap3A_257 = arith.index_cast %mul3A_72 : i32 to index
      %swap3A_258 = tpu.vector_load %arg20[%swap3A_256, %swap3A_257] {strides = array<i32>} : memref<16x256xi32, #tpu.memory_space<vmem>>, vector<16xi32>,
      tpu.vector_store %arg20[%swap3A_256, %swap3A_257], %gather3A_82 {strides = array<i32>} : memref<16x256xi32, #tpu.memory_space<vmem>>, vector<16xi32>,
      %abs3A = math.absi %sub3A_97 : vector<16xi32>
      %swap3A_259 = arith.constant 6 : i32
      %swap3A_260 = arith.index_cast %swap3A_259 : i32 to index
      %swap3A_261 = arith.index_cast %mul3A_72 : i32 to index
      %swap3A_262 = tpu.vector_load %arg20[%swap3A_260, %swap3A_261] {strides = array<i32>} : memref<16x256xi32, #tpu.memory_space<vmem>>, vector<16xi32>,
      tpu.vector_store %arg20[%swap3A_260, %swap3A_261], %abs3A {strides = array<i32>} : memref<16x256xi32, #tpu.memory_space<vmem>>, vector<16xi32>,
      %swap3A_263 = arith.constant 7 : i32
      %swap3A_264 = arith.index_cast %swap3A_263 : i32 to index
      %swap3A_265 = arith.index_cast %mul3A_72 : i32 to index
      %swap3A_266 = tpu.vector_load %arg20[%swap3A_264, %swap3A_265] {strides = array<i32>} : memref<16x256xi32, #tpu.memory_space<vmem>>, vector<16xi32>,
      tpu.vector_store %arg20[%swap3A_264, %swap3A_265], %max3A_100 {strides = array<i32>} : memref<16x256xi32, #tpu.memory_space<vmem>>, vector<16xi32>,
      %swap3A_267 = arith.constant 8 : i32
      %swap3A_268 = arith.index_cast %swap3A_267 : i32 to index
      %swap3A_269 = arith.index_cast %mul3A_72 : i32 to index
      %swap3A_270 = tpu.vector_load %arg20[%swap3A_268, %swap3A_269] {strides = array<i32>} : memref<16x256xi32, #tpu.memory_space<vmem>>, vector<16xi32>,
      tpu.vector_store %arg20[%swap3A_268, %swap3A_269], %min3A_108 {strides = array<i32>} : memref<16x256xi32, #tpu.memory_space<vmem>>, vector<16xi32>,
      %swap3A_271 = arith.constant 9 : i32
      %swap3A_272 = arith.index_cast %swap3A_271 : i32 to index
      %swap3A_273 = arith.index_cast %mul3A_72 : i32 to index
      %swap3A_274 = tpu.vector_load %arg20[%swap3A_272, %swap3A_273] {strides = array<i32>} : memref<16x256xi32, #tpu.memory_space<vmem>>, vector<16xi32>,
      tpu.vector_store %arg20[%swap3A_272, %swap3A_273], %max3A_113 {strides = array<i32>} : memref<16x256xi32, #tpu.memory_space<vmem>>, vector<16xi32>,
      %swap3A_275 = arith.constant 10 : i32
      %swap3A_276 = arith.index_cast %swap3A_275 : i32 to index
      %swap3A_277 = arith.index_cast %mul3A_72 : i32 to index
      %swap3A_278 = tpu.vector_load %arg20[%swap3A_276, %swap3A_277] {strides = array<i32>} : memref<16x256xi32, #tpu.memory_space<vmem>>, vector<16xi32>,
      tpu.vector_store %arg20[%swap3A_276, %swap3A_277], %min3A_121 {strides = array<i32>} : memref<16x256xi32, #tpu.memory_space<vmem>>, vector<16xi32>,
      %swap3A_279 = arith.constant 11 : i32
      %swap3A_280 = arith.index_cast %swap3A_279 : i32 to index
      %swap3A_281 = arith.index_cast %mul3A_72 : i32 to index
      %swap3A_282 = tpu.vector_load %arg20[%swap3A_280, %swap3A_281] {strides = array<i32>} : memref<16x256xi32, #tpu.memory_space<vmem>>, vector<16xi32>,
      tpu.vector_store %arg20[%swap3A_280, %swap3A_281], %shift_left3A_129 {strides = array<i32>} : memref<16x256xi32, #tpu.memory_space<vmem>>, vector<16xi32>,
      %swap3A_283 = arith.constant 12 : i32
      %swap3A_284 = arith.index_cast %swap3A_283 : i32 to index
      %swap3A_285 = arith.index_cast %mul3A_72 : i32 to index
      %swap3A_286 = tpu.vector_load %arg20[%swap3A_284, %swap3A_285] {strides = array<i32>} : memref<16x256xi32, #tpu.memory_space<vmem>>, vector<16xi32>,
      tpu.vector_store %arg20[%swap3A_284, %swap3A_285], %shift_left3A_145 {strides = array<i32>} : memref<16x256xi32, #tpu.memory_space<vmem>>, vector<16xi32>,
      %swap3A_287 = arith.constant 13 : i32
      %swap3A_288 = arith.index_cast %swap3A_287 : i32 to index
      %swap3A_289 = arith.index_cast %mul3A_72 : i32 to index
      %swap3A_290 = tpu.vector_load %arg20[%swap3A_288, %swap3A_289] {strides = array<i32>} : memref<16x256xi32, #tpu.memory_space<vmem>>, vector<16xi32>,
      tpu.vector_store %arg20[%swap3A_288, %swap3A_289], %add3A_159 {strides = array<i32>} : memref<16x256xi32, #tpu.memory_space<vmem>>, vector<16xi32>,
      %swap3A_291 = arith.constant 14 : i32
      %swap3A_292 = arith.index_cast %swap3A_291 : i32 to index
      %swap3A_293 = arith.index_cast %mul3A_72 : i32 to index
      %swap3A_294 = tpu.vector_load %arg20[%swap3A_292, %swap3A_293] {strides = array<i32>} : memref<16x256xi32, #tpu.memory_space<vmem>>, vector<16xi32>,
      tpu.vector_store %arg20[%swap3A_292, %swap3A_293], %select_n3A {strides = array<i32>} : memref<16x256xi32, #tpu.memory_space<vmem>>, vector<16xi32>,
      %broadcast_in_dim3A_295 = arith.constant 0 : i32
      %broadcast_in_dim3A_296 = vector.broadcast %broadcast_in_dim3A_295 : i32 to vector<16xi32>
      %swap3A_297 = arith.constant 15 : i32
      %swap3A_298 = arith.index_cast %swap3A_297 : i32 to index
      %swap3A_299 = arith.index_cast %mul3A_72 : i32 to index
      %swap3A_300 = tpu.vector_load %arg20[%swap3A_298, %swap3A_299] {strides = array<i32>} : memref<16x256xi32, #tpu.memory_space<vmem>>, vector<16xi32>,
      tpu.vector_store %arg20[%swap3A_298, %swap3A_299], %broadcast_in_dim3A_296 {strides = array<i32>} : memref<16x256xi32, #tpu.memory_space<vmem>>, vector<16xi32>,
      %swap3A_301 = arith.constant 0 : i32
      %swap3A_302 = arith.index_cast %swap3A_301 : i32 to index
      %swap3A_303 = arith.index_cast %mul3A_72 : i32 to index
      %swap3A_304 = tpu.vector_load %arg21[%swap3A_302, %swap3A_303] {strides = array<i32>} : memref<2x256xf32, #tpu.memory_space<vmem>>, vector<16xf32>,
      tpu.vector_store %arg21[%swap3A_302, %swap3A_303], %div3A_164 {strides = array<i32>} : memref<2x256xf32, #tpu.memory_space<vmem>>, vector<16xf32>,
      %swap3A_305 = arith.constant 1 : i32
      %swap3A_306 = arith.index_cast %swap3A_305 : i32 to index
      %swap3A_307 = arith.index_cast %mul3A_72 : i32 to index
      %swap3A_308 = tpu.vector_load %arg21[%swap3A_306, %swap3A_307] {strides = array<i32>} : memref<2x256xf32, #tpu.memory_space<vmem>>, vector<16xf32>,
      tpu.vector_store %arg21[%swap3A_306, %swap3A_307], %add3A_235 {strides = array<i32>} : memref<2x256xf32, #tpu.memory_space<vmem>>, vector<16xf32>,
    }
    %scan3A_39 = arith.constant 16 : i32
    "tpu.region"() ({
      %run_scoped3A = tpu.sem_alloc : memref<!tpu.dma_semaphore, #tpu.memory_space<semaphore_mem>>
      %dma_start3A = arith.constant 0 : i32
      %dma_start3A_70 = tpu.memref_slice %arg10[%dma_start3A, %add3A_33] : memref<16x57344xi32, #tpu.memory_space<hbm>> -> memref<16x256xi32, #tpu.memory_space<hbm>>
      %dma_start3A_71 = arith.constant 0 : i32
      %dma_start3A_72 = tpu.memref_slice %arg10[%dma_start3A_71, %add3A_33] : memref<16x57344xi32, #tpu.memory_space<hbm>> -> memref<16x256xi32, #tpu.memory_space<hbm>>
      tpu.enqueue_dma source(%arg20 : memref<16x256xi32, #tpu.memory_space<vmem>>) target(%dma_start3A_72 : memref<16x256xi32, #tpu.memory_space<hbm>>) target_semaphore(%run_scoped3A : memref<!tpu.dma_semaphore, #tpu.memory_space<semaphore_mem>>)
      %dma_wait3A = arith.constant 0 : i32
      %dma_wait3A_73 = tpu.memref_slice %arg10[%dma_wait3A, %add3A_33] : memref<16x57344xi32, #tpu.memory_space<hbm>> -> memref<16x256xi32, #tpu.memory_space<hbm>>
      %dma_wait3A_74 = arith.constant 0 : i32
      %dma_wait3A_75 = tpu.memref_slice %arg10[%dma_wait3A_74, %add3A_33] : memref<16x57344xi32, #tpu.memory_space<hbm>> -> memref<16x256xi32, #tpu.memory_space<hbm>>
      tpu.wait_dma2 semaphore(%run_scoped3A : memref<!tpu.dma_semaphore, #tpu.memory_space<semaphore_mem>>) src(%arg20 : memref<16x256xi32, #tpu.memory_space<vmem>>) dst(%dma_wait3A_75 : memref<16x256xi32, #tpu.memory_space<hbm>>)
      tpu.yield
    }) : () -> ()
    "tpu.region"() ({
      %run_scoped3A = tpu.sem_alloc : memref<!tpu.dma_semaphore, #tpu.memory_space<semaphore_mem>>
      %dma_start3A = arith.constant 0 : i32
      %dma_start3A_70 = tpu.memref_slice %arg11[%dma_start3A, %add3A_33] : memref<2x57344xf32, #tpu.memory_space<hbm>> -> memref<2x256xf32, #tpu.memory_space<hbm>>
      %dma_start3A_71 = arith.constant 0 : i32
      %dma_start3A_72 = tpu.memref_slice %arg11[%dma_start3A_71, %add3A_33] : memref<2x57344xf32, #tpu.memory_space<hbm>> -> memref<2x256xf32, #tpu.memory_space<hbm>>
      tpu.enqueue_dma source(%arg21 : memref<2x256xf32, #tpu.memory_space<vmem>>) target(%dma_start3A_72 : memref<2x256xf32, #tpu.memory_space<hbm>>) target_semaphore(%run_scoped3A : memref<!tpu.dma_semaphore, #tpu.memory_space<semaphore_mem>>)
      %dma_wait3A = arith.constant 0 : i32
      %dma_wait3A_73 = tpu.memref_slice %arg11[%dma_wait3A, %add3A_33] : memref<2x57344xf32, #tpu.memory_space<hbm>> -> memref<2x256xf32, #tpu.memory_space<hbm>>
      %dma_wait3A_74 = arith.constant 0 : i32
      %dma_wait3A_75 = tpu.memref_slice %arg11[%dma_wait3A_74, %add3A_33] : memref<2x57344xf32, #tpu.memory_space<hbm>> -> memref<2x256xf32, #tpu.memory_space<hbm>>
      tpu.wait_dma2 semaphore(%run_scoped3A : memref<!tpu.dma_semaphore, #tpu.memory_space<semaphore_mem>>) src(%arg21 : memref<2x256xf32, #tpu.memory_space<vmem>>) dst(%dma_wait3A_75 : memref<2x256xf32, #tpu.memory_space<hbm>>)
      tpu.yield
    }) : () -> ()
    %mul3A_40 = arith.constant 1792 : i32
    %mul3A_41 = arith.muli %add3A, %mul3A_40 : i32
    %add3A_42 = arith.constant 1024 : i32
    %add3A_43 = arith.addi %mul3A_41, %add3A_42 : i32
    "tpu.region"() ({
      %run_scoped3A = tpu.sem_alloc : memref<!tpu.dma_semaphore, #tpu.memory_space<semaphore_mem>>
      %dma_start3A = tpu.memref_slice %arg7[%add3A_43] : memref<57344xi32, #tpu.memory_space<hbm>> -> memref<256xi32, #tpu.memory_space<hbm>>
      %dma_start3A_70 = tpu.memref_slice %arg7[%add3A_43] : memref<57344xi32, #tpu.memory_space<hbm>> -> memref<256xi32, #tpu.memory_space<hbm>>
      tpu.enqueue_dma source(%dma_start3A_70 : memref<256xi32, #tpu.memory_space<hbm>>) target(%arg17 : memref<256xi32, #tpu.memory_space<vmem>>) target_semaphore(%run_scoped3A : memref<!tpu.dma_semaphore, #tpu.memory_space<semaphore_mem>>)
      %dma_wait3A = tpu.memref_slice %arg7[%add3A_43] : memref<57344xi32, #tpu.memory_space<hbm>> -> memref<256xi32, #tpu.memory_space<hbm>>
      %dma_wait3A_71 = tpu.memref_slice %arg7[%add3A_43] : memref<57344xi32, #tpu.memory_space<hbm>> -> memref<256xi32, #tpu.memory_space<hbm>>
      tpu.wait_dma2 semaphore(%run_scoped3A : memref<!tpu.dma_semaphore, #tpu.memory_space<semaphore_mem>>) src(%dma_wait3A_71 : memref<256xi32, #tpu.memory_space<hbm>>) dst(%arg17 : memref<256xi32, #tpu.memory_space<vmem>>)
      tpu.yield
    }) : () -> ()
    "tpu.region"() ({
      %run_scoped3A = tpu.sem_alloc : memref<!tpu.dma_semaphore, #tpu.memory_space<semaphore_mem>>
      %dma_start3A = tpu.memref_slice %arg8[%add3A_43] : memref<57344xi32, #tpu.memory_space<hbm>> -> memref<256xi32, #tpu.memory_space<hbm>>
      %dma_start3A_70 = tpu.memref_slice %arg8[%add3A_43] : memref<57344xi32, #tpu.memory_space<hbm>> -> memref<256xi32, #tpu.memory_space<hbm>>
      tpu.enqueue_dma source(%dma_start3A_70 : memref<256xi32, #tpu.memory_space<hbm>>) target(%arg18 : memref<256xi32, #tpu.memory_space<vmem>>) target_semaphore(%run_scoped3A : memref<!tpu.dma_semaphore, #tpu.memory_space<semaphore_mem>>)
      %dma_wait3A = tpu.memref_slice %arg8[%add3A_43] : memref<57344xi32, #tpu.memory_space<hbm>> -> memref<256xi32, #tpu.memory_space<hbm>>
      %dma_wait3A_71 = tpu.memref_slice %arg8[%add3A_43] : memref<57344xi32, #tpu.memory_space<hbm>> -> memref<256xi32, #tpu.memory_space<hbm>>
      tpu.wait_dma2 semaphore(%run_scoped3A : memref<!tpu.dma_semaphore, #tpu.memory_space<semaphore_mem>>) src(%dma_wait3A_71 : memref<256xi32, #tpu.memory_space<hbm>>) dst(%arg18 : memref<256xi32, #tpu.memory_space<vmem>>)
      tpu.yield
    }) : () -> ()
    "tpu.region"() ({
      %run_scoped3A = tpu.sem_alloc : memref<!tpu.dma_semaphore, #tpu.memory_space<semaphore_mem>>
      %dma_start3A = tpu.memref_slice %arg9[%add3A_43] : memref<57344xi32, #tpu.memory_space<hbm>> -> memref<256xi32, #tpu.memory_space<hbm>>
      %dma_start3A_70 = tpu.memref_slice %arg9[%add3A_43] : memref<57344xi32, #tpu.memory_space<hbm>> -> memref<256xi32, #tpu.memory_space<hbm>>
      tpu.enqueue_dma source(%dma_start3A_70 : memref<256xi32, #tpu.memory_space<hbm>>) target(%arg19 : memref<256xi32, #tpu.memory_space<vmem>>) target_semaphore(%run_scoped3A : memref<!tpu.dma_semaphore, #tpu.memory_space<semaphore_mem>>)
      %dma_wait3A = tpu.memref_slice %arg9[%add3A_43] : memref<57344xi32, #tpu.memory_space<hbm>> -> memref<256xi32, #tpu.memory_space<hbm>>
      %dma_wait3A_71 = tpu.memref_slice %arg9[%add3A_43] : memref<57344xi32, #tpu.memory_space<hbm>> -> memref<256xi32, #tpu.memory_space<hbm>>
      tpu.wait_dma2 semaphore(%run_scoped3A : memref<!tpu.dma_semaphore, #tpu.memory_space<semaphore_mem>>) src(%dma_wait3A_71 : memref<256xi32, #tpu.memory_space<hbm>>) dst(%arg19 : memref<256xi32, #tpu.memory_space<vmem>>)
      tpu.yield
    }) : () -> ()
    %scan3A_44 = arith.constant 0 : i32
    %scan3A_45 = arith.constant 0 : i32
    %scan3A_46 = arith.constant 16 : i32
    %scan3A_47 = arith.addi %scan3A_45, %scan3A_46 : i32
    %scan3A_48 = arith.constant 1 : i32
    scf.for %scan3A_70 = %scan3A_45 to %scan3A_47 step %scan3A_48  : i32 {
      %mul3A_71 = arith.constant 16 : i32
      %mul3A_72 = arith.muli %scan3A_70, %mul3A_71 : i32
      %get3A = arith.index_cast %mul3A_72 : i32 to index
      %get3A_73 = tpu.vector_load %arg17[%get3A] {strides = array<i32>} : memref<256xi32, #tpu.memory_space<vmem>>, vector<16xi32>,
      %get3A_74 = arith.index_cast %mul3A_72 : i32 to index
      %get3A_75 = tpu.vector_load %arg18[%get3A_74] {strides = array<i32>} : memref<256xi32, #tpu.memory_space<vmem>>, vector<16xi32>,
      %get3A_76 = arith.index_cast %mul3A_72 : i32 to index
      %get3A_77 = tpu.vector_load %arg19[%get3A_76] {strides = array<i32>} : memref<256xi32, #tpu.memory_space<vmem>>, vector<16xi32>,
      %gather3A = tpu.vector_load_idx %arg12[%get3A_73] : memref<20000xi32, #tpu.memory_space<vmem>>[vector<16xi32>], vector<16xi32>,
      %gather3A_78 = tpu.vector_load_idx %arg13[%get3A_73] : memref<20000xi32, #tpu.memory_space<vmem>>[vector<16xi32>], vector<16xi32>,
      %gather3A_79 = tpu.vector_load_idx %arg12[%get3A_75] : memref<20000xi32, #tpu.memory_space<vmem>>[vector<16xi32>], vector<16xi32>,
      %gather3A_80 = tpu.vector_load_idx %arg13[%get3A_75] : memref<20000xi32, #tpu.memory_space<vmem>>[vector<16xi32>], vector<16xi32>,
      %gather3A_81 = tpu.vector_load_idx %arg12[%get3A_77] : memref<20000xi32, #tpu.memory_space<vmem>>[vector<16xi32>], vector<16xi32>,
      %gather3A_82 = tpu.vector_load_idx %arg13[%get3A_77] : memref<20000xi32, #tpu.memory_space<vmem>>[vector<16xi32>], vector<16xi32>,
      %gather3A_83 = tpu.vector_load_idx %arg14[%get3A_73] : memref<20000xf32, #tpu.memory_space<vmem>>[vector<16xi32>], vector<16xf32>,
      %gather3A_84 = tpu.vector_load_idx %arg15[%get3A_73] : memref<20000xf32, #tpu.memory_space<vmem>>[vector<16xi32>], vector<16xf32>,
      %gather3A_85 = tpu.vector_load_idx %arg16[%get3A_73] : memref<20000xf32, #tpu.memory_space<vmem>>[vector<16xi32>], vector<16xf32>,
      %gather3A_86 = tpu.vector_load_idx %arg14[%get3A_75] : memref<20000xf32, #tpu.memory_space<vmem>>[vector<16xi32>], vector<16xf32>,
      %gather3A_87 = tpu.vector_load_idx %arg15[%get3A_75] : memref<20000xf32, #tpu.memory_space<vmem>>[vector<16xi32>], vector<16xf32>,
      %gather3A_88 = tpu.vector_load_idx %arg16[%get3A_75] : memref<20000xf32, #tpu.memory_space<vmem>>[vector<16xi32>], vector<16xf32>,
      %gather3A_89 = tpu.vector_load_idx %arg14[%get3A_77] : memref<20000xf32, #tpu.memory_space<vmem>>[vector<16xi32>], vector<16xf32>,
      %gather3A_90 = tpu.vector_load_idx %arg15[%get3A_77] : memref<20000xf32, #tpu.memory_space<vmem>>[vector<16xi32>], vector<16xf32>,
      %gather3A_91 = tpu.vector_load_idx %arg16[%get3A_77] : memref<20000xf32, #tpu.memory_space<vmem>>[vector<16xi32>], vector<16xf32>,
      %sub3A = arith.subi %gather3A_79, %gather3A : vector<16xi32>
      %sub3A_92 = arith.subi %gather3A_82, %gather3A_78 : vector<16xi32>
      %mul3A_93 = arith.muli %sub3A, %sub3A_92 : vector<16xi32>
      %sub3A_94 = arith.subi %gather3A_81, %gather3A : vector<16xi32>
      %sub3A_95 = arith.subi %gather3A_80, %gather3A_78 : vector<16xi32>
      %mul3A_96 = arith.muli %sub3A_94, %sub3A_95 : vector<16xi32>
      %sub3A_97 = arith.subi %mul3A_93, %mul3A_96 : vector<16xi32>
      %min3A = arith.minsi %gather3A, %gather3A_79 : vector<16xi32>
      %min3A_98 = arith.minsi %min3A, %gather3A_81 : vector<16xi32>
      %max3A = arith.constant 0 : i32
      %max3A_99 = vector.broadcast %max3A : i32 to vector<16xi32>
      %max3A_100 = arith.maxsi %max3A_99, %min3A_98 : vector<16xi32>
      %max3A_101 = arith.maxsi %gather3A, %gather3A_79 : vector<16xi32>
      %max3A_102 = arith.maxsi %max3A_101, %gather3A_81 : vector<16xi32>
      %add3A_103 = arith.constant 1 : i32
      %add3A_104 = vector.broadcast %add3A_103 : i32 to vector<16xi32>
      %add3A_105 = arith.addi %max3A_102, %add3A_104 : vector<16xi32>
      %min3A_106 = arith.constant 499 : i32
      %min3A_107 = vector.broadcast %min3A_106 : i32 to vector<16xi32>
      %min3A_108 = arith.minsi %min3A_107, %add3A_105 : vector<16xi32>
      %min3A_109 = arith.minsi %gather3A_78, %gather3A_80 : vector<16xi32>
      %min3A_110 = arith.minsi %min3A_109, %gather3A_82 : vector<16xi32>
      %max3A_111 = arith.constant 0 : i32
      %max3A_112 = vector.broadcast %max3A_111 : i32 to vector<16xi32>
      %max3A_113 = arith.maxsi %max3A_112, %min3A_110 : vector<16xi32>
      %max3A_114 = arith.maxsi %gather3A_78, %gather3A_80 : vector<16xi32>
      %max3A_115 = arith.maxsi %max3A_114, %gather3A_82 : vector<16xi32>
      %add3A_116 = arith.constant 1 : i32
      %add3A_117 = vector.broadcast %add3A_116 : i32 to vector<16xi32>
      %add3A_118 = arith.addi %max3A_115, %add3A_117 : vector<16xi32>
      %min3A_119 = arith.constant 499 : i32
      %min3A_120 = vector.broadcast %min3A_119 : i32 to vector<16xi32>
      %min3A_121 = arith.minsi %min3A_120, %add3A_118 : vector<16xi32>
      %ne3A = arith.constant 0 : i32
      %ne3A_122 = vector.broadcast %ne3A : i32 to vector<16xi32>
      %ne3A_123 = arith.cmpi ne, %sub3A_97, %ne3A_122 : vector<16xi32>
      %gt3A = arith.cmpi sgt, %min3A_108, %max3A_100 : vector<16xi32>
      %and3A = arith.andi %ne3A_123, %gt3A : vector<16xi1>
      %gt3A_124 = arith.cmpi sgt, %min3A_121, %max3A_113 : vector<16xi32>
      %and3A_125 = arith.andi %and3A, %gt3A_124 : vector<16xi1>
      %shift_right_arithmetic3A = arith.constant 5 : i32
      %shift_right_arithmetic3A_126 = vector.broadcast %shift_right_arithmetic3A : i32 to vector<16xi32>
      %shift_right_arithmetic3A_127 = arith.shrsi %max3A_113, %shift_right_arithmetic3A_126 : vector<16xi32>
      %shift_left3A = arith.constant 5 : i32
      %shift_left3A_128 = vector.broadcast %shift_left3A : i32 to vector<16xi32>
      %shift_left3A_129 = arith.shli %shift_right_arithmetic3A_127, %shift_left3A_128 : vector<16xi32>
      %sub3A_130 = arith.constant 1 : i32
      %sub3A_131 = vector.broadcast %sub3A_130 : i32 to vector<16xi32>
      %sub3A_132 = arith.subi %min3A_121, %sub3A_131 : vector<16xi32>
      %shift_right_arithmetic3A_133 = arith.constant 5 : i32
      %shift_right_arithmetic3A_134 = vector.broadcast %shift_right_arithmetic3A_133 : i32 to vector<16xi32>
      %shift_right_arithmetic3A_135 = arith.shrsi %sub3A_132, %shift_right_arithmetic3A_134 : vector<16xi32>
      %sub3A_136 = arith.subi %shift_right_arithmetic3A_135, %shift_right_arithmetic3A_127 : vector<16xi32>
      %add3A_137 = arith.constant 1 : i32
      %add3A_138 = vector.broadcast %add3A_137 : i32 to vector<16xi32>
      %add3A_139 = arith.addi %sub3A_136, %add3A_138 : vector<16xi32>
      %shift_right_arithmetic3A_140 = arith.constant 7 : i32
      %shift_right_arithmetic3A_141 = vector.broadcast %shift_right_arithmetic3A_140 : i32 to vector<16xi32>
      %shift_right_arithmetic3A_142 = arith.shrsi %max3A_100, %shift_right_arithmetic3A_141 : vector<16xi32>
      %shift_left3A_143 = arith.constant 7 : i32
      %shift_left3A_144 = vector.broadcast %shift_left3A_143 : i32 to vector<16xi32>
      %shift_left3A_145 = arith.shli %shift_right_arithmetic3A_142, %shift_left3A_144 : vector<16xi32>
      %sub3A_146 = arith.constant 1 : i32
      %sub3A_147 = vector.broadcast %sub3A_146 : i32 to vector<16xi32>
      %sub3A_148 = arith.subi %min3A_108, %sub3A_147 : vector<16xi32>
      %shift_right_arithmetic3A_149 = arith.constant 7 : i32
      %shift_right_arithmetic3A_150 = vector.broadcast %shift_right_arithmetic3A_149 : i32 to vector<16xi32>
      %shift_right_arithmetic3A_151 = arith.shrsi %sub3A_148, %shift_right_arithmetic3A_150 : vector<16xi32>
      %sub3A_152 = arith.subi %shift_right_arithmetic3A_151, %shift_right_arithmetic3A_142 : vector<16xi32>
      %add3A_153 = arith.constant 1 : i32
      %add3A_154 = vector.broadcast %add3A_153 : i32 to vector<16xi32>
      %add3A_155 = arith.addi %sub3A_152, %add3A_154 : vector<16xi32>
      %shift_left3A_156 = arith.constant 7 : i32
      %shift_left3A_157 = vector.broadcast %shift_left3A_156 : i32 to vector<16xi32>
      %shift_left3A_158 = arith.shli %add3A_155, %shift_left3A_157 : vector<16xi32>
      %add3A_159 = arith.addi %shift_left3A_145, %shift_left3A_158 : vector<16xi32>
      %mul3A_160 = arith.muli %add3A_139, %add3A_155 : vector<16xi32>
      %jit3A = arith.constant 0 : i32
      %broadcast_in_dim3A = vector.broadcast %jit3A : i32 to vector<16xi32>
      %select_n3A = arith.select %and3A_125, %mul3A_160, %broadcast_in_dim3A : vector<16xi1>, vector<16xi32>
      %add3A_161 = arith.addf %gather3A_85, %gather3A_88 : vector<16xf32>
      %add3A_162 = arith.addf %add3A_161, %gather3A_91 : vector<16xf32>
      %div3A = arith.constant 3.000000e+00 : f32
      %div3A_163 = vector.broadcast %div3A : f32 to vector<16xf32>
      %div3A_164 = arith.divf %add3A_162, %div3A_163 : vector<16xf32>
      %sub3A_165 = arith.subf %gather3A_86, %gather3A_83 : vector<16xf32>
      %sub3A_166 = arith.subf %gather3A_87, %gather3A_84 : vector<16xf32>
      %sub3A_167 = arith.subf %gather3A_88, %gather3A_85 : vector<16xf32>
      %sub3A_168 = arith.subf %gather3A_89, %gather3A_83 : vector<16xf32>
      %sub3A_169 = arith.subf %gather3A_90, %gather3A_84 : vector<16xf32>
      %sub3A_170 = arith.subf %gather3A_91, %gather3A_85 : vector<16xf32>
      %mul3A_171 = arith.mulf %sub3A_166, %sub3A_170 : vector<16xf32>
      %mul3A_172 = arith.mulf %sub3A_167, %sub3A_169 : vector<16xf32>
      %sub3A_173 = arith.subf %mul3A_171, %mul3A_172 : vector<16xf32>
      %mul3A_174 = arith.mulf %sub3A_167, %sub3A_168 : vector<16xf32>
      %mul3A_175 = arith.mulf %sub3A_165, %sub3A_170 : vector<16xf32>
      %sub3A_176 = arith.subf %mul3A_174, %mul3A_175 : vector<16xf32>
      %mul3A_177 = arith.mulf %sub3A_165, %sub3A_169 : vector<16xf32>
      %mul3A_178 = arith.mulf %sub3A_166, %sub3A_168 : vector<16xf32>
      %sub3A_179 = arith.subf %mul3A_177, %mul3A_178 : vector<16xf32>
      %mul3A_180 = arith.mulf %sub3A_173, %sub3A_173 : vector<16xf32>
      %mul3A_181 = arith.mulf %sub3A_176, %sub3A_176 : vector<16xf32>
      %add3A_182 = arith.addf %mul3A_180, %mul3A_181 : vector<16xf32>
      %mul3A_183 = arith.mulf %sub3A_179, %sub3A_179 : vector<16xf32>
      %add3A_184 = arith.addf %add3A_182, %mul3A_183 : vector<16xf32>
      %mul3A_185 = arith.constant 5.000000e-01 : f32
      %mul3A_186 = vector.broadcast %mul3A_185 : f32 to vector<16xf32>
      %mul3A_187 = arith.mulf %mul3A_186, %add3A_184 : vector<16xf32>
      %bitcast3A = vector.bitcast %add3A_184 : vector<16xf32> to vector<16xi32>
      %shift_right_arithmetic3A_188 = arith.constant 1 : i32
      %shift_right_arithmetic3A_189 = vector.broadcast %shift_right_arithmetic3A_188 : i32 to vector<16xi32>
      %shift_right_arithmetic3A_190 = arith.shrsi %bitcast3A, %shift_right_arithmetic3A_189 : vector<16xi32>
      %sub3A_191 = arith.constant 1597463007 : i32
      %sub3A_192 = vector.broadcast %sub3A_191 : i32 to vector<16xi32>
      %sub3A_193 = arith.subi %sub3A_192, %shift_right_arithmetic3A_190 : vector<16xi32>
      %bitcast3A_194 = vector.bitcast %sub3A_193 : vector<16xi32> to vector<16xf32>
      %mul3A_195 = arith.mulf %mul3A_187, %bitcast3A_194 : vector<16xf32>
      %mul3A_196 = arith.mulf %mul3A_195, %bitcast3A_194 : vector<16xf32>
      %sub3A_197 = arith.constant 1.500000e+00 : f32
      %sub3A_198 = vector.broadcast %sub3A_197 : f32 to vector<16xf32>
      %sub3A_199 = arith.subf %sub3A_198, %mul3A_196 : vector<16xf32>
      %mul3A_200 = arith.mulf %bitcast3A_194, %sub3A_199 : vector<16xf32>
      %mul3A_201 = arith.mulf %mul3A_187, %mul3A_200 : vector<16xf32>
      %mul3A_202 = arith.mulf %mul3A_201, %mul3A_200 : vector<16xf32>
      %sub3A_203 = arith.constant 1.500000e+00 : f32
      %sub3A_204 = vector.broadcast %sub3A_203 : f32 to vector<16xf32>
      %sub3A_205 = arith.subf %sub3A_204, %mul3A_202 : vector<16xf32>
      %mul3A_206 = arith.mulf %mul3A_200, %sub3A_205 : vector<16xf32>
      %mul3A_207 = arith.mulf %mul3A_187, %mul3A_206 : vector<16xf32>
      %mul3A_208 = arith.mulf %mul3A_207, %mul3A_206 : vector<16xf32>
      %sub3A_209 = arith.constant 1.500000e+00 : f32
      %sub3A_210 = vector.broadcast %sub3A_209 : f32 to vector<16xf32>
      %sub3A_211 = arith.subf %sub3A_210, %mul3A_208 : vector<16xf32>
      %mul3A_212 = arith.mulf %mul3A_206, %sub3A_211 : vector<16xf32>
      %gt3A_213 = arith.constant 0.000000e+00 : f32
      %gt3A_214 = vector.broadcast %gt3A_213 : f32 to vector<16xf32>
      %gt3A_215 = arith.cmpf ogt, %add3A_184, %gt3A_214 : vector<16xf32>
      %mul3A_216 = arith.mulf %add3A_184, %mul3A_212 : vector<16xf32>
      %jit3A_217 = arith.constant 0.000000e+00 : f32
      %broadcast_in_dim3A_218 = vector.broadcast %jit3A_217 : f32 to vector<16xf32>
      %select_n3A_219 = arith.select %gt3A_215, %mul3A_216, %broadcast_in_dim3A_218 : vector<16xi1>, vector<16xf32>
      %add3A_220 = arith.constant 9.99999993E-9 : f32
      %add3A_221 = vector.broadcast %add3A_220 : f32 to vector<16xf32>
      %add3A_222 = arith.addf %select_n3A_219, %add3A_221 : vector<16xf32>
      %div3A_223 = arith.divf %sub3A_179, %add3A_222 : vector<16xf32>
      %jit3A_224 = arith.constant 0.000000e+00 : f32
      %jit3A_225 = arith.constant 1.000000e+00 : f32
      %max3A_226 = vector.broadcast %jit3A_224 : f32 to vector<16xf32>
      %max3A_227 = arith.maximumf %max3A_226, %div3A_223 : vector<16xf32>
      %min3A_228 = vector.broadcast %jit3A_225 : f32 to vector<16xf32>
      %min3A_229 = arith.minimumf %min3A_228, %max3A_227 : vector<16xf32>
      %mul3A_230 = arith.constant 1.800000e+02 : f32
      %mul3A_231 = vector.broadcast %mul3A_230 : f32 to vector<16xf32>
      %mul3A_232 = arith.mulf %min3A_229, %mul3A_231 : vector<16xf32>
      %add3A_233 = arith.constant 7.500000e+01 : f32
      %add3A_234 = vector.broadcast %add3A_233 : f32 to vector<16xf32>
      %add3A_235 = arith.addf %mul3A_232, %add3A_234 : vector<16xf32>
      %swap3A = arith.constant 0 : i32
      %swap3A_236 = arith.index_cast %swap3A : i32 to index
      %swap3A_237 = arith.index_cast %mul3A_72 : i32 to index
      %swap3A_238 = tpu.vector_load %arg20[%swap3A_236, %swap3A_237] {strides = array<i32>} : memref<16x256xi32, #tpu.memory_space<vmem>>, vector<16xi32>,
      tpu.vector_store %arg20[%swap3A_236, %swap3A_237], %gather3A {strides = array<i32>} : memref<16x256xi32, #tpu.memory_space<vmem>>, vector<16xi32>,
      %swap3A_239 = arith.constant 1 : i32
      %swap3A_240 = arith.index_cast %swap3A_239 : i32 to index
      %swap3A_241 = arith.index_cast %mul3A_72 : i32 to index
      %swap3A_242 = tpu.vector_load %arg20[%swap3A_240, %swap3A_241] {strides = array<i32>} : memref<16x256xi32, #tpu.memory_space<vmem>>, vector<16xi32>,
      tpu.vector_store %arg20[%swap3A_240, %swap3A_241], %gather3A_78 {strides = array<i32>} : memref<16x256xi32, #tpu.memory_space<vmem>>, vector<16xi32>,
      %swap3A_243 = arith.constant 2 : i32
      %swap3A_244 = arith.index_cast %swap3A_243 : i32 to index
      %swap3A_245 = arith.index_cast %mul3A_72 : i32 to index
      %swap3A_246 = tpu.vector_load %arg20[%swap3A_244, %swap3A_245] {strides = array<i32>} : memref<16x256xi32, #tpu.memory_space<vmem>>, vector<16xi32>,
      tpu.vector_store %arg20[%swap3A_244, %swap3A_245], %gather3A_79 {strides = array<i32>} : memref<16x256xi32, #tpu.memory_space<vmem>>, vector<16xi32>,
      %swap3A_247 = arith.constant 3 : i32
      %swap3A_248 = arith.index_cast %swap3A_247 : i32 to index
      %swap3A_249 = arith.index_cast %mul3A_72 : i32 to index
      %swap3A_250 = tpu.vector_load %arg20[%swap3A_248, %swap3A_249] {strides = array<i32>} : memref<16x256xi32, #tpu.memory_space<vmem>>, vector<16xi32>,
      tpu.vector_store %arg20[%swap3A_248, %swap3A_249], %gather3A_80 {strides = array<i32>} : memref<16x256xi32, #tpu.memory_space<vmem>>, vector<16xi32>,
      %swap3A_251 = arith.constant 4 : i32
      %swap3A_252 = arith.index_cast %swap3A_251 : i32 to index
      %swap3A_253 = arith.index_cast %mul3A_72 : i32 to index
      %swap3A_254 = tpu.vector_load %arg20[%swap3A_252, %swap3A_253] {strides = array<i32>} : memref<16x256xi32, #tpu.memory_space<vmem>>, vector<16xi32>,
      tpu.vector_store %arg20[%swap3A_252, %swap3A_253], %gather3A_81 {strides = array<i32>} : memref<16x256xi32, #tpu.memory_space<vmem>>, vector<16xi32>,
      %swap3A_255 = arith.constant 5 : i32
      %swap3A_256 = arith.index_cast %swap3A_255 : i32 to index
      %swap3A_257 = arith.index_cast %mul3A_72 : i32 to index
      %swap3A_258 = tpu.vector_load %arg20[%swap3A_256, %swap3A_257] {strides = array<i32>} : memref<16x256xi32, #tpu.memory_space<vmem>>, vector<16xi32>,
      tpu.vector_store %arg20[%swap3A_256, %swap3A_257], %gather3A_82 {strides = array<i32>} : memref<16x256xi32, #tpu.memory_space<vmem>>, vector<16xi32>,
      %abs3A = math.absi %sub3A_97 : vector<16xi32>
      %swap3A_259 = arith.constant 6 : i32
      %swap3A_260 = arith.index_cast %swap3A_259 : i32 to index
      %swap3A_261 = arith.index_cast %mul3A_72 : i32 to index
      %swap3A_262 = tpu.vector_load %arg20[%swap3A_260, %swap3A_261] {strides = array<i32>} : memref<16x256xi32, #tpu.memory_space<vmem>>, vector<16xi32>,
      tpu.vector_store %arg20[%swap3A_260, %swap3A_261], %abs3A {strides = array<i32>} : memref<16x256xi32, #tpu.memory_space<vmem>>, vector<16xi32>,
      %swap3A_263 = arith.constant 7 : i32
      %swap3A_264 = arith.index_cast %swap3A_263 : i32 to index
      %swap3A_265 = arith.index_cast %mul3A_72 : i32 to index
      %swap3A_266 = tpu.vector_load %arg20[%swap3A_264, %swap3A_265] {strides = array<i32>} : memref<16x256xi32, #tpu.memory_space<vmem>>, vector<16xi32>,
      tpu.vector_store %arg20[%swap3A_264, %swap3A_265], %max3A_100 {strides = array<i32>} : memref<16x256xi32, #tpu.memory_space<vmem>>, vector<16xi32>,
      %swap3A_267 = arith.constant 8 : i32
      %swap3A_268 = arith.index_cast %swap3A_267 : i32 to index
      %swap3A_269 = arith.index_cast %mul3A_72 : i32 to index
      %swap3A_270 = tpu.vector_load %arg20[%swap3A_268, %swap3A_269] {strides = array<i32>} : memref<16x256xi32, #tpu.memory_space<vmem>>, vector<16xi32>,
      tpu.vector_store %arg20[%swap3A_268, %swap3A_269], %min3A_108 {strides = array<i32>} : memref<16x256xi32, #tpu.memory_space<vmem>>, vector<16xi32>,
      %swap3A_271 = arith.constant 9 : i32
      %swap3A_272 = arith.index_cast %swap3A_271 : i32 to index
      %swap3A_273 = arith.index_cast %mul3A_72 : i32 to index
      %swap3A_274 = tpu.vector_load %arg20[%swap3A_272, %swap3A_273] {strides = array<i32>} : memref<16x256xi32, #tpu.memory_space<vmem>>, vector<16xi32>,
      tpu.vector_store %arg20[%swap3A_272, %swap3A_273], %max3A_113 {strides = array<i32>} : memref<16x256xi32, #tpu.memory_space<vmem>>, vector<16xi32>,
      %swap3A_275 = arith.constant 10 : i32
      %swap3A_276 = arith.index_cast %swap3A_275 : i32 to index
      %swap3A_277 = arith.index_cast %mul3A_72 : i32 to index
      %swap3A_278 = tpu.vector_load %arg20[%swap3A_276, %swap3A_277] {strides = array<i32>} : memref<16x256xi32, #tpu.memory_space<vmem>>, vector<16xi32>,
      tpu.vector_store %arg20[%swap3A_276, %swap3A_277], %min3A_121 {strides = array<i32>} : memref<16x256xi32, #tpu.memory_space<vmem>>, vector<16xi32>,
      %swap3A_279 = arith.constant 11 : i32
      %swap3A_280 = arith.index_cast %swap3A_279 : i32 to index
      %swap3A_281 = arith.index_cast %mul3A_72 : i32 to index
      %swap3A_282 = tpu.vector_load %arg20[%swap3A_280, %swap3A_281] {strides = array<i32>} : memref<16x256xi32, #tpu.memory_space<vmem>>, vector<16xi32>,
      tpu.vector_store %arg20[%swap3A_280, %swap3A_281], %shift_left3A_129 {strides = array<i32>} : memref<16x256xi32, #tpu.memory_space<vmem>>, vector<16xi32>,
      %swap3A_283 = arith.constant 12 : i32
      %swap3A_284 = arith.index_cast %swap3A_283 : i32 to index
      %swap3A_285 = arith.index_cast %mul3A_72 : i32 to index
      %swap3A_286 = tpu.vector_load %arg20[%swap3A_284, %swap3A_285] {strides = array<i32>} : memref<16x256xi32, #tpu.memory_space<vmem>>, vector<16xi32>,
      tpu.vector_store %arg20[%swap3A_284, %swap3A_285], %shift_left3A_145 {strides = array<i32>} : memref<16x256xi32, #tpu.memory_space<vmem>>, vector<16xi32>,
      %swap3A_287 = arith.constant 13 : i32
      %swap3A_288 = arith.index_cast %swap3A_287 : i32 to index
      %swap3A_289 = arith.index_cast %mul3A_72 : i32 to index
      %swap3A_290 = tpu.vector_load %arg20[%swap3A_288, %swap3A_289] {strides = array<i32>} : memref<16x256xi32, #tpu.memory_space<vmem>>, vector<16xi32>,
      tpu.vector_store %arg20[%swap3A_288, %swap3A_289], %add3A_159 {strides = array<i32>} : memref<16x256xi32, #tpu.memory_space<vmem>>, vector<16xi32>,
      %swap3A_291 = arith.constant 14 : i32
      %swap3A_292 = arith.index_cast %swap3A_291 : i32 to index
      %swap3A_293 = arith.index_cast %mul3A_72 : i32 to index
      %swap3A_294 = tpu.vector_load %arg20[%swap3A_292, %swap3A_293] {strides = array<i32>} : memref<16x256xi32, #tpu.memory_space<vmem>>, vector<16xi32>,
      tpu.vector_store %arg20[%swap3A_292, %swap3A_293], %select_n3A {strides = array<i32>} : memref<16x256xi32, #tpu.memory_space<vmem>>, vector<16xi32>,
      %broadcast_in_dim3A_295 = arith.constant 0 : i32
      %broadcast_in_dim3A_296 = vector.broadcast %broadcast_in_dim3A_295 : i32 to vector<16xi32>
      %swap3A_297 = arith.constant 15 : i32
      %swap3A_298 = arith.index_cast %swap3A_297 : i32 to index
      %swap3A_299 = arith.index_cast %mul3A_72 : i32 to index
      %swap3A_300 = tpu.vector_load %arg20[%swap3A_298, %swap3A_299] {strides = array<i32>} : memref<16x256xi32, #tpu.memory_space<vmem>>, vector<16xi32>,
      tpu.vector_store %arg20[%swap3A_298, %swap3A_299], %broadcast_in_dim3A_296 {strides = array<i32>} : memref<16x256xi32, #tpu.memory_space<vmem>>, vector<16xi32>,
      %swap3A_301 = arith.constant 0 : i32
      %swap3A_302 = arith.index_cast %swap3A_301 : i32 to index
      %swap3A_303 = arith.index_cast %mul3A_72 : i32 to index
      %swap3A_304 = tpu.vector_load %arg21[%swap3A_302, %swap3A_303] {strides = array<i32>} : memref<2x256xf32, #tpu.memory_space<vmem>>, vector<16xf32>,
      tpu.vector_store %arg21[%swap3A_302, %swap3A_303], %div3A_164 {strides = array<i32>} : memref<2x256xf32, #tpu.memory_space<vmem>>, vector<16xf32>,
      %swap3A_305 = arith.constant 1 : i32
      %swap3A_306 = arith.index_cast %swap3A_305 : i32 to index
      %swap3A_307 = arith.index_cast %mul3A_72 : i32 to index
      %swap3A_308 = tpu.vector_load %arg21[%swap3A_306, %swap3A_307] {strides = array<i32>} : memref<2x256xf32, #tpu.memory_space<vmem>>, vector<16xf32>,
      tpu.vector_store %arg21[%swap3A_306, %swap3A_307], %add3A_235 {strides = array<i32>} : memref<2x256xf32, #tpu.memory_space<vmem>>, vector<16xf32>,
    }
    %scan3A_49 = arith.constant 16 : i32
    "tpu.region"() ({
      %run_scoped3A = tpu.sem_alloc : memref<!tpu.dma_semaphore, #tpu.memory_space<semaphore_mem>>
      %dma_start3A = arith.constant 0 : i32
      %dma_start3A_70 = tpu.memref_slice %arg10[%dma_start3A, %add3A_43] : memref<16x57344xi32, #tpu.memory_space<hbm>> -> memref<16x256xi32, #tpu.memory_space<hbm>>
      %dma_start3A_71 = arith.constant 0 : i32
      %dma_start3A_72 = tpu.memref_slice %arg10[%dma_start3A_71, %add3A_43] : memref<16x57344xi32, #tpu.memory_space<hbm>> -> memref<16x256xi32, #tpu.memory_space<hbm>>
      tpu.enqueue_dma source(%arg20 : memref<16x256xi32, #tpu.memory_space<vmem>>) target(%dma_start3A_72 : memref<16x256xi32, #tpu.memory_space<hbm>>) target_semaphore(%run_scoped3A : memref<!tpu.dma_semaphore, #tpu.memory_space<semaphore_mem>>)
      %dma_wait3A = arith.constant 0 : i32
      %dma_wait3A_73 = tpu.memref_slice %arg10[%dma_wait3A, %add3A_43] : memref<16x57344xi32, #tpu.memory_space<hbm>> -> memref<16x256xi32, #tpu.memory_space<hbm>>
      %dma_wait3A_74 = arith.constant 0 : i32
      %dma_wait3A_75 = tpu.memref_slice %arg10[%dma_wait3A_74, %add3A_43] : memref<16x57344xi32, #tpu.memory_space<hbm>> -> memref<16x256xi32, #tpu.memory_space<hbm>>
      tpu.wait_dma2 semaphore(%run_scoped3A : memref<!tpu.dma_semaphore, #tpu.memory_space<semaphore_mem>>) src(%arg20 : memref<16x256xi32, #tpu.memory_space<vmem>>) dst(%dma_wait3A_75 : memref<16x256xi32, #tpu.memory_space<hbm>>)
      tpu.yield
    }) : () -> ()
    "tpu.region"() ({
      %run_scoped3A = tpu.sem_alloc : memref<!tpu.dma_semaphore, #tpu.memory_space<semaphore_mem>>
      %dma_start3A = arith.constant 0 : i32
      %dma_start3A_70 = tpu.memref_slice %arg11[%dma_start3A, %add3A_43] : memref<2x57344xf32, #tpu.memory_space<hbm>> -> memref<2x256xf32, #tpu.memory_space<hbm>>
      %dma_start3A_71 = arith.constant 0 : i32
      %dma_start3A_72 = tpu.memref_slice %arg11[%dma_start3A_71, %add3A_43] : memref<2x57344xf32, #tpu.memory_space<hbm>> -> memref<2x256xf32, #tpu.memory_space<hbm>>
      tpu.enqueue_dma source(%arg21 : memref<2x256xf32, #tpu.memory_space<vmem>>) target(%dma_start3A_72 : memref<2x256xf32, #tpu.memory_space<hbm>>) target_semaphore(%run_scoped3A : memref<!tpu.dma_semaphore, #tpu.memory_space<semaphore_mem>>)
      %dma_wait3A = arith.constant 0 : i32
      %dma_wait3A_73 = tpu.memref_slice %arg11[%dma_wait3A, %add3A_43] : memref<2x57344xf32, #tpu.memory_space<hbm>> -> memref<2x256xf32, #tpu.memory_space<hbm>>
      %dma_wait3A_74 = arith.constant 0 : i32
      %dma_wait3A_75 = tpu.memref_slice %arg11[%dma_wait3A_74, %add3A_43] : memref<2x57344xf32, #tpu.memory_space<hbm>> -> memref<2x256xf32, #tpu.memory_space<hbm>>
      tpu.wait_dma2 semaphore(%run_scoped3A : memref<!tpu.dma_semaphore, #tpu.memory_space<semaphore_mem>>) src(%arg21 : memref<2x256xf32, #tpu.memory_space<vmem>>) dst(%dma_wait3A_75 : memref<2x256xf32, #tpu.memory_space<hbm>>)
      tpu.yield
    }) : () -> ()
    %mul3A_50 = arith.constant 1792 : i32
    %mul3A_51 = arith.muli %add3A, %mul3A_50 : i32
    %add3A_52 = arith.constant 1280 : i32
    %add3A_53 = arith.addi %mul3A_51, %add3A_52 : i32
    "tpu.region"() ({
      %run_scoped3A = tpu.sem_alloc : memref<!tpu.dma_semaphore, #tpu.memory_space<semaphore_mem>>
      %dma_start3A = tpu.memref_slice %arg7[%add3A_53] : memref<57344xi32, #tpu.memory_space<hbm>> -> memref<256xi32, #tpu.memory_space<hbm>>
      %dma_start3A_70 = tpu.memref_slice %arg7[%add3A_53] : memref<57344xi32, #tpu.memory_space<hbm>> -> memref<256xi32, #tpu.memory_space<hbm>>
      tpu.enqueue_dma source(%dma_start3A_70 : memref<256xi32, #tpu.memory_space<hbm>>) target(%arg17 : memref<256xi32, #tpu.memory_space<vmem>>) target_semaphore(%run_scoped3A : memref<!tpu.dma_semaphore, #tpu.memory_space<semaphore_mem>>)
      %dma_wait3A = tpu.memref_slice %arg7[%add3A_53] : memref<57344xi32, #tpu.memory_space<hbm>> -> memref<256xi32, #tpu.memory_space<hbm>>
      %dma_wait3A_71 = tpu.memref_slice %arg7[%add3A_53] : memref<57344xi32, #tpu.memory_space<hbm>> -> memref<256xi32, #tpu.memory_space<hbm>>
      tpu.wait_dma2 semaphore(%run_scoped3A : memref<!tpu.dma_semaphore, #tpu.memory_space<semaphore_mem>>) src(%dma_wait3A_71 : memref<256xi32, #tpu.memory_space<hbm>>) dst(%arg17 : memref<256xi32, #tpu.memory_space<vmem>>)
      tpu.yield
    }) : () -> ()
    "tpu.region"() ({
      %run_scoped3A = tpu.sem_alloc : memref<!tpu.dma_semaphore, #tpu.memory_space<semaphore_mem>>
      %dma_start3A = tpu.memref_slice %arg8[%add3A_53] : memref<57344xi32, #tpu.memory_space<hbm>> -> memref<256xi32, #tpu.memory_space<hbm>>
      %dma_start3A_70 = tpu.memref_slice %arg8[%add3A_53] : memref<57344xi32, #tpu.memory_space<hbm>> -> memref<256xi32, #tpu.memory_space<hbm>>
      tpu.enqueue_dma source(%dma_start3A_70 : memref<256xi32, #tpu.memory_space<hbm>>) target(%arg18 : memref<256xi32, #tpu.memory_space<vmem>>) target_semaphore(%run_scoped3A : memref<!tpu.dma_semaphore, #tpu.memory_space<semaphore_mem>>)
      %dma_wait3A = tpu.memref_slice %arg8[%add3A_53] : memref<57344xi32, #tpu.memory_space<hbm>> -> memref<256xi32, #tpu.memory_space<hbm>>
      %dma_wait3A_71 = tpu.memref_slice %arg8[%add3A_53] : memref<57344xi32, #tpu.memory_space<hbm>> -> memref<256xi32, #tpu.memory_space<hbm>>
      tpu.wait_dma2 semaphore(%run_scoped3A : memref<!tpu.dma_semaphore, #tpu.memory_space<semaphore_mem>>) src(%dma_wait3A_71 : memref<256xi32, #tpu.memory_space<hbm>>) dst(%arg18 : memref<256xi32, #tpu.memory_space<vmem>>)
      tpu.yield
    }) : () -> ()
    "tpu.region"() ({
      %run_scoped3A = tpu.sem_alloc : memref<!tpu.dma_semaphore, #tpu.memory_space<semaphore_mem>>
      %dma_start3A = tpu.memref_slice %arg9[%add3A_53] : memref<57344xi32, #tpu.memory_space<hbm>> -> memref<256xi32, #tpu.memory_space<hbm>>
      %dma_start3A_70 = tpu.memref_slice %arg9[%add3A_53] : memref<57344xi32, #tpu.memory_space<hbm>> -> memref<256xi32, #tpu.memory_space<hbm>>
      tpu.enqueue_dma source(%dma_start3A_70 : memref<256xi32, #tpu.memory_space<hbm>>) target(%arg19 : memref<256xi32, #tpu.memory_space<vmem>>) target_semaphore(%run_scoped3A : memref<!tpu.dma_semaphore, #tpu.memory_space<semaphore_mem>>)
      %dma_wait3A = tpu.memref_slice %arg9[%add3A_53] : memref<57344xi32, #tpu.memory_space<hbm>> -> memref<256xi32, #tpu.memory_space<hbm>>
      %dma_wait3A_71 = tpu.memref_slice %arg9[%add3A_53] : memref<57344xi32, #tpu.memory_space<hbm>> -> memref<256xi32, #tpu.memory_space<hbm>>
      tpu.wait_dma2 semaphore(%run_scoped3A : memref<!tpu.dma_semaphore, #tpu.memory_space<semaphore_mem>>) src(%dma_wait3A_71 : memref<256xi32, #tpu.memory_space<hbm>>) dst(%arg19 : memref<256xi32, #tpu.memory_space<vmem>>)
      tpu.yield
    }) : () -> ()
    %scan3A_54 = arith.constant 0 : i32
    %scan3A_55 = arith.constant 0 : i32
    %scan3A_56 = arith.constant 16 : i32
    %scan3A_57 = arith.addi %scan3A_55, %scan3A_56 : i32
    %scan3A_58 = arith.constant 1 : i32
    scf.for %scan3A_70 = %scan3A_55 to %scan3A_57 step %scan3A_58  : i32 {
      %mul3A_71 = arith.constant 16 : i32
      %mul3A_72 = arith.muli %scan3A_70, %mul3A_71 : i32
      %get3A = arith.index_cast %mul3A_72 : i32 to index
      %get3A_73 = tpu.vector_load %arg17[%get3A] {strides = array<i32>} : memref<256xi32, #tpu.memory_space<vmem>>, vector<16xi32>,
      %get3A_74 = arith.index_cast %mul3A_72 : i32 to index
      %get3A_75 = tpu.vector_load %arg18[%get3A_74] {strides = array<i32>} : memref<256xi32, #tpu.memory_space<vmem>>, vector<16xi32>,
      %get3A_76 = arith.index_cast %mul3A_72 : i32 to index
      %get3A_77 = tpu.vector_load %arg19[%get3A_76] {strides = array<i32>} : memref<256xi32, #tpu.memory_space<vmem>>, vector<16xi32>,
      %gather3A = tpu.vector_load_idx %arg12[%get3A_73] : memref<20000xi32, #tpu.memory_space<vmem>>[vector<16xi32>], vector<16xi32>,
      %gather3A_78 = tpu.vector_load_idx %arg13[%get3A_73] : memref<20000xi32, #tpu.memory_space<vmem>>[vector<16xi32>], vector<16xi32>,
      %gather3A_79 = tpu.vector_load_idx %arg12[%get3A_75] : memref<20000xi32, #tpu.memory_space<vmem>>[vector<16xi32>], vector<16xi32>,
      %gather3A_80 = tpu.vector_load_idx %arg13[%get3A_75] : memref<20000xi32, #tpu.memory_space<vmem>>[vector<16xi32>], vector<16xi32>,
      %gather3A_81 = tpu.vector_load_idx %arg12[%get3A_77] : memref<20000xi32, #tpu.memory_space<vmem>>[vector<16xi32>], vector<16xi32>,
      %gather3A_82 = tpu.vector_load_idx %arg13[%get3A_77] : memref<20000xi32, #tpu.memory_space<vmem>>[vector<16xi32>], vector<16xi32>,
      %gather3A_83 = tpu.vector_load_idx %arg14[%get3A_73] : memref<20000xf32, #tpu.memory_space<vmem>>[vector<16xi32>], vector<16xf32>,
      %gather3A_84 = tpu.vector_load_idx %arg15[%get3A_73] : memref<20000xf32, #tpu.memory_space<vmem>>[vector<16xi32>], vector<16xf32>,
      %gather3A_85 = tpu.vector_load_idx %arg16[%get3A_73] : memref<20000xf32, #tpu.memory_space<vmem>>[vector<16xi32>], vector<16xf32>,
      %gather3A_86 = tpu.vector_load_idx %arg14[%get3A_75] : memref<20000xf32, #tpu.memory_space<vmem>>[vector<16xi32>], vector<16xf32>,
      %gather3A_87 = tpu.vector_load_idx %arg15[%get3A_75] : memref<20000xf32, #tpu.memory_space<vmem>>[vector<16xi32>], vector<16xf32>,
      %gather3A_88 = tpu.vector_load_idx %arg16[%get3A_75] : memref<20000xf32, #tpu.memory_space<vmem>>[vector<16xi32>], vector<16xf32>,
      %gather3A_89 = tpu.vector_load_idx %arg14[%get3A_77] : memref<20000xf32, #tpu.memory_space<vmem>>[vector<16xi32>], vector<16xf32>,
      %gather3A_90 = tpu.vector_load_idx %arg15[%get3A_77] : memref<20000xf32, #tpu.memory_space<vmem>>[vector<16xi32>], vector<16xf32>,
      %gather3A_91 = tpu.vector_load_idx %arg16[%get3A_77] : memref<20000xf32, #tpu.memory_space<vmem>>[vector<16xi32>], vector<16xf32>,
      %sub3A = arith.subi %gather3A_79, %gather3A : vector<16xi32>
      %sub3A_92 = arith.subi %gather3A_82, %gather3A_78 : vector<16xi32>
      %mul3A_93 = arith.muli %sub3A, %sub3A_92 : vector<16xi32>
      %sub3A_94 = arith.subi %gather3A_81, %gather3A : vector<16xi32>
      %sub3A_95 = arith.subi %gather3A_80, %gather3A_78 : vector<16xi32>
      %mul3A_96 = arith.muli %sub3A_94, %sub3A_95 : vector<16xi32>
      %sub3A_97 = arith.subi %mul3A_93, %mul3A_96 : vector<16xi32>
      %min3A = arith.minsi %gather3A, %gather3A_79 : vector<16xi32>
      %min3A_98 = arith.minsi %min3A, %gather3A_81 : vector<16xi32>
      %max3A = arith.constant 0 : i32
      %max3A_99 = vector.broadcast %max3A : i32 to vector<16xi32>
      %max3A_100 = arith.maxsi %max3A_99, %min3A_98 : vector<16xi32>
      %max3A_101 = arith.maxsi %gather3A, %gather3A_79 : vector<16xi32>
      %max3A_102 = arith.maxsi %max3A_101, %gather3A_81 : vector<16xi32>
      %add3A_103 = arith.constant 1 : i32
      %add3A_104 = vector.broadcast %add3A_103 : i32 to vector<16xi32>
      %add3A_105 = arith.addi %max3A_102, %add3A_104 : vector<16xi32>
      %min3A_106 = arith.constant 499 : i32
      %min3A_107 = vector.broadcast %min3A_106 : i32 to vector<16xi32>
      %min3A_108 = arith.minsi %min3A_107, %add3A_105 : vector<16xi32>
      %min3A_109 = arith.minsi %gather3A_78, %gather3A_80 : vector<16xi32>
      %min3A_110 = arith.minsi %min3A_109, %gather3A_82 : vector<16xi32>
      %max3A_111 = arith.constant 0 : i32
      %max3A_112 = vector.broadcast %max3A_111 : i32 to vector<16xi32>
      %max3A_113 = arith.maxsi %max3A_112, %min3A_110 : vector<16xi32>
      %max3A_114 = arith.maxsi %gather3A_78, %gather3A_80 : vector<16xi32>
      %max3A_115 = arith.maxsi %max3A_114, %gather3A_82 : vector<16xi32>
      %add3A_116 = arith.constant 1 : i32
      %add3A_117 = vector.broadcast %add3A_116 : i32 to vector<16xi32>
      %add3A_118 = arith.addi %max3A_115, %add3A_117 : vector<16xi32>
      %min3A_119 = arith.constant 499 : i32
      %min3A_120 = vector.broadcast %min3A_119 : i32 to vector<16xi32>
      %min3A_121 = arith.minsi %min3A_120, %add3A_118 : vector<16xi32>
      %ne3A = arith.constant 0 : i32
      %ne3A_122 = vector.broadcast %ne3A : i32 to vector<16xi32>
      %ne3A_123 = arith.cmpi ne, %sub3A_97, %ne3A_122 : vector<16xi32>
      %gt3A = arith.cmpi sgt, %min3A_108, %max3A_100 : vector<16xi32>
      %and3A = arith.andi %ne3A_123, %gt3A : vector<16xi1>
      %gt3A_124 = arith.cmpi sgt, %min3A_121, %max3A_113 : vector<16xi32>
      %and3A_125 = arith.andi %and3A, %gt3A_124 : vector<16xi1>
      %shift_right_arithmetic3A = arith.constant 5 : i32
      %shift_right_arithmetic3A_126 = vector.broadcast %shift_right_arithmetic3A : i32 to vector<16xi32>
      %shift_right_arithmetic3A_127 = arith.shrsi %max3A_113, %shift_right_arithmetic3A_126 : vector<16xi32>
      %shift_left3A = arith.constant 5 : i32
      %shift_left3A_128 = vector.broadcast %shift_left3A : i32 to vector<16xi32>
      %shift_left3A_129 = arith.shli %shift_right_arithmetic3A_127, %shift_left3A_128 : vector<16xi32>
      %sub3A_130 = arith.constant 1 : i32
      %sub3A_131 = vector.broadcast %sub3A_130 : i32 to vector<16xi32>
      %sub3A_132 = arith.subi %min3A_121, %sub3A_131 : vector<16xi32>
      %shift_right_arithmetic3A_133 = arith.constant 5 : i32
      %shift_right_arithmetic3A_134 = vector.broadcast %shift_right_arithmetic3A_133 : i32 to vector<16xi32>
      %shift_right_arithmetic3A_135 = arith.shrsi %sub3A_132, %shift_right_arithmetic3A_134 : vector<16xi32>
      %sub3A_136 = arith.subi %shift_right_arithmetic3A_135, %shift_right_arithmetic3A_127 : vector<16xi32>
      %add3A_137 = arith.constant 1 : i32
      %add3A_138 = vector.broadcast %add3A_137 : i32 to vector<16xi32>
      %add3A_139 = arith.addi %sub3A_136, %add3A_138 : vector<16xi32>
      %shift_right_arithmetic3A_140 = arith.constant 7 : i32
      %shift_right_arithmetic3A_141 = vector.broadcast %shift_right_arithmetic3A_140 : i32 to vector<16xi32>
      %shift_right_arithmetic3A_142 = arith.shrsi %max3A_100, %shift_right_arithmetic3A_141 : vector<16xi32>
      %shift_left3A_143 = arith.constant 7 : i32
      %shift_left3A_144 = vector.broadcast %shift_left3A_143 : i32 to vector<16xi32>
      %shift_left3A_145 = arith.shli %shift_right_arithmetic3A_142, %shift_left3A_144 : vector<16xi32>
      %sub3A_146 = arith.constant 1 : i32
      %sub3A_147 = vector.broadcast %sub3A_146 : i32 to vector<16xi32>
      %sub3A_148 = arith.subi %min3A_108, %sub3A_147 : vector<16xi32>
      %shift_right_arithmetic3A_149 = arith.constant 7 : i32
      %shift_right_arithmetic3A_150 = vector.broadcast %shift_right_arithmetic3A_149 : i32 to vector<16xi32>
      %shift_right_arithmetic3A_151 = arith.shrsi %sub3A_148, %shift_right_arithmetic3A_150 : vector<16xi32>
      %sub3A_152 = arith.subi %shift_right_arithmetic3A_151, %shift_right_arithmetic3A_142 : vector<16xi32>
      %add3A_153 = arith.constant 1 : i32
      %add3A_154 = vector.broadcast %add3A_153 : i32 to vector<16xi32>
      %add3A_155 = arith.addi %sub3A_152, %add3A_154 : vector<16xi32>
      %shift_left3A_156 = arith.constant 7 : i32
      %shift_left3A_157 = vector.broadcast %shift_left3A_156 : i32 to vector<16xi32>
      %shift_left3A_158 = arith.shli %add3A_155, %shift_left3A_157 : vector<16xi32>
      %add3A_159 = arith.addi %shift_left3A_145, %shift_left3A_158 : vector<16xi32>
      %mul3A_160 = arith.muli %add3A_139, %add3A_155 : vector<16xi32>
      %jit3A = arith.constant 0 : i32
      %broadcast_in_dim3A = vector.broadcast %jit3A : i32 to vector<16xi32>
      %select_n3A = arith.select %and3A_125, %mul3A_160, %broadcast_in_dim3A : vector<16xi1>, vector<16xi32>
      %add3A_161 = arith.addf %gather3A_85, %gather3A_88 : vector<16xf32>
      %add3A_162 = arith.addf %add3A_161, %gather3A_91 : vector<16xf32>
      %div3A = arith.constant 3.000000e+00 : f32
      %div3A_163 = vector.broadcast %div3A : f32 to vector<16xf32>
      %div3A_164 = arith.divf %add3A_162, %div3A_163 : vector<16xf32>
      %sub3A_165 = arith.subf %gather3A_86, %gather3A_83 : vector<16xf32>
      %sub3A_166 = arith.subf %gather3A_87, %gather3A_84 : vector<16xf32>
      %sub3A_167 = arith.subf %gather3A_88, %gather3A_85 : vector<16xf32>
      %sub3A_168 = arith.subf %gather3A_89, %gather3A_83 : vector<16xf32>
      %sub3A_169 = arith.subf %gather3A_90, %gather3A_84 : vector<16xf32>
      %sub3A_170 = arith.subf %gather3A_91, %gather3A_85 : vector<16xf32>
      %mul3A_171 = arith.mulf %sub3A_166, %sub3A_170 : vector<16xf32>
      %mul3A_172 = arith.mulf %sub3A_167, %sub3A_169 : vector<16xf32>
      %sub3A_173 = arith.subf %mul3A_171, %mul3A_172 : vector<16xf32>
      %mul3A_174 = arith.mulf %sub3A_167, %sub3A_168 : vector<16xf32>
      %mul3A_175 = arith.mulf %sub3A_165, %sub3A_170 : vector<16xf32>
      %sub3A_176 = arith.subf %mul3A_174, %mul3A_175 : vector<16xf32>
      %mul3A_177 = arith.mulf %sub3A_165, %sub3A_169 : vector<16xf32>
      %mul3A_178 = arith.mulf %sub3A_166, %sub3A_168 : vector<16xf32>
      %sub3A_179 = arith.subf %mul3A_177, %mul3A_178 : vector<16xf32>
      %mul3A_180 = arith.mulf %sub3A_173, %sub3A_173 : vector<16xf32>
      %mul3A_181 = arith.mulf %sub3A_176, %sub3A_176 : vector<16xf32>
      %add3A_182 = arith.addf %mul3A_180, %mul3A_181 : vector<16xf32>
      %mul3A_183 = arith.mulf %sub3A_179, %sub3A_179 : vector<16xf32>
      %add3A_184 = arith.addf %add3A_182, %mul3A_183 : vector<16xf32>
      %mul3A_185 = arith.constant 5.000000e-01 : f32
      %mul3A_186 = vector.broadcast %mul3A_185 : f32 to vector<16xf32>
      %mul3A_187 = arith.mulf %mul3A_186, %add3A_184 : vector<16xf32>
      %bitcast3A = vector.bitcast %add3A_184 : vector<16xf32> to vector<16xi32>
      %shift_right_arithmetic3A_188 = arith.constant 1 : i32
      %shift_right_arithmetic3A_189 = vector.broadcast %shift_right_arithmetic3A_188 : i32 to vector<16xi32>
      %shift_right_arithmetic3A_190 = arith.shrsi %bitcast3A, %shift_right_arithmetic3A_189 : vector<16xi32>
      %sub3A_191 = arith.constant 1597463007 : i32
      %sub3A_192 = vector.broadcast %sub3A_191 : i32 to vector<16xi32>
      %sub3A_193 = arith.subi %sub3A_192, %shift_right_arithmetic3A_190 : vector<16xi32>
      %bitcast3A_194 = vector.bitcast %sub3A_193 : vector<16xi32> to vector<16xf32>
      %mul3A_195 = arith.mulf %mul3A_187, %bitcast3A_194 : vector<16xf32>
      %mul3A_196 = arith.mulf %mul3A_195, %bitcast3A_194 : vector<16xf32>
      %sub3A_197 = arith.constant 1.500000e+00 : f32
      %sub3A_198 = vector.broadcast %sub3A_197 : f32 to vector<16xf32>
      %sub3A_199 = arith.subf %sub3A_198, %mul3A_196 : vector<16xf32>
      %mul3A_200 = arith.mulf %bitcast3A_194, %sub3A_199 : vector<16xf32>
      %mul3A_201 = arith.mulf %mul3A_187, %mul3A_200 : vector<16xf32>
      %mul3A_202 = arith.mulf %mul3A_201, %mul3A_200 : vector<16xf32>
      %sub3A_203 = arith.constant 1.500000e+00 : f32
      %sub3A_204 = vector.broadcast %sub3A_203 : f32 to vector<16xf32>
      %sub3A_205 = arith.subf %sub3A_204, %mul3A_202 : vector<16xf32>
      %mul3A_206 = arith.mulf %mul3A_200, %sub3A_205 : vector<16xf32>
      %mul3A_207 = arith.mulf %mul3A_187, %mul3A_206 : vector<16xf32>
      %mul3A_208 = arith.mulf %mul3A_207, %mul3A_206 : vector<16xf32>
      %sub3A_209 = arith.constant 1.500000e+00 : f32
      %sub3A_210 = vector.broadcast %sub3A_209 : f32 to vector<16xf32>
      %sub3A_211 = arith.subf %sub3A_210, %mul3A_208 : vector<16xf32>
      %mul3A_212 = arith.mulf %mul3A_206, %sub3A_211 : vector<16xf32>
      %gt3A_213 = arith.constant 0.000000e+00 : f32
      %gt3A_214 = vector.broadcast %gt3A_213 : f32 to vector<16xf32>
      %gt3A_215 = arith.cmpf ogt, %add3A_184, %gt3A_214 : vector<16xf32>
      %mul3A_216 = arith.mulf %add3A_184, %mul3A_212 : vector<16xf32>
      %jit3A_217 = arith.constant 0.000000e+00 : f32
      %broadcast_in_dim3A_218 = vector.broadcast %jit3A_217 : f32 to vector<16xf32>
      %select_n3A_219 = arith.select %gt3A_215, %mul3A_216, %broadcast_in_dim3A_218 : vector<16xi1>, vector<16xf32>
      %add3A_220 = arith.constant 9.99999993E-9 : f32
      %add3A_221 = vector.broadcast %add3A_220 : f32 to vector<16xf32>
      %add3A_222 = arith.addf %select_n3A_219, %add3A_221 : vector<16xf32>
      %div3A_223 = arith.divf %sub3A_179, %add3A_222 : vector<16xf32>
      %jit3A_224 = arith.constant 0.000000e+00 : f32
      %jit3A_225 = arith.constant 1.000000e+00 : f32
      %max3A_226 = vector.broadcast %jit3A_224 : f32 to vector<16xf32>
      %max3A_227 = arith.maximumf %max3A_226, %div3A_223 : vector<16xf32>
      %min3A_228 = vector.broadcast %jit3A_225 : f32 to vector<16xf32>
      %min3A_229 = arith.minimumf %min3A_228, %max3A_227 : vector<16xf32>
      %mul3A_230 = arith.constant 1.800000e+02 : f32
      %mul3A_231 = vector.broadcast %mul3A_230 : f32 to vector<16xf32>
      %mul3A_232 = arith.mulf %min3A_229, %mul3A_231 : vector<16xf32>
      %add3A_233 = arith.constant 7.500000e+01 : f32
      %add3A_234 = vector.broadcast %add3A_233 : f32 to vector<16xf32>
      %add3A_235 = arith.addf %mul3A_232, %add3A_234 : vector<16xf32>
      %swap3A = arith.constant 0 : i32
      %swap3A_236 = arith.index_cast %swap3A : i32 to index
      %swap3A_237 = arith.index_cast %mul3A_72 : i32 to index
      %swap3A_238 = tpu.vector_load %arg20[%swap3A_236, %swap3A_237] {strides = array<i32>} : memref<16x256xi32, #tpu.memory_space<vmem>>, vector<16xi32>,
      tpu.vector_store %arg20[%swap3A_236, %swap3A_237], %gather3A {strides = array<i32>} : memref<16x256xi32, #tpu.memory_space<vmem>>, vector<16xi32>,
      %swap3A_239 = arith.constant 1 : i32
      %swap3A_240 = arith.index_cast %swap3A_239 : i32 to index
      %swap3A_241 = arith.index_cast %mul3A_72 : i32 to index
      %swap3A_242 = tpu.vector_load %arg20[%swap3A_240, %swap3A_241] {strides = array<i32>} : memref<16x256xi32, #tpu.memory_space<vmem>>, vector<16xi32>,
      tpu.vector_store %arg20[%swap3A_240, %swap3A_241], %gather3A_78 {strides = array<i32>} : memref<16x256xi32, #tpu.memory_space<vmem>>, vector<16xi32>,
      %swap3A_243 = arith.constant 2 : i32
      %swap3A_244 = arith.index_cast %swap3A_243 : i32 to index
      %swap3A_245 = arith.index_cast %mul3A_72 : i32 to index
      %swap3A_246 = tpu.vector_load %arg20[%swap3A_244, %swap3A_245] {strides = array<i32>} : memref<16x256xi32, #tpu.memory_space<vmem>>, vector<16xi32>,
      tpu.vector_store %arg20[%swap3A_244, %swap3A_245], %gather3A_79 {strides = array<i32>} : memref<16x256xi32, #tpu.memory_space<vmem>>, vector<16xi32>,
      %swap3A_247 = arith.constant 3 : i32
      %swap3A_248 = arith.index_cast %swap3A_247 : i32 to index
      %swap3A_249 = arith.index_cast %mul3A_72 : i32 to index
      %swap3A_250 = tpu.vector_load %arg20[%swap3A_248, %swap3A_249] {strides = array<i32>} : memref<16x256xi32, #tpu.memory_space<vmem>>, vector<16xi32>,
      tpu.vector_store %arg20[%swap3A_248, %swap3A_249], %gather3A_80 {strides = array<i32>} : memref<16x256xi32, #tpu.memory_space<vmem>>, vector<16xi32>,
      %swap3A_251 = arith.constant 4 : i32
      %swap3A_252 = arith.index_cast %swap3A_251 : i32 to index
      %swap3A_253 = arith.index_cast %mul3A_72 : i32 to index
      %swap3A_254 = tpu.vector_load %arg20[%swap3A_252, %swap3A_253] {strides = array<i32>} : memref<16x256xi32, #tpu.memory_space<vmem>>, vector<16xi32>,
      tpu.vector_store %arg20[%swap3A_252, %swap3A_253], %gather3A_81 {strides = array<i32>} : memref<16x256xi32, #tpu.memory_space<vmem>>, vector<16xi32>,
      %swap3A_255 = arith.constant 5 : i32
      %swap3A_256 = arith.index_cast %swap3A_255 : i32 to index
      %swap3A_257 = arith.index_cast %mul3A_72 : i32 to index
      %swap3A_258 = tpu.vector_load %arg20[%swap3A_256, %swap3A_257] {strides = array<i32>} : memref<16x256xi32, #tpu.memory_space<vmem>>, vector<16xi32>,
      tpu.vector_store %arg20[%swap3A_256, %swap3A_257], %gather3A_82 {strides = array<i32>} : memref<16x256xi32, #tpu.memory_space<vmem>>, vector<16xi32>,
      %abs3A = math.absi %sub3A_97 : vector<16xi32>
      %swap3A_259 = arith.constant 6 : i32
      %swap3A_260 = arith.index_cast %swap3A_259 : i32 to index
      %swap3A_261 = arith.index_cast %mul3A_72 : i32 to index
      %swap3A_262 = tpu.vector_load %arg20[%swap3A_260, %swap3A_261] {strides = array<i32>} : memref<16x256xi32, #tpu.memory_space<vmem>>, vector<16xi32>,
      tpu.vector_store %arg20[%swap3A_260, %swap3A_261], %abs3A {strides = array<i32>} : memref<16x256xi32, #tpu.memory_space<vmem>>, vector<16xi32>,
      %swap3A_263 = arith.constant 7 : i32
      %swap3A_264 = arith.index_cast %swap3A_263 : i32 to index
      %swap3A_265 = arith.index_cast %mul3A_72 : i32 to index
      %swap3A_266 = tpu.vector_load %arg20[%swap3A_264, %swap3A_265] {strides = array<i32>} : memref<16x256xi32, #tpu.memory_space<vmem>>, vector<16xi32>,
      tpu.vector_store %arg20[%swap3A_264, %swap3A_265], %max3A_100 {strides = array<i32>} : memref<16x256xi32, #tpu.memory_space<vmem>>, vector<16xi32>,
      %swap3A_267 = arith.constant 8 : i32
      %swap3A_268 = arith.index_cast %swap3A_267 : i32 to index
      %swap3A_269 = arith.index_cast %mul3A_72 : i32 to index
      %swap3A_270 = tpu.vector_load %arg20[%swap3A_268, %swap3A_269] {strides = array<i32>} : memref<16x256xi32, #tpu.memory_space<vmem>>, vector<16xi32>,
      tpu.vector_store %arg20[%swap3A_268, %swap3A_269], %min3A_108 {strides = array<i32>} : memref<16x256xi32, #tpu.memory_space<vmem>>, vector<16xi32>,
      %swap3A_271 = arith.constant 9 : i32
      %swap3A_272 = arith.index_cast %swap3A_271 : i32 to index
      %swap3A_273 = arith.index_cast %mul3A_72 : i32 to index
      %swap3A_274 = tpu.vector_load %arg20[%swap3A_272, %swap3A_273] {strides = array<i32>} : memref<16x256xi32, #tpu.memory_space<vmem>>, vector<16xi32>,
      tpu.vector_store %arg20[%swap3A_272, %swap3A_273], %max3A_113 {strides = array<i32>} : memref<16x256xi32, #tpu.memory_space<vmem>>, vector<16xi32>,
      %swap3A_275 = arith.constant 10 : i32
      %swap3A_276 = arith.index_cast %swap3A_275 : i32 to index
      %swap3A_277 = arith.index_cast %mul3A_72 : i32 to index
      %swap3A_278 = tpu.vector_load %arg20[%swap3A_276, %swap3A_277] {strides = array<i32>} : memref<16x256xi32, #tpu.memory_space<vmem>>, vector<16xi32>,
      tpu.vector_store %arg20[%swap3A_276, %swap3A_277], %min3A_121 {strides = array<i32>} : memref<16x256xi32, #tpu.memory_space<vmem>>, vector<16xi32>,
      %swap3A_279 = arith.constant 11 : i32
      %swap3A_280 = arith.index_cast %swap3A_279 : i32 to index
      %swap3A_281 = arith.index_cast %mul3A_72 : i32 to index
      %swap3A_282 = tpu.vector_load %arg20[%swap3A_280, %swap3A_281] {strides = array<i32>} : memref<16x256xi32, #tpu.memory_space<vmem>>, vector<16xi32>,
      tpu.vector_store %arg20[%swap3A_280, %swap3A_281], %shift_left3A_129 {strides = array<i32>} : memref<16x256xi32, #tpu.memory_space<vmem>>, vector<16xi32>,
      %swap3A_283 = arith.constant 12 : i32
      %swap3A_284 = arith.index_cast %swap3A_283 : i32 to index
      %swap3A_285 = arith.index_cast %mul3A_72 : i32 to index
      %swap3A_286 = tpu.vector_load %arg20[%swap3A_284, %swap3A_285] {strides = array<i32>} : memref<16x256xi32, #tpu.memory_space<vmem>>, vector<16xi32>,
      tpu.vector_store %arg20[%swap3A_284, %swap3A_285], %shift_left3A_145 {strides = array<i32>} : memref<16x256xi32, #tpu.memory_space<vmem>>, vector<16xi32>,
      %swap3A_287 = arith.constant 13 : i32
      %swap3A_288 = arith.index_cast %swap3A_287 : i32 to index
      %swap3A_289 = arith.index_cast %mul3A_72 : i32 to index
      %swap3A_290 = tpu.vector_load %arg20[%swap3A_288, %swap3A_289] {strides = array<i32>} : memref<16x256xi32, #tpu.memory_space<vmem>>, vector<16xi32>,
      tpu.vector_store %arg20[%swap3A_288, %swap3A_289], %add3A_159 {strides = array<i32>} : memref<16x256xi32, #tpu.memory_space<vmem>>, vector<16xi32>,
      %swap3A_291 = arith.constant 14 : i32
      %swap3A_292 = arith.index_cast %swap3A_291 : i32 to index
      %swap3A_293 = arith.index_cast %mul3A_72 : i32 to index
      %swap3A_294 = tpu.vector_load %arg20[%swap3A_292, %swap3A_293] {strides = array<i32>} : memref<16x256xi32, #tpu.memory_space<vmem>>, vector<16xi32>,
      tpu.vector_store %arg20[%swap3A_292, %swap3A_293], %select_n3A {strides = array<i32>} : memref<16x256xi32, #tpu.memory_space<vmem>>, vector<16xi32>,
      %broadcast_in_dim3A_295 = arith.constant 0 : i32
      %broadcast_in_dim3A_296 = vector.broadcast %broadcast_in_dim3A_295 : i32 to vector<16xi32>
      %swap3A_297 = arith.constant 15 : i32
      %swap3A_298 = arith.index_cast %swap3A_297 : i32 to index
      %swap3A_299 = arith.index_cast %mul3A_72 : i32 to index
      %swap3A_300 = tpu.vector_load %arg20[%swap3A_298, %swap3A_299] {strides = array<i32>} : memref<16x256xi32, #tpu.memory_space<vmem>>, vector<16xi32>,
      tpu.vector_store %arg20[%swap3A_298, %swap3A_299], %broadcast_in_dim3A_296 {strides = array<i32>} : memref<16x256xi32, #tpu.memory_space<vmem>>, vector<16xi32>,
      %swap3A_301 = arith.constant 0 : i32
      %swap3A_302 = arith.index_cast %swap3A_301 : i32 to index
      %swap3A_303 = arith.index_cast %mul3A_72 : i32 to index
      %swap3A_304 = tpu.vector_load %arg21[%swap3A_302, %swap3A_303] {strides = array<i32>} : memref<2x256xf32, #tpu.memory_space<vmem>>, vector<16xf32>,
      tpu.vector_store %arg21[%swap3A_302, %swap3A_303], %div3A_164 {strides = array<i32>} : memref<2x256xf32, #tpu.memory_space<vmem>>, vector<16xf32>,
      %swap3A_305 = arith.constant 1 : i32
      %swap3A_306 = arith.index_cast %swap3A_305 : i32 to index
      %swap3A_307 = arith.index_cast %mul3A_72 : i32 to index
      %swap3A_308 = tpu.vector_load %arg21[%swap3A_306, %swap3A_307] {strides = array<i32>} : memref<2x256xf32, #tpu.memory_space<vmem>>, vector<16xf32>,
      tpu.vector_store %arg21[%swap3A_306, %swap3A_307], %add3A_235 {strides = array<i32>} : memref<2x256xf32, #tpu.memory_space<vmem>>, vector<16xf32>,
    }
    %scan3A_59 = arith.constant 16 : i32
    "tpu.region"() ({
      %run_scoped3A = tpu.sem_alloc : memref<!tpu.dma_semaphore, #tpu.memory_space<semaphore_mem>>
      %dma_start3A = arith.constant 0 : i32
      %dma_start3A_70 = tpu.memref_slice %arg10[%dma_start3A, %add3A_53] : memref<16x57344xi32, #tpu.memory_space<hbm>> -> memref<16x256xi32, #tpu.memory_space<hbm>>
      %dma_start3A_71 = arith.constant 0 : i32
      %dma_start3A_72 = tpu.memref_slice %arg10[%dma_start3A_71, %add3A_53] : memref<16x57344xi32, #tpu.memory_space<hbm>> -> memref<16x256xi32, #tpu.memory_space<hbm>>
      tpu.enqueue_dma source(%arg20 : memref<16x256xi32, #tpu.memory_space<vmem>>) target(%dma_start3A_72 : memref<16x256xi32, #tpu.memory_space<hbm>>) target_semaphore(%run_scoped3A : memref<!tpu.dma_semaphore, #tpu.memory_space<semaphore_mem>>)
      %dma_wait3A = arith.constant 0 : i32
      %dma_wait3A_73 = tpu.memref_slice %arg10[%dma_wait3A, %add3A_53] : memref<16x57344xi32, #tpu.memory_space<hbm>> -> memref<16x256xi32, #tpu.memory_space<hbm>>
      %dma_wait3A_74 = arith.constant 0 : i32
      %dma_wait3A_75 = tpu.memref_slice %arg10[%dma_wait3A_74, %add3A_53] : memref<16x57344xi32, #tpu.memory_space<hbm>> -> memref<16x256xi32, #tpu.memory_space<hbm>>
      tpu.wait_dma2 semaphore(%run_scoped3A : memref<!tpu.dma_semaphore, #tpu.memory_space<semaphore_mem>>) src(%arg20 : memref<16x256xi32, #tpu.memory_space<vmem>>) dst(%dma_wait3A_75 : memref<16x256xi32, #tpu.memory_space<hbm>>)
      tpu.yield
    }) : () -> ()
    "tpu.region"() ({
      %run_scoped3A = tpu.sem_alloc : memref<!tpu.dma_semaphore, #tpu.memory_space<semaphore_mem>>
      %dma_start3A = arith.constant 0 : i32
      %dma_start3A_70 = tpu.memref_slice %arg11[%dma_start3A, %add3A_53] : memref<2x57344xf32, #tpu.memory_space<hbm>> -> memref<2x256xf32, #tpu.memory_space<hbm>>
      %dma_start3A_71 = arith.constant 0 : i32
      %dma_start3A_72 = tpu.memref_slice %arg11[%dma_start3A_71, %add3A_53] : memref<2x57344xf32, #tpu.memory_space<hbm>> -> memref<2x256xf32, #tpu.memory_space<hbm>>
      tpu.enqueue_dma source(%arg21 : memref<2x256xf32, #tpu.memory_space<vmem>>) target(%dma_start3A_72 : memref<2x256xf32, #tpu.memory_space<hbm>>) target_semaphore(%run_scoped3A : memref<!tpu.dma_semaphore, #tpu.memory_space<semaphore_mem>>)
      %dma_wait3A = arith.constant 0 : i32
      %dma_wait3A_73 = tpu.memref_slice %arg11[%dma_wait3A, %add3A_53] : memref<2x57344xf32, #tpu.memory_space<hbm>> -> memref<2x256xf32, #tpu.memory_space<hbm>>
      %dma_wait3A_74 = arith.constant 0 : i32
      %dma_wait3A_75 = tpu.memref_slice %arg11[%dma_wait3A_74, %add3A_53] : memref<2x57344xf32, #tpu.memory_space<hbm>> -> memref<2x256xf32, #tpu.memory_space<hbm>>
      tpu.wait_dma2 semaphore(%run_scoped3A : memref<!tpu.dma_semaphore, #tpu.memory_space<semaphore_mem>>) src(%arg21 : memref<2x256xf32, #tpu.memory_space<vmem>>) dst(%dma_wait3A_75 : memref<2x256xf32, #tpu.memory_space<hbm>>)
      tpu.yield
    }) : () -> ()
    %mul3A_60 = arith.constant 1792 : i32
    %mul3A_61 = arith.muli %add3A, %mul3A_60 : i32
    %add3A_62 = arith.constant 1536 : i32
    %add3A_63 = arith.addi %mul3A_61, %add3A_62 : i32
    "tpu.region"() ({
      %run_scoped3A = tpu.sem_alloc : memref<!tpu.dma_semaphore, #tpu.memory_space<semaphore_mem>>
      %dma_start3A = tpu.memref_slice %arg7[%add3A_63] : memref<57344xi32, #tpu.memory_space<hbm>> -> memref<256xi32, #tpu.memory_space<hbm>>
      %dma_start3A_70 = tpu.memref_slice %arg7[%add3A_63] : memref<57344xi32, #tpu.memory_space<hbm>> -> memref<256xi32, #tpu.memory_space<hbm>>
      tpu.enqueue_dma source(%dma_start3A_70 : memref<256xi32, #tpu.memory_space<hbm>>) target(%arg17 : memref<256xi32, #tpu.memory_space<vmem>>) target_semaphore(%run_scoped3A : memref<!tpu.dma_semaphore, #tpu.memory_space<semaphore_mem>>)
      %dma_wait3A = tpu.memref_slice %arg7[%add3A_63] : memref<57344xi32, #tpu.memory_space<hbm>> -> memref<256xi32, #tpu.memory_space<hbm>>
      %dma_wait3A_71 = tpu.memref_slice %arg7[%add3A_63] : memref<57344xi32, #tpu.memory_space<hbm>> -> memref<256xi32, #tpu.memory_space<hbm>>
      tpu.wait_dma2 semaphore(%run_scoped3A : memref<!tpu.dma_semaphore, #tpu.memory_space<semaphore_mem>>) src(%dma_wait3A_71 : memref<256xi32, #tpu.memory_space<hbm>>) dst(%arg17 : memref<256xi32, #tpu.memory_space<vmem>>)
      tpu.yield
    }) : () -> ()
    "tpu.region"() ({
      %run_scoped3A = tpu.sem_alloc : memref<!tpu.dma_semaphore, #tpu.memory_space<semaphore_mem>>
      %dma_start3A = tpu.memref_slice %arg8[%add3A_63] : memref<57344xi32, #tpu.memory_space<hbm>> -> memref<256xi32, #tpu.memory_space<hbm>>
      %dma_start3A_70 = tpu.memref_slice %arg8[%add3A_63] : memref<57344xi32, #tpu.memory_space<hbm>> -> memref<256xi32, #tpu.memory_space<hbm>>
      tpu.enqueue_dma source(%dma_start3A_70 : memref<256xi32, #tpu.memory_space<hbm>>) target(%arg18 : memref<256xi32, #tpu.memory_space<vmem>>) target_semaphore(%run_scoped3A : memref<!tpu.dma_semaphore, #tpu.memory_space<semaphore_mem>>)
      %dma_wait3A = tpu.memref_slice %arg8[%add3A_63] : memref<57344xi32, #tpu.memory_space<hbm>> -> memref<256xi32, #tpu.memory_space<hbm>>
      %dma_wait3A_71 = tpu.memref_slice %arg8[%add3A_63] : memref<57344xi32, #tpu.memory_space<hbm>> -> memref<256xi32, #tpu.memory_space<hbm>>
      tpu.wait_dma2 semaphore(%run_scoped3A : memref<!tpu.dma_semaphore, #tpu.memory_space<semaphore_mem>>) src(%dma_wait3A_71 : memref<256xi32, #tpu.memory_space<hbm>>) dst(%arg18 : memref<256xi32, #tpu.memory_space<vmem>>)
      tpu.yield
    }) : () -> ()
    "tpu.region"() ({
      %run_scoped3A = tpu.sem_alloc : memref<!tpu.dma_semaphore, #tpu.memory_space<semaphore_mem>>
      %dma_start3A = tpu.memref_slice %arg9[%add3A_63] : memref<57344xi32, #tpu.memory_space<hbm>> -> memref<256xi32, #tpu.memory_space<hbm>>
      %dma_start3A_70 = tpu.memref_slice %arg9[%add3A_63] : memref<57344xi32, #tpu.memory_space<hbm>> -> memref<256xi32, #tpu.memory_space<hbm>>
      tpu.enqueue_dma source(%dma_start3A_70 : memref<256xi32, #tpu.memory_space<hbm>>) target(%arg19 : memref<256xi32, #tpu.memory_space<vmem>>) target_semaphore(%run_scoped3A : memref<!tpu.dma_semaphore, #tpu.memory_space<semaphore_mem>>)
      %dma_wait3A = tpu.memref_slice %arg9[%add3A_63] : memref<57344xi32, #tpu.memory_space<hbm>> -> memref<256xi32, #tpu.memory_space<hbm>>
      %dma_wait3A_71 = tpu.memref_slice %arg9[%add3A_63] : memref<57344xi32, #tpu.memory_space<hbm>> -> memref<256xi32, #tpu.memory_space<hbm>>
      tpu.wait_dma2 semaphore(%run_scoped3A : memref<!tpu.dma_semaphore, #tpu.memory_space<semaphore_mem>>) src(%dma_wait3A_71 : memref<256xi32, #tpu.memory_space<hbm>>) dst(%arg19 : memref<256xi32, #tpu.memory_space<vmem>>)
      tpu.yield
    }) : () -> ()
    %scan3A_64 = arith.constant 0 : i32
    %scan3A_65 = arith.constant 0 : i32
    %scan3A_66 = arith.constant 16 : i32
    %scan3A_67 = arith.addi %scan3A_65, %scan3A_66 : i32
    %scan3A_68 = arith.constant 1 : i32
    scf.for %scan3A_70 = %scan3A_65 to %scan3A_67 step %scan3A_68  : i32 {
      %mul3A_71 = arith.constant 16 : i32
      %mul3A_72 = arith.muli %scan3A_70, %mul3A_71 : i32
      %get3A = arith.index_cast %mul3A_72 : i32 to index
      %get3A_73 = tpu.vector_load %arg17[%get3A] {strides = array<i32>} : memref<256xi32, #tpu.memory_space<vmem>>, vector<16xi32>,
      %get3A_74 = arith.index_cast %mul3A_72 : i32 to index
      %get3A_75 = tpu.vector_load %arg18[%get3A_74] {strides = array<i32>} : memref<256xi32, #tpu.memory_space<vmem>>, vector<16xi32>,
      %get3A_76 = arith.index_cast %mul3A_72 : i32 to index
      %get3A_77 = tpu.vector_load %arg19[%get3A_76] {strides = array<i32>} : memref<256xi32, #tpu.memory_space<vmem>>, vector<16xi32>,
      %gather3A = tpu.vector_load_idx %arg12[%get3A_73] : memref<20000xi32, #tpu.memory_space<vmem>>[vector<16xi32>], vector<16xi32>,
      %gather3A_78 = tpu.vector_load_idx %arg13[%get3A_73] : memref<20000xi32, #tpu.memory_space<vmem>>[vector<16xi32>], vector<16xi32>,
      %gather3A_79 = tpu.vector_load_idx %arg12[%get3A_75] : memref<20000xi32, #tpu.memory_space<vmem>>[vector<16xi32>], vector<16xi32>,
      %gather3A_80 = tpu.vector_load_idx %arg13[%get3A_75] : memref<20000xi32, #tpu.memory_space<vmem>>[vector<16xi32>], vector<16xi32>,
      %gather3A_81 = tpu.vector_load_idx %arg12[%get3A_77] : memref<20000xi32, #tpu.memory_space<vmem>>[vector<16xi32>], vector<16xi32>,
      %gather3A_82 = tpu.vector_load_idx %arg13[%get3A_77] : memref<20000xi32, #tpu.memory_space<vmem>>[vector<16xi32>], vector<16xi32>,
      %gather3A_83 = tpu.vector_load_idx %arg14[%get3A_73] : memref<20000xf32, #tpu.memory_space<vmem>>[vector<16xi32>], vector<16xf32>,
      %gather3A_84 = tpu.vector_load_idx %arg15[%get3A_73] : memref<20000xf32, #tpu.memory_space<vmem>>[vector<16xi32>], vector<16xf32>,
      %gather3A_85 = tpu.vector_load_idx %arg16[%get3A_73] : memref<20000xf32, #tpu.memory_space<vmem>>[vector<16xi32>], vector<16xf32>,
      %gather3A_86 = tpu.vector_load_idx %arg14[%get3A_75] : memref<20000xf32, #tpu.memory_space<vmem>>[vector<16xi32>], vector<16xf32>,
      %gather3A_87 = tpu.vector_load_idx %arg15[%get3A_75] : memref<20000xf32, #tpu.memory_space<vmem>>[vector<16xi32>], vector<16xf32>,
      %gather3A_88 = tpu.vector_load_idx %arg16[%get3A_75] : memref<20000xf32, #tpu.memory_space<vmem>>[vector<16xi32>], vector<16xf32>,
      %gather3A_89 = tpu.vector_load_idx %arg14[%get3A_77] : memref<20000xf32, #tpu.memory_space<vmem>>[vector<16xi32>], vector<16xf32>,
      %gather3A_90 = tpu.vector_load_idx %arg15[%get3A_77] : memref<20000xf32, #tpu.memory_space<vmem>>[vector<16xi32>], vector<16xf32>,
      %gather3A_91 = tpu.vector_load_idx %arg16[%get3A_77] : memref<20000xf32, #tpu.memory_space<vmem>>[vector<16xi32>], vector<16xf32>,
      %sub3A = arith.subi %gather3A_79, %gather3A : vector<16xi32>
      %sub3A_92 = arith.subi %gather3A_82, %gather3A_78 : vector<16xi32>
      %mul3A_93 = arith.muli %sub3A, %sub3A_92 : vector<16xi32>
      %sub3A_94 = arith.subi %gather3A_81, %gather3A : vector<16xi32>
      %sub3A_95 = arith.subi %gather3A_80, %gather3A_78 : vector<16xi32>
      %mul3A_96 = arith.muli %sub3A_94, %sub3A_95 : vector<16xi32>
      %sub3A_97 = arith.subi %mul3A_93, %mul3A_96 : vector<16xi32>
      %min3A = arith.minsi %gather3A, %gather3A_79 : vector<16xi32>
      %min3A_98 = arith.minsi %min3A, %gather3A_81 : vector<16xi32>
      %max3A = arith.constant 0 : i32
      %max3A_99 = vector.broadcast %max3A : i32 to vector<16xi32>
      %max3A_100 = arith.maxsi %max3A_99, %min3A_98 : vector<16xi32>
      %max3A_101 = arith.maxsi %gather3A, %gather3A_79 : vector<16xi32>
      %max3A_102 = arith.maxsi %max3A_101, %gather3A_81 : vector<16xi32>
      %add3A_103 = arith.constant 1 : i32
      %add3A_104 = vector.broadcast %add3A_103 : i32 to vector<16xi32>
      %add3A_105 = arith.addi %max3A_102, %add3A_104 : vector<16xi32>
      %min3A_106 = arith.constant 499 : i32
      %min3A_107 = vector.broadcast %min3A_106 : i32 to vector<16xi32>
      %min3A_108 = arith.minsi %min3A_107, %add3A_105 : vector<16xi32>
      %min3A_109 = arith.minsi %gather3A_78, %gather3A_80 : vector<16xi32>
      %min3A_110 = arith.minsi %min3A_109, %gather3A_82 : vector<16xi32>
      %max3A_111 = arith.constant 0 : i32
      %max3A_112 = vector.broadcast %max3A_111 : i32 to vector<16xi32>
      %max3A_113 = arith.maxsi %max3A_112, %min3A_110 : vector<16xi32>
      %max3A_114 = arith.maxsi %gather3A_78, %gather3A_80 : vector<16xi32>
      %max3A_115 = arith.maxsi %max3A_114, %gather3A_82 : vector<16xi32>
      %add3A_116 = arith.constant 1 : i32
      %add3A_117 = vector.broadcast %add3A_116 : i32 to vector<16xi32>
      %add3A_118 = arith.addi %max3A_115, %add3A_117 : vector<16xi32>
      %min3A_119 = arith.constant 499 : i32
      %min3A_120 = vector.broadcast %min3A_119 : i32 to vector<16xi32>
      %min3A_121 = arith.minsi %min3A_120, %add3A_118 : vector<16xi32>
      %ne3A = arith.constant 0 : i32
      %ne3A_122 = vector.broadcast %ne3A : i32 to vector<16xi32>
      %ne3A_123 = arith.cmpi ne, %sub3A_97, %ne3A_122 : vector<16xi32>
      %gt3A = arith.cmpi sgt, %min3A_108, %max3A_100 : vector<16xi32>
      %and3A = arith.andi %ne3A_123, %gt3A : vector<16xi1>
      %gt3A_124 = arith.cmpi sgt, %min3A_121, %max3A_113 : vector<16xi32>
      %and3A_125 = arith.andi %and3A, %gt3A_124 : vector<16xi1>
      %shift_right_arithmetic3A = arith.constant 5 : i32
      %shift_right_arithmetic3A_126 = vector.broadcast %shift_right_arithmetic3A : i32 to vector<16xi32>
      %shift_right_arithmetic3A_127 = arith.shrsi %max3A_113, %shift_right_arithmetic3A_126 : vector<16xi32>
      %shift_left3A = arith.constant 5 : i32
      %shift_left3A_128 = vector.broadcast %shift_left3A : i32 to vector<16xi32>
      %shift_left3A_129 = arith.shli %shift_right_arithmetic3A_127, %shift_left3A_128 : vector<16xi32>
      %sub3A_130 = arith.constant 1 : i32
      %sub3A_131 = vector.broadcast %sub3A_130 : i32 to vector<16xi32>
      %sub3A_132 = arith.subi %min3A_121, %sub3A_131 : vector<16xi32>
      %shift_right_arithmetic3A_133 = arith.constant 5 : i32
      %shift_right_arithmetic3A_134 = vector.broadcast %shift_right_arithmetic3A_133 : i32 to vector<16xi32>
      %shift_right_arithmetic3A_135 = arith.shrsi %sub3A_132, %shift_right_arithmetic3A_134 : vector<16xi32>
      %sub3A_136 = arith.subi %shift_right_arithmetic3A_135, %shift_right_arithmetic3A_127 : vector<16xi32>
      %add3A_137 = arith.constant 1 : i32
      %add3A_138 = vector.broadcast %add3A_137 : i32 to vector<16xi32>
      %add3A_139 = arith.addi %sub3A_136, %add3A_138 : vector<16xi32>
      %shift_right_arithmetic3A_140 = arith.constant 7 : i32
      %shift_right_arithmetic3A_141 = vector.broadcast %shift_right_arithmetic3A_140 : i32 to vector<16xi32>
      %shift_right_arithmetic3A_142 = arith.shrsi %max3A_100, %shift_right_arithmetic3A_141 : vector<16xi32>
      %shift_left3A_143 = arith.constant 7 : i32
      %shift_left3A_144 = vector.broadcast %shift_left3A_143 : i32 to vector<16xi32>
      %shift_left3A_145 = arith.shli %shift_right_arithmetic3A_142, %shift_left3A_144 : vector<16xi32>
      %sub3A_146 = arith.constant 1 : i32
      %sub3A_147 = vector.broadcast %sub3A_146 : i32 to vector<16xi32>
      %sub3A_148 = arith.subi %min3A_108, %sub3A_147 : vector<16xi32>
      %shift_right_arithmetic3A_149 = arith.constant 7 : i32
      %shift_right_arithmetic3A_150 = vector.broadcast %shift_right_arithmetic3A_149 : i32 to vector<16xi32>
      %shift_right_arithmetic3A_151 = arith.shrsi %sub3A_148, %shift_right_arithmetic3A_150 : vector<16xi32>
      %sub3A_152 = arith.subi %shift_right_arithmetic3A_151, %shift_right_arithmetic3A_142 : vector<16xi32>
      %add3A_153 = arith.constant 1 : i32
      %add3A_154 = vector.broadcast %add3A_153 : i32 to vector<16xi32>
      %add3A_155 = arith.addi %sub3A_152, %add3A_154 : vector<16xi32>
      %shift_left3A_156 = arith.constant 7 : i32
      %shift_left3A_157 = vector.broadcast %shift_left3A_156 : i32 to vector<16xi32>
      %shift_left3A_158 = arith.shli %add3A_155, %shift_left3A_157 : vector<16xi32>
      %add3A_159 = arith.addi %shift_left3A_145, %shift_left3A_158 : vector<16xi32>
      %mul3A_160 = arith.muli %add3A_139, %add3A_155 : vector<16xi32>
      %jit3A = arith.constant 0 : i32
      %broadcast_in_dim3A = vector.broadcast %jit3A : i32 to vector<16xi32>
      %select_n3A = arith.select %and3A_125, %mul3A_160, %broadcast_in_dim3A : vector<16xi1>, vector<16xi32>
      %add3A_161 = arith.addf %gather3A_85, %gather3A_88 : vector<16xf32>
      %add3A_162 = arith.addf %add3A_161, %gather3A_91 : vector<16xf32>
      %div3A = arith.constant 3.000000e+00 : f32
      %div3A_163 = vector.broadcast %div3A : f32 to vector<16xf32>
      %div3A_164 = arith.divf %add3A_162, %div3A_163 : vector<16xf32>
      %sub3A_165 = arith.subf %gather3A_86, %gather3A_83 : vector<16xf32>
      %sub3A_166 = arith.subf %gather3A_87, %gather3A_84 : vector<16xf32>
      %sub3A_167 = arith.subf %gather3A_88, %gather3A_85 : vector<16xf32>
      %sub3A_168 = arith.subf %gather3A_89, %gather3A_83 : vector<16xf32>
      %sub3A_169 = arith.subf %gather3A_90, %gather3A_84 : vector<16xf32>
      %sub3A_170 = arith.subf %gather3A_91, %gather3A_85 : vector<16xf32>
      %mul3A_171 = arith.mulf %sub3A_166, %sub3A_170 : vector<16xf32>
      %mul3A_172 = arith.mulf %sub3A_167, %sub3A_169 : vector<16xf32>
      %sub3A_173 = arith.subf %mul3A_171, %mul3A_172 : vector<16xf32>
      %mul3A_174 = arith.mulf %sub3A_167, %sub3A_168 : vector<16xf32>
      %mul3A_175 = arith.mulf %sub3A_165, %sub3A_170 : vector<16xf32>
      %sub3A_176 = arith.subf %mul3A_174, %mul3A_175 : vector<16xf32>
      %mul3A_177 = arith.mulf %sub3A_165, %sub3A_169 : vector<16xf32>
      %mul3A_178 = arith.mulf %sub3A_166, %sub3A_168 : vector<16xf32>
      %sub3A_179 = arith.subf %mul3A_177, %mul3A_178 : vector<16xf32>
      %mul3A_180 = arith.mulf %sub3A_173, %sub3A_173 : vector<16xf32>
      %mul3A_181 = arith.mulf %sub3A_176, %sub3A_176 : vector<16xf32>
      %add3A_182 = arith.addf %mul3A_180, %mul3A_181 : vector<16xf32>
      %mul3A_183 = arith.mulf %sub3A_179, %sub3A_179 : vector<16xf32>
      %add3A_184 = arith.addf %add3A_182, %mul3A_183 : vector<16xf32>
      %mul3A_185 = arith.constant 5.000000e-01 : f32
      %mul3A_186 = vector.broadcast %mul3A_185 : f32 to vector<16xf32>
      %mul3A_187 = arith.mulf %mul3A_186, %add3A_184 : vector<16xf32>
      %bitcast3A = vector.bitcast %add3A_184 : vector<16xf32> to vector<16xi32>
      %shift_right_arithmetic3A_188 = arith.constant 1 : i32
      %shift_right_arithmetic3A_189 = vector.broadcast %shift_right_arithmetic3A_188 : i32 to vector<16xi32>
      %shift_right_arithmetic3A_190 = arith.shrsi %bitcast3A, %shift_right_arithmetic3A_189 : vector<16xi32>
      %sub3A_191 = arith.constant 1597463007 : i32
      %sub3A_192 = vector.broadcast %sub3A_191 : i32 to vector<16xi32>
      %sub3A_193 = arith.subi %sub3A_192, %shift_right_arithmetic3A_190 : vector<16xi32>
      %bitcast3A_194 = vector.bitcast %sub3A_193 : vector<16xi32> to vector<16xf32>
      %mul3A_195 = arith.mulf %mul3A_187, %bitcast3A_194 : vector<16xf32>
      %mul3A_196 = arith.mulf %mul3A_195, %bitcast3A_194 : vector<16xf32>
      %sub3A_197 = arith.constant 1.500000e+00 : f32
      %sub3A_198 = vector.broadcast %sub3A_197 : f32 to vector<16xf32>
      %sub3A_199 = arith.subf %sub3A_198, %mul3A_196 : vector<16xf32>
      %mul3A_200 = arith.mulf %bitcast3A_194, %sub3A_199 : vector<16xf32>
      %mul3A_201 = arith.mulf %mul3A_187, %mul3A_200 : vector<16xf32>
      %mul3A_202 = arith.mulf %mul3A_201, %mul3A_200 : vector<16xf32>
      %sub3A_203 = arith.constant 1.500000e+00 : f32
      %sub3A_204 = vector.broadcast %sub3A_203 : f32 to vector<16xf32>
      %sub3A_205 = arith.subf %sub3A_204, %mul3A_202 : vector<16xf32>
      %mul3A_206 = arith.mulf %mul3A_200, %sub3A_205 : vector<16xf32>
      %mul3A_207 = arith.mulf %mul3A_187, %mul3A_206 : vector<16xf32>
      %mul3A_208 = arith.mulf %mul3A_207, %mul3A_206 : vector<16xf32>
      %sub3A_209 = arith.constant 1.500000e+00 : f32
      %sub3A_210 = vector.broadcast %sub3A_209 : f32 to vector<16xf32>
      %sub3A_211 = arith.subf %sub3A_210, %mul3A_208 : vector<16xf32>
      %mul3A_212 = arith.mulf %mul3A_206, %sub3A_211 : vector<16xf32>
      %gt3A_213 = arith.constant 0.000000e+00 : f32
      %gt3A_214 = vector.broadcast %gt3A_213 : f32 to vector<16xf32>
      %gt3A_215 = arith.cmpf ogt, %add3A_184, %gt3A_214 : vector<16xf32>
      %mul3A_216 = arith.mulf %add3A_184, %mul3A_212 : vector<16xf32>
      %jit3A_217 = arith.constant 0.000000e+00 : f32
      %broadcast_in_dim3A_218 = vector.broadcast %jit3A_217 : f32 to vector<16xf32>
      %select_n3A_219 = arith.select %gt3A_215, %mul3A_216, %broadcast_in_dim3A_218 : vector<16xi1>, vector<16xf32>
      %add3A_220 = arith.constant 9.99999993E-9 : f32
      %add3A_221 = vector.broadcast %add3A_220 : f32 to vector<16xf32>
      %add3A_222 = arith.addf %select_n3A_219, %add3A_221 : vector<16xf32>
      %div3A_223 = arith.divf %sub3A_179, %add3A_222 : vector<16xf32>
      %jit3A_224 = arith.constant 0.000000e+00 : f32
      %jit3A_225 = arith.constant 1.000000e+00 : f32
      %max3A_226 = vector.broadcast %jit3A_224 : f32 to vector<16xf32>
      %max3A_227 = arith.maximumf %max3A_226, %div3A_223 : vector<16xf32>
      %min3A_228 = vector.broadcast %jit3A_225 : f32 to vector<16xf32>
      %min3A_229 = arith.minimumf %min3A_228, %max3A_227 : vector<16xf32>
      %mul3A_230 = arith.constant 1.800000e+02 : f32
      %mul3A_231 = vector.broadcast %mul3A_230 : f32 to vector<16xf32>
      %mul3A_232 = arith.mulf %min3A_229, %mul3A_231 : vector<16xf32>
      %add3A_233 = arith.constant 7.500000e+01 : f32
      %add3A_234 = vector.broadcast %add3A_233 : f32 to vector<16xf32>
      %add3A_235 = arith.addf %mul3A_232, %add3A_234 : vector<16xf32>
      %swap3A = arith.constant 0 : i32
      %swap3A_236 = arith.index_cast %swap3A : i32 to index
      %swap3A_237 = arith.index_cast %mul3A_72 : i32 to index
      %swap3A_238 = tpu.vector_load %arg20[%swap3A_236, %swap3A_237] {strides = array<i32>} : memref<16x256xi32, #tpu.memory_space<vmem>>, vector<16xi32>,
      tpu.vector_store %arg20[%swap3A_236, %swap3A_237], %gather3A {strides = array<i32>} : memref<16x256xi32, #tpu.memory_space<vmem>>, vector<16xi32>,
      %swap3A_239 = arith.constant 1 : i32
      %swap3A_240 = arith.index_cast %swap3A_239 : i32 to index
      %swap3A_241 = arith.index_cast %mul3A_72 : i32 to index
      %swap3A_242 = tpu.vector_load %arg20[%swap3A_240, %swap3A_241] {strides = array<i32>} : memref<16x256xi32, #tpu.memory_space<vmem>>, vector<16xi32>,
      tpu.vector_store %arg20[%swap3A_240, %swap3A_241], %gather3A_78 {strides = array<i32>} : memref<16x256xi32, #tpu.memory_space<vmem>>, vector<16xi32>,
      %swap3A_243 = arith.constant 2 : i32
      %swap3A_244 = arith.index_cast %swap3A_243 : i32 to index
      %swap3A_245 = arith.index_cast %mul3A_72 : i32 to index
      %swap3A_246 = tpu.vector_load %arg20[%swap3A_244, %swap3A_245] {strides = array<i32>} : memref<16x256xi32, #tpu.memory_space<vmem>>, vector<16xi32>,
      tpu.vector_store %arg20[%swap3A_244, %swap3A_245], %gather3A_79 {strides = array<i32>} : memref<16x256xi32, #tpu.memory_space<vmem>>, vector<16xi32>,
      %swap3A_247 = arith.constant 3 : i32
      %swap3A_248 = arith.index_cast %swap3A_247 : i32 to index
      %swap3A_249 = arith.index_cast %mul3A_72 : i32 to index
      %swap3A_250 = tpu.vector_load %arg20[%swap3A_248, %swap3A_249] {strides = array<i32>} : memref<16x256xi32, #tpu.memory_space<vmem>>, vector<16xi32>,
      tpu.vector_store %arg20[%swap3A_248, %swap3A_249], %gather3A_80 {strides = array<i32>} : memref<16x256xi32, #tpu.memory_space<vmem>>, vector<16xi32>,
      %swap3A_251 = arith.constant 4 : i32
      %swap3A_252 = arith.index_cast %swap3A_251 : i32 to index
      %swap3A_253 = arith.index_cast %mul3A_72 : i32 to index
      %swap3A_254 = tpu.vector_load %arg20[%swap3A_252, %swap3A_253] {strides = array<i32>} : memref<16x256xi32, #tpu.memory_space<vmem>>, vector<16xi32>,
      tpu.vector_store %arg20[%swap3A_252, %swap3A_253], %gather3A_81 {strides = array<i32>} : memref<16x256xi32, #tpu.memory_space<vmem>>, vector<16xi32>,
      %swap3A_255 = arith.constant 5 : i32
      %swap3A_256 = arith.index_cast %swap3A_255 : i32 to index
      %swap3A_257 = arith.index_cast %mul3A_72 : i32 to index
      %swap3A_258 = tpu.vector_load %arg20[%swap3A_256, %swap3A_257] {strides = array<i32>} : memref<16x256xi32, #tpu.memory_space<vmem>>, vector<16xi32>,
      tpu.vector_store %arg20[%swap3A_256, %swap3A_257], %gather3A_82 {strides = array<i32>} : memref<16x256xi32, #tpu.memory_space<vmem>>, vector<16xi32>,
      %abs3A = math.absi %sub3A_97 : vector<16xi32>
      %swap3A_259 = arith.constant 6 : i32
      %swap3A_260 = arith.index_cast %swap3A_259 : i32 to index
      %swap3A_261 = arith.index_cast %mul3A_72 : i32 to index
      %swap3A_262 = tpu.vector_load %arg20[%swap3A_260, %swap3A_261] {strides = array<i32>} : memref<16x256xi32, #tpu.memory_space<vmem>>, vector<16xi32>,
      tpu.vector_store %arg20[%swap3A_260, %swap3A_261], %abs3A {strides = array<i32>} : memref<16x256xi32, #tpu.memory_space<vmem>>, vector<16xi32>,
      %swap3A_263 = arith.constant 7 : i32
      %swap3A_264 = arith.index_cast %swap3A_263 : i32 to index
      %swap3A_265 = arith.index_cast %mul3A_72 : i32 to index
      %swap3A_266 = tpu.vector_load %arg20[%swap3A_264, %swap3A_265] {strides = array<i32>} : memref<16x256xi32, #tpu.memory_space<vmem>>, vector<16xi32>,
      tpu.vector_store %arg20[%swap3A_264, %swap3A_265], %max3A_100 {strides = array<i32>} : memref<16x256xi32, #tpu.memory_space<vmem>>, vector<16xi32>,
      %swap3A_267 = arith.constant 8 : i32
      %swap3A_268 = arith.index_cast %swap3A_267 : i32 to index
      %swap3A_269 = arith.index_cast %mul3A_72 : i32 to index
      %swap3A_270 = tpu.vector_load %arg20[%swap3A_268, %swap3A_269] {strides = array<i32>} : memref<16x256xi32, #tpu.memory_space<vmem>>, vector<16xi32>,
      tpu.vector_store %arg20[%swap3A_268, %swap3A_269], %min3A_108 {strides = array<i32>} : memref<16x256xi32, #tpu.memory_space<vmem>>, vector<16xi32>,
      %swap3A_271 = arith.constant 9 : i32
      %swap3A_272 = arith.index_cast %swap3A_271 : i32 to index
      %swap3A_273 = arith.index_cast %mul3A_72 : i32 to index
      %swap3A_274 = tpu.vector_load %arg20[%swap3A_272, %swap3A_273] {strides = array<i32>} : memref<16x256xi32, #tpu.memory_space<vmem>>, vector<16xi32>,
      tpu.vector_store %arg20[%swap3A_272, %swap3A_273], %max3A_113 {strides = array<i32>} : memref<16x256xi32, #tpu.memory_space<vmem>>, vector<16xi32>,
      %swap3A_275 = arith.constant 10 : i32
      %swap3A_276 = arith.index_cast %swap3A_275 : i32 to index
      %swap3A_277 = arith.index_cast %mul3A_72 : i32 to index
      %swap3A_278 = tpu.vector_load %arg20[%swap3A_276, %swap3A_277] {strides = array<i32>} : memref<16x256xi32, #tpu.memory_space<vmem>>, vector<16xi32>,
      tpu.vector_store %arg20[%swap3A_276, %swap3A_277], %min3A_121 {strides = array<i32>} : memref<16x256xi32, #tpu.memory_space<vmem>>, vector<16xi32>,
      %swap3A_279 = arith.constant 11 : i32
      %swap3A_280 = arith.index_cast %swap3A_279 : i32 to index
      %swap3A_281 = arith.index_cast %mul3A_72 : i32 to index
      %swap3A_282 = tpu.vector_load %arg20[%swap3A_280, %swap3A_281] {strides = array<i32>} : memref<16x256xi32, #tpu.memory_space<vmem>>, vector<16xi32>,
      tpu.vector_store %arg20[%swap3A_280, %swap3A_281], %shift_left3A_129 {strides = array<i32>} : memref<16x256xi32, #tpu.memory_space<vmem>>, vector<16xi32>,
      %swap3A_283 = arith.constant 12 : i32
      %swap3A_284 = arith.index_cast %swap3A_283 : i32 to index
      %swap3A_285 = arith.index_cast %mul3A_72 : i32 to index
      %swap3A_286 = tpu.vector_load %arg20[%swap3A_284, %swap3A_285] {strides = array<i32>} : memref<16x256xi32, #tpu.memory_space<vmem>>, vector<16xi32>,
      tpu.vector_store %arg20[%swap3A_284, %swap3A_285], %shift_left3A_145 {strides = array<i32>} : memref<16x256xi32, #tpu.memory_space<vmem>>, vector<16xi32>,
      %swap3A_287 = arith.constant 13 : i32
      %swap3A_288 = arith.index_cast %swap3A_287 : i32 to index
      %swap3A_289 = arith.index_cast %mul3A_72 : i32 to index
      %swap3A_290 = tpu.vector_load %arg20[%swap3A_288, %swap3A_289] {strides = array<i32>} : memref<16x256xi32, #tpu.memory_space<vmem>>, vector<16xi32>,
      tpu.vector_store %arg20[%swap3A_288, %swap3A_289], %add3A_159 {strides = array<i32>} : memref<16x256xi32, #tpu.memory_space<vmem>>, vector<16xi32>,
      %swap3A_291 = arith.constant 14 : i32
      %swap3A_292 = arith.index_cast %swap3A_291 : i32 to index
      %swap3A_293 = arith.index_cast %mul3A_72 : i32 to index
      %swap3A_294 = tpu.vector_load %arg20[%swap3A_292, %swap3A_293] {strides = array<i32>} : memref<16x256xi32, #tpu.memory_space<vmem>>, vector<16xi32>,
      tpu.vector_store %arg20[%swap3A_292, %swap3A_293], %select_n3A {strides = array<i32>} : memref<16x256xi32, #tpu.memory_space<vmem>>, vector<16xi32>,
      %broadcast_in_dim3A_295 = arith.constant 0 : i32
      %broadcast_in_dim3A_296 = vector.broadcast %broadcast_in_dim3A_295 : i32 to vector<16xi32>
      %swap3A_297 = arith.constant 15 : i32
      %swap3A_298 = arith.index_cast %swap3A_297 : i32 to index
      %swap3A_299 = arith.index_cast %mul3A_72 : i32 to index
      %swap3A_300 = tpu.vector_load %arg20[%swap3A_298, %swap3A_299] {strides = array<i32>} : memref<16x256xi32, #tpu.memory_space<vmem>>, vector<16xi32>,
      tpu.vector_store %arg20[%swap3A_298, %swap3A_299], %broadcast_in_dim3A_296 {strides = array<i32>} : memref<16x256xi32, #tpu.memory_space<vmem>>, vector<16xi32>,
      %swap3A_301 = arith.constant 0 : i32
      %swap3A_302 = arith.index_cast %swap3A_301 : i32 to index
      %swap3A_303 = arith.index_cast %mul3A_72 : i32 to index
      %swap3A_304 = tpu.vector_load %arg21[%swap3A_302, %swap3A_303] {strides = array<i32>} : memref<2x256xf32, #tpu.memory_space<vmem>>, vector<16xf32>,
      tpu.vector_store %arg21[%swap3A_302, %swap3A_303], %div3A_164 {strides = array<i32>} : memref<2x256xf32, #tpu.memory_space<vmem>>, vector<16xf32>,
      %swap3A_305 = arith.constant 1 : i32
      %swap3A_306 = arith.index_cast %swap3A_305 : i32 to index
      %swap3A_307 = arith.index_cast %mul3A_72 : i32 to index
      %swap3A_308 = tpu.vector_load %arg21[%swap3A_306, %swap3A_307] {strides = array<i32>} : memref<2x256xf32, #tpu.memory_space<vmem>>, vector<16xf32>,
      tpu.vector_store %arg21[%swap3A_306, %swap3A_307], %add3A_235 {strides = array<i32>} : memref<2x256xf32, #tpu.memory_space<vmem>>, vector<16xf32>,
    }
    %scan3A_69 = arith.constant 16 : i32
    "tpu.region"() ({
      %run_scoped3A = tpu.sem_alloc : memref<!tpu.dma_semaphore, #tpu.memory_space<semaphore_mem>>
      %dma_start3A = arith.constant 0 : i32
      %dma_start3A_70 = tpu.memref_slice %arg10[%dma_start3A, %add3A_63] : memref<16x57344xi32, #tpu.memory_space<hbm>> -> memref<16x256xi32, #tpu.memory_space<hbm>>
      %dma_start3A_71 = arith.constant 0 : i32
      %dma_start3A_72 = tpu.memref_slice %arg10[%dma_start3A_71, %add3A_63] : memref<16x57344xi32, #tpu.memory_space<hbm>> -> memref<16x256xi32, #tpu.memory_space<hbm>>
      tpu.enqueue_dma source(%arg20 : memref<16x256xi32, #tpu.memory_space<vmem>>) target(%dma_start3A_72 : memref<16x256xi32, #tpu.memory_space<hbm>>) target_semaphore(%run_scoped3A : memref<!tpu.dma_semaphore, #tpu.memory_space<semaphore_mem>>)
      %dma_wait3A = arith.constant 0 : i32
      %dma_wait3A_73 = tpu.memref_slice %arg10[%dma_wait3A, %add3A_63] : memref<16x57344xi32, #tpu.memory_space<hbm>> -> memref<16x256xi32, #tpu.memory_space<hbm>>
      %dma_wait3A_74 = arith.constant 0 : i32
      %dma_wait3A_75 = tpu.memref_slice %arg10[%dma_wait3A_74, %add3A_63] : memref<16x57344xi32, #tpu.memory_space<hbm>> -> memref<16x256xi32, #tpu.memory_space<hbm>>
      tpu.wait_dma2 semaphore(%run_scoped3A : memref<!tpu.dma_semaphore, #tpu.memory_space<semaphore_mem>>) src(%arg20 : memref<16x256xi32, #tpu.memory_space<vmem>>) dst(%dma_wait3A_75 : memref<16x256xi32, #tpu.memory_space<hbm>>)
      tpu.yield
    }) : () -> ()
    "tpu.region"() ({
      %run_scoped3A = tpu.sem_alloc : memref<!tpu.dma_semaphore, #tpu.memory_space<semaphore_mem>>
      %dma_start3A = arith.constant 0 : i32
      %dma_start3A_70 = tpu.memref_slice %arg11[%dma_start3A, %add3A_63] : memref<2x57344xf32, #tpu.memory_space<hbm>> -> memref<2x256xf32, #tpu.memory_space<hbm>>
      %dma_start3A_71 = arith.constant 0 : i32
      %dma_start3A_72 = tpu.memref_slice %arg11[%dma_start3A_71, %add3A_63] : memref<2x57344xf32, #tpu.memory_space<hbm>> -> memref<2x256xf32, #tpu.memory_space<hbm>>
      tpu.enqueue_dma source(%arg21 : memref<2x256xf32, #tpu.memory_space<vmem>>) target(%dma_start3A_72 : memref<2x256xf32, #tpu.memory_space<hbm>>) target_semaphore(%run_scoped3A : memref<!tpu.dma_semaphore, #tpu.memory_space<semaphore_mem>>)
      %dma_wait3A = arith.constant 0 : i32
      %dma_wait3A_73 = tpu.memref_slice %arg11[%dma_wait3A, %add3A_63] : memref<2x57344xf32, #tpu.memory_space<hbm>> -> memref<2x256xf32, #tpu.memory_space<hbm>>
      %dma_wait3A_74 = arith.constant 0 : i32
      %dma_wait3A_75 = tpu.memref_slice %arg11[%dma_wait3A_74, %add3A_63] : memref<2x57344xf32, #tpu.memory_space<hbm>> -> memref<2x256xf32, #tpu.memory_space<hbm>>
      tpu.wait_dma2 semaphore(%run_scoped3A : memref<!tpu.dma_semaphore, #tpu.memory_space<semaphore_mem>>) src(%arg21 : memref<2x256xf32, #tpu.memory_space<vmem>>) dst(%dma_wait3A_75 : memref<2x256xf32, #tpu.memory_space<hbm>>)
      tpu.yield
    }) : () -> ()
    return
  }
}

module attributes {stable_mosaic.version = 14 : i64} {
  func.func @_raster_body(%arg0: i32, %arg1: memref<16x1x1x512xi32, #tpu.memory_space<smem>>, %arg2: memref<2x1x1x512xf32, #tpu.memory_space<smem>>, %arg3: memref<512x512xf32, #tpu.memory_space<vmem>>, %arg4: memref<512x512xf32, #tpu.memory_space<vmem>>) attributes {dimension_semantics = [#tpu.dimension_semantics<arbitrary>], iteration_bounds = array<i64: 112>, scalar_prefetch = 0 : i64, scratch_operands = 1 : i64, tpu.core_type = #tpu.core_type<tc>, window_params = [{transform_indices = @transform_0, window_bounds = array<i64: 16, 1, 1, 512>}, {transform_indices = @transform_1, window_bounds = array<i64: 2, 1, 1, 512>}, {pipeline_mode = #tpu.pipeline_mode<synchronous>, transform_indices = @transform_2, window_bounds = array<i64: 512, 512>}]} {
    %eq3A = arith.constant 0 : i32
    %eq3A_0 = arith.cmpi eq, %arg0, %eq3A : i32
    %convert_element_type3A = arith.extui %eq3A_0 : i1 to i32
    %cond3A = arith.constant 0 : i32
    %cond3A_1 = arith.cmpi ne, %convert_element_type3A, %cond3A : i32
    scf.if %cond3A_1 {
      %broadcast_in_dim3A = arith.constant 0x7F800000 : f32
      %broadcast_in_dim3A_6 = vector.broadcast %broadcast_in_dim3A : f32 to vector<512x512xf32>
      %swap3A = arith.constant 0 : index
      %swap3A_7 = arith.constant 0 : index
      %swap3A_8 = vector.load %arg4[%swap3A, %swap3A_7] : memref<512x512xf32, #tpu.memory_space<vmem>>, vector<512x512xf32>
      tpu.vector_store %arg4[%swap3A, %swap3A_7], %broadcast_in_dim3A_6 {strides = array<i32>} : memref<512x512xf32, #tpu.memory_space<vmem>>, vector<512x512xf32>,
      %broadcast_in_dim3A_9 = arith.constant 2.550000e+02 : f32
      %broadcast_in_dim3A_10 = vector.broadcast %broadcast_in_dim3A_9 : f32 to vector<512x512xf32>
      %swap3A_11 = arith.constant 0 : index
      %swap3A_12 = arith.constant 0 : index
      %swap3A_13 = vector.load %arg3[%swap3A_11, %swap3A_12] : memref<512x512xf32, #tpu.memory_space<vmem>>, vector<512x512xf32>
      tpu.vector_store %arg3[%swap3A_11, %swap3A_12], %broadcast_in_dim3A_10 {strides = array<i32>} : memref<512x512xf32, #tpu.memory_space<vmem>>, vector<512x512xf32>,
    } else {
    }
    %scan3A = arith.constant 0 : i32
    %scan3A_2 = arith.constant 512 : i32
    %scan3A_3 = arith.addi %scan3A, %scan3A_2 : i32
    %scan3A_4 = arith.constant 1 : i32
    scf.for %scan3A_6 = %scan3A to %scan3A_3 step %scan3A_4  : i32 {
      %get3A = arith.constant 0 : index
      %get3A_7 = arith.constant 0 : index
      %get3A_8 = arith.constant 0 : index
      %get3A_9 = arith.index_cast %scan3A_6 : i32 to index
      %get3A_10 = memref.load %arg1[%get3A, %get3A_7, %get3A_8, %get3A_9] : memref<16x1x1x512xi32, #tpu.memory_space<smem>>
      %get3A_11 = arith.constant 1 : index
      %get3A_12 = arith.constant 0 : index
      %get3A_13 = arith.constant 0 : index
      %get3A_14 = arith.index_cast %scan3A_6 : i32 to index
      %get3A_15 = memref.load %arg1[%get3A_11, %get3A_12, %get3A_13, %get3A_14] : memref<16x1x1x512xi32, #tpu.memory_space<smem>>
      %get3A_16 = arith.constant 2 : index
      %get3A_17 = arith.constant 0 : index
      %get3A_18 = arith.constant 0 : index
      %get3A_19 = arith.index_cast %scan3A_6 : i32 to index
      %get3A_20 = memref.load %arg1[%get3A_16, %get3A_17, %get3A_18, %get3A_19] : memref<16x1x1x512xi32, #tpu.memory_space<smem>>
      %get3A_21 = arith.constant 3 : index
      %get3A_22 = arith.constant 0 : index
      %get3A_23 = arith.constant 0 : index
      %get3A_24 = arith.index_cast %scan3A_6 : i32 to index
      %get3A_25 = memref.load %arg1[%get3A_21, %get3A_22, %get3A_23, %get3A_24] : memref<16x1x1x512xi32, #tpu.memory_space<smem>>
      %get3A_26 = arith.constant 4 : index
      %get3A_27 = arith.constant 0 : index
      %get3A_28 = arith.constant 0 : index
      %get3A_29 = arith.index_cast %scan3A_6 : i32 to index
      %get3A_30 = memref.load %arg1[%get3A_26, %get3A_27, %get3A_28, %get3A_29] : memref<16x1x1x512xi32, #tpu.memory_space<smem>>
      %get3A_31 = arith.constant 5 : index
      %get3A_32 = arith.constant 0 : index
      %get3A_33 = arith.constant 0 : index
      %get3A_34 = arith.index_cast %scan3A_6 : i32 to index
      %get3A_35 = memref.load %arg1[%get3A_31, %get3A_32, %get3A_33, %get3A_34] : memref<16x1x1x512xi32, #tpu.memory_space<smem>>
      %get3A_36 = arith.constant 6 : index
      %get3A_37 = arith.constant 0 : index
      %get3A_38 = arith.constant 0 : index
      %get3A_39 = arith.index_cast %scan3A_6 : i32 to index
      %get3A_40 = memref.load %arg1[%get3A_36, %get3A_37, %get3A_38, %get3A_39] : memref<16x1x1x512xi32, #tpu.memory_space<smem>>
      %get3A_41 = arith.constant 7 : index
      %get3A_42 = arith.constant 0 : index
      %get3A_43 = arith.constant 0 : index
      %get3A_44 = arith.index_cast %scan3A_6 : i32 to index
      %get3A_45 = memref.load %arg1[%get3A_41, %get3A_42, %get3A_43, %get3A_44] : memref<16x1x1x512xi32, #tpu.memory_space<smem>>
      %get3A_46 = arith.constant 8 : index
      %get3A_47 = arith.constant 0 : index
      %get3A_48 = arith.constant 0 : index
      %get3A_49 = arith.index_cast %scan3A_6 : i32 to index
      %get3A_50 = memref.load %arg1[%get3A_46, %get3A_47, %get3A_48, %get3A_49] : memref<16x1x1x512xi32, #tpu.memory_space<smem>>
      %get3A_51 = arith.constant 9 : index
      %get3A_52 = arith.constant 0 : index
      %get3A_53 = arith.constant 0 : index
      %get3A_54 = arith.index_cast %scan3A_6 : i32 to index
      %get3A_55 = memref.load %arg1[%get3A_51, %get3A_52, %get3A_53, %get3A_54] : memref<16x1x1x512xi32, #tpu.memory_space<smem>>
      %get3A_56 = arith.constant 10 : index
      %get3A_57 = arith.constant 0 : index
      %get3A_58 = arith.constant 0 : index
      %get3A_59 = arith.index_cast %scan3A_6 : i32 to index
      %get3A_60 = memref.load %arg1[%get3A_56, %get3A_57, %get3A_58, %get3A_59] : memref<16x1x1x512xi32, #tpu.memory_space<smem>>
      %get3A_61 = arith.constant 11 : index
      %get3A_62 = arith.constant 0 : index
      %get3A_63 = arith.constant 0 : index
      %get3A_64 = arith.index_cast %scan3A_6 : i32 to index
      %get3A_65 = memref.load %arg1[%get3A_61, %get3A_62, %get3A_63, %get3A_64] : memref<16x1x1x512xi32, #tpu.memory_space<smem>>
      %get3A_66 = arith.constant 12 : index
      %get3A_67 = arith.constant 0 : index
      %get3A_68 = arith.constant 0 : index
      %get3A_69 = arith.index_cast %scan3A_6 : i32 to index
      %get3A_70 = memref.load %arg1[%get3A_66, %get3A_67, %get3A_68, %get3A_69] : memref<16x1x1x512xi32, #tpu.memory_space<smem>>
      %get3A_71 = arith.constant 13 : index
      %get3A_72 = arith.constant 0 : index
      %get3A_73 = arith.constant 0 : index
      %get3A_74 = arith.index_cast %scan3A_6 : i32 to index
      %get3A_75 = memref.load %arg1[%get3A_71, %get3A_72, %get3A_73, %get3A_74] : memref<16x1x1x512xi32, #tpu.memory_space<smem>>
      %get3A_76 = arith.constant 14 : index
      %get3A_77 = arith.constant 0 : index
      %get3A_78 = arith.constant 0 : index
      %get3A_79 = arith.index_cast %scan3A_6 : i32 to index
      %get3A_80 = memref.load %arg1[%get3A_76, %get3A_77, %get3A_78, %get3A_79] : memref<16x1x1x512xi32, #tpu.memory_space<smem>>
      %get3A_81 = arith.constant 0 : index
      %get3A_82 = arith.constant 0 : index
      %get3A_83 = arith.constant 0 : index
      %get3A_84 = arith.index_cast %scan3A_6 : i32 to index
      %get3A_85 = memref.load %arg2[%get3A_81, %get3A_82, %get3A_83, %get3A_84] : memref<2x1x1x512xf32, #tpu.memory_space<smem>>
      %get3A_86 = arith.constant 1 : index
      %get3A_87 = arith.constant 0 : index
      %get3A_88 = arith.constant 0 : index
      %get3A_89 = arith.index_cast %scan3A_6 : i32 to index
      %get3A_90 = memref.load %arg2[%get3A_86, %get3A_87, %get3A_88, %get3A_89] : memref<2x1x1x512xf32, #tpu.memory_space<smem>>
      %while3A = arith.constant 0 : i32
      %while3A_91 = arith.subi %get3A_80, %while3A : i32
      %while3A_92 = arith.addi %while3A, %while3A_91 : i32
      %while3A_93 = arith.constant 1 : i32
      %while3A_94 = arith.divsi %while3A_91, %while3A_93 : i32
      %while3A_95 = arith.muli %while3A_94, %while3A_93 : i32
      %while3A_96 = arith.addi %while3A, %while3A_95 : i32
      %while3A_97 = arith.constant 1 : i32
      %while3A_98:2 = scf.for %while3A_101 = %while3A to %while3A_96 step %while3A_97 iter_args(%while3A_102 = %get3A_65, %while3A_103 = %get3A_70) -> (i32, i32)  : i32 {
        %iota3A = tpu.iota {dimensions = array<i32: 1>} : vector<32x128xi32>
        %add3A = vector.broadcast %while3A_103 : i32 to vector<32x128xi32>
        %add3A_104 = arith.addi %add3A, %iota3A : vector<32x128xi32>
        %iota3A_105 = tpu.iota {dimensions = array<i32: 0>} : vector<32x128xi32>
        %add3A_106 = vector.broadcast %while3A_102 : i32 to vector<32x128xi32>
        %add3A_107 = arith.addi %add3A_106, %iota3A_105 : vector<32x128xi32>
        %sub3A = vector.broadcast %get3A_20 : i32 to vector<32x128xi32>
        %sub3A_108 = arith.subi %sub3A, %add3A_104 : vector<32x128xi32>
        %sub3A_109 = vector.broadcast %get3A_35 : i32 to vector<32x128xi32>
        %sub3A_110 = arith.subi %sub3A_109, %add3A_107 : vector<32x128xi32>
        %mul3A = arith.muli %sub3A_108, %sub3A_110 : vector<32x128xi32>
        %sub3A_111 = vector.broadcast %get3A_30 : i32 to vector<32x128xi32>
        %sub3A_112 = arith.subi %sub3A_111, %add3A_104 : vector<32x128xi32>
        %sub3A_113 = vector.broadcast %get3A_25 : i32 to vector<32x128xi32>
        %sub3A_114 = arith.subi %sub3A_113, %add3A_107 : vector<32x128xi32>
        %mul3A_115 = arith.muli %sub3A_112, %sub3A_114 : vector<32x128xi32>
        %sub3A_116 = arith.subi %mul3A, %mul3A_115 : vector<32x128xi32>
        %abs3A = math.absi %sub3A_116 : vector<32x128xi32>
        %sub3A_117 = vector.broadcast %get3A_30 : i32 to vector<32x128xi32>
        %sub3A_118 = arith.subi %sub3A_117, %add3A_104 : vector<32x128xi32>
        %sub3A_119 = vector.broadcast %get3A_15 : i32 to vector<32x128xi32>
        %sub3A_120 = arith.subi %sub3A_119, %add3A_107 : vector<32x128xi32>
        %mul3A_121 = arith.muli %sub3A_118, %sub3A_120 : vector<32x128xi32>
        %sub3A_122 = vector.broadcast %get3A_10 : i32 to vector<32x128xi32>
        %sub3A_123 = arith.subi %sub3A_122, %add3A_104 : vector<32x128xi32>
        %sub3A_124 = vector.broadcast %get3A_35 : i32 to vector<32x128xi32>
        %sub3A_125 = arith.subi %sub3A_124, %add3A_107 : vector<32x128xi32>
        %mul3A_126 = arith.muli %sub3A_123, %sub3A_125 : vector<32x128xi32>
        %sub3A_127 = arith.subi %mul3A_121, %mul3A_126 : vector<32x128xi32>
        %abs3A_128 = math.absi %sub3A_127 : vector<32x128xi32>
        %add3A_129 = arith.addi %abs3A, %abs3A_128 : vector<32x128xi32>
        %le3A = vector.broadcast %get3A_40 : i32 to vector<32x128xi32>
        %le3A_130 = arith.cmpi sle, %add3A_129, %le3A : vector<32x128xi32>
        %ge3A = vector.broadcast %get3A_45 : i32 to vector<32x128xi32>
        %ge3A_131 = arith.cmpi sge, %add3A_104, %ge3A : vector<32x128xi32>
        %lt3A = vector.broadcast %get3A_50 : i32 to vector<32x128xi32>
        %lt3A_132 = arith.cmpi slt, %add3A_104, %lt3A : vector<32x128xi32>
        %and3A = arith.andi %ge3A_131, %lt3A_132 : vector<32x128xi1>
        %ge3A_133 = vector.broadcast %get3A_55 : i32 to vector<32x128xi32>
        %ge3A_134 = arith.cmpi sge, %add3A_107, %ge3A_133 : vector<32x128xi32>
        %and3A_135 = arith.andi %and3A, %ge3A_134 : vector<32x128xi1>
        %lt3A_136 = vector.broadcast %get3A_60 : i32 to vector<32x128xi32>
        %lt3A_137 = arith.cmpi slt, %add3A_107, %lt3A_136 : vector<32x128xi32>
        %and3A_138 = arith.andi %and3A_135, %lt3A_137 : vector<32x128xi1>
        %multiple_of3A = tpu.assume_multiple %while3A_102, 32 : i32
        %multiple_of3A_139 = tpu.assume_multiple %while3A_103, 128 : i32
        %get3A_140 = arith.index_cast %multiple_of3A : i32 to index
        %get3A_141 = arith.index_cast %multiple_of3A_139 : i32 to index
        %get3A_142 = vector.load %arg4[%get3A_140, %get3A_141] : memref<512x512xf32, #tpu.memory_space<vmem>>, vector<32x128xf32>
        %and3A_143 = arith.andi %and3A_138, %le3A_130 : vector<32x128xi1>
        %le3A_144 = vector.broadcast %get3A_85 : f32 to vector<32x128xf32>
        %le3A_145 = arith.cmpf ole, %le3A_144, %get3A_142 : vector<32x128xf32>
        %and3A_146 = arith.andi %and3A_143, %le3A_145 : vector<32x128xi1>
        %broadcast_in_dim3A = vector.broadcast %get3A_85 : f32 to vector<32x128xf32>
        %select_n3A = arith.select %and3A_146, %broadcast_in_dim3A, %get3A_142 : vector<32x128xi1>, vector<32x128xf32>
        %swap3A = arith.index_cast %multiple_of3A : i32 to index
        %swap3A_147 = arith.index_cast %multiple_of3A_139 : i32 to index
        %swap3A_148 = vector.load %arg4[%swap3A, %swap3A_147] : memref<512x512xf32, #tpu.memory_space<vmem>>, vector<32x128xf32>
        tpu.vector_store %arg4[%swap3A, %swap3A_147], %select_n3A {strides = array<i32>} : memref<512x512xf32, #tpu.memory_space<vmem>>, vector<32x128xf32>,
        %get3A_149 = arith.index_cast %multiple_of3A : i32 to index
        %get3A_150 = arith.index_cast %multiple_of3A_139 : i32 to index
        %get3A_151 = vector.load %arg3[%get3A_149, %get3A_150] : memref<512x512xf32, #tpu.memory_space<vmem>>, vector<32x128xf32>
        %broadcast_in_dim3A_152 = vector.broadcast %get3A_90 : f32 to vector<32x128xf32>
        %select_n3A_153 = arith.select %and3A_146, %broadcast_in_dim3A_152, %get3A_151 : vector<32x128xi1>, vector<32x128xf32>
        %swap3A_154 = arith.index_cast %multiple_of3A : i32 to index
        %swap3A_155 = arith.index_cast %multiple_of3A_139 : i32 to index
        %swap3A_156 = vector.load %arg3[%swap3A_154, %swap3A_155] : memref<512x512xf32, #tpu.memory_space<vmem>>, vector<32x128xf32>
        tpu.vector_store %arg3[%swap3A_154, %swap3A_155], %select_n3A_153 {strides = array<i32>} : memref<512x512xf32, #tpu.memory_space<vmem>>, vector<32x128xf32>,
        %add3A_157 = arith.constant 128 : i32
        %add3A_158 = arith.addi %while3A_103, %add3A_157 : i32
        %ge3A_159 = arith.cmpi sge, %add3A_158, %get3A_75 : i32
        %add3A_160 = arith.constant 32 : i32
        %add3A_161 = arith.addi %while3A_102, %add3A_160 : i32
        %select_n3A_162 = arith.select %ge3A_159, %add3A_161, %while3A_102 : i32
        %select_n3A_163 = arith.select %ge3A_159, %get3A_70, %add3A_158 : i32
        scf.yield %select_n3A_162, %select_n3A_163 : i32, i32
      }
      %while3A_99 = arith.constant 1 : i32
      %while3A_100:2 = scf.for %while3A_101 = %while3A_96 to %while3A_92 step %while3A_99 iter_args(%while3A_102 = %while3A_98#0, %while3A_103 = %while3A_98#1) -> (i32, i32)  : i32 {
        %iota3A = tpu.iota {dimensions = array<i32: 1>} : vector<32x128xi32>
        %add3A = vector.broadcast %while3A_103 : i32 to vector<32x128xi32>
        %add3A_104 = arith.addi %add3A, %iota3A : vector<32x128xi32>
        %iota3A_105 = tpu.iota {dimensions = array<i32: 0>} : vector<32x128xi32>
        %add3A_106 = vector.broadcast %while3A_102 : i32 to vector<32x128xi32>
        %add3A_107 = arith.addi %add3A_106, %iota3A_105 : vector<32x128xi32>
        %sub3A = vector.broadcast %get3A_20 : i32 to vector<32x128xi32>
        %sub3A_108 = arith.subi %sub3A, %add3A_104 : vector<32x128xi32>
        %sub3A_109 = vector.broadcast %get3A_35 : i32 to vector<32x128xi32>
        %sub3A_110 = arith.subi %sub3A_109, %add3A_107 : vector<32x128xi32>
        %mul3A = arith.muli %sub3A_108, %sub3A_110 : vector<32x128xi32>
        %sub3A_111 = vector.broadcast %get3A_30 : i32 to vector<32x128xi32>
        %sub3A_112 = arith.subi %sub3A_111, %add3A_104 : vector<32x128xi32>
        %sub3A_113 = vector.broadcast %get3A_25 : i32 to vector<32x128xi32>
        %sub3A_114 = arith.subi %sub3A_113, %add3A_107 : vector<32x128xi32>
        %mul3A_115 = arith.muli %sub3A_112, %sub3A_114 : vector<32x128xi32>
        %sub3A_116 = arith.subi %mul3A, %mul3A_115 : vector<32x128xi32>
        %abs3A = math.absi %sub3A_116 : vector<32x128xi32>
        %sub3A_117 = vector.broadcast %get3A_30 : i32 to vector<32x128xi32>
        %sub3A_118 = arith.subi %sub3A_117, %add3A_104 : vector<32x128xi32>
        %sub3A_119 = vector.broadcast %get3A_15 : i32 to vector<32x128xi32>
        %sub3A_120 = arith.subi %sub3A_119, %add3A_107 : vector<32x128xi32>
        %mul3A_121 = arith.muli %sub3A_118, %sub3A_120 : vector<32x128xi32>
        %sub3A_122 = vector.broadcast %get3A_10 : i32 to vector<32x128xi32>
        %sub3A_123 = arith.subi %sub3A_122, %add3A_104 : vector<32x128xi32>
        %sub3A_124 = vector.broadcast %get3A_35 : i32 to vector<32x128xi32>
        %sub3A_125 = arith.subi %sub3A_124, %add3A_107 : vector<32x128xi32>
        %mul3A_126 = arith.muli %sub3A_123, %sub3A_125 : vector<32x128xi32>
        %sub3A_127 = arith.subi %mul3A_121, %mul3A_126 : vector<32x128xi32>
        %abs3A_128 = math.absi %sub3A_127 : vector<32x128xi32>
        %add3A_129 = arith.addi %abs3A, %abs3A_128 : vector<32x128xi32>
        %le3A = vector.broadcast %get3A_40 : i32 to vector<32x128xi32>
        %le3A_130 = arith.cmpi sle, %add3A_129, %le3A : vector<32x128xi32>
        %ge3A = vector.broadcast %get3A_45 : i32 to vector<32x128xi32>
        %ge3A_131 = arith.cmpi sge, %add3A_104, %ge3A : vector<32x128xi32>
        %lt3A = vector.broadcast %get3A_50 : i32 to vector<32x128xi32>
        %lt3A_132 = arith.cmpi slt, %add3A_104, %lt3A : vector<32x128xi32>
        %and3A = arith.andi %ge3A_131, %lt3A_132 : vector<32x128xi1>
        %ge3A_133 = vector.broadcast %get3A_55 : i32 to vector<32x128xi32>
        %ge3A_134 = arith.cmpi sge, %add3A_107, %ge3A_133 : vector<32x128xi32>
        %and3A_135 = arith.andi %and3A, %ge3A_134 : vector<32x128xi1>
        %lt3A_136 = vector.broadcast %get3A_60 : i32 to vector<32x128xi32>
        %lt3A_137 = arith.cmpi slt, %add3A_107, %lt3A_136 : vector<32x128xi32>
        %and3A_138 = arith.andi %and3A_135, %lt3A_137 : vector<32x128xi1>
        %multiple_of3A = tpu.assume_multiple %while3A_102, 32 : i32
        %multiple_of3A_139 = tpu.assume_multiple %while3A_103, 128 : i32
        %get3A_140 = arith.index_cast %multiple_of3A : i32 to index
        %get3A_141 = arith.index_cast %multiple_of3A_139 : i32 to index
        %get3A_142 = vector.load %arg4[%get3A_140, %get3A_141] : memref<512x512xf32, #tpu.memory_space<vmem>>, vector<32x128xf32>
        %and3A_143 = arith.andi %and3A_138, %le3A_130 : vector<32x128xi1>
        %le3A_144 = vector.broadcast %get3A_85 : f32 to vector<32x128xf32>
        %le3A_145 = arith.cmpf ole, %le3A_144, %get3A_142 : vector<32x128xf32>
        %and3A_146 = arith.andi %and3A_143, %le3A_145 : vector<32x128xi1>
        %broadcast_in_dim3A = vector.broadcast %get3A_85 : f32 to vector<32x128xf32>
        %select_n3A = arith.select %and3A_146, %broadcast_in_dim3A, %get3A_142 : vector<32x128xi1>, vector<32x128xf32>
        %swap3A = arith.index_cast %multiple_of3A : i32 to index
        %swap3A_147 = arith.index_cast %multiple_of3A_139 : i32 to index
        %swap3A_148 = vector.load %arg4[%swap3A, %swap3A_147] : memref<512x512xf32, #tpu.memory_space<vmem>>, vector<32x128xf32>
        tpu.vector_store %arg4[%swap3A, %swap3A_147], %select_n3A {strides = array<i32>} : memref<512x512xf32, #tpu.memory_space<vmem>>, vector<32x128xf32>,
        %get3A_149 = arith.index_cast %multiple_of3A : i32 to index
        %get3A_150 = arith.index_cast %multiple_of3A_139 : i32 to index
        %get3A_151 = vector.load %arg3[%get3A_149, %get3A_150] : memref<512x512xf32, #tpu.memory_space<vmem>>, vector<32x128xf32>
        %broadcast_in_dim3A_152 = vector.broadcast %get3A_90 : f32 to vector<32x128xf32>
        %select_n3A_153 = arith.select %and3A_146, %broadcast_in_dim3A_152, %get3A_151 : vector<32x128xi1>, vector<32x128xf32>
        %swap3A_154 = arith.index_cast %multiple_of3A : i32 to index
        %swap3A_155 = arith.index_cast %multiple_of3A_139 : i32 to index
        %swap3A_156 = vector.load %arg3[%swap3A_154, %swap3A_155] : memref<512x512xf32, #tpu.memory_space<vmem>>, vector<32x128xf32>
        tpu.vector_store %arg3[%swap3A_154, %swap3A_155], %select_n3A_153 {strides = array<i32>} : memref<512x512xf32, #tpu.memory_space<vmem>>, vector<32x128xf32>,
        %add3A_157 = arith.constant 128 : i32
        %add3A_158 = arith.addi %while3A_103, %add3A_157 : i32
        %ge3A_159 = arith.cmpi sge, %add3A_158, %get3A_75 : i32
        %add3A_160 = arith.constant 32 : i32
        %add3A_161 = arith.addi %while3A_102, %add3A_160 : i32
        %select_n3A_162 = arith.select %ge3A_159, %add3A_161, %while3A_102 : i32
        %select_n3A_163 = arith.select %ge3A_159, %get3A_70, %add3A_158 : i32
        scf.yield %select_n3A_162, %select_n3A_163 : i32, i32
      }
    }
    %scan3A_5 = arith.constant 512 : i32
    return
  }
  func.func @transform_0(%arg0: i32) -> (i32, i32, i32, i32) {
    %c0_i32 = arith.constant 0 : i32
    %c0_i32_0 = arith.constant 0 : i32
    %c0_i32_1 = arith.constant 0 : i32
    %c0_i32_2 = arith.constant 0 : i32
    return %c0_i32, %arg0, %c0_i32_0, %c0_i32_1 : i32, i32, i32, i32
  }
  func.func @transform_1(%arg0: i32) -> (i32, i32, i32, i32) {
    %c0_i32 = arith.constant 0 : i32
    %c0_i32_0 = arith.constant 0 : i32
    %c0_i32_1 = arith.constant 0 : i32
    %c0_i32_2 = arith.constant 0 : i32
    return %c0_i32, %arg0, %c0_i32_0, %c0_i32_1 : i32, i32, i32, i32
  }
  func.func @transform_2(%arg0: i32) -> (i32, i32) {
    %c0_i32 = arith.constant 0 : i32
    %c0_i32_0 = arith.constant 0 : i32
    %c0_i32_1 = arith.constant 0 : i32
    return %c0_i32, %c0_i32_0 : i32, i32
  }
}

</mosaic_0001>

<sc_bundles>
// kernel: kernel.4.cloned.1.call-start
scs
__scs_entry_jumppad:
0x0: {  	(pc) =	sbr.rel $0x88, $3  }
0x1: {  	(tag) =	ssettag $0x0;
	lr =	simm.s32 $0x1  }
0x2: {  	[smem:$0x3F9F] =	sst lr;
	_ =	strace $0xD0000000  }
0x3: {  	_ = 	snop  }
0x4: {  	_ = 	snop  }
0x5: {  	_ = 	snop  }
0x6: {  	_ = 	snop  }
0x7: {  	_ = 	snop  }
__scs_overlays_trampoline_lowered:
0x8: {  	[smem:$0x3FAE] =	sst s0  }
0x9: {  	[smem:$0x3FAF] =	sst s1  }
0xa: {  	[smem:$0x3FB0] =	sst s2  }
0xb: {  	[smem:$0x3FB1] =	sst s3  }
0xc: {  	[smem:$0x3FB2] =	sst s4  }
0xd: {  	[smem:$0x3FB3] =	sst s5  }
0xe: {  	[smem:$0x3FB4] =	sst s6  }
0xf: {  	[smem:$0x3FB5] =	sst s7  }
0x10: {  	[smem:$0x3FB6] =	sst s8  }
0x11: {  	[smem:$0x3FB7] =	sst s9;
	s0 =	simm.s32 @!p0 $0x0  }
0x12: {  	s1 =	sld [smem:$0x3F9D];
	s0 =	simm.s32 @p0 $0x1  }
0x13: {  	[smem:$0x3FB8] =	sst s0;
	s0 =	simm.s32 @!p1 $0x0  }
0x14: {  	s2 =	sld [smem:$0x3F9C];
	s0 =	simm.s32 @p1 $0x1  }
0x15: {  	[smem:$0x3FB9] =	sst s0;
	s0 =	simm.s32 @!p2 $0x0  }
0x16: {  	s3 =	sld [smem:$0x3FDB];
	s0 =	simm.s32 @p2 $0x1  }
0x17: {  	s4 =	simm.s32 $0x1BF5;
	[smem:$0x3FBB] =	sst s0  }
0x18: {  	s0 =	sld [smem:$0x3F9E];
	_ =	swait.ge [sflag:s4], $0x0  }
0x19: {  	s7 =	sld [smem:$0x3F9F]  }
0x1a: {  	s8 =	sadd.s32 $0xFFFFE003, lr  }
0x1b: {  	s9 =	sadd.s32 $0xFFFFFEF7, lr;
	s5 =	simm.s32 $0xFFFFFFFF;
	p2 =	slt.u32 s8, $0xFFFFF086  }
0x1c: {  	p1 =	slt.u32 s9, $0xF7A;
	s5 =	simm.s32 @!p2 $0x0  }
0x1d: {  	s5 =	simm.s32 @p1 $0x1;
	p0 =	seq.s32 s7, s2  }
0x1e: {  	s7 =	smul.u32 @!p0 $0xF7A, s2;
	p2 =	seq.s32 @!p0 s5, $0x0  }
0x1f: {  	s9 =	smul.u32 $0xF7A, s1;
	s8 =	simm.s32 @!p0 $0x1BF5;
	p2 =	por !p2, p0  }
0x20: {  	[sflag:s8] =	ssyncset.s32 @!p0 $0xFFFFF086;
	s6 =	sadd.s32 @!p0 s3, s7;
	s7 =	simm.s32 @!p0 $0x108  }
0x21: {  	s3 =	sadd.s32 s3, s9;
	s6 =	sadd.s32 @!p0 $0x88, s6;
	s7 =	simm.s32 @p2 $0x1082  }
0x22: {  	[simem:s7], [sflag:s8] =	dma.local @!p0 [hbm:s6], $0xF7A  }
0x23: {  	s9 =	sor.u32 $0xD0000000, s2;
	s6 =	simm.s32 $0x108;
	_ =	swait.ge @!p0 [sflag:s8], $0x0  }
0x24: {  	s3 =	sadd.s32 $0x88, s3;
	s6 =	simm.s32 @!p1 $0x1082;
	[sflag:s4] =	ssyncset.s32 $0xFFFFF086  }
0x25: {  	[simem:s6], [sflag:s4] =	dma.local [hbm:s3], $0xF7A  }
0x26: {  	[smem:$0x3F9F] =	sst s1;
	(tag) =	ssettag s2;
	_ =	strace s9  }
0x27: {  	s1 =	sld [smem:$0x3FAF]  }
0x28: {  	s2 =	sld [smem:$0x3FB0]  }
0x29: {  	s4 =	sld [smem:$0x3FB2]  }
0x2a: {  	p0 =	seq.s32 s5, $0x0;
	s5 =	sld [smem:$0x3FB3]  }
0x2b: {  	s6 =	sld [smem:$0x3FB4]  }
0x2c: {  	s7 =	sld [smem:$0x3FB5]  }
0x2d: {  	s3 =	simm.s32 $0x108;
	s8 =	sld [smem:$0x3FB6]  }
0x2e: {  	s3 =	simm.s32 @!p0 $0x1082;
	s9 =	sld [smem:$0x3FB7]  }
0x2f: {  	lr =	sadd.s32 s0, s3;
	s0 =	sld [smem:$0x3FAE]  }
0x30: {  	s3 =	sld [smem:$0x3FB1]  }
0x31: {  	[smem:$0x3FBA] =	sst s10  }
0x32: {  	s10 =	sld [smem:$0x3FB8];
	_ =	sdelay $0x3  }
0x33: {  	p0 =	seq.s32 s10, $0x1;
	s10 =	sld [smem:$0x3FBA];
	_ =	sdelay $0x3  }
0x34: {  	[smem:$0x3FBA] =	sst s10  }
0x35: {  	s10 =	sld [smem:$0x3FB9];
	_ =	sdelay $0x3  }
0x36: {  	p1 =	seq.s32 s10, $0x1;
	s10 =	sld [smem:$0x3FBA];
	_ =	sdelay $0x3  }
0x37: {  	[smem:$0x3FBA] =	sst s10  }
0x38: {  	s10 =	sld [smem:$0x3FBB]  }
0x39: {  	_ = 	snop;
	(pc) =	sbr.ind lr, $3  }
0x3a: {  	_ = 	snop  }
0x3b: {  	_ = 	snop  }
0x3c: {  	p2 =	seq.s32 s10, $0x1;
	s10 =	sld [smem:$0x3FBA]  }
0x3d: {  	_ =	shalt  }
0x3e: {  	_ =	shalt  }
0x3f: {  	_ =	shalt  }
0x40: {  	_ =	shalt  }
0x41: {  	_ =	shalt  }
0x42: {  	_ =	shalt  }
0x43: {  	_ =	shalt  }
0x44: {  	_ =	shalt  }
0x45: {  	_ =	shalt  }
0x46: {  	_ =	shalt  }
0x47: {  	_ =	shalt  }
0x48: {  	_ =	shalt  }
0x49: {  	_ =	shalt  }
0x4a: {  	_ =	shalt  }
0x4b: {  	_ =	shalt  }
0x4c: {  	_ =	shalt  }
0x4d: {  	_ =	shalt  }
0x4e: {  	_ =	shalt  }
0x4f: {  	_ =	shalt  }
0x50: {  	_ =	shalt  }
0x51: {  	_ =	shalt  }
0x52: {  	_ =	shalt  }
0x53: {  	_ =	shalt  }
0x54: {  	_ =	shalt  }
0x55: {  	_ =	shalt  }
0x56: {  	_ =	shalt  }
0x57: {  	_ =	shalt  }
0x58: {  	_ =	shalt  }
0x59: {  	_ =	shalt  }
0x5a: {  	_ =	shalt  }
0x5b: {  	_ =	shalt  }
0x5c: {  	_ =	shalt  }
0x5d: {  	_ =	shalt  }
0x5e: {  	_ =	shalt  }
0x5f: {  	_ =	shalt  }
0x60: {  	_ =	shalt  }
0x61: {  	_ =	shalt  }
0x62: {  	_ =	shalt  }
0x63: {  	_ =	shalt  }
0x64: {  	_ =	shalt  }
0x65: {  	_ =	shalt  }
0x66: {  	_ =	shalt  }
0x67: {  	_ =	shalt  }
0x68: {  	_ =	shalt  }
0x69: {  	_ =	shalt  }
0x6a: {  	_ =	shalt  }
0x6b: {  	_ =	shalt  }
0x6c: {  	_ =	shalt  }
0x6d: {  	_ =	shalt  }
0x6e: {  	_ =	shalt  }
0x6f: {  	_ =	shalt  }
0x70: {  	_ =	shalt  }
0x71: {  	_ =	shalt  }
0x72: {  	_ =	shalt  }
0x73: {  	_ =	shalt  }
0x74: {  	_ =	shalt  }
0x75: {  	_ =	shalt  }
0x76: {  	_ =	shalt  }
0x77: {  	_ =	shalt  }
0x78: {  	_ =	shalt  }
0x79: {  	_ =	shalt  }
0x7a: {  	_ =	shalt  }
0x7b: {  	_ =	shalt  }
0x7c: {  	_ =	shalt  }
0x7d: {  	_ =	shalt  }
0x7e: {  	_ =	shalt  }
0x7f: {  	_ =	shalt  }
0x80: {  	_ =	shalt  }
0x81: {  	_ =	shalt  }
0x82: {  	_ =	shalt  }
0x83: {  	_ =	shalt  }
0x84: {  	_ =	shalt  }
0x85: {  	_ =	shalt  }
0x86: {  	_ =	shalt  }
0x87: {  	_ =	shalt  }
.Lfunc_end0:
.L_simem_size_0:
called_computation_lowered:
.L_overlay_start_0:
0x88: {  	s2 =	sld [smem:$0x3FD9]  }
0x89: {  	s3 =	sld [smem:$0x3FFE];
	_ =	sdelay $0x1  }
0x8a: {  	s1 =	srdreg.scid  }
0x8b: {  	s0 =	sand.u32 $0x1, s1  }
0x8c: {  	s17 =	sshll.u32 s0, $0xA;
	s2 =	sadd.s32 s3, s2  }
0x8d: {  	s2 =	sadd.s32 s2, s17  }
0x8e: {  	[smem:$0x3FC6] =	sst s2  }
0x8f: {  	_ = 	snop  }
0x90: {  	s2 =	sld [smem:$0x3FD0];
	(tm) =	ssettm $0x1  }
0x91: {  	s18 =	sld [smem:$0x3FFB];
	_ =	sdelay $0x3  }
0x92: {  	_ =	strace s18  }
0x93: {  	s3 =	sld [smem:$0x3FFC];
	_ =	sdelay $0x3  }
0x94: {  	_ =	strace s3  }
0x95: {  	s3 =	sld [smem:$0x3FFD];
	_ =	sdelay $0x3  }
0x96: {  	_ =	strace s3  }
0x97: {  	_ =	strace $0x8FFFFFFF  }
0x98: {  	s19 =	sld [smem:$0x3FDB];
	_ =	sdelay $0x1  }
0x99: {  	s4 =	simm.s32 $_scs_section_size  }
0x9a: {  	s5 =	simm.s32 $_size__tile_overlayer_lowered;
	s6 =	simm.s32 $_tile_overlayer_lowered  }
0x9b: {  	s22 =	simm.s32 $0x1BFF;
	s21 =	sshll.u32 s6, $0x1;
	s3 =	sadd.s32 s4, s19  }
0x9c: {  	s7 =	simm.s32 $0x0;
	s20 =	sshll.u32 s5, $0x1;
	s5 =	sadd.s32 s21, s3  }
0x9d: {  	[timem:s7], [sflag:s22] =	dma.local [hbm:s5], s20  }
0x9e: {  	_ =	swait.ge [sflag:s22], s20  }
0x9f: {  	s4 =	ssub.s32 $0x0, s20;
	[sflag:s22] =	ssyncset.done $0x0  }
0xa0: {  	[sflag:s22] =	ssyncadd.s32 s4;
	_ =	sdelay $0x1  }
0xa1: {  	s23 =	simm.s32 $0x1B8B  }
0xa2: {  	_ =	swait.ge [sflag:s23], $0x1  }
0xa3: {  	[sflag:s23] =	ssyncset.done $0x0  }
0xa4: {  	s25 =	simm.s32 $0x1B8E;
	s24 =	sld [smem:$0x3FFE];
	[sflag:s23] =	ssyncadd.s32 $0xFFFFFFFF  }
0xa5: {  	s26 =	simm.s32 $execute0_lowered;
	[smem:$0x3FD2] =	sst s25  }
0xa6: {  	s5 =	sshll.u32 s26, $0x1;
	_ =	strace $0x80000046;
	[dreg:$0x1] =	wrdreg $0xFFFFFFFF  }
0xa7: {  	s28 =	simm.s32 $_size_execute0_lowered;
	s3 =	sadd.s32 s3, s5;
	[dreg:$0x0] =	wrdreg $0x0  }
0xa8: {  	s5 =	sshll.u32 s28, $0x1;
	[dreg:$0x2] =	wrdreg s3  }
0xa9: {  	[dreg:$0x3] =	wrdreg s5  }
0xaa: {  	[dreg:$0x4] =	wrdreg $0xC0  }
0xab: {  	_ =	task [dreg:s7], $0x5FFFF  }
0xac: {  	[dreg:$0x1] =	wrdreg $0xFFFFFFFF  }
0xad: {  	[dreg:$0x0] =	wrdreg $0x60  }
0xae: {  	[dreg:$0x2] =	wrdreg s24  }
0xaf: {  	[dreg:$0x3] =	wrdreg s2  }
0xb0: {  	[dreg:$0x4] =	wrdreg $0x9  }
0xb1: {  	_ =	task.clear_ibuf [dreg:s7], $0x5FFFF;
	_ =	strace $0x90000046  }
0xb2: {  	s29 =	simm.s32 $0x9;
	_ =	strace $0x80000048  }
0xb3: {  	_ =	swait.ge [sflag:s29], $0x1  }
0xb4: {  	[sflag:s29] =	ssyncadd.s32 $0xFFFFFFFF  }
0xb5: {  	_ =	strace $0x90000048  }
0xb6: {  	_ =	sfence  }
0xb7: {  	s30 =	sld [smem:$0x0];
	_ =	sdelay $0x2  }
0xb8: {  	s31 =	sshll.u32 s1, $0xD;
	s1 =	sshrl.u32 s1, $0x2  }
0xb9: {  	s3 =	sand.u32 $0x4000, s31;
	s1 =	sadd.s32 s1, s30  }
0xba: {  	s0 =	sor.u32 s3, s0;
	s1 =	sshll.u32 s1, $0x11  }
0xbb: {  	s0 =	sor.u32 s1, s0  }
0xbc: {  	s0 =	sadd.s32 $0x8F2B, s0  }
0xbd: {  	[sflag:s0] =	ssyncadd.remote.s32 $0x1  }
0xbe: {  	_ =	sfence.sel $0xFFFF  }
0xbf: {  	[dreg:$0x0] =	wrdreg $0xFFFFFFFF;
	(pc) =	sbr.abs _section_cstart, $3  }
0xc0: {  	[dreg:$0x1] =	wrdreg $0xFFFFFFFF  }
0xc1: {  	_ =	task.clear_ibuf [dreg:s7], $0x2FFFF;
	_ =	strace $0x9FFFFFFF  }
0xc2: {  	(tm) =	ssettm $0x7FFFFFFF  }
0xc3: {  	_ =	shalt  }
tec
execute0_lowered:
.L_overlay_start_1:
0x0: {  	(tag) =	ssettag $0x1  }
0x1: {  	s0 =	srdreg.scid;
	s1 =	stileid.u32  }
0x2: {  	s0 =	sand.u32 $0x1, s0;
	s1 =	sshll.u32 s1, $0x1  }
0x3: {  	s1 =	sor.u32 s0, s1  }
0x4: {  	s15 =	rddreg [dreg:$0x0];
	s2 =	simm.s32 $0x0;
	s4 =	smul.u32 $0x700, s1  }
0x5: {  	[smem:$0x7FF] =	sst s2;
	s3 =	sadd.s32 $0x4E00, s15;
	s0 =	ssub.s32 $0x2, s0  }
0x6: {  	s5 =	sadd.s32 $0x6A00, s15;
	s7 =	sshrl.u32 s0, $0x1;
	s17 =	sshrl.u32 s4, $0x3  }
0x7: {  	s6 =	sadd.s32 $0x3200, s15;
	s0 =	ssub.s32 s0, s7;
	s9 =	sadd.s32 s3, s17  }
0x8: {  	s8 =	sadd.s32 $0x100, s4;
	s18 =	sadd.s32 s5, s17;
	[dreg:$0x3] =	wrdreg s9  }
0x9: {  	s19 =	sshrl.u32 s8, $0x3;
	s7 =	sadd.s32 s6, s17;
	[dreg:$0x4] =	wrdreg s18  }
0xa: {  	[dreg:$0x5] =	wrdreg s7;
	s20 =	sadd.s32 s3, s19  }
0xb: {  	s11 =	sadd.s32 $0x400, s4;
	s10 =	sadd.s32 s5, s19;
	[dreg:$0x6] =	wrdreg s20  }
0xc: {  	s26 =	sshrl.u32 s11, $0x3;
	s9 =	sadd.s32 s6, s19;
	[dreg:$0x7] =	wrdreg s10  }
0xd: {  	s7 =	sadd.s32 $0x200, s4;
	s28 =	sadd.s32 s3, s26;
	[dreg:$0x8] =	wrdreg s9  }
0xe: {  	s13 =	sadd.s32 s5, s26;
	s21 =	sshrl.u32 s7, $0x3;
	[dreg:$0xf] =	wrdreg s28  }
0xf: {  	[dreg:$0x10] =	wrdreg s13;
	s22 =	sadd.s32 s3, s21  }
0x10: {  	s10 =	sadd.s32 $0x300, s4;
	s23 =	sadd.s32 s5, s21;
	[dreg:$0x9] =	wrdreg s22  }
0x11: {  	s9 =	sadd.s32 s6, s21;
	s24 =	sshrl.u32 s10, $0x3;
	[dreg:$0xa] =	wrdreg s23  }
0x12: {  	[dreg:$0xb] =	wrdreg s9;
	s12 =	sadd.s32 s3, s24  }
0x13: {  	s14 =	sadd.s32 $0x600, s4;
	s25 =	sadd.s32 s5, s24;
	[dreg:$0xc] =	wrdreg s12  }
0x14: {  	s31 =	sshrl.u32 s14, $0x3;
	s9 =	sadd.s32 s6, s24;
	[dreg:$0xd] =	wrdreg s25  }
0x15: {  	[dreg:$0xe] =	wrdreg s9;
	s9 =	sadd.s32 $0x500, s4;
	s12 =	sadd.s32 s6, s26  }
0x16: {  	s29 =	sshrl.u32 s9, $0x3;
	[dreg:$0x11] =	wrdreg s12;
	s12 =	sadd.s32 s6, s31  }
0x17: {  	s1 =	smul.u32 $0x1C0, s1;
	s30 =	sadd.s32 s3, s29;
	[dreg:$0x17] =	wrdreg s12  }
0x18: {  	s18 =	sshrl.u32 s8, $0x2;
	s16 =	sadd.s32 s5, s29;
	[dreg:$0x12] =	wrdreg s30  }
0x19: {  	s28 =	sshrl.u32 s11, $0x2;
	s13 =	sadd.s32 s6, s29;
	[dreg:$0x13] =	wrdreg s16  }
0x1a: {  	s22 =	sshrl.u32 s7, $0x2;
	s3 =	sadd.s32 s3, s31;
	[dreg:$0x14] =	wrdreg s13  }
0x1b: {  	s23 =	sshrl.u32 s10, $0x2;
	s5 =	sadd.s32 s5, s31;
	[dreg:$0x15] =	wrdreg s3  }
0x1c: {  	s31 =	sshrl.u32 s14, $0x2;
	s12 =	sadd.s32 $0x1400, s15;
	[dreg:$0x16] =	wrdreg s5  }
0x1d: {  	s13 =	rddreg [dreg:$0x1];
	s16 =	sadd.s32 $0x8600, s15;
	s30 =	sshrl.u32 s9, $0x2  }
0x1e: {  	_ =	strace $0x80000047;
	s17 =	sadd.s32 s16, s4;
	s1 =	sadd.s32 s13, s1  }
0x1f: {  	s19 =	sadd.s32 s16, s8;
	s20 =	sadd.s32 s13, s18;
	s21 =	sadd.s32 s16, s7  }
0x20: {  	v0 =	vimm.f32 $3.000000000e+00;
	s24 =	sadd.s32 s16, s10;
	s25 =	sadd.s32 s13, s23;
	[dreg:$0x18] =	wrdreg s17  }
0x21: {  	s26 =	sadd.s32 s16, s11;
	s29 =	sadd.s32 s16, s9;
	[dreg:$0x19] =	wrdreg s1;
	(erf) = vrcp.f32 v0  }
0x22: {  	s4 =	sadd.s32 s16, s14;
	s5 =	sadd.s32 s13, s28;
	[dreg:$0x1a] =	wrdreg s19  }
0x23: {  	s6 =	sadd.s32 s13, s30;
	s7 =	sadd.s32 s13, s31;
	[dreg:$0x1b] =	wrdreg s20  }
0x24: {  	s8 =	smax.u32 s0, $0x1;
	s9 =	sadd.s32 $0x2800, s15;
	[dreg:$0x1c] =	wrdreg s21  }
0x25: {  	s10 =	sadd.s32 $0x1E00, s15;
	s11 =	sadd.s32 $0xA00, s15;
	[dreg:$0x1e] =	wrdreg s24  }
0x26: {  	s14 =	simm.s32 $0x4E80;
	s15 =	simm.s32 $0x9D00;
	[dreg:$0x1f] =	wrdreg s25  }
0x27: {  	s16 =	simm.s32 $0xEB80;
	s18 =	simm.s32 $0x800;
	[smem:$0x7FC] =	sst s26  }
0x28: {  	s23 =	simm.s32 $0x0;
	s1 =	sadd.s32 s13, s22;
	[smem:$0x7FD] =	sst s29  }
0x29: {  	s13 =	simm.s32 $0x1;
	s17 =	simm.s32 $0x13A00;
	s19 =	simm.s32 $0x70000  }
0x2a: {  	v1 =	vimm.s32 $0x0;
	s21 =	simm.s32 $0x18B80;
	s22 =	simm.s32 $0x19B80;
	[dreg:$0x1d] =	wrdreg s1;
	v0 =	vpop (erf)  }
.LBB2_1:
0x2b: {  	[tilespmem:s2], [sflag:$0x1] =	stream.linear.gather [hbm4b:s9+s2], $0x4E80, $0x38;
	[tilespmem:$0x19D80] =	vst v63  }
0x2c: {  	_ =	swait.ge [sflag:s13], $0x4E80  }
0x2d: {  	[sflag:s13] =	ssyncset.done $0x0  }
0x2e: {  	[sflag:s13] =	ssyncadd.s32 $0xFFFFB180  }
0x2f: {  	[tilespmem:s14], [sflag:$0x1] =	stream.linear.gather [hbm4b:s10+s2], $0x4E80, $0x38;
	[tilespmem:$0x19D80] =	vst v63  }
0x30: {  	_ =	swait.ge [sflag:s13], $0x4E80  }
0x31: {  	[sflag:s13] =	ssyncset.done $0x0  }
0x32: {  	[sflag:s13] =	ssyncadd.s32 $0xFFFFB180  }
0x33: {  	[tilespmem:s15], [sflag:$0x1] =	stream.linear.gather [hbm4b:s11+s2], $0x4E80, $0x38;
	[tilespmem:$0x19D80] =	vst v63  }
0x34: {  	_ =	swait.ge [sflag:s13], $0x4E80  }
0x35: {  	[sflag:s13] =	ssyncset.done $0x0  }
0x36: {  	[sflag:s13] =	ssyncadd.s32 $0xFFFFB180  }
0x37: {  	s0 =	rddreg [dreg:$0x0]  }
0x38: {  	[tilespmem:s16], [sflag:$0x1] =	stream.linear.gather [hbm4b:s0+s2], $0x4E80, $0x38;
	[tilespmem:$0x19D80] =	vst v63  }
0x39: {  	_ =	swait.ge [sflag:s13], $0x4E80  }
0x3a: {  	[sflag:s13] =	ssyncset.done $0x0  }
0x3b: {  	[sflag:s13] =	ssyncadd.s32 $0xFFFFB180  }
0x3c: {  	[tilespmem:s17], [sflag:$0x1] =	stream.linear.gather [hbm4b:s12+s2], $0x4E80, $0x38;
	[tilespmem:$0x19D80] =	vst v63  }
0x3d: {  	_ =	swait.ge [sflag:s13], $0x4E80  }
0x3e: {  	[sflag:s13] =	ssyncset.done $0x0  }
0x3f: {  	s25 =	simm.s32 $0x18880;
	s3 =	rddreg [dreg:$0x3];
	[sflag:s13] =	ssyncadd.s32 $0xFFFFB180  }
0x40: {  	[tilespmem:s25], [sflag:$0x1] =	stream.linear.gather [hbm4b:s3+s2], $0x100, $0x38;
	[tilespmem:$0x19D80] =	vst v63  }
0x41: {  	_ =	swait.ge [sflag:s13], $0x100  }
0x42: {  	[sflag:s13] =	ssyncset.done $0x0  }
0x43: {  	s26 =	simm.s32 $0x18980;
	s20 =	rddreg [dreg:$0x4];
	[sflag:s13] =	ssyncadd.s32 $0xFFFFFF00  }
0x44: {  	[tilespmem:s26], [sflag:$0x1] =	stream.linear.gather [hbm4b:s20+s2], $0x100, $0x38;
	[tilespmem:$0x19D80] =	vst v63  }
0x45: {  	_ =	swait.ge [sflag:s13], $0x100  }
0x46: {  	[sflag:s13] =	ssyncset.done $0x0  }
0x47: {  	s28 =	simm.s32 $0x18A80;
	s24 =	rddreg [dreg:$0x5];
	[sflag:s13] =	ssyncadd.s32 $0xFFFFFF00  }
0x48: {  	[tilespmem:s28], [sflag:$0x1] =	stream.linear.gather [hbm4b:s24+s2], $0x100, $0x38;
	[tilespmem:$0x19D80] =	vst v63  }
0x49: {  	_ =	swait.ge [sflag:s13], $0x100  }
0x4a: {  	[sflag:s13] =	ssyncset.done $0x0  }
0x4b: {  	[sflag:s13] =	ssyncadd.s32 $0xFFFFFF00  }
0x4c: {  	v6 =	vld [tilespmem:s28+$0x0];
	_ =	sdelay $0x1  }
0x4d: {  	v5 =	vld [tilespmem:s25+$0x0]  }
0x4e: {  	v4 =	vld [tilespmem:s26+$0x0];
	_ =	sdelay $0x4  }
0x4f: {  	v2 =	vld.idx.msk [tilespmem:v6+s15+$0x0], $0xffff  }
0x50: {  	v3 =	vld.idx.msk [tilespmem:v6+s16+$0x0], $0xffff  }
0x51: {  	v7 =	vld.idx.msk [tilespmem:v5+s17+$0x0], $0xffff  }
0x52: {  	v8 =	vld.idx.msk [tilespmem:v4+s15+$0x0], $0xffff  }
0x53: {  	v9 =	vld.idx.msk [tilespmem:v4+s16+$0x0], $0xffff  }
0x54: {  	v10 =	vld.idx.msk [tilespmem:v5+s16+$0x0], $0xffff  }
0x55: {  	v11 =	vld.idx.msk [tilespmem:v6+s17+$0x0], $0xffff  }
0x56: {  	v12 =	vld.idx.msk [tilespmem:v4+s17+$0x0], $0xffff  }
0x57: {  	v13 =	vld.idx.msk [tilespmem:v5+s15+$0x0], $0xffff;
	_ =	sdelay $0x2  }
0x58: {  	v9 =	vsub.f32 v9, v10;
	v14 =	vsub.f32 v11, v7  }
0x59: {  	v15 =	vsub.f32 v12, v7;
	v3 =	vsub.f32 v3, v10  }
0x5a: {  	v8 =	vsub.f32 v8, v13;
	v2 =	vsub.f32 v2, v13  }
0x5b: {  	v10 =	vmul.f32 v14, v9;
	v63 =	vmul.f32 v3, v15  }
0x5c: {  	v15 =	vmul.f32 v2, v15;
	v14 =	vmul.f32 v14, v8  }
0x5d: {  	v7 =	vadd.f32 v12, v7;
	v3 =	vmul.f32 v3, v8  }
0x5e: {  	v8 =	vmul.f32 v2, v9;
	v10 =	vsub.f32 v10, v63;
	v9 =	vsub.f32 v15, v14  }
0x5f: {  	s30 =	simm.s32 $0x1;
	v2 =	vadd.f32 v11, v7  }
0x60: {  	s31 =	simm.s32 $0x10;
	s29 =	simm.s32 $0x0;
	s24 =	simm.s32 $0x0;
	v3 =	vsub.f32 v3, v8;
	v7 =	vmul.f32 v10, v10;
	v8 =	vmul.f32 v9, v9  }
.LBB2_2:
0x61: {  	s25 =	sadd.s32 $0x10, s25;
	s26 =	sadd.s32 $0x10, s26;
	s28 =	sadd.s32 $0x10, s28  }
0x62: {  	p0 =	sne.s32 s30, $0xF;
	s20 =	smov.u32 s30;
	s30 =	sadd.s32 $0x1, s30;
	v7 =	vadd.f32 v8, v7;
	v8 =	vmul.f32 v3, v3  }
0x63: {  	_ = 	snop  }
0x64: {  	v7 =	vadd.f32 v7, v8;
	_ =	sdelay $0x1  }
0x65: {  	v8 =	vmul.f32 $5.000000000e-01, v7;
	v9 =	vshra.s32 v7, $0x1  }
0x66: {  	v9 =	vsub.s32 $0x5F3759DF, v9  }
0x67: {  	v10 =	vmul.f32 v9, v8;
	_ =	sdelay $0x1  }
0x68: {  	v10 =	vmul.f32 v9, v10;
	_ =	sdelay $0x1  }
0x69: {  	v10 =	vsub.f32 $1.500000000e+00, v10;
	_ =	sdelay $0x1  }
0x6a: {  	v9 =	vmul.f32 v9, v10;
	_ =	sdelay $0x1  }
0x6b: {  	v10 =	vmul.f32 v9, v8;
	_ =	sdelay $0x1  }
0x6c: {  	v10 =	vmul.f32 v10, v9;
	_ =	sdelay $0x1  }
0x6d: {  	v10 =	vsub.f32 $1.500000000e+00, v10;
	_ =	sdelay $0x1  }
0x6e: {  	v11 =	vld.idx.msk [tilespmem:v5+s14+$0x0], $0xffff;
	v9 =	vmul.f32 v10, v9  }
0x6f: {  	v10 =	vld.idx.msk [tilespmem:v6+s2+$0x0], $0xffff  }
0x70: {  	s1 =	sshll.u32 s24, $0x7;
	v6 =	vld.idx.msk [tilespmem:v6+s14+$0x0], $0xffff;
	v8 =	vmul.f32 v9, v8  }
0x71: {  	s0 =	sand.u32 $0x70, s29;
	s29 =	smov.u32 s31;
	s1 =	sand.u32 $0x3FFFFC00, s1;
	v5 =	vld.idx.msk [tilespmem:v5+s2+$0x0], $0xffff  }
0x72: {  	s1 =	sor.u32 s0, s1;
	v12 =	vld.idx.msk [tilespmem:v4+s14+$0x0], $0xffff;
	v8 =	vmul.f32 v8, v9  }
0x73: {  	s3 =	sadd.s32 $0x18B80, s1;
	v4 =	vld.idx.msk [tilespmem:v4+s2+$0x0], $0xffff  }
0x74: {  	v8 =	vsub.f32 $1.500000000e+00, v8;
	[tilespmem:s3+$0x80] =	vst v11  }
0x75: {  	[tilespmem:s3+$0x200] =	vst v10  }
0x76: {  	v8 =	vmul.f32 v8, v9;
	[tilespmem:s3+$0x280] =	vst v6  }
0x77: {  	vm0 =	vgt.f32 v7, $0.0e+00;
	v9 =	vsub.s32 v6, v11;
	v13 =	vsub.s32 v10, v5;
	[tilespmem:s1+$0x18B80] =	vst v5  }
0x78: {  	v14 =	vsub.s32 v11, v12;
	vm1 =	vgt.s32 v11, v12;
	v7 =	vmul.f32 v8, v7;
	[tilespmem:s3+$0x180] =	vst v12  }
0x79: {  	v8 =	vsub.s32 v4, v5;
	vm2 =	vlt.s32 v4, v5;
	v15 =	vsel vm1, v11, v12;
	[tilespmem:s3+$0x100] =	vst v4  }
0x7a: {  	v16 =	vsel vm2, v4, v5;
	v4 =	vsel vm2, v5, v4;
	v5 =	vadd.f32 $9.999999930e-09, v7  }
0x7b: {  	v7 =	vmul.u32 v8, v9;
	vm2 =	vlt.s32 v16, v10;
	vm3 =	vgt.s32 v4, v10  }
0x7c: {  	v8 =	vmul.u32 v14, v13;
	v9 =	vsel vm1, v12, v11;
	v5 =	vnsel vm0, $0x322BCC77, v5  }
0x7d: {  	vm1 =	vgt.s32 v15, v6;
	v4 =	vsel vm3, v4, v10;
	(erf) = vrcp.f32 v5  }
0x7e: {  	v5 =	vadd.s32 v8, v7;
	v7 =	vsel vm2, v16, v10;
	vm2 =	vlt.s32 v9, v6  }
0x7f: {  	vm3 =	vgt.s32 v7, $0x0;
	vm0 =	vne.s32 v1, v5;
	v8 =	vsub.s32 $0x0, v5  }
0x80: {  	v9 =	vsel vm2, v9, v6;
	v7 =	vnsel vm3, $0x0, v7;
	v5 =	vmin.u32 v5, v8  }
0x81: {  	v4 =	vadd.s32 $0x1, v4;
	v6 =	vsel vm1, v15, v6;
	v8 =	vshrl.u32 v7, $0x7;
	[tilespmem:s3+$0x380] =	vst v7  }
0x82: {  	vm1 =	vlt.s32 v4, $0x1F3;
	vm2 =	vgt.s32 v9, $0x0;
	v6 =	vadd.s32 $0x1, v6;
	[tilespmem:s3+$0x300] =	vst v5  }
0x83: {  	v4 =	vnsel vm1, $0x1F3, v4;
	vm1 =	vlt.s32 v6, $0x1F3;
	v5 =	vand.u32 $0x7FFFFF80, v7  }
0x84: {  	v6 =	vnsel vm1, $0x1F3, v6;
	vm1 =	vgt.s32 v4, v7;
	v7 =	vadd.s32 $0xFFFFFFFF, v4;
	[tilespmem:s1+$0x19380] =	vst v4  }
0x85: {  	v7 =	vshra.s32 v7, $0x7;
	v4 =	vnsel vm2, $0x0, v9;
	v9 =	vadd.s32 $0xFFFFFFFF, v6;
	[tilespmem:s1+$0x19480] =	vst v6  }
0x86: {  	v7 =	vsub.s32 v7, v8;
	v10 =	vshrl.u32 v4, $0x5;
	v9 =	vshra.s32 v9, $0x5;
	[tilespmem:s1+$0x19580] =	vst v5;
	v8 =	vpop (erf)  }
0x87: {  	v7 =	vadd.s32 $0x1, v7;
	v9 =	vsub.s32 v9, v10;
	v3 =	vmul.f32 v8, v3;
	[tilespmem:s1+$0x19700] =	vst v1  }
0x88: {  	vm2 =	vgt.s32 v6, v4;
	v6 =	vadd.s32 $0x1, v9;
	v8 =	vshll.u32 v7, $0x7;
	[tilespmem:s1+$0x19400] =	vst v4  }
0x89: {  	v5 =	vadd.s32 v5, v8;
	v6 =	vmul.u32 v7, v6;
	v3 =	vmax.f32 v3, $0.0e+00  }
0x8a: {  	vm1 =	vmand vm1, vm2;
	v4 =	vand.u32 $0x7FFFFFE0, v4;
	v3 =	vmin.f32 v3, $1.000000000e+00;
	[tilespmem:s1+$0x19600] =	vst v5  }
0x8b: {  	s3 =	sshll.u32 s24, $0x5;
	s24 =	smov.u32 s20;
	vm0 =	vmand vm1, vm0;
	v3 =	vmul.f32 $1.800000000e+02, v3;
	[tilespmem:s1+$0x19500] =	vst v4  }
0x8c: {  	v2 =	vmul.f32 v2, v0;
	s3 =	sand.u32 $0x3FFFFF00, s3;
	v4 =	vnsel vm0, $0x0, v6  }
0x8d: {  	s0 =	sor.u32 s0, s3;
	v3 =	vadd.f32 $7.500000000e+01, v3;
	[tilespmem:s1+$0x19680] =	vst v4  }
0x8e: {  	s1 =	sadd.s32 $0x19B80, s0;
	[tilespmem:s0+$0x19B80] =	vst v2  }
0x8f: {  	[tilespmem:s1+$0x80] =	vst v3  }
0x90: {  	v6 =	vld [tilespmem:s28+$0x0];
	_ =	sdelay $0x1  }
0x91: {  	v5 =	vld [tilespmem:s25+$0x0]  }
0x92: {  	v4 =	vld [tilespmem:s26+$0x0];
	_ =	sdelay $0x4  }
0x93: {  	v2 =	vld.idx.msk [tilespmem:v6+s15+$0x0], $0xffff  }
0x94: {  	v3 =	vld.idx.msk [tilespmem:v6+s16+$0x0], $0xffff  }
0x95: {  	v7 =	vld.idx.msk [tilespmem:v5+s17+$0x0], $0xffff  }
0x96: {  	v8 =	vld.idx.msk [tilespmem:v4+s15+$0x0], $0xffff  }
0x97: {  	v9 =	vld.idx.msk [tilespmem:v4+s16+$0x0], $0xffff  }
0x98: {  	v10 =	vld.idx.msk [tilespmem:v5+s16+$0x0], $0xffff  }
0x99: {  	v11 =	vld.idx.msk [tilespmem:v6+s17+$0x0], $0xffff  }
0x9a: {  	v12 =	vld.idx.msk [tilespmem:v4+s17+$0x0], $0xffff  }
0x9b: {  	v13 =	vld.idx.msk [tilespmem:v5+s15+$0x0], $0xffff;
	_ =	sdelay $0x2  }
0x9c: {  	v9 =	vsub.f32 v9, v10  }
0x9d: {  	v14 =	vsub.f32 v11, v7  }
0x9e: {  	v3 =	vsub.f32 v3, v10;
	v15 =	vsub.f32 v12, v7  }
0x9f: {  	v8 =	vsub.f32 v8, v13;
	v2 =	vsub.f32 v2, v13;
	v10 =	vmul.f32 v14, v9  }
0xa0: {  	v7 =	vadd.f32 v12, v7;
	v12 =	vmul.f32 v3, v15  }
.Ltmp0:
0xa1: {  	v13 =	vmul.f32 v2, v15;
	v14 =	vmul.f32 v14, v8;
	(pc) =	sbr.rel @p0 .LBB2_2-.Ltmp0, $4  }
0xa2: {  	v3 =	vmul.f32 v3, v8;
	v8 =	vmul.f32 v2, v9;
	v10 =	vsub.f32 v10, v12  }
0xa3: {  	v2 =	vadd.f32 v11, v7;
	v9 =	vsub.f32 v13, v14  }
0xa4: {  	v3 =	vsub.f32 v3, v8  }
0xa5: {  	s31 =	sadd.s32 $0x10, s31;
	v7 =	vmul.f32 v10, v10;
	v8 =	vmul.f32 v9, v9  }
0xa6: {  	_ = 	snop  }
0xa7: {  	v7 =	vadd.f32 v8, v7;
	v8 =	vmul.f32 v3, v3;
	_ =	sdelay $0x1  }
0xa8: {  	v7 =	vadd.f32 v7, v8;
	_ =	sdelay $0x1  }
0xa9: {  	v8 =	vmul.f32 $5.000000000e-01, v7;
	v9 =	vshra.s32 v7, $0x1  }
0xaa: {  	v9 =	vsub.s32 $0x5F3759DF, v9  }
0xab: {  	v10 =	vmul.f32 v9, v8;
	_ =	sdelay $0x1  }
0xac: {  	v10 =	vmul.f32 v9, v10;
	_ =	sdelay $0x1  }
0xad: {  	v10 =	vsub.f32 $1.500000000e+00, v10;
	_ =	sdelay $0x1  }
0xae: {  	v9 =	vmul.f32 v9, v10;
	_ =	sdelay $0x1  }
0xaf: {  	v10 =	vmul.f32 v9, v8;
	_ =	sdelay $0x1  }
0xb0: {  	v10 =	vmul.f32 v10, v9;
	_ =	sdelay $0x1  }
0xb1: {  	v10 =	vsub.f32 $1.500000000e+00, v10;
	_ =	sdelay $0x1  }
0xb2: {  	v9 =	vmul.f32 v10, v9  }
0xb3: {  	v11 =	vld.idx.msk [tilespmem:v6+s2+$0x0], $0xffff  }
0xb4: {  	v12 =	vld.idx.msk [tilespmem:v4+s14+$0x0], $0xffff;
	v8 =	vmul.f32 v9, v8  }
0xb5: {  	v10 =	vld.idx.msk [tilespmem:v5+s14+$0x0], $0xffff  }
0xb6: {  	v5 =	vld.idx.msk [tilespmem:v5+s2+$0x0], $0xffff;
	v8 =	vmul.f32 v8, v9  }
0xb7: {  	v4 =	vld.idx.msk [tilespmem:v4+s2+$0x0], $0xffff  }
0xb8: {  	v8 =	vsub.f32 $1.500000000e+00, v8;
	_ =	sdelay $0x1  }
0xb9: {  	v6 =	vld.idx.msk [tilespmem:v6+s14+$0x0], $0xffff;
	v8 =	vmul.f32 v8, v9  }
0xba: {  	vm0 =	vgt.f32 v7, $0.0e+00;
	v13 =	vsub.s32 v11, v5  }
0xbb: {  	vm1 =	vgt.s32 v10, v12;
	vm2 =	vlt.s32 v4, v5;
	v7 =	vmul.f32 v8, v7  }
0xbc: {  	v14 =	vsub.s32 v10, v12;
	v15 =	vsel vm1, v10, v12;
	v16 =	vsel vm2, v4, v5  }
0xbd: {  	s1 =	sshll.u32 s24, $0x7;
	v13 =	vmul.u32 v14, v13;
	v58 =	vsel vm1, v12, v10;
	v7 =	vadd.f32 $9.999999930e-09, v7  }
0xbe: {  	s0 =	sand.u32 $0x70, s29;
	s1 =	sand.u32 $0x3FFFFC00, s1;
	vm8 =	vlt.s32 v16, v11;
	v9 =	vsub.s32 v6, v10;
	v8 =	vsub.s32 v4, v5  }
0xbf: {  	s1 =	sor.u32 s0, s1;
	v8 =	vmul.u32 v8, v9;
	v9 =	vsel vm2, v5, v4;
	v7 =	vnsel vm0, $0x322BCC77, v7  }
0xc0: {  	s3 =	sadd.s32 $0x18B80, s1;
	vm9 =	vgt.s32 v15, v6;
	vm3 =	vgt.s32 v9, v11;
	(erf) = vrcp.f32 v7  }
0xc1: {  	[tilespmem:s3+$0x200] =	vst v11;
	vm10 =	vlt.s32 v58, v6;
	v9 =	vsel vm3, v9, v11;
	v7 =	vadd.s32 v13, v8  }
0xc2: {  	[tilespmem:s3+$0x280] =	vst v6;
	v8 =	vsel vm8, v16, v11;
	v11 =	vsel vm10, v58, v6;
	v6 =	vsel vm9, v15, v6  }
0xc3: {  	[tilespmem:s3+$0x80] =	vst v10;
	vm11 =	vgt.s32 v8, $0x0;
	vm12 =	vne.s32 v1, v7;
	v10 =	vsub.s32 $0x0, v7  }
0xc4: {  	[tilespmem:s1+$0x18B80] =	vst v5;
	v6 =	vadd.s32 $0x1, v6;
	v5 =	vmin.u32 v7, v10;
	v7 =	vadd.s32 $0x1, v9  }
0xc5: {  	[tilespmem:s3+$0x180] =	vst v12;
	vm2 =	vgt.s32 v11, $0x0;
	v8 =	vnsel vm11, $0x0, v8;
	vm13 =	vlt.s32 v7, $0x1F3  }
0xc6: {  	[tilespmem:s3+$0x100] =	vst v4;
	vm14 =	vlt.s32 v6, $0x1F3;
	v9 =	vshrl.u32 v8, $0x7;
	v4 =	vnsel vm13, $0x1F3, v7  }
0xc7: {  	v6 =	vnsel vm14, $0x1F3, v6;
	[tilespmem:s3+$0x300] =	vst v5;
	v5 =	vnsel vm2, $0x0, v11;
	v10 =	vadd.s32 $0xFFFFFFFF, v4  }
0xc8: {  	[tilespmem:s3+$0x380] =	vst v8;
	v7 =	vand.u32 $0x7FFFFF80, v8;
	vm15 =	vgt.s32 v4, v8;
	v8 =	vshra.s32 v10, $0x7  }
0xc9: {  	vm2 =	vgt.s32 v6, v5;
	[tilespmem:s1+$0x19380] =	vst v4;
	v4 =	vadd.s32 $0xFFFFFFFF, v6;
	v8 =	vsub.s32 v8, v9;
	v9 =	vpop (erf)  }
0xca: {  	[tilespmem:s1+$0x19480] =	vst v6;
	v10 =	vshrl.u32 v5, $0x5;
	v4 =	vshra.s32 v4, $0x5;
	v3 =	vmul.f32 v9, v3  }
0xcb: {  	[tilespmem:s1+$0x19400] =	vst v5;
	vm1 =	vmand vm15, vm2;
	v5 =	vand.u32 $0x7FFFFFE0, v5;
	v4 =	vsub.s32 v4, v10  }
0xcc: {  	[tilespmem:s1+$0x19700] =	vst v1;
	v8 =	vadd.s32 $0x1, v8;
	v4 =	vadd.s32 $0x1, v4;
	v3 =	vmax.f32 v3, $0.0e+00  }
0xcd: {  	[tilespmem:s1+$0x19580] =	vst v7;
	v6 =	vshll.u32 v8, $0x7;
	v4 =	vmul.u32 v8, v4;
	v3 =	vmin.f32 v3, $1.000000000e+00  }
0xce: {  	s20 =	sshll.u32 s24, $0x5;
	vm0 =	vmand vm1, vm12;
	[tilespmem:s1+$0x19500] =	vst v5;
	v6 =	vadd.s32 v7, v6;
	v3 =	vmul.f32 $1.800000000e+02, v3  }
0xcf: {  	v2 =	vmul.f32 v2, v0;
	s3 =	sand.u32 $0x3FFFFF00, s20;
	[tilespmem:s1+$0x19600] =	vst v6;
	v4 =	vnsel vm0, $0x0, v4  }
0xd0: {  	s0 =	sor.u32 s0, s3;
	[tilespmem:s1+$0x19680] =	vst v4;
	v3 =	vadd.f32 $7.500000000e+01, v3  }
0xd1: {  	s24 =	sadd.s32 $0x19B80, s0;
	[tilespmem:s0+$0x19B80] =	vst v2  }
0xd2: {  	s25 =	rddreg [dreg:$0x18];
	[tilespmem:s24+$0x80] =	vst v3  }
0xd3: {  	[hbm4b:s25+s18] =	stream.strided.scatter [tilespmem:s21], [sflag:$0x1], $0x1000, s19, s18, $0x38;
	[tilespmem:$0x19D80] =	vst v63  }
0xd4: {  	_ =	swait.ge [sflag:s13], $0x1000  }
0xd5: {  	[sflag:s13] =	ssyncset.done $0x0  }
0xd6: {  	s24 =	simm.s32 $0x0;
	s26 =	rddreg [dreg:$0x19];
	[sflag:s13] =	ssyncadd.s32 $0xFFFFF000  }
0xd7: {  	[hbm4b:s26+s24] =	stream.linear.scatter [tilespmem:s22], [sflag:$0x1], $0x200, $0x38;
	[tilespmem:$0x19D80] =	vst v63  }
0xd8: {  	_ =	swait.ge [sflag:s13], $0x200  }
0xd9: {  	[sflag:s13] =	ssyncset.done $0x0  }
0xda: {  	s25 =	simm.s32 $0x18880;
	s1 =	rddreg [dreg:$0x6];
	[sflag:s13] =	ssyncadd.s32 $0xFFFFFE00  }
0xdb: {  	[tilespmem:s25], [sflag:$0x1] =	stream.linear.gather [hbm4b:s1+s24], $0x100, $0x38;
	[tilespmem:$0x19D80] =	vst v63  }
0xdc: {  	_ =	swait.ge [sflag:s13], $0x100  }
0xdd: {  	[sflag:s13] =	ssyncset.done $0x0  }
0xde: {  	s26 =	simm.s32 $0x18980;
	s3 =	rddreg [dreg:$0x7];
	[sflag:s13] =	ssyncadd.s32 $0xFFFFFF00  }
0xdf: {  	[tilespmem:s26], [sflag:$0x1] =	stream.linear.gather [hbm4b:s3+s24], $0x100, $0x38;
	[tilespmem:$0x19D80] =	vst v63  }
0xe0: {  	_ =	swait.ge [sflag:s13], $0x100  }
0xe1: {  	[sflag:s13] =	ssyncset.done $0x0  }
0xe2: {  	s28 =	simm.s32 $0x18A80;
	s20 =	rddreg [dreg:$0x8];
	[sflag:s13] =	ssyncadd.s32 $0xFFFFFF00  }
0xe3: {  	[tilespmem:s28], [sflag:$0x1] =	stream.linear.gather [hbm4b:s20+s24], $0x100, $0x38;
	[tilespmem:$0x19D80] =	vst v63  }
0xe4: {  	_ =	swait.ge [sflag:s13], $0x100  }
0xe5: {  	[sflag:s13] =	ssyncset.done $0x0  }
0xe6: {  	[sflag:s13] =	ssyncadd.s32 $0xFFFFFF00  }
0xe7: {  	v6 =	vld [tilespmem:s28+$0x0];
	_ =	sdelay $0x1  }
0xe8: {  	v5 =	vld [tilespmem:s25+$0x0]  }
0xe9: {  	v4 =	vld [tilespmem:s26+$0x0];
	_ =	sdelay $0x4  }
0xea: {  	v2 =	vld.idx.msk [tilespmem:v6+s15+$0x0], $0xffff  }
0xeb: {  	v3 =	vld.idx.msk [tilespmem:v6+s16+$0x0], $0xffff  }
0xec: {  	v7 =	vld.idx.msk [tilespmem:v5+s17+$0x0], $0xffff  }
0xed: {  	v8 =	vld.idx.msk [tilespmem:v4+s15+$0x0], $0xffff  }
0xee: {  	v9 =	vld.idx.msk [tilespmem:v4+s16+$0x0], $0xffff  }
0xef: {  	v10 =	vld.idx.msk [tilespmem:v5+s16+$0x0], $0xffff  }
0xf0: {  	v11 =	vld.idx.msk [tilespmem:v6+s17+$0x0], $0xffff  }
0xf1: {  	v59 =	vld.idx.msk [tilespmem:v4+s17+$0x0], $0xffff  }
0xf2: {  	v60 =	vld.idx.msk [tilespmem:v5+s15+$0x0], $0xffff;
	_ =	sdelay $0x2  }
0xf3: {  	v9 =	vsub.f32 v9, v10;
	v61 =	vsub.f32 v11, v7  }
0xf4: {  	v62 =	vsub.f32 v59, v7;
	v3 =	vsub.f32 v3, v10  }
0xf5: {  	v8 =	vsub.f32 v8, v60;
	v2 =	vsub.f32 v2, v60  }
0xf6: {  	v10 =	vmul.f32 v61, v9;
	v63 =	vmul.f32 v3, v62  }
0xf7: {  	v15 =	vmul.f32 v2, v62;
	v14 =	vmul.f32 v61, v8  }
0xf8: {  	v7 =	vadd.f32 v59, v7;
	v3 =	vmul.f32 v3, v8  }
0xf9: {  	v8 =	vmul.f32 v2, v9;
	v10 =	vsub.f32 v10, v63;
	v9 =	vsub.f32 v15, v14  }
0xfa: {  	v2 =	vadd.f32 v11, v7  }
0xfb: {  	s30 =	simm.s32 $0x1;
	s31 =	simm.s32 $0x10;
	s29 =	simm.s32 $0x0;
	v3 =	vsub.f32 v3, v8;
	v7 =	vmul.f32 v10, v10;
	v8 =	vmul.f32 v9, v9  }
.LBB2_4:
0xfc: {  	s25 =	sadd.s32 $0x10, s25;
	s26 =	sadd.s32 $0x10, s26;
	s28 =	sadd.s32 $0x10, s28  }
0xfd: {  	p0 =	sne.s32 s30, $0xF;
	s20 =	smov.u32 s30;
	s30 =	sadd.s32 $0x1, s30;
	v7 =	vadd.f32 v8, v7;
	v8 =	vmul.f32 v3, v3  }
0xfe: {  	_ = 	snop  }
0xff: {  	v7 =	vadd.f32 v7, v8;
	_ =	sdelay $0x1  }
0x100: {  	v8 =	vmul.f32 $5.000000000e-01, v7;
	v9 =	vshra.s32 v7, $0x1  }
0x101: {  	v9 =	vsub.s32 $0x5F3759DF, v9  }
0x102: {  	v10 =	vmul.f32 v9, v8;
	_ =	sdelay $0x1  }
0x103: {  	v10 =	vmul.f32 v9, v10;
	_ =	sdelay $0x1  }
0x104: {  	v10 =	vsub.f32 $1.500000000e+00, v10;
	_ =	sdelay $0x1  }
0x105: {  	v9 =	vmul.f32 v9, v10;
	_ =	sdelay $0x1  }
0x106: {  	v10 =	vmul.f32 v9, v8;
	_ =	sdelay $0x1  }
0x107: {  	v10 =	vmul.f32 v10, v9;
	_ =	sdelay $0x1  }
0x108: {  	v10 =	vsub.f32 $1.500000000e+00, v10;
	_ =	sdelay $0x1  }
0x109: {  	v11 =	vld.idx.msk [tilespmem:v5+s14+$0x0], $0xffff;
	v9 =	vmul.f32 v10, v9  }
0x10a: {  	v10 =	vld.idx.msk [tilespmem:v6+s2+$0x0], $0xffff  }
0x10b: {  	s1 =	sshll.u32 s24, $0x7;
	v6 =	vld.idx.msk [tilespmem:v6+s14+$0x0], $0xffff;
	v8 =	vmul.f32 v9, v8  }
0x10c: {  	s0 =	sand.u32 $0x70, s29;
	s29 =	smov.u32 s31;
	s1 =	sand.u32 $0x3FFFFC00, s1;
	v5 =	vld.idx.msk [tilespmem:v5+s2+$0x0], $0xffff  }
0x10d: {  	s1 =	sor.u32 s0, s1;
	v12 =	vld.idx.msk [tilespmem:v4+s14+$0x0], $0xffff;
	v8 =	vmul.f32 v8, v9  }
0x10e: {  	s3 =	sadd.s32 $0x18B80, s1;
	v4 =	vld.idx.msk [tilespmem:v4+s2+$0x0], $0xffff  }
0x10f: {  	v8 =	vsub.f32 $1.500000000e+00, v8;
	[tilespmem:s3+$0x80] =	vst v11  }
0x110: {  	[tilespmem:s3+$0x200] =	vst v10  }
0x111: {  	v8 =	vmul.f32 v8, v9;
	[tilespmem:s3+$0x280] =	vst v6  }
0x112: {  	vm0 =	vgt.f32 v7, $0.0e+00;
	v9 =	vsub.s32 v6, v11;
	v13 =	vsub.s32 v10, v5;
	[tilespmem:s1+$0x18B80] =	vst v5  }
0x113: {  	v14 =	vsub.s32 v11, v12;
	vm1 =	vgt.s32 v11, v12;
	v7 =	vmul.f32 v8, v7;
	[tilespmem:s3+$0x180] =	vst v12  }
0x114: {  	v8 =	vsub.s32 v4, v5;
	vm2 =	vlt.s32 v4, v5;
	v15 =	vsel vm1, v11, v12;
	[tilespmem:s3+$0x100] =	vst v4  }
0x115: {  	v16 =	vsel vm2, v4, v5;
	v4 =	vsel vm2, v5, v4;
	v5 =	vadd.f32 $9.999999930e-09, v7  }
0x116: {  	v7 =	vmul.u32 v8, v9;
	vm2 =	vlt.s32 v16, v10;
	vm3 =	vgt.s32 v4, v10  }
0x117: {  	v8 =	vmul.u32 v14, v13;
	v9 =	vsel vm1, v12, v11;
	v5 =	vnsel vm0, $0x322BCC77, v5  }
0x118: {  	vm1 =	vgt.s32 v15, v6;
	v4 =	vsel vm3, v4, v10;
	(erf) = vrcp.f32 v5  }
0x119: {  	v5 =	vadd.s32 v8, v7;
	v7 =	vsel vm2, v16, v10;
	vm2 =	vlt.s32 v9, v6  }
0x11a: {  	vm3 =	vgt.s32 v7, $0x0;
	vm0 =	vne.s32 v1, v5;
	v8 =	vsub.s32 $0x0, v5  }
0x11b: {  	v9 =	vsel vm2, v9, v6;
	v7 =	vnsel vm3, $0x0, v7;
	v5 =	vmin.u32 v5, v8  }
0x11c: {  	v4 =	vadd.s32 $0x1, v4;
	v6 =	vsel vm1, v15, v6;
	v8 =	vshrl.u32 v7, $0x7;
	[tilespmem:s3+$0x380] =	vst v7  }
0x11d: {  	vm1 =	vlt.s32 v4, $0x1F3;
	vm2 =	vgt.s32 v9, $0x0;
	v6 =	vadd.s32 $0x1, v6;
	[tilespmem:s3+$0x300] =	vst v5  }
0x11e: {  	v4 =	vnsel vm1, $0x1F3, v4;
	vm1 =	vlt.s32 v6, $0x1F3;
	v5 =	vand.u32 $0x7FFFFF80, v7  }
0x11f: {  	v6 =	vnsel vm1, $0x1F3, v6;
	vm1 =	vgt.s32 v4, v7;
	v7 =	vadd.s32 $0xFFFFFFFF, v4;
	[tilespmem:s1+$0x19380] =	vst v4  }
0x120: {  	v7 =	vshra.s32 v7, $0x7;
	v4 =	vnsel vm2, $0x0, v9;
	v9 =	vadd.s32 $0xFFFFFFFF, v6;
	[tilespmem:s1+$0x19480] =	vst v6  }
0x121: {  	v7 =	vsub.s32 v7, v8;
	v10 =	vshrl.u32 v4, $0x5;
	v9 =	vshra.s32 v9, $0x5;
	[tilespmem:s1+$0x19580] =	vst v5;
	v8 =	vpop (erf)  }
0x122: {  	v7 =	vadd.s32 $0x1, v7;
	v9 =	vsub.s32 v9, v10;
	v3 =	vmul.f32 v8, v3;
	[tilespmem:s1+$0x19700] =	vst v1  }
0x123: {  	vm2 =	vgt.s32 v6, v4;
	v6 =	vadd.s32 $0x1, v9;
	v8 =	vshll.u32 v7, $0x7;
	[tilespmem:s1+$0x19400] =	vst v4  }
0x124: {  	v5 =	vadd.s32 v5, v8;
	v6 =	vmul.u32 v7, v6;
	v3 =	vmax.f32 v3, $0.0e+00  }
0x125: {  	vm1 =	vmand vm1, vm2;
	v4 =	vand.u32 $0x7FFFFFE0, v4;
	v3 =	vmin.f32 v3, $1.000000000e+00;
	[tilespmem:s1+$0x19600] =	vst v5  }
0x126: {  	s3 =	sshll.u32 s24, $0x5;
	s24 =	smov.u32 s20;
	vm0 =	vmand vm1, vm0;
	v3 =	vmul.f32 $1.800000000e+02, v3;
	[tilespmem:s1+$0x19500] =	vst v4  }
0x127: {  	v2 =	vmul.f32 v2, v0;
	s3 =	sand.u32 $0x3FFFFF00, s3;
	v4 =	vnsel vm0, $0x0, v6  }
0x128: {  	s0 =	sor.u32 s0, s3;
	v3 =	vadd.f32 $7.500000000e+01, v3;
	[tilespmem:s1+$0x19680] =	vst v4  }
0x129: {  	s1 =	sadd.s32 $0x19B80, s0;
	[tilespmem:s0+$0x19B80] =	vst v2  }
0x12a: {  	[tilespmem:s1+$0x80] =	vst v3  }
0x12b: {  	v6 =	vld [tilespmem:s28+$0x0];
	_ =	sdelay $0x1  }
0x12c: {  	v5 =	vld [tilespmem:s25+$0x0]  }
0x12d: {  	v4 =	vld [tilespmem:s26+$0x0];
	_ =	sdelay $0x4  }
0x12e: {  	v2 =	vld.idx.msk [tilespmem:v6+s15+$0x0], $0xffff  }
0x12f: {  	v3 =	vld.idx.msk [tilespmem:v6+s16+$0x0], $0xffff  }
0x130: {  	v7 =	vld.idx.msk [tilespmem:v5+s17+$0x0], $0xffff  }
0x131: {  	v8 =	vld.idx.msk [tilespmem:v4+s15+$0x0], $0xffff  }
0x132: {  	v9 =	vld.idx.msk [tilespmem:v4+s16+$0x0], $0xffff  }
0x133: {  	v10 =	vld.idx.msk [tilespmem:v5+s16+$0x0], $0xffff  }
0x134: {  	v11 =	vld.idx.msk [tilespmem:v6+s17+$0x0], $0xffff  }
0x135: {  	v12 =	vld.idx.msk [tilespmem:v4+s17+$0x0], $0xffff  }
0x136: {  	v13 =	vld.idx.msk [tilespmem:v5+s15+$0x0], $0xffff;
	_ =	sdelay $0x2  }
0x137: {  	v9 =	vsub.f32 v9, v10  }
0x138: {  	v14 =	vsub.f32 v11, v7  }
0x139: {  	v3 =	vsub.f32 v3, v10;
	v15 =	vsub.f32 v12, v7  }
0x13a: {  	v8 =	vsub.f32 v8, v13;
	v2 =	vsub.f32 v2, v13;
	v10 =	vmul.f32 v14, v9  }
0x13b: {  	v7 =	vadd.f32 v12, v7;
	v12 =	vmul.f32 v3, v15  }
.Ltmp1:
0x13c: {  	v13 =	vmul.f32 v2, v15;
	v14 =	vmul.f32 v14, v8;
	(pc) =	sbr.rel @p0 .LBB2_4-.Ltmp1, $4  }
0x13d: {  	v3 =	vmul.f32 v3, v8;
	v8 =	vmul.f32 v2, v9;
	v10 =	vsub.f32 v10, v12  }
0x13e: {  	v2 =	vadd.f32 v11, v7;
	v9 =	vsub.f32 v13, v14  }
0x13f: {  	v3 =	vsub.f32 v3, v8  }
0x140: {  	s31 =	sadd.s32 $0x10, s31;
	v7 =	vmul.f32 v10, v10;
	v8 =	vmul.f32 v9, v9  }
0x141: {  	_ = 	snop  }
0x142: {  	v7 =	vadd.f32 v8, v7;
	v8 =	vmul.f32 v3, v3;
	_ =	sdelay $0x1  }
0x143: {  	v7 =	vadd.f32 v7, v8;
	_ =	sdelay $0x1  }
0x144: {  	v8 =	vmul.f32 $5.000000000e-01, v7;
	v9 =	vshra.s32 v7, $0x1  }
0x145: {  	v9 =	vsub.s32 $0x5F3759DF, v9  }
0x146: {  	v10 =	vmul.f32 v9, v8;
	_ =	sdelay $0x1  }
0x147: {  	v10 =	vmul.f32 v9, v10;
	_ =	sdelay $0x1  }
0x148: {  	v10 =	vsub.f32 $1.500000000e+00, v10;
	_ =	sdelay $0x1  }
0x149: {  	v9 =	vmul.f32 v9, v10;
	_ =	sdelay $0x1  }
0x14a: {  	v10 =	vmul.f32 v9, v8;
	_ =	sdelay $0x1  }
0x14b: {  	v10 =	vmul.f32 v10, v9;
	_ =	sdelay $0x1  }
0x14c: {  	v10 =	vsub.f32 $1.500000000e+00, v10;
	_ =	sdelay $0x1  }
0x14d: {  	v9 =	vmul.f32 v10, v9  }
0x14e: {  	v11 =	vld.idx.msk [tilespmem:v6+s2+$0x0], $0xffff  }
0x14f: {  	v12 =	vld.idx.msk [tilespmem:v4+s14+$0x0], $0xffff;
	v8 =	vmul.f32 v9, v8  }
0x150: {  	v10 =	vld.idx.msk [tilespmem:v5+s14+$0x0], $0xffff  }
0x151: {  	v5 =	vld.idx.msk [tilespmem:v5+s2+$0x0], $0xffff;
	v8 =	vmul.f32 v8, v9  }
0x152: {  	v4 =	vld.idx.msk [tilespmem:v4+s2+$0x0], $0xffff  }
0x153: {  	v8 =	vsub.f32 $1.500000000e+00, v8;
	_ =	sdelay $0x1  }
0x154: {  	v6 =	vld.idx.msk [tilespmem:v6+s14+$0x0], $0xffff;
	v8 =	vmul.f32 v8, v9  }
0x155: {  	vm0 =	vgt.f32 v7, $0.0e+00;
	v13 =	vsub.s32 v11, v5  }
0x156: {  	vm1 =	vgt.s32 v10, v12;
	vm2 =	vlt.s32 v4, v5;
	v7 =	vmul.f32 v8, v7  }
0x157: {  	v14 =	vsub.s32 v10, v12;
	v15 =	vsel vm1, v10, v12;
	v16 =	vsel vm2, v4, v5  }
0x158: {  	s1 =	sshll.u32 s24, $0x7;
	v13 =	vmul.u32 v14, v13;
	v58 =	vsel vm1, v12, v10;
	v7 =	vadd.f32 $9.999999930e-09, v7  }
0x159: {  	s0 =	sand.u32 $0x70, s29;
	s1 =	sand.u32 $0x3FFFFC00, s1;
	vm8 =	vlt.s32 v16, v11;
	v9 =	vsub.s32 v6, v10;
	v8 =	vsub.s32 v4, v5  }
0x15a: {  	s1 =	sor.u32 s0, s1;
	v8 =	vmul.u32 v8, v9;
	v9 =	vsel vm2, v5, v4;
	v7 =	vnsel vm0, $0x322BCC77, v7  }
0x15b: {  	s3 =	sadd.s32 $0x18B80, s1;
	vm9 =	vgt.s32 v15, v6;
	vm3 =	vgt.s32 v9, v11;
	(erf) = vrcp.f32 v7  }
0x15c: {  	[tilespmem:s3+$0x200] =	vst v11;
	vm10 =	vlt.s32 v58, v6;
	v9 =	vsel vm3, v9, v11;
	v7 =	vadd.s32 v13, v8  }
0x15d: {  	[tilespmem:s3+$0x280] =	vst v6;
	v8 =	vsel vm8, v16, v11;
	v11 =	vsel vm10, v58, v6;
	v6 =	vsel vm9, v15, v6  }
0x15e: {  	[tilespmem:s3+$0x80] =	vst v10;
	vm11 =	vgt.s32 v8, $0x0;
	vm12 =	vne.s32 v1, v7;
	v10 =	vsub.s32 $0x0, v7  }
0x15f: {  	[tilespmem:s1+$0x18B80] =	vst v5;
	v6 =	vadd.s32 $0x1, v6;
	v5 =	vmin.u32 v7, v10;
	v7 =	vadd.s32 $0x1, v9  }
0x160: {  	[tilespmem:s3+$0x180] =	vst v12;
	vm2 =	vgt.s32 v11, $0x0;
	v8 =	vnsel vm11, $0x0, v8;
	vm13 =	vlt.s32 v7, $0x1F3  }
0x161: {  	[tilespmem:s3+$0x100] =	vst v4;
	vm14 =	vlt.s32 v6, $0x1F3;
	v9 =	vshrl.u32 v8, $0x7;
	v4 =	vnsel vm13, $0x1F3, v7  }
0x162: {  	v6 =	vnsel vm14, $0x1F3, v6;
	[tilespmem:s3+$0x300] =	vst v5;
	v5 =	vnsel vm2, $0x0, v11;
	v10 =	vadd.s32 $0xFFFFFFFF, v4  }
0x163: {  	[tilespmem:s3+$0x380] =	vst v8;
	v7 =	vand.u32 $0x7FFFFF80, v8;
	vm15 =	vgt.s32 v4, v8;
	v8 =	vshra.s32 v10, $0x7  }
0x164: {  	vm2 =	vgt.s32 v6, v5;
	[tilespmem:s1+$0x19380] =	vst v4;
	v4 =	vadd.s32 $0xFFFFFFFF, v6;
	v8 =	vsub.s32 v8, v9;
	v9 =	vpop (erf)  }
0x165: {  	[tilespmem:s1+$0x19480] =	vst v6;
	v10 =	vshrl.u32 v5, $0x5;
	v4 =	vshra.s32 v4, $0x5;
	v3 =	vmul.f32 v9, v3  }
0x166: {  	[tilespmem:s1+$0x19400] =	vst v5;
	vm1 =	vmand vm15, vm2;
	v5 =	vand.u32 $0x7FFFFFE0, v5;
	v4 =	vsub.s32 v4, v10  }
0x167: {  	[tilespmem:s1+$0x19700] =	vst v1;
	v8 =	vadd.s32 $0x1, v8;
	v4 =	vadd.s32 $0x1, v4;
	v3 =	vmax.f32 v3, $0.0e+00  }
0x168: {  	[tilespmem:s1+$0x19580] =	vst v7;
	v6 =	vshll.u32 v8, $0x7;
	v4 =	vmul.u32 v8, v4;
	v3 =	vmin.f32 v3, $1.000000000e+00  }
0x169: {  	s20 =	sshll.u32 s24, $0x5;
	vm0 =	vmand vm1, vm12;
	[tilespmem:s1+$0x19500] =	vst v5;
	v6 =	vadd.s32 v7, v6;
	v3 =	vmul.f32 $1.800000000e+02, v3  }
0x16a: {  	v2 =	vmul.f32 v2, v0;
	s3 =	sand.u32 $0x3FFFFF00, s20;
	[tilespmem:s1+$0x19600] =	vst v6;
	v4 =	vnsel vm0, $0x0, v4  }
0x16b: {  	s0 =	sor.u32 s0, s3;
	[tilespmem:s1+$0x19680] =	vst v4;
	v3 =	vadd.f32 $7.500000000e+01, v3  }
0x16c: {  	s24 =	sadd.s32 $0x19B80, s0;
	[tilespmem:s0+$0x19B80] =	vst v2  }
0x16d: {  	s25 =	rddreg [dreg:$0x1a];
	[tilespmem:s24+$0x80] =	vst v3  }
0x16e: {  	[hbm4b:s25+s18] =	stream.strided.scatter [tilespmem:s21], [sflag:$0x1], $0x1000, s19, s18, $0x38;
	[tilespmem:$0x19D80] =	vst v63  }
0x16f: {  	_ =	swait.ge [sflag:s13], $0x1000  }
0x170: {  	[sflag:s13] =	ssyncset.done $0x0  }
0x171: {  	s24 =	simm.s32 $0x0;
	s26 =	rddreg [dreg:$0x1b];
	[sflag:s13] =	ssyncadd.s32 $0xFFFFF000  }
0x172: {  	[hbm4b:s26+s24] =	stream.linear.scatter [tilespmem:s22], [sflag:$0x1], $0x200, $0x38;
	[tilespmem:$0x19D80] =	vst v63  }
0x173: {  	_ =	swait.ge [sflag:s13], $0x200  }
0x174: {  	[sflag:s13] =	ssyncset.done $0x0  }
0x175: {  	s25 =	simm.s32 $0x18880;
	s1 =	rddreg [dreg:$0x9];
	[sflag:s13] =	ssyncadd.s32 $0xFFFFFE00  }
0x176: {  	[tilespmem:s25], [sflag:$0x1] =	stream.linear.gather [hbm4b:s1+s24], $0x100, $0x38;
	[tilespmem:$0x19D80] =	vst v63  }
0x177: {  	_ =	swait.ge [sflag:s13], $0x100  }
0x178: {  	[sflag:s13] =	ssyncset.done $0x0  }
0x179: {  	s26 =	simm.s32 $0x18980;
	s3 =	rddreg [dreg:$0xa];
	[sflag:s13] =	ssyncadd.s32 $0xFFFFFF00  }
0x17a: {  	[tilespmem:s26], [sflag:$0x1] =	stream.linear.gather [hbm4b:s3+s24], $0x100, $0x38;
	[tilespmem:$0x19D80] =	vst v63  }
0x17b: {  	_ =	swait.ge [sflag:s13], $0x100  }
0x17c: {  	[sflag:s13] =	ssyncset.done $0x0  }
0x17d: {  	s28 =	simm.s32 $0x18A80;
	s20 =	rddreg [dreg:$0xb];
	[sflag:s13] =	ssyncadd.s32 $0xFFFFFF00  }
0x17e: {  	[tilespmem:s28], [sflag:$0x1] =	stream.linear.gather [hbm4b:s20+s24], $0x100, $0x38;
	[tilespmem:$0x19D80] =	vst v63  }
0x17f: {  	_ =	swait.ge [sflag:s13], $0x100  }
0x180: {  	[sflag:s13] =	ssyncset.done $0x0  }
0x181: {  	[sflag:s13] =	ssyncadd.s32 $0xFFFFFF00  }
0x182: {  	v6 =	vld [tilespmem:s28+$0x0];
	_ =	sdelay $0x1  }
0x183: {  	v5 =	vld [tilespmem:s25+$0x0]  }
0x184: {  	v4 =	vld [tilespmem:s26+$0x0];
	_ =	sdelay $0x4  }
0x185: {  	v2 =	vld.idx.msk [tilespmem:v6+s15+$0x0], $0xffff  }
0x186: {  	v3 =	vld.idx.msk [tilespmem:v6+s16+$0x0], $0xffff  }
0x187: {  	v7 =	vld.idx.msk [tilespmem:v5+s17+$0x0], $0xffff  }
0x188: {  	v8 =	vld.idx.msk [tilespmem:v4+s15+$0x0], $0xffff  }
0x189: {  	v9 =	vld.idx.msk [tilespmem:v4+s16+$0x0], $0xffff  }
0x18a: {  	v10 =	vld.idx.msk [tilespmem:v5+s16+$0x0], $0xffff  }
0x18b: {  	v11 =	vld.idx.msk [tilespmem:v6+s17+$0x0], $0xffff  }
0x18c: {  	v59 =	vld.idx.msk [tilespmem:v4+s17+$0x0], $0xffff  }
0x18d: {  	v60 =	vld.idx.msk [tilespmem:v5+s15+$0x0], $0xffff;
	_ =	sdelay $0x2  }
0x18e: {  	v9 =	vsub.f32 v9, v10;
	v61 =	vsub.f32 v11, v7  }
0x18f: {  	v62 =	vsub.f32 v59, v7;
	v3 =	vsub.f32 v3, v10  }
0x190: {  	v8 =	vsub.f32 v8, v60;
	v2 =	vsub.f32 v2, v60  }
0x191: {  	v10 =	vmul.f32 v61, v9;
	v63 =	vmul.f32 v3, v62  }
0x192: {  	v15 =	vmul.f32 v2, v62;
	v14 =	vmul.f32 v61, v8  }
0x193: {  	v7 =	vadd.f32 v59, v7;
	v3 =	vmul.f32 v3, v8  }
0x194: {  	v8 =	vmul.f32 v2, v9;
	v10 =	vsub.f32 v10, v63;
	v9 =	vsub.f32 v15, v14  }
0x195: {  	v2 =	vadd.f32 v11, v7  }
0x196: {  	s30 =	simm.s32 $0x1;
	s31 =	simm.s32 $0x10;
	s29 =	simm.s32 $0x0;
	v3 =	vsub.f32 v3, v8;
	v7 =	vmul.f32 v10, v10;
	v8 =	vmul.f32 v9, v9  }
.LBB2_6:
0x197: {  	s25 =	sadd.s32 $0x10, s25;
	s26 =	sadd.s32 $0x10, s26;
	s28 =	sadd.s32 $0x10, s28  }
0x198: {  	p0 =	sne.s32 s30, $0xF;
	s20 =	smov.u32 s30;
	s30 =	sadd.s32 $0x1, s30;
	v7 =	vadd.f32 v8, v7;
	v8 =	vmul.f32 v3, v3  }
0x199: {  	_ = 	snop  }
0x19a: {  	v7 =	vadd.f32 v7, v8;
	_ =	sdelay $0x1  }
0x19b: {  	v8 =	vmul.f32 $5.000000000e-01, v7;
	v9 =	vshra.s32 v7, $0x1  }
0x19c: {  	v9 =	vsub.s32 $0x5F3759DF, v9  }
0x19d: {  	v10 =	vmul.f32 v9, v8;
	_ =	sdelay $0x1  }
0x19e: {  	v10 =	vmul.f32 v9, v10;
	_ =	sdelay $0x1  }
0x19f: {  	v10 =	vsub.f32 $1.500000000e+00, v10;
	_ =	sdelay $0x1  }
0x1a0: {  	v9 =	vmul.f32 v9, v10;
	_ =	sdelay $0x1  }
0x1a1: {  	v10 =	vmul.f32 v9, v8;
	_ =	sdelay $0x1  }
0x1a2: {  	v10 =	vmul.f32 v10, v9;
	_ =	sdelay $0x1  }
0x1a3: {  	v10 =	vsub.f32 $1.500000000e+00, v10;
	_ =	sdelay $0x1  }
0x1a4: {  	v11 =	vld.idx.msk [tilespmem:v5+s14+$0x0], $0xffff;
	v9 =	vmul.f32 v10, v9  }
0x1a5: {  	v10 =	vld.idx.msk [tilespmem:v6+s2+$0x0], $0xffff  }
0x1a6: {  	s1 =	sshll.u32 s24, $0x7;
	v6 =	vld.idx.msk [tilespmem:v6+s14+$0x0], $0xffff;
	v8 =	vmul.f32 v9, v8  }
0x1a7: {  	s0 =	sand.u32 $0x70, s29;
	s29 =	smov.u32 s31;
	s1 =	sand.u32 $0x3FFFFC00, s1;
	v5 =	vld.idx.msk [tilespmem:v5+s2+$0x0], $0xffff  }
0x1a8: {  	s1 =	sor.u32 s0, s1;
	v12 =	vld.idx.msk [tilespmem:v4+s14+$0x0], $0xffff;
	v8 =	vmul.f32 v8, v9  }
0x1a9: {  	s3 =	sadd.s32 $0x18B80, s1;
	v4 =	vld.idx.msk [tilespmem:v4+s2+$0x0], $0xffff  }
0x1aa: {  	v8 =	vsub.f32 $1.500000000e+00, v8;
	[tilespmem:s3+$0x80] =	vst v11  }
0x1ab: {  	[tilespmem:s3+$0x200] =	vst v10  }
0x1ac: {  	v8 =	vmul.f32 v8, v9;
	[tilespmem:s3+$0x280] =	vst v6  }
0x1ad: {  	vm0 =	vgt.f32 v7, $0.0e+00;
	v9 =	vsub.s32 v6, v11;
	v13 =	vsub.s32 v10, v5;
	[tilespmem:s1+$0x18B80] =	vst v5  }
0x1ae: {  	v14 =	vsub.s32 v11, v12;
	vm1 =	vgt.s32 v11, v12;
	v7 =	vmul.f32 v8, v7;
	[tilespmem:s3+$0x180] =	vst v12  }
0x1af: {  	v8 =	vsub.s32 v4, v5;
	vm2 =	vlt.s32 v4, v5;
	v15 =	vsel vm1, v11, v12;
	[tilespmem:s3+$0x100] =	vst v4  }
0x1b0: {  	v16 =	vsel vm2, v4, v5;
	v4 =	vsel vm2, v5, v4;
	v5 =	vadd.f32 $9.999999930e-09, v7  }
0x1b1: {  	v7 =	vmul.u32 v8, v9;
	vm2 =	vlt.s32 v16, v10;
	vm3 =	vgt.s32 v4, v10  }
0x1b2: {  	v8 =	vmul.u32 v14, v13;
	v9 =	vsel vm1, v12, v11;
	v5 =	vnsel vm0, $0x322BCC77, v5  }
0x1b3: {  	vm1 =	vgt.s32 v15, v6;
	v4 =	vsel vm3, v4, v10;
	(erf) = vrcp.f32 v5  }
0x1b4: {  	v5 =	vadd.s32 v8, v7;
	v7 =	vsel vm2, v16, v10;
	vm2 =	vlt.s32 v9, v6  }
0x1b5: {  	vm3 =	vgt.s32 v7, $0x0;
	vm0 =	vne.s32 v1, v5;
	v8 =	vsub.s32 $0x0, v5  }
0x1b6: {  	v9 =	vsel vm2, v9, v6;
	v7 =	vnsel vm3, $0x0, v7;
	v5 =	vmin.u32 v5, v8  }
0x1b7: {  	v4 =	vadd.s32 $0x1, v4;
	v6 =	vsel vm1, v15, v6;
	v8 =	vshrl.u32 v7, $0x7;
	[tilespmem:s3+$0x380] =	vst v7  }
0x1b8: {  	vm1 =	vlt.s32 v4, $0x1F3;
	vm2 =	vgt.s32 v9, $0x0;
	v6 =	vadd.s32 $0x1, v6;
	[tilespmem:s3+$0x300] =	vst v5  }
0x1b9: {  	v4 =	vnsel vm1, $0x1F3, v4;
	vm1 =	vlt.s32 v6, $0x1F3;
	v5 =	vand.u32 $0x7FFFFF80, v7  }
0x1ba: {  	v6 =	vnsel vm1, $0x1F3, v6;
	vm1 =	vgt.s32 v4, v7;
	v7 =	vadd.s32 $0xFFFFFFFF, v4;
	[tilespmem:s1+$0x19380] =	vst v4  }
0x1bb: {  	v7 =	vshra.s32 v7, $0x7;
	v4 =	vnsel vm2, $0x0, v9;
	v9 =	vadd.s32 $0xFFFFFFFF, v6;
	[tilespmem:s1+$0x19480] =	vst v6  }
0x1bc: {  	v7 =	vsub.s32 v7, v8;
	v10 =	vshrl.u32 v4, $0x5;
	v9 =	vshra.s32 v9, $0x5;
	[tilespmem:s1+$0x19580] =	vst v5;
	v8 =	vpop (erf)  }
0x1bd: {  	v7 =	vadd.s32 $0x1, v7;
	v9 =	vsub.s32 v9, v10;
	v3 =	vmul.f32 v8, v3;
	[tilespmem:s1+$0x19700] =	vst v1  }
0x1be: {  	vm2 =	vgt.s32 v6, v4;
	v6 =	vadd.s32 $0x1, v9;
	v8 =	vshll.u32 v7, $0x7;
	[tilespmem:s1+$0x19400] =	vst v4  }
0x1bf: {  	v5 =	vadd.s32 v5, v8;
	v6 =	vmul.u32 v7, v6;
	v3 =	vmax.f32 v3, $0.0e+00  }
0x1c0: {  	vm1 =	vmand vm1, vm2;
	v4 =	vand.u32 $0x7FFFFFE0, v4;
	v3 =	vmin.f32 v3, $1.000000000e+00;
	[tilespmem:s1+$0x19600] =	vst v5  }
0x1c1: {  	s3 =	sshll.u32 s24, $0x5;
	s24 =	smov.u32 s20;
	vm0 =	vmand vm1, vm0;
	v3 =	vmul.f32 $1.800000000e+02, v3;
	[tilespmem:s1+$0x19500] =	vst v4  }
0x1c2: {  	v2 =	vmul.f32 v2, v0;
	s3 =	sand.u32 $0x3FFFFF00, s3;
	v4 =	vnsel vm0, $0x0, v6  }
0x1c3: {  	s0 =	sor.u32 s0, s3;
	v3 =	vadd.f32 $7.500000000e+01, v3;
	[tilespmem:s1+$0x19680] =	vst v4  }
0x1c4: {  	s1 =	sadd.s32 $0x19B80, s0;
	[tilespmem:s0+$0x19B80] =	vst v2  }
0x1c5: {  	[tilespmem:s1+$0x80] =	vst v3  }
0x1c6: {  	v6 =	vld [tilespmem:s28+$0x0];
	_ =	sdelay $0x1  }
0x1c7: {  	v5 =	vld [tilespmem:s25+$0x0]  }
0x1c8: {  	v4 =	vld [tilespmem:s26+$0x0];
	_ =	sdelay $0x4  }
0x1c9: {  	v2 =	vld.idx.msk [tilespmem:v6+s15+$0x0], $0xffff  }
0x1ca: {  	v3 =	vld.idx.msk [tilespmem:v6+s16+$0x0], $0xffff  }
0x1cb: {  	v7 =	vld.idx.msk [tilespmem:v5+s17+$0x0], $0xffff  }
0x1cc: {  	v8 =	vld.idx.msk [tilespmem:v4+s15+$0x0], $0xffff  }
0x1cd: {  	v9 =	vld.idx.msk [tilespmem:v4+s16+$0x0], $0xffff  }
0x1ce: {  	v10 =	vld.idx.msk [tilespmem:v5+s16+$0x0], $0xffff  }
0x1cf: {  	v11 =	vld.idx.msk [tilespmem:v6+s17+$0x0], $0xffff  }
0x1d0: {  	v12 =	vld.idx.msk [tilespmem:v4+s17+$0x0], $0xffff  }
0x1d1: {  	v13 =	vld.idx.msk [tilespmem:v5+s15+$0x0], $0xffff;
	_ =	sdelay $0x2  }
0x1d2: {  	v9 =	vsub.f32 v9, v10  }
0x1d3: {  	v14 =	vsub.f32 v11, v7  }
0x1d4: {  	v3 =	vsub.f32 v3, v10;
	v15 =	vsub.f32 v12, v7  }
0x1d5: {  	v8 =	vsub.f32 v8, v13;
	v2 =	vsub.f32 v2, v13;
	v10 =	vmul.f32 v14, v9  }
0x1d6: {  	v7 =	vadd.f32 v12, v7;
	v12 =	vmul.f32 v3, v15  }
.Ltmp2:
0x1d7: {  	v13 =	vmul.f32 v2, v15;
	v14 =	vmul.f32 v14, v8;
	(pc) =	sbr.rel @p0 .LBB2_6-.Ltmp2, $4  }
0x1d8: {  	v3 =	vmul.f32 v3, v8;
	v8 =	vmul.f32 v2, v9;
	v10 =	vsub.f32 v10, v12  }
0x1d9: {  	v2 =	vadd.f32 v11, v7;
	v9 =	vsub.f32 v13, v14  }
0x1da: {  	v3 =	vsub.f32 v3, v8  }
0x1db: {  	s31 =	sadd.s32 $0x10, s31;
	v7 =	vmul.f32 v10, v10;
	v8 =	vmul.f32 v9, v9  }
0x1dc: {  	_ = 	snop  }
0x1dd: {  	v7 =	vadd.f32 v8, v7;
	v8 =	vmul.f32 v3, v3;
	_ =	sdelay $0x1  }
0x1de: {  	v7 =	vadd.f32 v7, v8;
	_ =	sdelay $0x1  }
0x1df: {  	v8 =	vmul.f32 $5.000000000e-01, v7;
	v9 =	vshra.s32 v7, $0x1  }
0x1e0: {  	v9 =	vsub.s32 $0x5F3759DF, v9  }
0x1e1: {  	v10 =	vmul.f32 v9, v8;
	_ =	sdelay $0x1  }
0x1e2: {  	v10 =	vmul.f32 v9, v10;
	_ =	sdelay $0x1  }
0x1e3: {  	v10 =	vsub.f32 $1.500000000e+00, v10;
	_ =	sdelay $0x1  }
0x1e4: {  	v9 =	vmul.f32 v9, v10;
	_ =	sdelay $0x1  }
0x1e5: {  	v10 =	vmul.f32 v9, v8;
	_ =	sdelay $0x1  }
0x1e6: {  	v10 =	vmul.f32 v10, v9;
	_ =	sdelay $0x1  }
0x1e7: {  	v10 =	vsub.f32 $1.500000000e+00, v10;
	_ =	sdelay $0x1  }
0x1e8: {  	v9 =	vmul.f32 v10, v9  }
0x1e9: {  	v11 =	vld.idx.msk [tilespmem:v6+s2+$0x0], $0xffff  }
0x1ea: {  	v12 =	vld.idx.msk [tilespmem:v4+s14+$0x0], $0xffff;
	v8 =	vmul.f32 v9, v8  }
0x1eb: {  	v10 =	vld.idx.msk [tilespmem:v5+s14+$0x0], $0xffff  }
0x1ec: {  	v5 =	vld.idx.msk [tilespmem:v5+s2+$0x0], $0xffff;
	v8 =	vmul.f32 v8, v9  }
0x1ed: {  	v4 =	vld.idx.msk [tilespmem:v4+s2+$0x0], $0xffff  }
0x1ee: {  	v8 =	vsub.f32 $1.500000000e+00, v8;
	_ =	sdelay $0x1  }
0x1ef: {  	v6 =	vld.idx.msk [tilespmem:v6+s14+$0x0], $0xffff;
	v8 =	vmul.f32 v8, v9  }
0x1f0: {  	vm0 =	vgt.f32 v7, $0.0e+00;
	v13 =	vsub.s32 v11, v5  }
0x1f1: {  	vm1 =	vgt.s32 v10, v12;
	vm2 =	vlt.s32 v4, v5;
	v7 =	vmul.f32 v8, v7  }
0x1f2: {  	v14 =	vsub.s32 v10, v12;
	v15 =	vsel vm1, v10, v12;
	v16 =	vsel vm2, v4, v5  }
0x1f3: {  	s1 =	sshll.u32 s24, $0x7;
	v13 =	vmul.u32 v14, v13;
	v58 =	vsel vm1, v12, v10;
	v7 =	vadd.f32 $9.999999930e-09, v7  }
0x1f4: {  	s0 =	sand.u32 $0x70, s29;
	s1 =	sand.u32 $0x3FFFFC00, s1;
	vm8 =	vlt.s32 v16, v11;
	v9 =	vsub.s32 v6, v10;
	v8 =	vsub.s32 v4, v5  }
0x1f5: {  	s1 =	sor.u32 s0, s1;
	v8 =	vmul.u32 v8, v9;
	v9 =	vsel vm2, v5, v4;
	v7 =	vnsel vm0, $0x322BCC77, v7  }
0x1f6: {  	s3 =	sadd.s32 $0x18B80, s1;
	vm9 =	vgt.s32 v15, v6;
	vm3 =	vgt.s32 v9, v11;
	(erf) = vrcp.f32 v7  }
0x1f7: {  	[tilespmem:s3+$0x200] =	vst v11;
	vm10 =	vlt.s32 v58, v6;
	v9 =	vsel vm3, v9, v11;
	v7 =	vadd.s32 v13, v8  }
0x1f8: {  	[tilespmem:s3+$0x280] =	vst v6;
	v8 =	vsel vm8, v16, v11;
	v11 =	vsel vm10, v58, v6;
	v6 =	vsel vm9, v15, v6  }
0x1f9: {  	[tilespmem:s3+$0x80] =	vst v10;
	vm11 =	vgt.s32 v8, $0x0;
	vm12 =	vne.s32 v1, v7;
	v10 =	vsub.s32 $0x0, v7  }
0x1fa: {  	[tilespmem:s1+$0x18B80] =	vst v5;
	v6 =	vadd.s32 $0x1, v6;
	v5 =	vmin.u32 v7, v10;
	v7 =	vadd.s32 $0x1, v9  }
0x1fb: {  	[tilespmem:s3+$0x180] =	vst v12;
	vm2 =	vgt.s32 v11, $0x0;
	v8 =	vnsel vm11, $0x0, v8;
	vm13 =	vlt.s32 v7, $0x1F3  }
0x1fc: {  	[tilespmem:s3+$0x100] =	vst v4;
	vm14 =	vlt.s32 v6, $0x1F3;
	v9 =	vshrl.u32 v8, $0x7;
	v4 =	vnsel vm13, $0x1F3, v7  }
0x1fd: {  	v6 =	vnsel vm14, $0x1F3, v6;
	[tilespmem:s3+$0x300] =	vst v5;
	v5 =	vnsel vm2, $0x0, v11;
	v10 =	vadd.s32 $0xFFFFFFFF, v4  }
0x1fe: {  	[tilespmem:s3+$0x380] =	vst v8;
	v7 =	vand.u32 $0x7FFFFF80, v8;
	vm15 =	vgt.s32 v4, v8;
	v8 =	vshra.s32 v10, $0x7  }
0x1ff: {  	vm2 =	vgt.s32 v6, v5;
	[tilespmem:s1+$0x19380] =	vst v4;
	v4 =	vadd.s32 $0xFFFFFFFF, v6;
	v8 =	vsub.s32 v8, v9;
	v9 =	vpop (erf)  }
0x200: {  	[tilespmem:s1+$0x19480] =	vst v6;
	v10 =	vshrl.u32 v5, $0x5;
	v4 =	vshra.s32 v4, $0x5;
	v3 =	vmul.f32 v9, v3  }
0x201: {  	[tilespmem:s1+$0x19400] =	vst v5;
	vm1 =	vmand vm15, vm2;
	v5 =	vand.u32 $0x7FFFFFE0, v5;
	v4 =	vsub.s32 v4, v10  }
0x202: {  	[tilespmem:s1+$0x19700] =	vst v1;
	v8 =	vadd.s32 $0x1, v8;
	v4 =	vadd.s32 $0x1, v4;
	v3 =	vmax.f32 v3, $0.0e+00  }
0x203: {  	[tilespmem:s1+$0x19580] =	vst v7;
	v6 =	vshll.u32 v8, $0x7;
	v4 =	vmul.u32 v8, v4;
	v3 =	vmin.f32 v3, $1.000000000e+00  }
0x204: {  	s20 =	sshll.u32 s24, $0x5;
	vm0 =	vmand vm1, vm12;
	[tilespmem:s1+$0x19500] =	vst v5;
	v6 =	vadd.s32 v7, v6;
	v3 =	vmul.f32 $1.800000000e+02, v3  }
0x205: {  	v2 =	vmul.f32 v2, v0;
	s3 =	sand.u32 $0x3FFFFF00, s20;
	[tilespmem:s1+$0x19600] =	vst v6;
	v4 =	vnsel vm0, $0x0, v4  }
0x206: {  	s0 =	sor.u32 s0, s3;
	[tilespmem:s1+$0x19680] =	vst v4;
	v3 =	vadd.f32 $7.500000000e+01, v3  }
0x207: {  	s24 =	sadd.s32 $0x19B80, s0;
	[tilespmem:s0+$0x19B80] =	vst v2  }
0x208: {  	s25 =	rddreg [dreg:$0x1c];
	[tilespmem:s24+$0x80] =	vst v3  }
0x209: {  	[hbm4b:s25+s18] =	stream.strided.scatter [tilespmem:s21], [sflag:$0x1], $0x1000, s19, s18, $0x38;
	[tilespmem:$0x19D80] =	vst v63  }
0x20a: {  	_ =	swait.ge [sflag:s13], $0x1000  }
0x20b: {  	[sflag:s13] =	ssyncset.done $0x0  }
0x20c: {  	s24 =	simm.s32 $0x0;
	s26 =	rddreg [dreg:$0x1d];
	[sflag:s13] =	ssyncadd.s32 $0xFFFFF000  }
0x20d: {  	[hbm4b:s26+s24] =	stream.linear.scatter [tilespmem:s22], [sflag:$0x1], $0x200, $0x38;
	[tilespmem:$0x19D80] =	vst v63  }
0x20e: {  	_ =	swait.ge [sflag:s13], $0x200  }
0x20f: {  	[sflag:s13] =	ssyncset.done $0x0  }
0x210: {  	s25 =	simm.s32 $0x18880;
	s1 =	rddreg [dreg:$0xc];
	[sflag:s13] =	ssyncadd.s32 $0xFFFFFE00  }
0x211: {  	[tilespmem:s25], [sflag:$0x1] =	stream.linear.gather [hbm4b:s1+s24], $0x100, $0x38;
	[tilespmem:$0x19D80] =	vst v63  }
0x212: {  	_ =	swait.ge [sflag:s13], $0x100  }
0x213: {  	[sflag:s13] =	ssyncset.done $0x0  }
0x214: {  	s26 =	simm.s32 $0x18980;
	s3 =	rddreg [dreg:$0xd];
	[sflag:s13] =	ssyncadd.s32 $0xFFFFFF00  }
0x215: {  	[tilespmem:s26], [sflag:$0x1] =	stream.linear.gather [hbm4b:s3+s24], $0x100, $0x38;
	[tilespmem:$0x19D80] =	vst v63  }
0x216: {  	_ =	swait.ge [sflag:s13], $0x100  }
0x217: {  	[sflag:s13] =	ssyncset.done $0x0  }
0x218: {  	s28 =	simm.s32 $0x18A80;
	s20 =	rddreg [dreg:$0xe];
	[sflag:s13] =	ssyncadd.s32 $0xFFFFFF00  }
0x219: {  	[tilespmem:s28], [sflag:$0x1] =	stream.linear.gather [hbm4b:s20+s24], $0x100, $0x38;
	[tilespmem:$0x19D80] =	vst v63  }
0x21a: {  	_ =	swait.ge [sflag:s13], $0x100  }
0x21b: {  	[sflag:s13] =	ssyncset.done $0x0  }
0x21c: {  	[sflag:s13] =	ssyncadd.s32 $0xFFFFFF00  }
0x21d: {  	v6 =	vld [tilespmem:s28+$0x0];
	_ =	sdelay $0x1  }
0x21e: {  	v5 =	vld [tilespmem:s25+$0x0]  }
0x21f: {  	v4 =	vld [tilespmem:s26+$0x0];
	_ =	sdelay $0x4  }
0x220: {  	v2 =	vld.idx.msk [tilespmem:v6+s15+$0x0], $0xffff  }
0x221: {  	v3 =	vld.idx.msk [tilespmem:v6+s16+$0x0], $0xffff  }
0x222: {  	v7 =	vld.idx.msk [tilespmem:v5+s17+$0x0], $0xffff  }
0x223: {  	v8 =	vld.idx.msk [tilespmem:v4+s15+$0x0], $0xffff  }
0x224: {  	v9 =	vld.idx.msk [tilespmem:v4+s16+$0x0], $0xffff  }
0x225: {  	v10 =	vld.idx.msk [tilespmem:v5+s16+$0x0], $0xffff  }
0x226: {  	v11 =	vld.idx.msk [tilespmem:v6+s17+$0x0], $0xffff  }
0x227: {  	v59 =	vld.idx.msk [tilespmem:v4+s17+$0x0], $0xffff  }
0x228: {  	v60 =	vld.idx.msk [tilespmem:v5+s15+$0x0], $0xffff;
	_ =	sdelay $0x2  }
0x229: {  	v9 =	vsub.f32 v9, v10;
	v61 =	vsub.f32 v11, v7  }
0x22a: {  	v62 =	vsub.f32 v59, v7;
	v3 =	vsub.f32 v3, v10  }
0x22b: {  	v8 =	vsub.f32 v8, v60;
	v2 =	vsub.f32 v2, v60  }
0x22c: {  	v10 =	vmul.f32 v61, v9;
	v63 =	vmul.f32 v3, v62  }
0x22d: {  	v15 =	vmul.f32 v2, v62;
	v14 =	vmul.f32 v61, v8  }
0x22e: {  	v7 =	vadd.f32 v59, v7;
	v3 =	vmul.f32 v3, v8  }
0x22f: {  	v8 =	vmul.f32 v2, v9;
	v10 =	vsub.f32 v10, v63;
	v9 =	vsub.f32 v15, v14  }
0x230: {  	v2 =	vadd.f32 v11, v7  }
0x231: {  	s30 =	simm.s32 $0x1;
	s31 =	simm.s32 $0x10;
	s29 =	simm.s32 $0x0;
	v3 =	vsub.f32 v3, v8;
	v7 =	vmul.f32 v10, v10;
	v8 =	vmul.f32 v9, v9  }
.LBB2_8:
0x232: {  	s25 =	sadd.s32 $0x10, s25;
	s26 =	sadd.s32 $0x10, s26;
	s28 =	sadd.s32 $0x10, s28  }
0x233: {  	p0 =	sne.s32 s30, $0xF;
	s20 =	smov.u32 s30;
	s30 =	sadd.s32 $0x1, s30;
	v7 =	vadd.f32 v8, v7;
	v8 =	vmul.f32 v3, v3  }
0x234: {  	_ = 	snop  }
0x235: {  	v7 =	vadd.f32 v7, v8;
	_ =	sdelay $0x1  }
0x236: {  	v8 =	vmul.f32 $5.000000000e-01, v7;
	v9 =	vshra.s32 v7, $0x1  }
0x237: {  	v9 =	vsub.s32 $0x5F3759DF, v9  }
0x238: {  	v10 =	vmul.f32 v9, v8;
	_ =	sdelay $0x1  }
0x239: {  	v10 =	vmul.f32 v9, v10;
	_ =	sdelay $0x1  }
0x23a: {  	v10 =	vsub.f32 $1.500000000e+00, v10;
	_ =	sdelay $0x1  }
0x23b: {  	v9 =	vmul.f32 v9, v10;
	_ =	sdelay $0x1  }
0x23c: {  	v10 =	vmul.f32 v9, v8;
	_ =	sdelay $0x1  }
0x23d: {  	v10 =	vmul.f32 v10, v9;
	_ =	sdelay $0x1  }
0x23e: {  	v10 =	vsub.f32 $1.500000000e+00, v10;
	_ =	sdelay $0x1  }
0x23f: {  	v11 =	vld.idx.msk [tilespmem:v5+s14+$0x0], $0xffff;
	v9 =	vmul.f32 v10, v9  }
0x240: {  	v10 =	vld.idx.msk [tilespmem:v6+s2+$0x0], $0xffff  }
0x241: {  	s1 =	sshll.u32 s24, $0x7;
	v6 =	vld.idx.msk [tilespmem:v6+s14+$0x0], $0xffff;
	v8 =	vmul.f32 v9, v8  }
0x242: {  	s0 =	sand.u32 $0x70, s29;
	s29 =	smov.u32 s31;
	s1 =	sand.u32 $0x3FFFFC00, s1;
	v5 =	vld.idx.msk [tilespmem:v5+s2+$0x0], $0xffff  }
0x243: {  	s1 =	sor.u32 s0, s1;
	v12 =	vld.idx.msk [tilespmem:v4+s14+$0x0], $0xffff;
	v8 =	vmul.f32 v8, v9  }
0x244: {  	s3 =	sadd.s32 $0x18B80, s1;
	v4 =	vld.idx.msk [tilespmem:v4+s2+$0x0], $0xffff  }
0x245: {  	v8 =	vsub.f32 $1.500000000e+00, v8;
	[tilespmem:s3+$0x80] =	vst v11  }
0x246: {  	[tilespmem:s3+$0x200] =	vst v10  }
0x247: {  	v8 =	vmul.f32 v8, v9;
	[tilespmem:s3+$0x280] =	vst v6  }
0x248: {  	vm0 =	vgt.f32 v7, $0.0e+00;
	v9 =	vsub.s32 v6, v11;
	v13 =	vsub.s32 v10, v5;
	[tilespmem:s1+$0x18B80] =	vst v5  }
0x249: {  	v14 =	vsub.s32 v11, v12;
	vm1 =	vgt.s32 v11, v12;
	v7 =	vmul.f32 v8, v7;
	[tilespmem:s3+$0x180] =	vst v12  }
0x24a: {  	v8 =	vsub.s32 v4, v5;
	vm2 =	vlt.s32 v4, v5;
	v15 =	vsel vm1, v11, v12;
	[tilespmem:s3+$0x100] =	vst v4  }
0x24b: {  	v16 =	vsel vm2, v4, v5;
	v4 =	vsel vm2, v5, v4;
	v5 =	vadd.f32 $9.999999930e-09, v7  }
0x24c: {  	v7 =	vmul.u32 v8, v9;
	vm2 =	vlt.s32 v16, v10;
	vm3 =	vgt.s32 v4, v10  }
0x24d: {  	v8 =	vmul.u32 v14, v13;
	v9 =	vsel vm1, v12, v11;
	v5 =	vnsel vm0, $0x322BCC77, v5  }
0x24e: {  	vm1 =	vgt.s32 v15, v6;
	v4 =	vsel vm3, v4, v10;
	(erf) = vrcp.f32 v5  }
0x24f: {  	v5 =	vadd.s32 v8, v7;
	v7 =	vsel vm2, v16, v10;
	vm2 =	vlt.s32 v9, v6  }
0x250: {  	vm3 =	vgt.s32 v7, $0x0;
	vm0 =	vne.s32 v1, v5;
	v8 =	vsub.s32 $0x0, v5  }
0x251: {  	v9 =	vsel vm2, v9, v6;
	v7 =	vnsel vm3, $0x0, v7;
	v5 =	vmin.u32 v5, v8  }
0x252: {  	v4 =	vadd.s32 $0x1, v4;
	v6 =	vsel vm1, v15, v6;
	v8 =	vshrl.u32 v7, $0x7;
	[tilespmem:s3+$0x380] =	vst v7  }
0x253: {  	vm1 =	vlt.s32 v4, $0x1F3;
	vm2 =	vgt.s32 v9, $0x0;
	v6 =	vadd.s32 $0x1, v6;
	[tilespmem:s3+$0x300] =	vst v5  }
0x254: {  	v4 =	vnsel vm1, $0x1F3, v4;
	vm1 =	vlt.s32 v6, $0x1F3;
	v5 =	vand.u32 $0x7FFFFF80, v7  }
0x255: {  	v6 =	vnsel vm1, $0x1F3, v6;
	vm1 =	vgt.s32 v4, v7;
	v7 =	vadd.s32 $0xFFFFFFFF, v4;
	[tilespmem:s1+$0x19380] =	vst v4  }
0x256: {  	v7 =	vshra.s32 v7, $0x7;
	v4 =	vnsel vm2, $0x0, v9;
	v9 =	vadd.s32 $0xFFFFFFFF, v6;
	[tilespmem:s1+$0x19480] =	vst v6  }
0x257: {  	v7 =	vsub.s32 v7, v8;
	v10 =	vshrl.u32 v4, $0x5;
	v9 =	vshra.s32 v9, $0x5;
	[tilespmem:s1+$0x19580] =	vst v5;
	v8 =	vpop (erf)  }
0x258: {  	v7 =	vadd.s32 $0x1, v7;
	v9 =	vsub.s32 v9, v10;
	v3 =	vmul.f32 v8, v3;
	[tilespmem:s1+$0x19700] =	vst v1  }
0x259: {  	vm2 =	vgt.s32 v6, v4;
	v6 =	vadd.s32 $0x1, v9;
	v8 =	vshll.u32 v7, $0x7;
	[tilespmem:s1+$0x19400] =	vst v4  }
0x25a: {  	v5 =	vadd.s32 v5, v8;
	v6 =	vmul.u32 v7, v6;
	v3 =	vmax.f32 v3, $0.0e+00  }
0x25b: {  	vm1 =	vmand vm1, vm2;
	v4 =	vand.u32 $0x7FFFFFE0, v4;
	v3 =	vmin.f32 v3, $1.000000000e+00;
	[tilespmem:s1+$0x19600] =	vst v5  }
0x25c: {  	s3 =	sshll.u32 s24, $0x5;
	s24 =	smov.u32 s20;
	vm0 =	vmand vm1, vm0;
	v3 =	vmul.f32 $1.800000000e+02, v3;
	[tilespmem:s1+$0x19500] =	vst v4  }
0x25d: {  	v2 =	vmul.f32 v2, v0;
	s3 =	sand.u32 $0x3FFFFF00, s3;
	v4 =	vnsel vm0, $0x0, v6  }
0x25e: {  	s0 =	sor.u32 s0, s3;
	v3 =	vadd.f32 $7.500000000e+01, v3;
	[tilespmem:s1+$0x19680] =	vst v4  }
0x25f: {  	s1 =	sadd.s32 $0x19B80, s0;
	[tilespmem:s0+$0x19B80] =	vst v2  }
0x260: {  	[tilespmem:s1+$0x80] =	vst v3  }
0x261: {  	v6 =	vld [tilespmem:s28+$0x0];
	_ =	sdelay $0x1  }
0x262: {  	v5 =	vld [tilespmem:s25+$0x0]  }
0x263: {  	v4 =	vld [tilespmem:s26+$0x0];
	_ =	sdelay $0x4  }
0x264: {  	v2 =	vld.idx.msk [tilespmem:v6+s15+$0x0], $0xffff  }
0x265: {  	v3 =	vld.idx.msk [tilespmem:v6+s16+$0x0], $0xffff  }
0x266: {  	v7 =	vld.idx.msk [tilespmem:v5+s17+$0x0], $0xffff  }
0x267: {  	v8 =	vld.idx.msk [tilespmem:v4+s15+$0x0], $0xffff  }
0x268: {  	v9 =	vld.idx.msk [tilespmem:v4+s16+$0x0], $0xffff  }
0x269: {  	v10 =	vld.idx.msk [tilespmem:v5+s16+$0x0], $0xffff  }
0x26a: {  	v11 =	vld.idx.msk [tilespmem:v6+s17+$0x0], $0xffff  }
0x26b: {  	v12 =	vld.idx.msk [tilespmem:v4+s17+$0x0], $0xffff  }
0x26c: {  	v13 =	vld.idx.msk [tilespmem:v5+s15+$0x0], $0xffff;
	_ =	sdelay $0x2  }
0x26d: {  	v9 =	vsub.f32 v9, v10  }
0x26e: {  	v14 =	vsub.f32 v11, v7  }
0x26f: {  	v3 =	vsub.f32 v3, v10;
	v15 =	vsub.f32 v12, v7  }
0x270: {  	v8 =	vsub.f32 v8, v13;
	v2 =	vsub.f32 v2, v13;
	v10 =	vmul.f32 v14, v9  }
0x271: {  	v7 =	vadd.f32 v12, v7;
	v12 =	vmul.f32 v3, v15  }
.Ltmp3:
0x272: {  	v13 =	vmul.f32 v2, v15;
	v14 =	vmul.f32 v14, v8;
	(pc) =	sbr.rel @p0 .LBB2_8-.Ltmp3, $4  }
0x273: {  	v3 =	vmul.f32 v3, v8;
	v8 =	vmul.f32 v2, v9;
	v10 =	vsub.f32 v10, v12  }
0x274: {  	v2 =	vadd.f32 v11, v7;
	v9 =	vsub.f32 v13, v14  }
0x275: {  	v3 =	vsub.f32 v3, v8  }
0x276: {  	s31 =	sadd.s32 $0x10, s31;
	v7 =	vmul.f32 v10, v10;
	v8 =	vmul.f32 v9, v9  }
0x277: {  	_ = 	snop  }
0x278: {  	v7 =	vadd.f32 v8, v7;
	v8 =	vmul.f32 v3, v3;
	_ =	sdelay $0x1  }
0x279: {  	v7 =	vadd.f32 v7, v8;
	_ =	sdelay $0x1  }
0x27a: {  	v8 =	vmul.f32 $5.000000000e-01, v7;
	v9 =	vshra.s32 v7, $0x1  }
0x27b: {  	v9 =	vsub.s32 $0x5F3759DF, v9  }
0x27c: {  	v10 =	vmul.f32 v9, v8;
	_ =	sdelay $0x1  }
0x27d: {  	v10 =	vmul.f32 v9, v10;
	_ =	sdelay $0x1  }
0x27e: {  	v10 =	vsub.f32 $1.500000000e+00, v10;
	_ =	sdelay $0x1  }
0x27f: {  	v9 =	vmul.f32 v9, v10;
	_ =	sdelay $0x1  }
0x280: {  	v10 =	vmul.f32 v9, v8;
	_ =	sdelay $0x1  }
0x281: {  	v10 =	vmul.f32 v10, v9;
	_ =	sdelay $0x1  }
0x282: {  	v10 =	vsub.f32 $1.500000000e+00, v10;
	_ =	sdelay $0x1  }
0x283: {  	v9 =	vmul.f32 v10, v9  }
0x284: {  	v11 =	vld.idx.msk [tilespmem:v6+s2+$0x0], $0xffff  }
0x285: {  	v12 =	vld.idx.msk [tilespmem:v4+s14+$0x0], $0xffff;
	v8 =	vmul.f32 v9, v8  }
0x286: {  	v10 =	vld.idx.msk [tilespmem:v5+s14+$0x0], $0xffff  }
0x287: {  	v5 =	vld.idx.msk [tilespmem:v5+s2+$0x0], $0xffff;
	v8 =	vmul.f32 v8, v9  }
0x288: {  	v4 =	vld.idx.msk [tilespmem:v4+s2+$0x0], $0xffff  }
0x289: {  	v8 =	vsub.f32 $1.500000000e+00, v8;
	_ =	sdelay $0x1  }
0x28a: {  	v6 =	vld.idx.msk [tilespmem:v6+s14+$0x0], $0xffff;
	v8 =	vmul.f32 v8, v9  }
0x28b: {  	vm0 =	vgt.f32 v7, $0.0e+00;
	v13 =	vsub.s32 v11, v5  }
0x28c: {  	vm1 =	vgt.s32 v10, v12;
	vm2 =	vlt.s32 v4, v5;
	v7 =	vmul.f32 v8, v7  }
0x28d: {  	v14 =	vsub.s32 v10, v12;
	v15 =	vsel vm1, v10, v12;
	v16 =	vsel vm2, v4, v5  }
0x28e: {  	s1 =	sshll.u32 s24, $0x7;
	v13 =	vmul.u32 v14, v13;
	v58 =	vsel vm1, v12, v10;
	v7 =	vadd.f32 $9.999999930e-09, v7  }
0x28f: {  	s0 =	sand.u32 $0x70, s29;
	s1 =	sand.u32 $0x3FFFFC00, s1;
	vm8 =	vlt.s32 v16, v11;
	v9 =	vsub.s32 v6, v10;
	v8 =	vsub.s32 v4, v5  }
0x290: {  	s1 =	sor.u32 s0, s1;
	v8 =	vmul.u32 v8, v9;
	v9 =	vsel vm2, v5, v4;
	v7 =	vnsel vm0, $0x322BCC77, v7  }
0x291: {  	s3 =	sadd.s32 $0x18B80, s1;
	vm9 =	vgt.s32 v15, v6;
	vm3 =	vgt.s32 v9, v11;
	(erf) = vrcp.f32 v7  }
0x292: {  	[tilespmem:s3+$0x200] =	vst v11;
	vm10 =	vlt.s32 v58, v6;
	v9 =	vsel vm3, v9, v11;
	v7 =	vadd.s32 v13, v8  }
0x293: {  	[tilespmem:s3+$0x280] =	vst v6;
	v8 =	vsel vm8, v16, v11;
	v11 =	vsel vm10, v58, v6;
	v6 =	vsel vm9, v15, v6  }
0x294: {  	[tilespmem:s3+$0x80] =	vst v10;
	vm11 =	vgt.s32 v8, $0x0;
	vm12 =	vne.s32 v1, v7;
	v10 =	vsub.s32 $0x0, v7  }
0x295: {  	[tilespmem:s1+$0x18B80] =	vst v5;
	v6 =	vadd.s32 $0x1, v6;
	v5 =	vmin.u32 v7, v10;
	v7 =	vadd.s32 $0x1, v9  }
0x296: {  	[tilespmem:s3+$0x180] =	vst v12;
	vm2 =	vgt.s32 v11, $0x0;
	v8 =	vnsel vm11, $0x0, v8;
	vm13 =	vlt.s32 v7, $0x1F3  }
0x297: {  	[tilespmem:s3+$0x100] =	vst v4;
	vm14 =	vlt.s32 v6, $0x1F3;
	v9 =	vshrl.u32 v8, $0x7;
	v4 =	vnsel vm13, $0x1F3, v7  }
0x298: {  	v6 =	vnsel vm14, $0x1F3, v6;
	[tilespmem:s3+$0x300] =	vst v5;
	v5 =	vnsel vm2, $0x0, v11;
	v10 =	vadd.s32 $0xFFFFFFFF, v4  }
0x299: {  	[tilespmem:s3+$0x380] =	vst v8;
	v7 =	vand.u32 $0x7FFFFF80, v8;
	vm15 =	vgt.s32 v4, v8;
	v8 =	vshra.s32 v10, $0x7  }
0x29a: {  	vm2 =	vgt.s32 v6, v5;
	[tilespmem:s1+$0x19380] =	vst v4;
	v4 =	vadd.s32 $0xFFFFFFFF, v6;
	v8 =	vsub.s32 v8, v9;
	v9 =	vpop (erf)  }
0x29b: {  	[tilespmem:s1+$0x19480] =	vst v6;
	v10 =	vshrl.u32 v5, $0x5;
	v4 =	vshra.s32 v4, $0x5;
	v3 =	vmul.f32 v9, v3  }
0x29c: {  	[tilespmem:s1+$0x19400] =	vst v5;
	vm1 =	vmand vm15, vm2;
	v5 =	vand.u32 $0x7FFFFFE0, v5;
	v4 =	vsub.s32 v4, v10  }
0x29d: {  	[tilespmem:s1+$0x19700] =	vst v1;
	v8 =	vadd.s32 $0x1, v8;
	v4 =	vadd.s32 $0x1, v4;
	v3 =	vmax.f32 v3, $0.0e+00  }
0x29e: {  	[tilespmem:s1+$0x19580] =	vst v7;
	v6 =	vshll.u32 v8, $0x7;
	v4 =	vmul.u32 v8, v4;
	v3 =	vmin.f32 v3, $1.000000000e+00  }
0x29f: {  	s20 =	sshll.u32 s24, $0x5;
	vm0 =	vmand vm1, vm12;
	[tilespmem:s1+$0x19500] =	vst v5;
	v6 =	vadd.s32 v7, v6;
	v3 =	vmul.f32 $1.800000000e+02, v3  }
0x2a0: {  	v2 =	vmul.f32 v2, v0;
	s3 =	sand.u32 $0x3FFFFF00, s20;
	[tilespmem:s1+$0x19600] =	vst v6;
	v4 =	vnsel vm0, $0x0, v4  }
0x2a1: {  	s0 =	sor.u32 s0, s3;
	[tilespmem:s1+$0x19680] =	vst v4;
	v3 =	vadd.f32 $7.500000000e+01, v3  }
0x2a2: {  	s24 =	sadd.s32 $0x19B80, s0;
	[tilespmem:s0+$0x19B80] =	vst v2  }
0x2a3: {  	s25 =	rddreg [dreg:$0x1e];
	[tilespmem:s24+$0x80] =	vst v3  }
0x2a4: {  	[hbm4b:s25+s18] =	stream.strided.scatter [tilespmem:s21], [sflag:$0x1], $0x1000, s19, s18, $0x38;
	[tilespmem:$0x19D80] =	vst v63  }
0x2a5: {  	_ =	swait.ge [sflag:s13], $0x1000  }
0x2a6: {  	[sflag:s13] =	ssyncset.done $0x0  }
0x2a7: {  	s24 =	simm.s32 $0x0;
	s26 =	rddreg [dreg:$0x1f];
	[sflag:s13] =	ssyncadd.s32 $0xFFFFF000  }
0x2a8: {  	[hbm4b:s26+s24] =	stream.linear.scatter [tilespmem:s22], [sflag:$0x1], $0x200, $0x38;
	[tilespmem:$0x19D80] =	vst v63  }
0x2a9: {  	_ =	swait.ge [sflag:s13], $0x200  }
0x2aa: {  	[sflag:s13] =	ssyncset.done $0x0  }
0x2ab: {  	s25 =	simm.s32 $0x18880;
	s1 =	rddreg [dreg:$0xf];
	[sflag:s13] =	ssyncadd.s32 $0xFFFFFE00  }
0x2ac: {  	[tilespmem:s25], [sflag:$0x1] =	stream.linear.gather [hbm4b:s1+s24], $0x100, $0x38;
	[tilespmem:$0x19D80] =	vst v63  }
0x2ad: {  	_ =	swait.ge [sflag:s13], $0x100  }
0x2ae: {  	[sflag:s13] =	ssyncset.done $0x0  }
0x2af: {  	s26 =	simm.s32 $0x18980;
	s3 =	rddreg [dreg:$0x10];
	[sflag:s13] =	ssyncadd.s32 $0xFFFFFF00  }
0x2b0: {  	[tilespmem:s26], [sflag:$0x1] =	stream.linear.gather [hbm4b:s3+s24], $0x100, $0x38;
	[tilespmem:$0x19D80] =	vst v63  }
0x2b1: {  	_ =	swait.ge [sflag:s13], $0x100  }
0x2b2: {  	[sflag:s13] =	ssyncset.done $0x0  }
0x2b3: {  	s28 =	simm.s32 $0x18A80;
	s20 =	rddreg [dreg:$0x11];
	[sflag:s13] =	ssyncadd.s32 $0xFFFFFF00  }
0x2b4: {  	[tilespmem:s28], [sflag:$0x1] =	stream.linear.gather [hbm4b:s20+s24], $0x100, $0x38;
	[tilespmem:$0x19D80] =	vst v63  }
0x2b5: {  	_ =	swait.ge [sflag:s13], $0x100  }
0x2b6: {  	[sflag:s13] =	ssyncset.done $0x0  }
0x2b7: {  	[sflag:s13] =	ssyncadd.s32 $0xFFFFFF00  }
0x2b8: {  	v6 =	vld [tilespmem:s28+$0x0];
	_ =	sdelay $0x1  }
0x2b9: {  	v5 =	vld [tilespmem:s25+$0x0]  }
0x2ba: {  	v4 =	vld [tilespmem:s26+$0x0];
	_ =	sdelay $0x4  }
0x2bb: {  	v2 =	vld.idx.msk [tilespmem:v6+s15+$0x0], $0xffff  }
0x2bc: {  	v3 =	vld.idx.msk [tilespmem:v6+s16+$0x0], $0xffff  }
0x2bd: {  	v7 =	vld.idx.msk [tilespmem:v5+s17+$0x0], $0xffff  }
0x2be: {  	v8 =	vld.idx.msk [tilespmem:v4+s15+$0x0], $0xffff  }
0x2bf: {  	v9 =	vld.idx.msk [tilespmem:v4+s16+$0x0], $0xffff  }
0x2c0: {  	v10 =	vld.idx.msk [tilespmem:v5+s16+$0x0], $0xffff  }
0x2c1: {  	v11 =	vld.idx.msk [tilespmem:v6+s17+$0x0], $0xffff  }
0x2c2: {  	v59 =	vld.idx.msk [tilespmem:v4+s17+$0x0], $0xffff  }
0x2c3: {  	v60 =	vld.idx.msk [tilespmem:v5+s15+$0x0], $0xffff;
	_ =	sdelay $0x2  }
0x2c4: {  	v9 =	vsub.f32 v9, v10;
	v61 =	vsub.f32 v11, v7  }
0x2c5: {  	v62 =	vsub.f32 v59, v7;
	v3 =	vsub.f32 v3, v10  }
0x2c6: {  	v8 =	vsub.f32 v8, v60;
	v2 =	vsub.f32 v2, v60  }
0x2c7: {  	v10 =	vmul.f32 v61, v9;
	v63 =	vmul.f32 v3, v62  }
0x2c8: {  	v15 =	vmul.f32 v2, v62;
	v14 =	vmul.f32 v61, v8  }
0x2c9: {  	v7 =	vadd.f32 v59, v7;
	v3 =	vmul.f32 v3, v8  }
0x2ca: {  	v8 =	vmul.f32 v2, v9;
	v10 =	vsub.f32 v10, v63;
	v9 =	vsub.f32 v15, v14  }
0x2cb: {  	v2 =	vadd.f32 v11, v7  }
0x2cc: {  	s30 =	simm.s32 $0x1;
	s31 =	simm.s32 $0x10;
	s29 =	simm.s32 $0x0;
	v3 =	vsub.f32 v3, v8;
	v7 =	vmul.f32 v10, v10;
	v8 =	vmul.f32 v9, v9  }
.LBB2_10:
0x2cd: {  	s25 =	sadd.s32 $0x10, s25;
	s26 =	sadd.s32 $0x10, s26;
	s28 =	sadd.s32 $0x10, s28  }
0x2ce: {  	p0 =	sne.s32 s30, $0xF;
	s20 =	smov.u32 s30;
	s30 =	sadd.s32 $0x1, s30;
	v7 =	vadd.f32 v8, v7;
	v8 =	vmul.f32 v3, v3  }
0x2cf: {  	_ = 	snop  }
0x2d0: {  	v7 =	vadd.f32 v7, v8;
	_ =	sdelay $0x1  }
0x2d1: {  	v8 =	vmul.f32 $5.000000000e-01, v7;
	v9 =	vshra.s32 v7, $0x1  }
0x2d2: {  	v9 =	vsub.s32 $0x5F3759DF, v9  }
0x2d3: {  	v10 =	vmul.f32 v9, v8;
	_ =	sdelay $0x1  }
0x2d4: {  	v10 =	vmul.f32 v9, v10;
	_ =	sdelay $0x1  }
0x2d5: {  	v10 =	vsub.f32 $1.500000000e+00, v10;
	_ =	sdelay $0x1  }
0x2d6: {  	v9 =	vmul.f32 v9, v10;
	_ =	sdelay $0x1  }
0x2d7: {  	v10 =	vmul.f32 v9, v8;
	_ =	sdelay $0x1  }
0x2d8: {  	v10 =	vmul.f32 v10, v9;
	_ =	sdelay $0x1  }
0x2d9: {  	v10 =	vsub.f32 $1.500000000e+00, v10;
	_ =	sdelay $0x1  }
0x2da: {  	v11 =	vld.idx.msk [tilespmem:v5+s14+$0x0], $0xffff;
	v9 =	vmul.f32 v10, v9  }
0x2db: {  	v10 =	vld.idx.msk [tilespmem:v6+s2+$0x0], $0xffff  }
0x2dc: {  	s1 =	sshll.u32 s24, $0x7;
	v6 =	vld.idx.msk [tilespmem:v6+s14+$0x0], $0xffff;
	v8 =	vmul.f32 v9, v8  }
0x2dd: {  	s0 =	sand.u32 $0x70, s29;
	s29 =	smov.u32 s31;
	s1 =	sand.u32 $0x3FFFFC00, s1;
	v5 =	vld.idx.msk [tilespmem:v5+s2+$0x0], $0xffff  }
0x2de: {  	s1 =	sor.u32 s0, s1;
	v12 =	vld.idx.msk [tilespmem:v4+s14+$0x0], $0xffff;
	v8 =	vmul.f32 v8, v9  }
0x2df: {  	s3 =	sadd.s32 $0x18B80, s1;
	v4 =	vld.idx.msk [tilespmem:v4+s2+$0x0], $0xffff  }
0x2e0: {  	v8 =	vsub.f32 $1.500000000e+00, v8;
	[tilespmem:s3+$0x80] =	vst v11  }
0x2e1: {  	[tilespmem:s3+$0x200] =	vst v10  }
0x2e2: {  	v8 =	vmul.f32 v8, v9;
	[tilespmem:s3+$0x280] =	vst v6  }
0x2e3: {  	vm0 =	vgt.f32 v7, $0.0e+00;
	v9 =	vsub.s32 v6, v11;
	v13 =	vsub.s32 v10, v5;
	[tilespmem:s1+$0x18B80] =	vst v5  }
0x2e4: {  	v14 =	vsub.s32 v11, v12;
	vm1 =	vgt.s32 v11, v12;
	v7 =	vmul.f32 v8, v7;
	[tilespmem:s3+$0x180] =	vst v12  }
0x2e5: {  	v8 =	vsub.s32 v4, v5;
	vm2 =	vlt.s32 v4, v5;
	v15 =	vsel vm1, v11, v12;
	[tilespmem:s3+$0x100] =	vst v4  }
0x2e6: {  	v16 =	vsel vm2, v4, v5;
	v4 =	vsel vm2, v5, v4;
	v5 =	vadd.f32 $9.999999930e-09, v7  }
0x2e7: {  	v7 =	vmul.u32 v8, v9;
	vm2 =	vlt.s32 v16, v10;
	vm3 =	vgt.s32 v4, v10  }
0x2e8: {  	v8 =	vmul.u32 v14, v13;
	v9 =	vsel vm1, v12, v11;
	v5 =	vnsel vm0, $0x322BCC77, v5  }
0x2e9: {  	vm1 =	vgt.s32 v15, v6;
	v4 =	vsel vm3, v4, v10;
	(erf) = vrcp.f32 v5  }
0x2ea: {  	v5 =	vadd.s32 v8, v7;
	v7 =	vsel vm2, v16, v10;
	vm2 =	vlt.s32 v9, v6  }
0x2eb: {  	vm3 =	vgt.s32 v7, $0x0;
	vm0 =	vne.s32 v1, v5;
	v8 =	vsub.s32 $0x0, v5  }
0x2ec: {  	v9 =	vsel vm2, v9, v6;
	v7 =	vnsel vm3, $0x0, v7;
	v5 =	vmin.u32 v5, v8  }
0x2ed: {  	v4 =	vadd.s32 $0x1, v4;
	v6 =	vsel vm1, v15, v6;
	v8 =	vshrl.u32 v7, $0x7;
	[tilespmem:s3+$0x380] =	vst v7  }
0x2ee: {  	vm1 =	vlt.s32 v4, $0x1F3;
	vm2 =	vgt.s32 v9, $0x0;
	v6 =	vadd.s32 $0x1, v6;
	[tilespmem:s3+$0x300] =	vst v5  }
0x2ef: {  	v4 =	vnsel vm1, $0x1F3, v4;
	vm1 =	vlt.s32 v6, $0x1F3;
	v5 =	vand.u32 $0x7FFFFF80, v7  }
0x2f0: {  	v6 =	vnsel vm1, $0x1F3, v6;
	vm1 =	vgt.s32 v4, v7;
	v7 =	vadd.s32 $0xFFFFFFFF, v4;
	[tilespmem:s1+$0x19380] =	vst v4  }
0x2f1: {  	v7 =	vshra.s32 v7, $0x7;
	v4 =	vnsel vm2, $0x0, v9;
	v9 =	vadd.s32 $0xFFFFFFFF, v6;
	[tilespmem:s1+$0x19480] =	vst v6  }
0x2f2: {  	v7 =	vsub.s32 v7, v8;
	v10 =	vshrl.u32 v4, $0x5;
	v9 =	vshra.s32 v9, $0x5;
	[tilespmem:s1+$0x19580] =	vst v5;
	v8 =	vpop (erf)  }
0x2f3: {  	v7 =	vadd.s32 $0x1, v7;
	v9 =	vsub.s32 v9, v10;
	v3 =	vmul.f32 v8, v3;
	[tilespmem:s1+$0x19700] =	vst v1  }
0x2f4: {  	vm2 =	vgt.s32 v6, v4;
	v6 =	vadd.s32 $0x1, v9;
	v8 =	vshll.u32 v7, $0x7;
	[tilespmem:s1+$0x19400] =	vst v4  }
0x2f5: {  	v5 =	vadd.s32 v5, v8;
	v6 =	vmul.u32 v7, v6;
	v3 =	vmax.f32 v3, $0.0e+00  }
0x2f6: {  	vm1 =	vmand vm1, vm2;
	v4 =	vand.u32 $0x7FFFFFE0, v4;
	v3 =	vmin.f32 v3, $1.000000000e+00;
	[tilespmem:s1+$0x19600] =	vst v5  }
0x2f7: {  	s3 =	sshll.u32 s24, $0x5;
	s24 =	smov.u32 s20;
	vm0 =	vmand vm1, vm0;
	v3 =	vmul.f32 $1.800000000e+02, v3;
	[tilespmem:s1+$0x19500] =	vst v4  }
0x2f8: {  	v2 =	vmul.f32 v2, v0;
	s3 =	sand.u32 $0x3FFFFF00, s3;
	v4 =	vnsel vm0, $0x0, v6  }
0x2f9: {  	s0 =	sor.u32 s0, s3;
	v3 =	vadd.f32 $7.500000000e+01, v3;
	[tilespmem:s1+$0x19680] =	vst v4  }
0x2fa: {  	s1 =	sadd.s32 $0x19B80, s0;
	[tilespmem:s0+$0x19B80] =	vst v2  }
0x2fb: {  	[tilespmem:s1+$0x80] =	vst v3  }
0x2fc: {  	v6 =	vld [tilespmem:s28+$0x0];
	_ =	sdelay $0x1  }
0x2fd: {  	v5 =	vld [tilespmem:s25+$0x0]  }
0x2fe: {  	v4 =	vld [tilespmem:s26+$0x0];
	_ =	sdelay $0x4  }
0x2ff: {  	v2 =	vld.idx.msk [tilespmem:v6+s15+$0x0], $0xffff  }
0x300: {  	v3 =	vld.idx.msk [tilespmem:v6+s16+$0x0], $0xffff  }
0x301: {  	v7 =	vld.idx.msk [tilespmem:v5+s17+$0x0], $0xffff  }
0x302: {  	v8 =	vld.idx.msk [tilespmem:v4+s15+$0x0], $0xffff  }
0x303: {  	v9 =	vld.idx.msk [tilespmem:v4+s16+$0x0], $0xffff  }
0x304: {  	v10 =	vld.idx.msk [tilespmem:v5+s16+$0x0], $0xffff  }
0x305: {  	v11 =	vld.idx.msk [tilespmem:v6+s17+$0x0], $0xffff  }
0x306: {  	v12 =	vld.idx.msk [tilespmem:v4+s17+$0x0], $0xffff  }
0x307: {  	v13 =	vld.idx.msk [tilespmem:v5+s15+$0x0], $0xffff;
	_ =	sdelay $0x2  }
0x308: {  	v9 =	vsub.f32 v9, v10  }
0x309: {  	v14 =	vsub.f32 v11, v7  }
0x30a: {  	v3 =	vsub.f32 v3, v10;
	v15 =	vsub.f32 v12, v7  }
0x30b: {  	v8 =	vsub.f32 v8, v13;
	v2 =	vsub.f32 v2, v13;
	v10 =	vmul.f32 v14, v9  }
0x30c: {  	v7 =	vadd.f32 v12, v7;
	v12 =	vmul.f32 v3, v15  }
.Ltmp4:
0x30d: {  	v13 =	vmul.f32 v2, v15;
	v14 =	vmul.f32 v14, v8;
	(pc) =	sbr.rel @p0 .LBB2_10-.Ltmp4, $4  }
0x30e: {  	v3 =	vmul.f32 v3, v8;
	v8 =	vmul.f32 v2, v9;
	v10 =	vsub.f32 v10, v12  }
0x30f: {  	v2 =	vadd.f32 v11, v7;
	v9 =	vsub.f32 v13, v14  }
0x310: {  	v3 =	vsub.f32 v3, v8  }
0x311: {  	s31 =	sadd.s32 $0x10, s31;
	v7 =	vmul.f32 v10, v10;
	v8 =	vmul.f32 v9, v9  }
0x312: {  	_ = 	snop  }
0x313: {  	v7 =	vadd.f32 v8, v7;
	v8 =	vmul.f32 v3, v3;
	_ =	sdelay $0x1  }
0x314: {  	v7 =	vadd.f32 v7, v8;
	_ =	sdelay $0x1  }
0x315: {  	v8 =	vmul.f32 $5.000000000e-01, v7;
	v9 =	vshra.s32 v7, $0x1  }
0x316: {  	v9 =	vsub.s32 $0x5F3759DF, v9  }
0x317: {  	v10 =	vmul.f32 v9, v8;
	_ =	sdelay $0x1  }
0x318: {  	v10 =	vmul.f32 v9, v10;
	_ =	sdelay $0x1  }
0x319: {  	v10 =	vsub.f32 $1.500000000e+00, v10;
	_ =	sdelay $0x1  }
0x31a: {  	v9 =	vmul.f32 v9, v10;
	_ =	sdelay $0x1  }
0x31b: {  	v10 =	vmul.f32 v9, v8;
	_ =	sdelay $0x1  }
0x31c: {  	v10 =	vmul.f32 v10, v9;
	_ =	sdelay $0x1  }
0x31d: {  	v10 =	vsub.f32 $1.500000000e+00, v10;
	_ =	sdelay $0x1  }
0x31e: {  	v9 =	vmul.f32 v10, v9  }
0x31f: {  	v11 =	vld.idx.msk [tilespmem:v6+s2+$0x0], $0xffff  }
0x320: {  	v12 =	vld.idx.msk [tilespmem:v4+s14+$0x0], $0xffff;
	v8 =	vmul.f32 v9, v8  }
0x321: {  	v10 =	vld.idx.msk [tilespmem:v5+s14+$0x0], $0xffff  }
0x322: {  	v5 =	vld.idx.msk [tilespmem:v5+s2+$0x0], $0xffff;
	v8 =	vmul.f32 v8, v9  }
0x323: {  	v4 =	vld.idx.msk [tilespmem:v4+s2+$0x0], $0xffff  }
0x324: {  	v8 =	vsub.f32 $1.500000000e+00, v8;
	_ =	sdelay $0x1  }
0x325: {  	v6 =	vld.idx.msk [tilespmem:v6+s14+$0x0], $0xffff;
	v8 =	vmul.f32 v8, v9  }
0x326: {  	vm0 =	vgt.f32 v7, $0.0e+00;
	v13 =	vsub.s32 v11, v5  }
0x327: {  	vm1 =	vgt.s32 v10, v12;
	vm2 =	vlt.s32 v4, v5;
	v7 =	vmul.f32 v8, v7  }
0x328: {  	v14 =	vsub.s32 v10, v12;
	v15 =	vsel vm1, v10, v12;
	v16 =	vsel vm2, v4, v5  }
0x329: {  	s1 =	sshll.u32 s24, $0x7;
	v13 =	vmul.u32 v14, v13;
	v58 =	vsel vm1, v12, v10;
	v7 =	vadd.f32 $9.999999930e-09, v7  }
0x32a: {  	s0 =	sand.u32 $0x70, s29;
	s1 =	sand.u32 $0x3FFFFC00, s1;
	vm8 =	vlt.s32 v16, v11;
	v9 =	vsub.s32 v6, v10;
	v8 =	vsub.s32 v4, v5  }
0x32b: {  	s1 =	sor.u32 s0, s1;
	v8 =	vmul.u32 v8, v9;
	v9 =	vsel vm2, v5, v4;
	v7 =	vnsel vm0, $0x322BCC77, v7  }
0x32c: {  	s3 =	sadd.s32 $0x18B80, s1;
	vm9 =	vgt.s32 v15, v6;
	vm3 =	vgt.s32 v9, v11;
	(erf) = vrcp.f32 v7  }
0x32d: {  	[tilespmem:s3+$0x200] =	vst v11;
	vm10 =	vlt.s32 v58, v6;
	v9 =	vsel vm3, v9, v11;
	v7 =	vadd.s32 v13, v8  }
0x32e: {  	[tilespmem:s3+$0x280] =	vst v6;
	v8 =	vsel vm8, v16, v11;
	v11 =	vsel vm10, v58, v6;
	v6 =	vsel vm9, v15, v6  }
0x32f: {  	[tilespmem:s3+$0x80] =	vst v10;
	vm11 =	vgt.s32 v8, $0x0;
	vm12 =	vne.s32 v1, v7;
	v10 =	vsub.s32 $0x0, v7  }
0x330: {  	[tilespmem:s1+$0x18B80] =	vst v5;
	v6 =	vadd.s32 $0x1, v6;
	v5 =	vmin.u32 v7, v10;
	v7 =	vadd.s32 $0x1, v9  }
0x331: {  	[tilespmem:s3+$0x180] =	vst v12;
	vm2 =	vgt.s32 v11, $0x0;
	v8 =	vnsel vm11, $0x0, v8;
	vm13 =	vlt.s32 v7, $0x1F3  }
0x332: {  	[tilespmem:s3+$0x100] =	vst v4;
	vm14 =	vlt.s32 v6, $0x1F3;
	v9 =	vshrl.u32 v8, $0x7;
	v4 =	vnsel vm13, $0x1F3, v7  }
0x333: {  	v6 =	vnsel vm14, $0x1F3, v6;
	[tilespmem:s3+$0x300] =	vst v5;
	v5 =	vnsel vm2, $0x0, v11;
	v10 =	vadd.s32 $0xFFFFFFFF, v4  }
0x334: {  	[tilespmem:s3+$0x380] =	vst v8;
	v7 =	vand.u32 $0x7FFFFF80, v8;
	vm15 =	vgt.s32 v4, v8;
	v8 =	vshra.s32 v10, $0x7  }
0x335: {  	vm2 =	vgt.s32 v6, v5;
	[tilespmem:s1+$0x19380] =	vst v4;
	v4 =	vadd.s32 $0xFFFFFFFF, v6;
	v8 =	vsub.s32 v8, v9;
	v9 =	vpop (erf)  }
0x336: {  	[tilespmem:s1+$0x19480] =	vst v6;
	v10 =	vshrl.u32 v5, $0x5;
	v4 =	vshra.s32 v4, $0x5;
	v3 =	vmul.f32 v9, v3  }
0x337: {  	[tilespmem:s1+$0x19400] =	vst v5;
	vm1 =	vmand vm15, vm2;
	v5 =	vand.u32 $0x7FFFFFE0, v5;
	v4 =	vsub.s32 v4, v10  }
0x338: {  	[tilespmem:s1+$0x19700] =	vst v1;
	v8 =	vadd.s32 $0x1, v8;
	v4 =	vadd.s32 $0x1, v4;
	v3 =	vmax.f32 v3, $0.0e+00  }
0x339: {  	[tilespmem:s1+$0x19580] =	vst v7;
	v6 =	vshll.u32 v8, $0x7;
	v4 =	vmul.u32 v8, v4;
	v3 =	vmin.f32 v3, $1.000000000e+00  }
0x33a: {  	s24 =	sshll.u32 s24, $0x5;
	vm0 =	vmand vm1, vm12;
	[tilespmem:s1+$0x19500] =	vst v5;
	v6 =	vadd.s32 v7, v6;
	v3 =	vmul.f32 $1.800000000e+02, v3  }
0x33b: {  	v2 =	vmul.f32 v2, v0;
	s3 =	sand.u32 $0x3FFFFF00, s24;
	[tilespmem:s1+$0x19600] =	vst v6;
	v4 =	vnsel vm0, $0x0, v4  }
0x33c: {  	s26 =	sld [smem:$0x7FC];
	s0 =	sor.u32 s0, s3;
	[tilespmem:s1+$0x19680] =	vst v4;
	v3 =	vadd.f32 $7.500000000e+01, v3  }
0x33d: {  	s25 =	sadd.s32 $0x19B80, s0;
	[tilespmem:s0+$0x19B80] =	vst v2  }
0x33e: {  	[tilespmem:s25+$0x80] =	vst v3  }
0x33f: {  	[hbm4b:s26+s18] =	stream.strided.scatter [tilespmem:s21], [sflag:$0x1], $0x1000, s19, s18, $0x38;
	[tilespmem:$0x19D80] =	vst v63  }
0x340: {  	_ =	swait.ge [sflag:s13], $0x1000  }
0x341: {  	[sflag:s13] =	ssyncset.done $0x0  }
0x342: {  	s24 =	simm.s32 $0x0;
	[sflag:s13] =	ssyncadd.s32 $0xFFFFF000  }
0x343: {  	[hbm4b:s5+s24] =	stream.linear.scatter [tilespmem:s22], [sflag:$0x1], $0x200, $0x38;
	[tilespmem:$0x19D80] =	vst v63  }
0x344: {  	_ =	swait.ge [sflag:s13], $0x200  }
0x345: {  	[sflag:s13] =	ssyncset.done $0x0  }
0x346: {  	s25 =	simm.s32 $0x18880;
	s1 =	rddreg [dreg:$0x12];
	[sflag:s13] =	ssyncadd.s32 $0xFFFFFE00  }
0x347: {  	[tilespmem:s25], [sflag:$0x1] =	stream.linear.gather [hbm4b:s1+s24], $0x100, $0x38;
	[tilespmem:$0x19D80] =	vst v63  }
0x348: {  	_ =	swait.ge [sflag:s13], $0x100  }
0x349: {  	[sflag:s13] =	ssyncset.done $0x0  }
0x34a: {  	s26 =	simm.s32 $0x18980;
	s3 =	rddreg [dreg:$0x13];
	[sflag:s13] =	ssyncadd.s32 $0xFFFFFF00  }
0x34b: {  	[tilespmem:s26], [sflag:$0x1] =	stream.linear.gather [hbm4b:s3+s24], $0x100, $0x38;
	[tilespmem:$0x19D80] =	vst v63  }
0x34c: {  	_ =	swait.ge [sflag:s13], $0x100  }
0x34d: {  	[sflag:s13] =	ssyncset.done $0x0  }
0x34e: {  	s28 =	simm.s32 $0x18A80;
	s20 =	rddreg [dreg:$0x14];
	[sflag:s13] =	ssyncadd.s32 $0xFFFFFF00  }
0x34f: {  	[tilespmem:s28], [sflag:$0x1] =	stream.linear.gather [hbm4b:s20+s24], $0x100, $0x38;
	[tilespmem:$0x19D80] =	vst v63  }
0x350: {  	_ =	swait.ge [sflag:s13], $0x100  }
0x351: {  	[sflag:s13] =	ssyncset.done $0x0  }
0x352: {  	[sflag:s13] =	ssyncadd.s32 $0xFFFFFF00  }
0x353: {  	v6 =	vld [tilespmem:s28+$0x0];
	_ =	sdelay $0x1  }
0x354: {  	v5 =	vld [tilespmem:s25+$0x0]  }
0x355: {  	v4 =	vld [tilespmem:s26+$0x0];
	_ =	sdelay $0x4  }
0x356: {  	v2 =	vld.idx.msk [tilespmem:v6+s15+$0x0], $0xffff  }
0x357: {  	v3 =	vld.idx.msk [tilespmem:v6+s16+$0x0], $0xffff  }
0x358: {  	v7 =	vld.idx.msk [tilespmem:v5+s17+$0x0], $0xffff  }
0x359: {  	v8 =	vld.idx.msk [tilespmem:v4+s15+$0x0], $0xffff  }
0x35a: {  	v9 =	vld.idx.msk [tilespmem:v4+s16+$0x0], $0xffff  }
0x35b: {  	v10 =	vld.idx.msk [tilespmem:v5+s16+$0x0], $0xffff  }
0x35c: {  	v11 =	vld.idx.msk [tilespmem:v6+s17+$0x0], $0xffff  }
0x35d: {  	v59 =	vld.idx.msk [tilespmem:v4+s17+$0x0], $0xffff  }
0x35e: {  	v60 =	vld.idx.msk [tilespmem:v5+s15+$0x0], $0xffff;
	_ =	sdelay $0x2  }
0x35f: {  	v9 =	vsub.f32 v9, v10;
	v61 =	vsub.f32 v11, v7  }
0x360: {  	v62 =	vsub.f32 v59, v7;
	v3 =	vsub.f32 v3, v10  }
0x361: {  	v8 =	vsub.f32 v8, v60;
	v2 =	vsub.f32 v2, v60  }
0x362: {  	v10 =	vmul.f32 v61, v9;
	v63 =	vmul.f32 v3, v62  }
0x363: {  	v15 =	vmul.f32 v2, v62;
	v14 =	vmul.f32 v61, v8  }
0x364: {  	v7 =	vadd.f32 v59, v7;
	v3 =	vmul.f32 v3, v8  }
0x365: {  	v8 =	vmul.f32 v2, v9;
	v10 =	vsub.f32 v10, v63;
	v9 =	vsub.f32 v15, v14  }
0x366: {  	v2 =	vadd.f32 v11, v7  }
0x367: {  	s30 =	simm.s32 $0x1;
	s31 =	simm.s32 $0x10;
	s29 =	simm.s32 $0x0;
	v3 =	vsub.f32 v3, v8;
	v7 =	vmul.f32 v10, v10;
	v8 =	vmul.f32 v9, v9  }
.LBB2_12:
0x368: {  	s25 =	sadd.s32 $0x10, s25;
	s26 =	sadd.s32 $0x10, s26;
	s28 =	sadd.s32 $0x10, s28  }
0x369: {  	p0 =	sne.s32 s30, $0xF;
	s20 =	smov.u32 s30;
	s30 =	sadd.s32 $0x1, s30;
	v7 =	vadd.f32 v8, v7;
	v8 =	vmul.f32 v3, v3  }
0x36a: {  	_ = 	snop  }
0x36b: {  	v7 =	vadd.f32 v7, v8;
	_ =	sdelay $0x1  }
0x36c: {  	v8 =	vmul.f32 $5.000000000e-01, v7;
	v9 =	vshra.s32 v7, $0x1  }
0x36d: {  	v9 =	vsub.s32 $0x5F3759DF, v9  }
0x36e: {  	v10 =	vmul.f32 v9, v8;
	_ =	sdelay $0x1  }
0x36f: {  	v10 =	vmul.f32 v9, v10;
	_ =	sdelay $0x1  }
0x370: {  	v10 =	vsub.f32 $1.500000000e+00, v10;
	_ =	sdelay $0x1  }
0x371: {  	v9 =	vmul.f32 v9, v10;
	_ =	sdelay $0x1  }
0x372: {  	v10 =	vmul.f32 v9, v8;
	_ =	sdelay $0x1  }
0x373: {  	v10 =	vmul.f32 v10, v9;
	_ =	sdelay $0x1  }
0x374: {  	v10 =	vsub.f32 $1.500000000e+00, v10;
	_ =	sdelay $0x1  }
0x375: {  	v11 =	vld.idx.msk [tilespmem:v5+s14+$0x0], $0xffff;
	v9 =	vmul.f32 v10, v9  }
0x376: {  	v10 =	vld.idx.msk [tilespmem:v6+s2+$0x0], $0xffff  }
0x377: {  	s1 =	sshll.u32 s24, $0x7;
	v6 =	vld.idx.msk [tilespmem:v6+s14+$0x0], $0xffff;
	v8 =	vmul.f32 v9, v8  }
0x378: {  	s0 =	sand.u32 $0x70, s29;
	s29 =	smov.u32 s31;
	s1 =	sand.u32 $0x3FFFFC00, s1;
	v5 =	vld.idx.msk [tilespmem:v5+s2+$0x0], $0xffff  }
0x379: {  	s1 =	sor.u32 s0, s1;
	v12 =	vld.idx.msk [tilespmem:v4+s14+$0x0], $0xffff;
	v8 =	vmul.f32 v8, v9  }
0x37a: {  	s3 =	sadd.s32 $0x18B80, s1;
	v4 =	vld.idx.msk [tilespmem:v4+s2+$0x0], $0xffff  }
0x37b: {  	v8 =	vsub.f32 $1.500000000e+00, v8;
	[tilespmem:s3+$0x80] =	vst v11  }
0x37c: {  	[tilespmem:s3+$0x200] =	vst v10  }
0x37d: {  	v8 =	vmul.f32 v8, v9;
	[tilespmem:s3+$0x280] =	vst v6  }
0x37e: {  	vm0 =	vgt.f32 v7, $0.0e+00;
	v9 =	vsub.s32 v6, v11;
	v13 =	vsub.s32 v10, v5;
	[tilespmem:s1+$0x18B80] =	vst v5  }
0x37f: {  	v14 =	vsub.s32 v11, v12;
	vm1 =	vgt.s32 v11, v12;
	v7 =	vmul.f32 v8, v7;
	[tilespmem:s3+$0x180] =	vst v12  }
0x380: {  	v8 =	vsub.s32 v4, v5;
	vm2 =	vlt.s32 v4, v5;
	v15 =	vsel vm1, v11, v12;
	[tilespmem:s3+$0x100] =	vst v4  }
0x381: {  	v16 =	vsel vm2, v4, v5;
	v4 =	vsel vm2, v5, v4;
	v5 =	vadd.f32 $9.999999930e-09, v7  }
0x382: {  	v7 =	vmul.u32 v8, v9;
	vm2 =	vlt.s32 v16, v10;
	vm3 =	vgt.s32 v4, v10  }
0x383: {  	v8 =	vmul.u32 v14, v13;
	v9 =	vsel vm1, v12, v11;
	v5 =	vnsel vm0, $0x322BCC77, v5  }
0x384: {  	vm1 =	vgt.s32 v15, v6;
	v4 =	vsel vm3, v4, v10;
	(erf) = vrcp.f32 v5  }
0x385: {  	v5 =	vadd.s32 v8, v7;
	v7 =	vsel vm2, v16, v10;
	vm2 =	vlt.s32 v9, v6  }
0x386: {  	vm3 =	vgt.s32 v7, $0x0;
	vm0 =	vne.s32 v1, v5;
	v8 =	vsub.s32 $0x0, v5  }
0x387: {  	v9 =	vsel vm2, v9, v6;
	v7 =	vnsel vm3, $0x0, v7;
	v5 =	vmin.u32 v5, v8  }
0x388: {  	v4 =	vadd.s32 $0x1, v4;
	v6 =	vsel vm1, v15, v6;
	v8 =	vshrl.u32 v7, $0x7;
	[tilespmem:s3+$0x380] =	vst v7  }
0x389: {  	vm1 =	vlt.s32 v4, $0x1F3;
	vm2 =	vgt.s32 v9, $0x0;
	v6 =	vadd.s32 $0x1, v6;
	[tilespmem:s3+$0x300] =	vst v5  }
0x38a: {  	v4 =	vnsel vm1, $0x1F3, v4;
	vm1 =	vlt.s32 v6, $0x1F3;
	v5 =	vand.u32 $0x7FFFFF80, v7  }
0x38b: {  	v6 =	vnsel vm1, $0x1F3, v6;
	vm1 =	vgt.s32 v4, v7;
	v7 =	vadd.s32 $0xFFFFFFFF, v4;
	[tilespmem:s1+$0x19380] =	vst v4  }
0x38c: {  	v7 =	vshra.s32 v7, $0x7;
	v4 =	vnsel vm2, $0x0, v9;
	v9 =	vadd.s32 $0xFFFFFFFF, v6;
	[tilespmem:s1+$0x19480] =	vst v6  }
0x38d: {  	v7 =	vsub.s32 v7, v8;
	v10 =	vshrl.u32 v4, $0x5;
	v9 =	vshra.s32 v9, $0x5;
	[tilespmem:s1+$0x19580] =	vst v5;
	v8 =	vpop (erf)  }
0x38e: {  	v7 =	vadd.s32 $0x1, v7;
	v9 =	vsub.s32 v9, v10;
	v3 =	vmul.f32 v8, v3;
	[tilespmem:s1+$0x19700] =	vst v1  }
0x38f: {  	vm2 =	vgt.s32 v6, v4;
	v6 =	vadd.s32 $0x1, v9;
	v8 =	vshll.u32 v7, $0x7;
	[tilespmem:s1+$0x19400] =	vst v4  }
0x390: {  	v5 =	vadd.s32 v5, v8;
	v6 =	vmul.u32 v7, v6;
	v3 =	vmax.f32 v3, $0.0e+00  }
0x391: {  	vm1 =	vmand vm1, vm2;
	v4 =	vand.u32 $0x7FFFFFE0, v4;
	v3 =	vmin.f32 v3, $1.000000000e+00;
	[tilespmem:s1+$0x19600] =	vst v5  }
0x392: {  	s3 =	sshll.u32 s24, $0x5;
	s24 =	smov.u32 s20;
	vm0 =	vmand vm1, vm0;
	v3 =	vmul.f32 $1.800000000e+02, v3;
	[tilespmem:s1+$0x19500] =	vst v4  }
0x393: {  	v2 =	vmul.f32 v2, v0;
	s3 =	sand.u32 $0x3FFFFF00, s3;
	v4 =	vnsel vm0, $0x0, v6  }
0x394: {  	s0 =	sor.u32 s0, s3;
	v3 =	vadd.f32 $7.500000000e+01, v3;
	[tilespmem:s1+$0x19680] =	vst v4  }
0x395: {  	s1 =	sadd.s32 $0x19B80, s0;
	[tilespmem:s0+$0x19B80] =	vst v2  }
0x396: {  	[tilespmem:s1+$0x80] =	vst v3  }
0x397: {  	v6 =	vld [tilespmem:s28+$0x0];
	_ =	sdelay $0x1  }
0x398: {  	v5 =	vld [tilespmem:s25+$0x0]  }
0x399: {  	v4 =	vld [tilespmem:s26+$0x0];
	_ =	sdelay $0x4  }
0x39a: {  	v2 =	vld.idx.msk [tilespmem:v6+s15+$0x0], $0xffff  }
0x39b: {  	v3 =	vld.idx.msk [tilespmem:v6+s16+$0x0], $0xffff  }
0x39c: {  	v7 =	vld.idx.msk [tilespmem:v5+s17+$0x0], $0xffff  }
0x39d: {  	v8 =	vld.idx.msk [tilespmem:v4+s15+$0x0], $0xffff  }
0x39e: {  	v9 =	vld.idx.msk [tilespmem:v4+s16+$0x0], $0xffff  }
0x39f: {  	v10 =	vld.idx.msk [tilespmem:v5+s16+$0x0], $0xffff  }
0x3a0: {  	v11 =	vld.idx.msk [tilespmem:v6+s17+$0x0], $0xffff  }
0x3a1: {  	v12 =	vld.idx.msk [tilespmem:v4+s17+$0x0], $0xffff  }
0x3a2: {  	v13 =	vld.idx.msk [tilespmem:v5+s15+$0x0], $0xffff;
	_ =	sdelay $0x2  }
0x3a3: {  	v9 =	vsub.f32 v9, v10  }
0x3a4: {  	v14 =	vsub.f32 v11, v7  }
0x3a5: {  	v3 =	vsub.f32 v3, v10;
	v15 =	vsub.f32 v12, v7  }
0x3a6: {  	v8 =	vsub.f32 v8, v13;
	v2 =	vsub.f32 v2, v13;
	v10 =	vmul.f32 v14, v9  }
0x3a7: {  	v7 =	vadd.f32 v12, v7;
	v12 =	vmul.f32 v3, v15  }
.Ltmp5:
0x3a8: {  	v13 =	vmul.f32 v2, v15;
	v14 =	vmul.f32 v14, v8;
	(pc) =	sbr.rel @p0 .LBB2_12-.Ltmp5, $4  }
0x3a9: {  	v3 =	vmul.f32 v3, v8;
	v8 =	vmul.f32 v2, v9;
	v10 =	vsub.f32 v10, v12  }
0x3aa: {  	v2 =	vadd.f32 v11, v7;
	v9 =	vsub.f32 v13, v14  }
0x3ab: {  	v3 =	vsub.f32 v3, v8  }
0x3ac: {  	s31 =	sadd.s32 $0x10, s31;
	v7 =	vmul.f32 v10, v10;
	v8 =	vmul.f32 v9, v9  }
0x3ad: {  	_ = 	snop  }
0x3ae: {  	v7 =	vadd.f32 v8, v7;
	v8 =	vmul.f32 v3, v3;
	_ =	sdelay $0x1  }
0x3af: {  	v7 =	vadd.f32 v7, v8;
	_ =	sdelay $0x1  }
0x3b0: {  	v8 =	vmul.f32 $5.000000000e-01, v7;
	v9 =	vshra.s32 v7, $0x1  }
0x3b1: {  	v9 =	vsub.s32 $0x5F3759DF, v9  }
0x3b2: {  	v10 =	vmul.f32 v9, v8;
	_ =	sdelay $0x1  }
0x3b3: {  	v10 =	vmul.f32 v9, v10;
	_ =	sdelay $0x1  }
0x3b4: {  	v10 =	vsub.f32 $1.500000000e+00, v10;
	_ =	sdelay $0x1  }
0x3b5: {  	v9 =	vmul.f32 v9, v10;
	_ =	sdelay $0x1  }
0x3b6: {  	v10 =	vmul.f32 v9, v8;
	_ =	sdelay $0x1  }
0x3b7: {  	v10 =	vmul.f32 v10, v9;
	_ =	sdelay $0x1  }
0x3b8: {  	v10 =	vsub.f32 $1.500000000e+00, v10;
	_ =	sdelay $0x1  }
0x3b9: {  	v9 =	vmul.f32 v10, v9  }
0x3ba: {  	v11 =	vld.idx.msk [tilespmem:v6+s2+$0x0], $0xffff  }
0x3bb: {  	v12 =	vld.idx.msk [tilespmem:v4+s14+$0x0], $0xffff;
	v8 =	vmul.f32 v9, v8  }
0x3bc: {  	v10 =	vld.idx.msk [tilespmem:v5+s14+$0x0], $0xffff  }
0x3bd: {  	v5 =	vld.idx.msk [tilespmem:v5+s2+$0x0], $0xffff;
	v8 =	vmul.f32 v8, v9  }
0x3be: {  	v4 =	vld.idx.msk [tilespmem:v4+s2+$0x0], $0xffff  }
0x3bf: {  	v8 =	vsub.f32 $1.500000000e+00, v8;
	_ =	sdelay $0x1  }
0x3c0: {  	v6 =	vld.idx.msk [tilespmem:v6+s14+$0x0], $0xffff;
	v8 =	vmul.f32 v8, v9  }
0x3c1: {  	vm0 =	vgt.f32 v7, $0.0e+00;
	v13 =	vsub.s32 v11, v5  }
0x3c2: {  	vm1 =	vgt.s32 v10, v12;
	vm2 =	vlt.s32 v4, v5;
	v7 =	vmul.f32 v8, v7  }
0x3c3: {  	v14 =	vsub.s32 v10, v12;
	v15 =	vsel vm1, v10, v12;
	v16 =	vsel vm2, v4, v5  }
0x3c4: {  	s1 =	sshll.u32 s24, $0x7;
	v13 =	vmul.u32 v14, v13;
	v58 =	vsel vm1, v12, v10;
	v7 =	vadd.f32 $9.999999930e-09, v7  }
0x3c5: {  	s0 =	sand.u32 $0x70, s29;
	s1 =	sand.u32 $0x3FFFFC00, s1;
	vm8 =	vlt.s32 v16, v11;
	v9 =	vsub.s32 v6, v10;
	v8 =	vsub.s32 v4, v5  }
0x3c6: {  	s1 =	sor.u32 s0, s1;
	v8 =	vmul.u32 v8, v9;
	v9 =	vsel vm2, v5, v4;
	v7 =	vnsel vm0, $0x322BCC77, v7  }
0x3c7: {  	s3 =	sadd.s32 $0x18B80, s1;
	vm9 =	vgt.s32 v15, v6;
	vm3 =	vgt.s32 v9, v11;
	(erf) = vrcp.f32 v7  }
0x3c8: {  	[tilespmem:s3+$0x200] =	vst v11;
	vm10 =	vlt.s32 v58, v6;
	v9 =	vsel vm3, v9, v11;
	v7 =	vadd.s32 v13, v8  }
0x3c9: {  	[tilespmem:s3+$0x280] =	vst v6;
	v8 =	vsel vm8, v16, v11;
	v11 =	vsel vm10, v58, v6;
	v6 =	vsel vm9, v15, v6  }
0x3ca: {  	[tilespmem:s3+$0x80] =	vst v10;
	vm11 =	vgt.s32 v8, $0x0;
	vm12 =	vne.s32 v1, v7;
	v10 =	vsub.s32 $0x0, v7  }
0x3cb: {  	[tilespmem:s1+$0x18B80] =	vst v5;
	v6 =	vadd.s32 $0x1, v6;
	v5 =	vmin.u32 v7, v10;
	v7 =	vadd.s32 $0x1, v9  }
0x3cc: {  	[tilespmem:s3+$0x180] =	vst v12;
	vm2 =	vgt.s32 v11, $0x0;
	v8 =	vnsel vm11, $0x0, v8;
	vm13 =	vlt.s32 v7, $0x1F3  }
0x3cd: {  	[tilespmem:s3+$0x100] =	vst v4;
	vm14 =	vlt.s32 v6, $0x1F3;
	v9 =	vshrl.u32 v8, $0x7;
	v4 =	vnsel vm13, $0x1F3, v7  }
0x3ce: {  	v6 =	vnsel vm14, $0x1F3, v6;
	[tilespmem:s3+$0x300] =	vst v5;
	v5 =	vnsel vm2, $0x0, v11;
	v10 =	vadd.s32 $0xFFFFFFFF, v4  }
0x3cf: {  	[tilespmem:s3+$0x380] =	vst v8;
	v7 =	vand.u32 $0x7FFFFF80, v8;
	vm15 =	vgt.s32 v4, v8;
	v8 =	vshra.s32 v10, $0x7  }
0x3d0: {  	vm2 =	vgt.s32 v6, v5;
	[tilespmem:s1+$0x19380] =	vst v4;
	v4 =	vadd.s32 $0xFFFFFFFF, v6;
	v8 =	vsub.s32 v8, v9;
	v9 =	vpop (erf)  }
0x3d1: {  	[tilespmem:s1+$0x19480] =	vst v6;
	v10 =	vshrl.u32 v5, $0x5;
	v4 =	vshra.s32 v4, $0x5;
	v3 =	vmul.f32 v9, v3  }
0x3d2: {  	[tilespmem:s1+$0x19400] =	vst v5;
	vm1 =	vmand vm15, vm2;
	v5 =	vand.u32 $0x7FFFFFE0, v5;
	v4 =	vsub.s32 v4, v10  }
0x3d3: {  	[tilespmem:s1+$0x19700] =	vst v1;
	v8 =	vadd.s32 $0x1, v8;
	v4 =	vadd.s32 $0x1, v4;
	v3 =	vmax.f32 v3, $0.0e+00  }
0x3d4: {  	[tilespmem:s1+$0x19580] =	vst v7;
	v6 =	vshll.u32 v8, $0x7;
	v4 =	vmul.u32 v8, v4;
	v3 =	vmin.f32 v3, $1.000000000e+00  }
0x3d5: {  	s24 =	sshll.u32 s24, $0x5;
	vm0 =	vmand vm1, vm12;
	[tilespmem:s1+$0x19500] =	vst v5;
	v6 =	vadd.s32 v7, v6;
	v3 =	vmul.f32 $1.800000000e+02, v3  }
0x3d6: {  	v2 =	vmul.f32 v2, v0;
	s3 =	sand.u32 $0x3FFFFF00, s24;
	[tilespmem:s1+$0x19600] =	vst v6;
	v4 =	vnsel vm0, $0x0, v4  }
0x3d7: {  	s26 =	sld [smem:$0x7FD];
	s0 =	sor.u32 s0, s3;
	[tilespmem:s1+$0x19680] =	vst v4;
	v3 =	vadd.f32 $7.500000000e+01, v3  }
0x3d8: {  	s25 =	sadd.s32 $0x19B80, s0;
	[tilespmem:s0+$0x19B80] =	vst v2  }
0x3d9: {  	[tilespmem:s25+$0x80] =	vst v3  }
0x3da: {  	[hbm4b:s26+s18] =	stream.strided.scatter [tilespmem:s21], [sflag:$0x1], $0x1000, s19, s18, $0x38;
	[tilespmem:$0x19D80] =	vst v63  }
0x3db: {  	_ =	swait.ge [sflag:s13], $0x1000  }
0x3dc: {  	[sflag:s13] =	ssyncset.done $0x0  }
0x3dd: {  	s24 =	simm.s32 $0x0;
	[sflag:s13] =	ssyncadd.s32 $0xFFFFF000  }
0x3de: {  	[hbm4b:s6+s24] =	stream.linear.scatter [tilespmem:s22], [sflag:$0x1], $0x200, $0x38;
	[tilespmem:$0x19D80] =	vst v63  }
0x3df: {  	_ =	swait.ge [sflag:s13], $0x200  }
0x3e0: {  	[sflag:s13] =	ssyncset.done $0x0  }
0x3e1: {  	s25 =	simm.s32 $0x18880;
	s1 =	rddreg [dreg:$0x15];
	[sflag:s13] =	ssyncadd.s32 $0xFFFFFE00  }
0x3e2: {  	[tilespmem:s25], [sflag:$0x1] =	stream.linear.gather [hbm4b:s1+s24], $0x100, $0x38;
	[tilespmem:$0x19D80] =	vst v63  }
0x3e3: {  	_ =	swait.ge [sflag:s13], $0x100  }
0x3e4: {  	[sflag:s13] =	ssyncset.done $0x0  }
0x3e5: {  	s26 =	simm.s32 $0x18980;
	s3 =	rddreg [dreg:$0x16];
	[sflag:s13] =	ssyncadd.s32 $0xFFFFFF00  }
0x3e6: {  	[tilespmem:s26], [sflag:$0x1] =	stream.linear.gather [hbm4b:s3+s24], $0x100, $0x38;
	[tilespmem:$0x19D80] =	vst v63  }
0x3e7: {  	_ =	swait.ge [sflag:s13], $0x100  }
0x3e8: {  	[sflag:s13] =	ssyncset.done $0x0  }
0x3e9: {  	s28 =	simm.s32 $0x18A80;
	s20 =	rddreg [dreg:$0x17];
	[sflag:s13] =	ssyncadd.s32 $0xFFFFFF00  }
0x3ea: {  	[tilespmem:s28], [sflag:$0x1] =	stream.linear.gather [hbm4b:s20+s24], $0x100, $0x38;
	[tilespmem:$0x19D80] =	vst v63  }
0x3eb: {  	_ =	swait.ge [sflag:s13], $0x100  }
0x3ec: {  	[sflag:s13] =	ssyncset.done $0x0  }
0x3ed: {  	[sflag:s13] =	ssyncadd.s32 $0xFFFFFF00  }
0x3ee: {  	v6 =	vld [tilespmem:s28+$0x0];
	_ =	sdelay $0x1  }
0x3ef: {  	v5 =	vld [tilespmem:s25+$0x0]  }
0x3f0: {  	v4 =	vld [tilespmem:s26+$0x0];
	_ =	sdelay $0x4  }
0x3f1: {  	v2 =	vld.idx.msk [tilespmem:v6+s15+$0x0], $0xffff  }
0x3f2: {  	v3 =	vld.idx.msk [tilespmem:v6+s16+$0x0], $0xffff  }
0x3f3: {  	v7 =	vld.idx.msk [tilespmem:v5+s17+$0x0], $0xffff  }
0x3f4: {  	v8 =	vld.idx.msk [tilespmem:v4+s15+$0x0], $0xffff  }
0x3f5: {  	v9 =	vld.idx.msk [tilespmem:v4+s16+$0x0], $0xffff  }
0x3f6: {  	v10 =	vld.idx.msk [tilespmem:v5+s16+$0x0], $0xffff  }
0x3f7: {  	v11 =	vld.idx.msk [tilespmem:v6+s17+$0x0], $0xffff  }
0x3f8: {  	v59 =	vld.idx.msk [tilespmem:v4+s17+$0x0], $0xffff  }
0x3f9: {  	v60 =	vld.idx.msk [tilespmem:v5+s15+$0x0], $0xffff;
	_ =	sdelay $0x2  }
0x3fa: {  	v9 =	vsub.f32 v9, v10;
	v61 =	vsub.f32 v11, v7  }
0x3fb: {  	v62 =	vsub.f32 v59, v7;
	v3 =	vsub.f32 v3, v10  }
0x3fc: {  	v8 =	vsub.f32 v8, v60;
	v2 =	vsub.f32 v2, v60  }
0x3fd: {  	v10 =	vmul.f32 v61, v9;
	v63 =	vmul.f32 v3, v62  }
0x3fe: {  	v15 =	vmul.f32 v2, v62;
	v14 =	vmul.f32 v61, v8  }
0x3ff: {  	v7 =	vadd.f32 v59, v7;
	v3 =	vmul.f32 v3, v8  }
0x400: {  	v8 =	vmul.f32 v2, v9;
	v10 =	vsub.f32 v10, v63;
	v9 =	vsub.f32 v15, v14  }
0x401: {  	v2 =	vadd.f32 v11, v7  }
0x402: {  	s30 =	simm.s32 $0x1;
	s31 =	simm.s32 $0x10;
	s29 =	simm.s32 $0x0;
	v3 =	vsub.f32 v3, v8;
	v7 =	vmul.f32 v10, v10;
	v8 =	vmul.f32 v9, v9  }
.LBB2_14:
0x403: {  	s25 =	sadd.s32 $0x10, s25;
	s26 =	sadd.s32 $0x10, s26;
	s28 =	sadd.s32 $0x10, s28  }
0x404: {  	p0 =	sne.s32 s30, $0xF;
	s20 =	smov.u32 s30;
	s30 =	sadd.s32 $0x1, s30;
	v7 =	vadd.f32 v8, v7;
	v8 =	vmul.f32 v3, v3  }
0x405: {  	_ = 	snop  }
0x406: {  	v7 =	vadd.f32 v7, v8;
	_ =	sdelay $0x1  }
0x407: {  	v8 =	vmul.f32 $5.000000000e-01, v7;
	v9 =	vshra.s32 v7, $0x1  }
0x408: {  	v9 =	vsub.s32 $0x5F3759DF, v9  }
0x409: {  	v10 =	vmul.f32 v9, v8;
	_ =	sdelay $0x1  }
0x40a: {  	v10 =	vmul.f32 v9, v10;
	_ =	sdelay $0x1  }
0x40b: {  	v10 =	vsub.f32 $1.500000000e+00, v10;
	_ =	sdelay $0x1  }
0x40c: {  	v9 =	vmul.f32 v9, v10;
	_ =	sdelay $0x1  }
0x40d: {  	v10 =	vmul.f32 v9, v8;
	_ =	sdelay $0x1  }
0x40e: {  	v10 =	vmul.f32 v10, v9;
	_ =	sdelay $0x1  }
0x40f: {  	v10 =	vsub.f32 $1.500000000e+00, v10;
	_ =	sdelay $0x1  }
0x410: {  	v11 =	vld.idx.msk [tilespmem:v5+s14+$0x0], $0xffff;
	v9 =	vmul.f32 v10, v9  }
0x411: {  	v10 =	vld.idx.msk [tilespmem:v6+s2+$0x0], $0xffff  }
0x412: {  	s1 =	sshll.u32 s24, $0x7;
	v6 =	vld.idx.msk [tilespmem:v6+s14+$0x0], $0xffff;
	v8 =	vmul.f32 v9, v8  }
0x413: {  	s0 =	sand.u32 $0x70, s29;
	s29 =	smov.u32 s31;
	s1 =	sand.u32 $0x3FFFFC00, s1;
	v5 =	vld.idx.msk [tilespmem:v5+s2+$0x0], $0xffff  }
0x414: {  	s1 =	sor.u32 s0, s1;
	v12 =	vld.idx.msk [tilespmem:v4+s14+$0x0], $0xffff;
	v8 =	vmul.f32 v8, v9  }
0x415: {  	s3 =	sadd.s32 $0x18B80, s1;
	v4 =	vld.idx.msk [tilespmem:v4+s2+$0x0], $0xffff  }
0x416: {  	v8 =	vsub.f32 $1.500000000e+00, v8;
	[tilespmem:s3+$0x80] =	vst v11  }
0x417: {  	[tilespmem:s3+$0x200] =	vst v10  }
0x418: {  	v8 =	vmul.f32 v8, v9;
	[tilespmem:s3+$0x280] =	vst v6  }
0x419: {  	vm0 =	vgt.f32 v7, $0.0e+00;
	v9 =	vsub.s32 v6, v11;
	v13 =	vsub.s32 v10, v5;
	[tilespmem:s1+$0x18B80] =	vst v5  }
0x41a: {  	v14 =	vsub.s32 v11, v12;
	vm1 =	vgt.s32 v11, v12;
	v7 =	vmul.f32 v8, v7;
	[tilespmem:s3+$0x180] =	vst v12  }
0x41b: {  	v8 =	vsub.s32 v4, v5;
	vm2 =	vlt.s32 v4, v5;
	v15 =	vsel vm1, v11, v12;
	[tilespmem:s3+$0x100] =	vst v4  }
0x41c: {  	v16 =	vsel vm2, v4, v5;
	v4 =	vsel vm2, v5, v4;
	v5 =	vadd.f32 $9.999999930e-09, v7  }
0x41d: {  	v7 =	vmul.u32 v8, v9;
	vm2 =	vlt.s32 v16, v10;
	vm3 =	vgt.s32 v4, v10  }
0x41e: {  	v8 =	vmul.u32 v14, v13;
	v9 =	vsel vm1, v12, v11;
	v5 =	vnsel vm0, $0x322BCC77, v5  }
0x41f: {  	vm1 =	vgt.s32 v15, v6;
	v4 =	vsel vm3, v4, v10;
	(erf) = vrcp.f32 v5  }
0x420: {  	v5 =	vadd.s32 v8, v7;
	v7 =	vsel vm2, v16, v10;
	vm2 =	vlt.s32 v9, v6  }
0x421: {  	vm3 =	vgt.s32 v7, $0x0;
	vm0 =	vne.s32 v1, v5;
	v8 =	vsub.s32 $0x0, v5  }
0x422: {  	v9 =	vsel vm2, v9, v6;
	v7 =	vnsel vm3, $0x0, v7;
	v5 =	vmin.u32 v5, v8  }
0x423: {  	v4 =	vadd.s32 $0x1, v4;
	v6 =	vsel vm1, v15, v6;
	v8 =	vshrl.u32 v7, $0x7;
	[tilespmem:s3+$0x380] =	vst v7  }
0x424: {  	vm1 =	vlt.s32 v4, $0x1F3;
	vm2 =	vgt.s32 v9, $0x0;
	v6 =	vadd.s32 $0x1, v6;
	[tilespmem:s3+$0x300] =	vst v5  }
0x425: {  	v4 =	vnsel vm1, $0x1F3, v4;
	vm1 =	vlt.s32 v6, $0x1F3;
	v5 =	vand.u32 $0x7FFFFF80, v7  }
0x426: {  	v6 =	vnsel vm1, $0x1F3, v6;
	vm1 =	vgt.s32 v4, v7;
	v7 =	vadd.s32 $0xFFFFFFFF, v4;
	[tilespmem:s1+$0x19380] =	vst v4  }
0x427: {  	v7 =	vshra.s32 v7, $0x7;
	v4 =	vnsel vm2, $0x0, v9;
	v9 =	vadd.s32 $0xFFFFFFFF, v6;
	[tilespmem:s1+$0x19480] =	vst v6  }
0x428: {  	v7 =	vsub.s32 v7, v8;
	v10 =	vshrl.u32 v4, $0x5;
	v9 =	vshra.s32 v9, $0x5;
	[tilespmem:s1+$0x19580] =	vst v5;
	v8 =	vpop (erf)  }
0x429: {  	v7 =	vadd.s32 $0x1, v7;
	v9 =	vsub.s32 v9, v10;
	v3 =	vmul.f32 v8, v3;
	[tilespmem:s1+$0x19700] =	vst v1  }
0x42a: {  	vm2 =	vgt.s32 v6, v4;
	v6 =	vadd.s32 $0x1, v9;
	v8 =	vshll.u32 v7, $0x7;
	[tilespmem:s1+$0x19400] =	vst v4  }
0x42b: {  	v5 =	vadd.s32 v5, v8;
	v6 =	vmul.u32 v7, v6;
	v3 =	vmax.f32 v3, $0.0e+00  }
0x42c: {  	vm1 =	vmand vm1, vm2;
	v4 =	vand.u32 $0x7FFFFFE0, v4;
	v3 =	vmin.f32 v3, $1.000000000e+00;
	[tilespmem:s1+$0x19600] =	vst v5  }
0x42d: {  	s3 =	sshll.u32 s24, $0x5;
	s24 =	smov.u32 s20;
	vm0 =	vmand vm1, vm0;
	v3 =	vmul.f32 $1.800000000e+02, v3;
	[tilespmem:s1+$0x19500] =	vst v4  }
0x42e: {  	v2 =	vmul.f32 v2, v0;
	s3 =	sand.u32 $0x3FFFFF00, s3;
	v4 =	vnsel vm0, $0x0, v6  }
0x42f: {  	s0 =	sor.u32 s0, s3;
	v3 =	vadd.f32 $7.500000000e+01, v3;
	[tilespmem:s1+$0x19680] =	vst v4  }
0x430: {  	s1 =	sadd.s32 $0x19B80, s0;
	[tilespmem:s0+$0x19B80] =	vst v2  }
0x431: {  	[tilespmem:s1+$0x80] =	vst v3  }
0x432: {  	v6 =	vld [tilespmem:s28+$0x0];
	_ =	sdelay $0x1  }
0x433: {  	v5 =	vld [tilespmem:s25+$0x0]  }
0x434: {  	v4 =	vld [tilespmem:s26+$0x0];
	_ =	sdelay $0x4  }
0x435: {  	v2 =	vld.idx.msk [tilespmem:v6+s15+$0x0], $0xffff  }
0x436: {  	v3 =	vld.idx.msk [tilespmem:v6+s16+$0x0], $0xffff  }
0x437: {  	v7 =	vld.idx.msk [tilespmem:v5+s17+$0x0], $0xffff  }
0x438: {  	v8 =	vld.idx.msk [tilespmem:v4+s15+$0x0], $0xffff  }
0x439: {  	v9 =	vld.idx.msk [tilespmem:v4+s16+$0x0], $0xffff  }
0x43a: {  	v10 =	vld.idx.msk [tilespmem:v5+s16+$0x0], $0xffff  }
0x43b: {  	v11 =	vld.idx.msk [tilespmem:v6+s17+$0x0], $0xffff  }
0x43c: {  	v12 =	vld.idx.msk [tilespmem:v4+s17+$0x0], $0xffff  }
0x43d: {  	v13 =	vld.idx.msk [tilespmem:v5+s15+$0x0], $0xffff;
	_ =	sdelay $0x2  }
0x43e: {  	v9 =	vsub.f32 v9, v10  }
0x43f: {  	v14 =	vsub.f32 v11, v7  }
0x440: {  	v3 =	vsub.f32 v3, v10;
	v15 =	vsub.f32 v12, v7  }
0x441: {  	v8 =	vsub.f32 v8, v13;
	v2 =	vsub.f32 v2, v13;
	v10 =	vmul.f32 v14, v9  }
0x442: {  	v7 =	vadd.f32 v12, v7;
	v12 =	vmul.f32 v3, v15  }
.Ltmp6:
0x443: {  	v13 =	vmul.f32 v2, v15;
	v14 =	vmul.f32 v14, v8;
	(pc) =	sbr.rel @p0 .LBB2_14-.Ltmp6, $4  }
0x444: {  	v3 =	vmul.f32 v3, v8;
	v8 =	vmul.f32 v2, v9;
	v10 =	vsub.f32 v10, v12  }
0x445: {  	v2 =	vadd.f32 v11, v7;
	v9 =	vsub.f32 v13, v14  }
0x446: {  	v3 =	vsub.f32 v3, v8  }
0x447: {  	s31 =	sadd.s32 $0x10, s31;
	v7 =	vmul.f32 v10, v10;
	v8 =	vmul.f32 v9, v9  }
0x448: {  	_ = 	snop  }
0x449: {  	v39 =	vmul.f32 v3, v3;
	v7 =	vadd.f32 v8, v7;
	_ =	sdelay $0x1  }
0x44a: {  	v7 =	vadd.f32 v7, v39;
	_ =	sdelay $0x1  }
0x44b: {  	v8 =	vmul.f32 $5.000000000e-01, v7;
	v9 =	vshra.s32 v7, $0x1  }
0x44c: {  	v9 =	vsub.s32 $0x5F3759DF, v9  }
0x44d: {  	v10 =	vmul.f32 v9, v8;
	_ =	sdelay $0x1  }
0x44e: {  	v10 =	vmul.f32 v9, v10;
	_ =	sdelay $0x1  }
0x44f: {  	v10 =	vsub.f32 $1.500000000e+00, v10;
	_ =	sdelay $0x1  }
0x450: {  	v9 =	vmul.f32 v9, v10;
	_ =	sdelay $0x1  }
0x451: {  	v10 =	vmul.f32 v9, v8;
	_ =	sdelay $0x1  }
0x452: {  	v10 =	vmul.f32 v10, v9;
	_ =	sdelay $0x1  }
0x453: {  	v10 =	vsub.f32 $1.500000000e+00, v10;
	_ =	sdelay $0x1  }
0x454: {  	v9 =	vmul.f32 v10, v9  }
0x455: {  	v40 =	vld.idx.msk [tilespmem:v5+s14+$0x0], $0xffff  }
0x456: {  	v11 =	vld.idx.msk [tilespmem:v6+s2+$0x0], $0xffff;
	v8 =	vmul.f32 v9, v8  }
0x457: {  	v41 =	vld.idx.msk [tilespmem:v6+s14+$0x0], $0xffff  }
0x458: {  	v42 =	vld.idx.msk [tilespmem:v5+s2+$0x0], $0xffff;
	v8 =	vmul.f32 v8, v9  }
0x459: {  	v12 =	vld.idx.msk [tilespmem:v4+s14+$0x0], $0xffff  }
0x45a: {  	v43 =	vld.idx.msk [tilespmem:v4+s2+$0x0], $0xffff;
	v8 =	vsub.f32 $1.500000000e+00, v8;
	_ =	sdelay $0x1  }
0x45b: {  	v8 =	vmul.f32 v8, v9  }
0x45c: {  	v44 =	vsub.s32 v41, v40;
	v13 =	vsub.s32 v11, v42  }
0x45d: {  	vm0 =	vgt.f32 v7, $0.0e+00;
	v14 =	vsub.s32 v40, v12;
	v7 =	vmul.f32 v8, v7  }
0x45e: {  	vm1 =	vgt.s32 v40, v12;
	v45 =	vsub.s32 v43, v42;
	vm2 =	vlt.s32 v43, v42  }
0x45f: {  	s1 =	sshll.u32 s24, $0x7;
	v15 =	vsel vm1, v40, v12;
	v16 =	vsel vm2, v43, v42;
	v7 =	vadd.f32 $9.999999930e-09, v7  }
0x460: {  	s0 =	sand.u32 $0x70, s29;
	s1 =	sand.u32 $0x3FFFFC00, s1;
	v46 =	vsel vm2, v42, v43;
	v13 =	vmul.u32 v14, v13;
	v47 =	vsel vm1, v12, v40  }
0x461: {  	s1 =	sor.u32 s0, s1;
	vm8 =	vlt.s32 v16, v11;
	vm3 =	vgt.s32 v46, v11;
	v7 =	vnsel vm0, $0x322BCC77, v7  }
0x462: {  	s3 =	sadd.s32 $0x18B80, s1;
	vm9 =	vgt.s32 v15, v41;
	vm10 =	vlt.s32 v47, v41;
	(erf) = vrcp.f32 v7  }
0x463: {  	[tilespmem:s3+$0x80] =	vst v40;
	v49 =	vsel vm8, v16, v11;
	v51 =	vsel vm10, v47, v41;
	v6 =	vsel vm9, v15, v41  }
0x464: {  	[tilespmem:s3+$0x200] =	vst v11;
	vm11 =	vgt.s32 v49, $0x0;
	v6 =	vadd.s32 $0x1, v6;
	vm2 =	vgt.s32 v51, $0x0  }
0x465: {  	[tilespmem:s3+$0x280] =	vst v41;
	vm14 =	vlt.s32 v6, $0x1F3;
	v58 =	vnsel vm2, $0x0, v51;
	v8 =	vmul.u32 v45, v44  }
0x466: {  	[tilespmem:s1+$0x18B80] =	vst v42;
	v6 =	vnsel vm14, $0x1F3, v6;
	v61 =	vshrl.u32 v58, $0x5;
	v5 =	vand.u32 $0x7FFFFFE0, v58  }
0x467: {  	[tilespmem:s3+$0x180] =	vst v12;
	v60 =	vadd.s32 $0xFFFFFFFF, v6;
	v9 =	vsel vm3, v46, v11;
	v48 =	vadd.s32 v13, v8  }
0x468: {  	[tilespmem:s3+$0x100] =	vst v43;
	v53 =	vadd.s32 $0x1, v9;
	v8 =	vnsel vm11, $0x0, v49;
	v50 =	vsub.s32 $0x0, v48  }
0x469: {  	v4 =	vshra.s32 v60, $0x5;
	vm13 =	vlt.s32 v53, $0x1F3;
	[tilespmem:s3+$0x380] =	vst v8;
	v52 =	vmin.u32 v48, v50  }
0x46a: {  	vm2 =	vgt.s32 v6, v58;
	v4 =	vsub.s32 v4, v61;
	v55 =	vnsel vm13, $0x1F3, v53;
	[tilespmem:s3+$0x300] =	vst v52  }
0x46b: {  	v4 =	vadd.s32 $0x1, v4;
	v57 =	vadd.s32 $0xFFFFFFFF, v55;
	v54 =	vshrl.u32 v8, $0x7;
	[tilespmem:s1+$0x19380] =	vst v55;
	v62 =	vpop (erf)  }
0x46c: {  	v56 =	vand.u32 $0x7FFFFF80, v8;
	v59 =	vshra.s32 v57, $0x7;
	[tilespmem:s1+$0x19480] =	vst v6;
	v3 =	vmul.f32 v62, v3  }
0x46d: {  	vm12 =	vne.s32 v1, v48;
	vm15 =	vgt.s32 v55, v8;
	v8 =	vsub.s32 v59, v54;
	[tilespmem:s1+$0x19580] =	vst v56  }
0x46e: {  	vm1 =	vmand vm15, vm2;
	v8 =	vadd.s32 $0x1, v8;
	[tilespmem:s1+$0x19700] =	vst v1;
	v3 =	vmax.f32 v3, $0.0e+00  }
0x46f: {  	v63 =	vshll.u32 v8, $0x7;
	[tilespmem:s1+$0x19400] =	vst v58;
	v4 =	vmul.u32 v8, v4;
	v3 =	vmin.f32 v3, $1.000000000e+00  }
0x470: {  	s30 =	sshll.u32 s24, $0x5;
	vm0 =	vmand vm1, vm12;
	[tilespmem:s1+$0x19500] =	vst v5;
	v6 =	vadd.s32 v56, v63;
	v3 =	vmul.f32 $1.800000000e+02, v3  }
0x471: {  	v2 =	vmul.f32 v2, v0;
	s3 =	sand.u32 $0x3FFFFF00, s30;
	[tilespmem:s1+$0x19600] =	vst v6;
	v4 =	vnsel vm0, $0x0, v4  }
0x472: {  	s0 =	sor.u32 s0, s3;
	[tilespmem:s1+$0x19680] =	vst v4;
	v3 =	vadd.f32 $7.500000000e+01, v3  }
0x473: {  	s31 =	sadd.s32 $0x19B80, s0;
	[tilespmem:s0+$0x19B80] =	vst v2  }
0x474: {  	[tilespmem:s31+$0x80] =	vst v3  }
0x475: {  	[hbm4b:s4+s18] =	stream.strided.scatter [tilespmem:s21], [sflag:$0x1], $0x1000, s19, s18, $0x38;
	[tilespmem:$0x19D80] =	vst v63  }
0x476: {  	s23 =	sadd.s32 $0x1, s23;
	_ =	swait.ge [sflag:s13], $0x1000  }
0x477: {  	p0 =	sne.s32 s23, s8;
	[sflag:s13] =	ssyncset.done $0x0  }
.Ltmp7:
0x478: {  	[sflag:s13] =	ssyncadd.s32 $0xFFFFF000;
	(pc) =	sbr.rel @p0 .LBB2_1-.Ltmp7, $4  }
0x479: {  	[hbm4b:s7+s2] =	stream.linear.scatter [tilespmem:s22], [sflag:$0x1], $0x200, $0x38;
	[tilespmem:$0x19D80] =	vst v63  }
0x47a: {  	_ =	swait.ge [sflag:s13], $0x200  }
0x47b: {  	[sflag:s13] =	ssyncset.done $0x0  }
0x47c: {  	[sflag:s13] =	ssyncadd.s32 $0xFFFFFE00  }
0x47d: {  	_ =	sfence.sel $0x180000  }
0x47e: {  	[bflag:$0x0] =	sbarrier.arrive $0xFFFF  }
0x47f: {  	_ =	strace $0x90000047  }
0x480: {  	s0 =	stileid.u32;
	[bflag:$0x2] =	sbarrier.arrive $0xFFFF  }
0x481: {  	p0 =	sne.s32 s0, $0x0;
	s0 =	rddreg [dreg:$0x2]  }
0x482: {  	s0 =	sadd.s32 @!p0 $0x100000, s0  }
0x483: {  	[sflag:s0] =	ssyncadd.tile.s32 @!p0 $0x1;
	_ =	shalt  }
.Lfunc_end2:
_tile_overlayer_lowered:
.L_overlay_start_2:
0x484: {  	(tag) =	ssettag $0x2  }
0x485: {  	s0 =	rddreg [dreg:$0x0];
	s2 =	stileid.u32  }
0x486: {  	s1 =	rddreg [dreg:$0x1];
	p0 =	sne.s32 s2, $0x0  }
0x487: {  	s3 =	rddreg [dreg:$0x2];
	[bflag:$0x3] =	sbarrier.arrive $0xFFFF;
	s2 =	simm.s32 @!p0 $0x1C01  }
0x488: {  	[timem:s3], [sflag:s2] =	dma.local @!p0 [hbm:s0], s1  }
0x489: {  	s0 =	simm.s32 @!p0 $0x1  }
0x48a: {  	_ =	swait.ge @!p0 [sflag:s0], s1  }
0x48b: {  	s1 =	ssub.s32 @!p0 $0x0, s1;
	[sflag:s0] =	ssyncset.done @!p0 $0x0  }
0x48c: {  	[sflag:s0] =	ssyncadd.s32 @!p0 s1  }
0x48d: {  	[bflag:$0x3] =	sbarrier.arrive $0xFFFF  }
0x48e: {  	_ =	shalt  }

</sc_bundles>
